<compile_context>
chip_gen: v7x
topology: tpu7x:2x2x1
jax: 0.10.2.dev20260603
libtpu: 0.0.44.dev20260713+nightly
codegen_flags: <defaults>
</compile_context>

<pallas_src>
import functools

import jax
import jax.numpy as jnp
from jax import lax
from jax.experimental import pallas as pl
from jax.experimental.pallas import tpu as pltpu
from jax.experimental.pallas import tpu_sc as plsc

NC = 2
NS = 16
NW = NC * NS
BLK = 128
K = 8
KP = 4

_N = 10000
_E = 320000
_NB = -(-_E // (NW * BLK * K)) * K
_EPT = _NB * BLK
_RPT = -(-(_N + 1) // (NS * 8)) * 8
_ACC = _RPT * NS
_R = 2000
_GRID = _N // _R

_mesh = plsc.VectorSubcoreMesh(
    core_axis_name="c", subcore_axis_name="s", num_cores=NC, num_subcores=NS
)
_sc_params = pltpu.CompilerParams(use_tc_tiling_on_sc=False)


_DEG_NB0 = _NB


def _split(c, s, nb0, nb1):
    nb = jnp.where(c == 0, nb0, nb1)
    base = jnp.where(c == 0, s * nb0, NS * nb0 + s * nb1)
    return nb, base


def _deg_body(dstp_hbm, ones_hbm, zeros_hbm, out_hbm, dst_v, ones_v, acc_sh,
              ssem):
    c = lax.axis_index("c")
    s = lax.axis_index("s")
    base_blk = (s * NC + c) * _NB
    pltpu.sync_copy(zeros_hbm.at[pl.ds(s * _RPT, _RPT)],
                    acc_sh.at[pl.ds(s * _RPT, _RPT)])
    pltpu.sync_copy(ones_hbm, ones_v)
    pltpu.sync_copy(dstp_hbm.at[pl.ds(base_blk, _NB)], dst_v)
    plsc.subcore_barrier()

    def group(g, _):
        sd = [
            pltpu.async_copy(ones_v, acc_sh.at[dst_v.at[g * K + b]], ssem,
                             add=True)
            for b in range(K)
        ]
        for d in sd:
            d.wait()
        return _

    lax.fori_loop(0, _NB // K, group, 0)
    plsc.subcore_barrier()
    pltpu.sync_copy(acc_sh.at[pl.ds(s * _RPT, _RPT)],
                    out_hbm.at[c, pl.ds(s * _RPT, _RPT)])


_deg_kernel = pl.kernel(
    _deg_body,
    out_type=jax.ShapeDtypeStruct((NC, _ACC, 8), jnp.float32),
    mesh=_mesh,
    compiler_params=_sc_params,
    scratch_types=[
        pltpu.VMEM((_NB, BLK), jnp.int32),
        pltpu.VMEM((BLK, 8), jnp.float32),
        pltpu.VMEM_SHARED((_ACC, 8), jnp.float32),
        pltpu.SemaphoreType.DMA,
    ],
)


def _agg_body(kk, g_hbm, srcp_hbm, dstp_hbm, zeros_hbm, out_hbm,
              src_v, dst_v, rows_v, acc_sh, gsem, ssem):
    c = lax.axis_index("c")
    s = lax.axis_index("s")
    tid = s * NC + c
    pltpu.sync_copy(zeros_hbm.at[pl.ds(s * _RPT, _RPT)],
                    acc_sh.at[pl.ds(s * _RPT, _RPT)])
    pltpu.sync_copy(srcp_hbm.at[pl.ds(tid * _NB, _NB)], src_v)
    pltpu.sync_copy(dstp_hbm.at[pl.ds(tid * _NB, _NB)], dst_v)
    plsc.subcore_barrier()

    def group(g, _):
        base = g * kk
        gd = [
            pltpu.async_copy(g_hbm.at[src_v.at[base + b]], rows_v.at[b], gsem)
            for b in range(kk)
        ]
        for d in gd:
            d.wait()
        sd = [
            pltpu.async_copy(rows_v.at[b], acc_sh.at[dst_v.at[base + b]], ssem,
                             add=True)
            for b in range(kk)
        ]
        for d in sd:
            d.wait()
        return _

    lax.fori_loop(0, _NB // kk, group, 0)
    plsc.subcore_barrier()
    pltpu.sync_copy(acc_sh.at[pl.ds(s * _RPT, _RPT)],
                    out_hbm.at[c, pl.ds(s * _RPT, _RPT)])


def _make_agg(h, kk):
    return pl.kernel(
        functools.partial(_agg_body, kk),
        out_type=jax.ShapeDtypeStruct((NC, _ACC, h), jnp.float32),
        mesh=_mesh,
        compiler_params=_sc_params,
        scratch_types=[
            pltpu.VMEM((_NB, BLK), jnp.int32),
            pltpu.VMEM((_NB, BLK), jnp.int32),
            pltpu.VMEM((kk, BLK, h), jnp.float32),
            pltpu.VMEM_SHARED((_ACC, h), jnp.float32),
            pltpu.SemaphoreType.DMA,
            pltpu.SemaphoreType.DMA,
        ],
    )


_agg_kernels = {64: _make_agg(64, 8),
                32: _make_agg(32, 8),
                16: _make_agg(16, 8)}


def _dinv(degp_ref):
    deg = degp_ref[0, :, 0:1] + 1.0
    if NC == 2:
        deg = deg + degp_ref[1, :, 0:1]
    return lax.rsqrt(deg)


def _mm_scale_body(x_ref, w_ref, degp_ref, o_ref):
    o_ref[...] = jnp.dot(
        x_ref[...], w_ref[...], preferred_element_type=jnp.float32
    ) * _dinv(degp_ref)


def _mid_body(aggp_ref, g_ref, degp_ref, b_ref, w_ref, o_ref):
    dinv = _dinv(degp_ref)
    agg = aggp_ref[0] + aggp_ref[1] if NC == 2 else aggp_ref[0]
    z = dinv * (agg + g_ref[...]) + b_ref[...]
    h = jnp.maximum(z, 0.0)
    o_ref[...] = jnp.dot(
        h, w_ref[...], preferred_element_type=jnp.float32
    ) * dinv


def _final_body(aggp_ref, g_ref, degp_ref, b_ref, o_ref):
    dinv = _dinv(degp_ref)
    agg = aggp_ref[0] + aggp_ref[1] if NC == 2 else aggp_ref[0]
    z = dinv * (agg + g_ref[...]) + b_ref[...]
    m = jnp.max(z, axis=1, keepdims=True)
    lse = m + jnp.log(jnp.sum(jnp.exp(z - m), axis=1, keepdims=True))
    o_ref[...] = z - lse


def _mm_scale(x, w, degp):
    f_in, h = w.shape
    return pl.pallas_call(
        _mm_scale_body,
        grid=(_GRID,),
        in_specs=[
            pl.BlockSpec((_R, f_in), lambda i: (i, 0)),
            pl.BlockSpec((f_in, h), lambda i: (0, 0)),
            pl.BlockSpec((NC, _R, 8), lambda i: (0, i, 0)),
        ],
        out_specs=pl.BlockSpec((_R, h), lambda i: (i, 0)),
        out_shape=jax.ShapeDtypeStruct((_N, h), jnp.float32),
    )(x, w, degp)


def _mid(aggp, g, degp, b, w):
    h, h2 = w.shape
    return pl.pallas_call(
        _mid_body,
        grid=(_GRID,),
        in_specs=[
            pl.BlockSpec((NC, _R, h), lambda i: (0, i, 0)),
            pl.BlockSpec((_R, h), lambda i: (i, 0)),
            pl.BlockSpec((NC, _R, 8), lambda i: (0, i, 0)),
            pl.BlockSpec((1, h), lambda i: (0, 0)),
            pl.BlockSpec((h, h2), lambda i: (0, 0)),
        ],
        out_specs=pl.BlockSpec((_R, h2), lambda i: (i, 0)),
        out_shape=jax.ShapeDtypeStruct((_N, h2), jnp.float32),
    )(aggp, g, degp, b.reshape(1, h), w)


def _final(aggp, g, degp, b):
    c = g.shape[1]
    return pl.pallas_call(
        _final_body,
        grid=(_GRID,),
        in_specs=[
            pl.BlockSpec((NC, _R, c), lambda i: (0, i, 0)),
            pl.BlockSpec((_R, c), lambda i: (i, 0)),
            pl.BlockSpec((NC, _R, 8), lambda i: (0, i, 0)),
            pl.BlockSpec((1, c), lambda i: (0, 0)),
        ],
        out_specs=pl.BlockSpec((_R, c), lambda i: (i, 0)),
        out_shape=jax.ShapeDtypeStruct((_N, c), jnp.float32),
    )(aggp, g, degp, b.reshape(1, c))


@jax.jit
def _gcn(x, edge_index, W1, b1, W2, b2, W3, b3):
    n = x.shape[0]
    e = edge_index.shape[1]
    pad = NW * _EPT - e
    srcp = jnp.concatenate(
        [edge_index[0], jnp.zeros((pad,), jnp.int32)]).reshape(NW * _NB, BLK)
    dstp = jnp.concatenate(
        [edge_index[1], jnp.full((pad,), n, jnp.int32)]).reshape(NW * _NB, BLK)

    degp = _deg_kernel(dstp, jnp.ones((BLK, 8), jnp.float32),
                       jnp.zeros((_ACC, 8), jnp.float32))

    g1 = _mm_scale(x, W1, degp)
    a1 = _agg_kernels[64](g1, srcp, dstp, jnp.zeros((_ACC, 64), jnp.float32))
    g2 = _mid(a1, g1, degp, b1, W2)
    a2 = _agg_kernels[32](g2, srcp, dstp, jnp.zeros((_ACC, 32), jnp.float32))
    g3 = _mid(a2, g2, degp, b2, W3)
    a3 = _agg_kernels[16](g3, srcp, dstp, jnp.zeros((_ACC, 16), jnp.float32))
    return _final(a3, g3, degp, b3)


def kernel(x, edge_index, W1, b1, W2, b2, W3, b3):
    return _gcn(x, edge_index, W1, b1, W2, b2, W3, b3)

# --- scband reference (transcript-rebuilt; emitter-appended) ---
"""Pipeline reference for scband-gcn-22325240004826 (READ-ONLY COPY).

The authoritative reference and input builder live on the scoring server;
editing this copy changes nothing except your own understanding.
"""

import jax, jax.numpy as jnp
import numpy as np

N = 10000
E = 320000
F_IN = 128
H1 = 64
H2 = 32
C = 16


def _glorot(key, fan_in, fan_out):
    scale = jnp.sqrt(2.0 / (fan_in + fan_out))
    return jax.random.normal(key, (fan_in, fan_out), dtype=jnp.float32) * scale


def setup_inputs(seed: int = 0) -> dict:
    key = jax.random.key(seed)
    ks = jax.random.split(key, 8)
    x = jax.random.normal(ks[0], (N, F_IN), dtype=jnp.float32)
    edge_index = jax.random.randint(ks[1], (2, E), 0, N, dtype=jnp.int32)
    W1 = _glorot(ks[2], F_IN, H1)
    b1 = jnp.zeros((H1,), dtype=jnp.float32)
    W2 = _glorot(ks[3], H1, H2)
    b2 = jnp.zeros((H2,), dtype=jnp.float32)
    W3 = _glorot(ks[4], H2, C)
    b3 = jnp.zeros((C,), dtype=jnp.float32)
    return {"x": x, "edge_index": edge_index, "W1": W1, "b1": b1, "W2": W2, "b2": b2, "W3": W3, "b3": b3}


def _gcn_conv(x, edge_index, W, b):
    n = x.shape[0]
    loop = jnp.arange(n, dtype=edge_index.dtype)
    src = jnp.concatenate([edge_index[0], loop])
    dst = jnp.concatenate([edge_index[1], loop])
    deg = jax.ops.segment_sum(jnp.ones(src.shape, dtype=x.dtype), dst, num_segments=n)
    dinv = jnp.where(deg > 0, jax.lax.rsqrt(deg), 0.0)
    norm = dinv[src] * dinv[dst]
    h = x @ W
    msg = h[src] * norm[:, None]
    out = jax.ops.segment_sum(msg, dst, num_segments=n)
    return out + b


def reference(x, edge_index, W1, b1, W2, b2, W3, b3):
    h = jax.nn.relu(_gcn_conv(x, edge_index, W1, b1))
    # dropout is identity in eval mode
    h = jax.nn.relu(_gcn_conv(h, edge_index, W2, b2))
    h = _gcn_conv(h, edge_index, W3, b3)
    return jax.nn.log_softmax(h, axis=1)

if __name__ == "__main__":
    import jax
    _d = setup_inputs()
    print(jax.jit(kernel)(*tuple(_d.values())))

</pallas_src>

<mosaic_0001>
#map = affine_map<(d0, d1) -> (0, 0)>
#map1 = affine_map<(d0, d1) -> (0, 0, 0)>
module attributes {stable_mosaic.version = 14 : i64} {
  func.func @_agg_body(%arg0: i32, %arg1: i32, %arg2: memref<10000x64xf32, #tpu.memory_space<hbm>>, %arg3: memref<2560x128xi32, #tpu.memory_space<hbm>>, %arg4: memref<2560x128xi32, #tpu.memory_space<hbm>>, %arg5: memref<10112x64xf32, #tpu.memory_space<hbm>>, %arg6: memref<2x10112x64xf32, #tpu.memory_space<hbm>>, %arg7: memref<80x128xi32, #tpu.memory_space<vmem>>, %arg8: memref<80x128xi32, #tpu.memory_space<vmem>>, %arg9: memref<8x128x64xf32, #tpu.memory_space<vmem>>, %arg10: memref<10112x64xf32, #tpu.memory_space<vmem_shared>>, %arg11: memref<!tpu.dma_semaphore, #tpu.memory_space<semaphore_mem>>, %arg12: memref<!tpu.dma_semaphore, #tpu.memory_space<semaphore_mem>>) attributes {dimension_semantics = [#tpu.dimension_semantics<core_parallel>, #tpu.dimension_semantics<subcore_parallel>], iteration_bounds = array<i64: 2, 16>, scalar_prefetch = 0 : i64, scratch_operands = 6 : i64, tpu.core_type = #tpu.core_type<sc_vector_subcore>, window_params = [{transform_indices = #map}, {transform_indices = #map}, {transform_indices = #map}, {transform_indices = #map}, {transform_indices = #map1}]} {
    %mul3A = arith.constant 2 : i32
    %mul3A_0 = arith.muli %arg1, %mul3A : i32
    %add3A = arith.addi %mul3A_0, %arg0 : i32
    %mul3A_1 = arith.constant 632 : i32
    %mul3A_2 = arith.muli %arg1, %mul3A_1 : i32
    %mul3A_3 = arith.constant 632 : i32
    %mul3A_4 = arith.muli %arg1, %mul3A_3 : i32
    "tpu.region"() ({
      %run_scoped3A = tpu.sem_alloc : memref<!tpu.dma_semaphore, #tpu.memory_space<semaphore_mem>>
      %dma_start3A = arith.constant 0 : i32
      %dma_start3A_19 = tpu.memref_slice %arg10[%mul3A_4, %dma_start3A] : memref<10112x64xf32, #tpu.memory_space<vmem_shared>> -> memref<632x64xf32, #tpu.memory_space<vmem_shared>>
      %dma_start3A_20 = arith.constant 0 : i32
      %dma_start3A_21 = tpu.memref_slice %arg5[%mul3A_2, %dma_start3A_20] : memref<10112x64xf32, #tpu.memory_space<hbm>> -> memref<632x64xf32, #tpu.memory_space<hbm>>
      tpu.enqueue_dma source(%dma_start3A_21 : memref<632x64xf32, #tpu.memory_space<hbm>>) target(%dma_start3A_19 : memref<632x64xf32, #tpu.memory_space<vmem_shared>>) target_semaphore(%run_scoped3A : memref<!tpu.dma_semaphore, #tpu.memory_space<semaphore_mem>>)
      %dma_wait3A = arith.constant 0 : i32
      %dma_wait3A_22 = tpu.memref_slice %arg10[%mul3A_4, %dma_wait3A] : memref<10112x64xf32, #tpu.memory_space<vmem_shared>> -> memref<632x64xf32, #tpu.memory_space<vmem_shared>>
      %dma_wait3A_23 = arith.constant 0 : i32
      %dma_wait3A_24 = tpu.memref_slice %arg5[%mul3A_2, %dma_wait3A_23] : memref<10112x64xf32, #tpu.memory_space<hbm>> -> memref<632x64xf32, #tpu.memory_space<hbm>>
      tpu.wait_dma2 semaphore(%run_scoped3A : memref<!tpu.dma_semaphore, #tpu.memory_space<semaphore_mem>>) src(%dma_wait3A_24 : memref<632x64xf32, #tpu.memory_space<hbm>>) dst(%dma_wait3A_22 : memref<632x64xf32, #tpu.memory_space<vmem_shared>>)
      tpu.yield
    }) : () -> ()
    %mul3A_5 = arith.constant 80 : i32
    %mul3A_6 = arith.muli %add3A, %mul3A_5 : i32
    "tpu.region"() ({
      %run_scoped3A = tpu.sem_alloc : memref<!tpu.dma_semaphore, #tpu.memory_space<semaphore_mem>>
      %dma_start3A = arith.constant 0 : i32
      %dma_start3A_19 = tpu.memref_slice %arg3[%mul3A_6, %dma_start3A] : memref<2560x128xi32, #tpu.memory_space<hbm>> -> memref<80x128xi32, #tpu.memory_space<hbm>>
      %dma_start3A_20 = arith.constant 0 : i32
      %dma_start3A_21 = tpu.memref_slice %arg3[%mul3A_6, %dma_start3A_20] : memref<2560x128xi32, #tpu.memory_space<hbm>> -> memref<80x128xi32, #tpu.memory_space<hbm>>
      tpu.enqueue_dma source(%dma_start3A_21 : memref<80x128xi32, #tpu.memory_space<hbm>>) target(%arg7 : memref<80x128xi32, #tpu.memory_space<vmem>>) target_semaphore(%run_scoped3A : memref<!tpu.dma_semaphore, #tpu.memory_space<semaphore_mem>>)
      %dma_wait3A = arith.constant 0 : i32
      %dma_wait3A_22 = tpu.memref_slice %arg3[%mul3A_6, %dma_wait3A] : memref<2560x128xi32, #tpu.memory_space<hbm>> -> memref<80x128xi32, #tpu.memory_space<hbm>>
      %dma_wait3A_23 = arith.constant 0 : i32
      %dma_wait3A_24 = tpu.memref_slice %arg3[%mul3A_6, %dma_wait3A_23] : memref<2560x128xi32, #tpu.memory_space<hbm>> -> memref<80x128xi32, #tpu.memory_space<hbm>>
      tpu.wait_dma2 semaphore(%run_scoped3A : memref<!tpu.dma_semaphore, #tpu.memory_space<semaphore_mem>>) src(%dma_wait3A_24 : memref<80x128xi32, #tpu.memory_space<hbm>>) dst(%arg7 : memref<80x128xi32, #tpu.memory_space<vmem>>)
      tpu.yield
    }) : () -> ()
    %mul3A_7 = arith.constant 80 : i32
    %mul3A_8 = arith.muli %add3A, %mul3A_7 : i32
    "tpu.region"() ({
      %run_scoped3A = tpu.sem_alloc : memref<!tpu.dma_semaphore, #tpu.memory_space<semaphore_mem>>
      %dma_start3A = arith.constant 0 : i32
      %dma_start3A_19 = tpu.memref_slice %arg4[%mul3A_8, %dma_start3A] : memref<2560x128xi32, #tpu.memory_space<hbm>> -> memref<80x128xi32, #tpu.memory_space<hbm>>
      %dma_start3A_20 = arith.constant 0 : i32
      %dma_start3A_21 = tpu.memref_slice %arg4[%mul3A_8, %dma_start3A_20] : memref<2560x128xi32, #tpu.memory_space<hbm>> -> memref<80x128xi32, #tpu.memory_space<hbm>>
      tpu.enqueue_dma source(%dma_start3A_21 : memref<80x128xi32, #tpu.memory_space<hbm>>) target(%arg8 : memref<80x128xi32, #tpu.memory_space<vmem>>) target_semaphore(%run_scoped3A : memref<!tpu.dma_semaphore, #tpu.memory_space<semaphore_mem>>)
      %dma_wait3A = arith.constant 0 : i32
      %dma_wait3A_22 = tpu.memref_slice %arg4[%mul3A_8, %dma_wait3A] : memref<2560x128xi32, #tpu.memory_space<hbm>> -> memref<80x128xi32, #tpu.memory_space<hbm>>
      %dma_wait3A_23 = arith.constant 0 : i32
      %dma_wait3A_24 = tpu.memref_slice %arg4[%mul3A_8, %dma_wait3A_23] : memref<2560x128xi32, #tpu.memory_space<hbm>> -> memref<80x128xi32, #tpu.memory_space<hbm>>
      tpu.wait_dma2 semaphore(%run_scoped3A : memref<!tpu.dma_semaphore, #tpu.memory_space<semaphore_mem>>) src(%dma_wait3A_24 : memref<80x128xi32, #tpu.memory_space<hbm>>) dst(%arg8 : memref<80x128xi32, #tpu.memory_space<vmem>>)
      tpu.yield
    }) : () -> ()
    %barrier3A = arith.constant 0 : index
    tpu.barrier barrier_id(%barrier3A)
    %scan3A = arith.constant 0 : i32
    %scan3A_9 = arith.constant 0 : i32
    %scan3A_10 = arith.constant 10 : i32
    %scan3A_11 = arith.addi %scan3A_9, %scan3A_10 : i32
    %scan3A_12 = arith.constant 1 : i32
    scf.for %scan3A_19 = %scan3A_9 to %scan3A_11 step %scan3A_12  : i32 {
      %mul3A_20 = arith.constant 8 : i32
      %mul3A_21 = arith.muli %scan3A_19, %mul3A_20 : i32
      %add3A_22 = arith.constant 0 : i32
      %add3A_23 = arith.addi %mul3A_21, %add3A_22 : i32
      %dma_start3A = arith.constant 0 : i32
      %dma_start3A_24 = arith.constant 0 : i32
      %dma_start3A_25 = arith.constant 0 : i32
      %dma_start3A_26 = tpu.memref_slice %arg9[%dma_start3A, %dma_start3A_24, %dma_start3A_25] : memref<8x128x64xf32, #tpu.memory_space<vmem>> -> memref<1x128x64xf32, #tpu.memory_space<vmem>>
      %dma_start3A_27 = tpu.memref_squeeze %dma_start3A_26 : memref<1x128x64xf32, #tpu.memory_space<vmem>> -> memref<128x64xf32, #tpu.memory_space<vmem>>
      %dma_start3A_28 = arith.constant 0 : i32
      %dma_start3A_29 = tpu.memref_slice %arg7[%add3A_23, %dma_start3A_28] : memref<80x128xi32, #tpu.memory_space<vmem>> -> memref<1x128xi32, #tpu.memory_space<vmem>>
      %dma_start3A_30 = tpu.memref_squeeze %dma_start3A_29 : memref<1x128xi32, #tpu.memory_space<vmem>> -> memref<128xi32, #tpu.memory_space<vmem>>
      %dma_start3A_31 = arith.constant 0 : i32
      %dma_start3A_32 = arith.constant 0 : i32
      %dma_start3A_33 = tpu.memref_slice %arg2[%dma_start3A_31, %dma_start3A_32] : memref<10000x64xf32, #tpu.memory_space<hbm>> -> memref<10000x64xf32, #tpu.memory_space<hbm>>
      tpu.enqueue_indirect_dma source(%dma_start3A_33 : memref<10000x64xf32, #tpu.memory_space<hbm>>) target(%dma_start3A_27 : memref<128x64xf32, #tpu.memory_space<vmem>>) offsets(%dma_start3A_30 : memref<128xi32, #tpu.memory_space<vmem>>) semaphore(%arg11 : memref<!tpu.dma_semaphore, #tpu.memory_space<semaphore_mem>>)
      %add3A_34 = arith.constant 1 : i32
      %add3A_35 = arith.addi %mul3A_21, %add3A_34 : i32
      %dma_start3A_36 = arith.constant 1 : i32
      %dma_start3A_37 = arith.constant 0 : i32
      %dma_start3A_38 = arith.constant 0 : i32
      %dma_start3A_39 = tpu.memref_slice %arg9[%dma_start3A_36, %dma_start3A_37, %dma_start3A_38] : memref<8x128x64xf32, #tpu.memory_space<vmem>> -> memref<1x128x64xf32, #tpu.memory_space<vmem>>
      %dma_start3A_40 = tpu.memref_squeeze %dma_start3A_39 : memref<1x128x64xf32, #tpu.memory_space<vmem>> -> memref<128x64xf32, #tpu.memory_space<vmem>>
      %dma_start3A_41 = arith.constant 0 : i32
      %dma_start3A_42 = tpu.memref_slice %arg7[%add3A_35, %dma_start3A_41] : memref<80x128xi32, #tpu.memory_space<vmem>> -> memref<1x128xi32, #tpu.memory_space<vmem>>
      %dma_start3A_43 = tpu.memref_squeeze %dma_start3A_42 : memref<1x128xi32, #tpu.memory_space<vmem>> -> memref<128xi32, #tpu.memory_space<vmem>>
      %dma_start3A_44 = arith.constant 0 : i32
      %dma_start3A_45 = arith.constant 0 : i32
      %dma_start3A_46 = tpu.memref_slice %arg2[%dma_start3A_44, %dma_start3A_45] : memref<10000x64xf32, #tpu.memory_space<hbm>> -> memref<10000x64xf32, #tpu.memory_space<hbm>>
      tpu.enqueue_indirect_dma source(%dma_start3A_46 : memref<10000x64xf32, #tpu.memory_space<hbm>>) target(%dma_start3A_40 : memref<128x64xf32, #tpu.memory_space<vmem>>) offsets(%dma_start3A_43 : memref<128xi32, #tpu.memory_space<vmem>>) semaphore(%arg11 : memref<!tpu.dma_semaphore, #tpu.memory_space<semaphore_mem>>)
      %add3A_47 = arith.constant 2 : i32
      %add3A_48 = arith.addi %mul3A_21, %add3A_47 : i32
      %dma_start3A_49 = arith.constant 2 : i32
      %dma_start3A_50 = arith.constant 0 : i32
      %dma_start3A_51 = arith.constant 0 : i32
      %dma_start3A_52 = tpu.memref_slice %arg9[%dma_start3A_49, %dma_start3A_50, %dma_start3A_51] : memref<8x128x64xf32, #tpu.memory_space<vmem>> -> memref<1x128x64xf32, #tpu.memory_space<vmem>>
      %dma_start3A_53 = tpu.memref_squeeze %dma_start3A_52 : memref<1x128x64xf32, #tpu.memory_space<vmem>> -> memref<128x64xf32, #tpu.memory_space<vmem>>
      %dma_start3A_54 = arith.constant 0 : i32
      %dma_start3A_55 = tpu.memref_slice %arg7[%add3A_48, %dma_start3A_54] : memref<80x128xi32, #tpu.memory_space<vmem>> -> memref<1x128xi32, #tpu.memory_space<vmem>>
      %dma_start3A_56 = tpu.memref_squeeze %dma_start3A_55 : memref<1x128xi32, #tpu.memory_space<vmem>> -> memref<128xi32, #tpu.memory_space<vmem>>
      %dma_start3A_57 = arith.constant 0 : i32
      %dma_start3A_58 = arith.constant 0 : i32
      %dma_start3A_59 = tpu.memref_slice %arg2[%dma_start3A_57, %dma_start3A_58] : memref<10000x64xf32, #tpu.memory_space<hbm>> -> memref<10000x64xf32, #tpu.memory_space<hbm>>
      tpu.enqueue_indirect_dma source(%dma_start3A_59 : memref<10000x64xf32, #tpu.memory_space<hbm>>) target(%dma_start3A_53 : memref<128x64xf32, #tpu.memory_space<vmem>>) offsets(%dma_start3A_56 : memref<128xi32, #tpu.memory_space<vmem>>) semaphore(%arg11 : memref<!tpu.dma_semaphore, #tpu.memory_space<semaphore_mem>>)
      %add3A_60 = arith.constant 3 : i32
      %add3A_61 = arith.addi %mul3A_21, %add3A_60 : i32
      %dma_start3A_62 = arith.constant 3 : i32
      %dma_start3A_63 = arith.constant 0 : i32
      %dma_start3A_64 = arith.constant 0 : i32
      %dma_start3A_65 = tpu.memref_slice %arg9[%dma_start3A_62, %dma_start3A_63, %dma_start3A_64] : memref<8x128x64xf32, #tpu.memory_space<vmem>> -> memref<1x128x64xf32, #tpu.memory_space<vmem>>
      %dma_start3A_66 = tpu.memref_squeeze %dma_start3A_65 : memref<1x128x64xf32, #tpu.memory_space<vmem>> -> memref<128x64xf32, #tpu.memory_space<vmem>>
      %dma_start3A_67 = arith.constant 0 : i32
      %dma_start3A_68 = tpu.memref_slice %arg7[%add3A_61, %dma_start3A_67] : memref<80x128xi32, #tpu.memory_space<vmem>> -> memref<1x128xi32, #tpu.memory_space<vmem>>
      %dma_start3A_69 = tpu.memref_squeeze %dma_start3A_68 : memref<1x128xi32, #tpu.memory_space<vmem>> -> memref<128xi32, #tpu.memory_space<vmem>>
      %dma_start3A_70 = arith.constant 0 : i32
      %dma_start3A_71 = arith.constant 0 : i32
      %dma_start3A_72 = tpu.memref_slice %arg2[%dma_start3A_70, %dma_start3A_71] : memref<10000x64xf32, #tpu.memory_space<hbm>> -> memref<10000x64xf32, #tpu.memory_space<hbm>>
      tpu.enqueue_indirect_dma source(%dma_start3A_72 : memref<10000x64xf32, #tpu.memory_space<hbm>>) target(%dma_start3A_66 : memref<128x64xf32, #tpu.memory_space<vmem>>) offsets(%dma_start3A_69 : memref<128xi32, #tpu.memory_space<vmem>>) semaphore(%arg11 : memref<!tpu.dma_semaphore, #tpu.memory_space<semaphore_mem>>)
      %add3A_73 = arith.constant 4 : i32
      %add3A_74 = arith.addi %mul3A_21, %add3A_73 : i32
      %dma_start3A_75 = arith.constant 4 : i32
      %dma_start3A_76 = arith.constant 0 : i32
      %dma_start3A_77 = arith.constant 0 : i32
      %dma_start3A_78 = tpu.memref_slice %arg9[%dma_start3A_75, %dma_start3A_76, %dma_start3A_77] : memref<8x128x64xf32, #tpu.memory_space<vmem>> -> memref<1x128x64xf32, #tpu.memory_space<vmem>>
      %dma_start3A_79 = tpu.memref_squeeze %dma_start3A_78 : memref<1x128x64xf32, #tpu.memory_space<vmem>> -> memref<128x64xf32, #tpu.memory_space<vmem>>
      %dma_start3A_80 = arith.constant 0 : i32
      %dma_start3A_81 = tpu.memref_slice %arg7[%add3A_74, %dma_start3A_80] : memref<80x128xi32, #tpu.memory_space<vmem>> -> memref<1x128xi32, #tpu.memory_space<vmem>>
      %dma_start3A_82 = tpu.memref_squeeze %dma_start3A_81 : memref<1x128xi32, #tpu.memory_space<vmem>> -> memref<128xi32, #tpu.memory_space<vmem>>
      %dma_start3A_83 = arith.constant 0 : i32
      %dma_start3A_84 = arith.constant 0 : i32
      %dma_start3A_85 = tpu.memref_slice %arg2[%dma_start3A_83, %dma_start3A_84] : memref<10000x64xf32, #tpu.memory_space<hbm>> -> memref<10000x64xf32, #tpu.memory_space<hbm>>
      tpu.enqueue_indirect_dma source(%dma_start3A_85 : memref<10000x64xf32, #tpu.memory_space<hbm>>) target(%dma_start3A_79 : memref<128x64xf32, #tpu.memory_space<vmem>>) offsets(%dma_start3A_82 : memref<128xi32, #tpu.memory_space<vmem>>) semaphore(%arg11 : memref<!tpu.dma_semaphore, #tpu.memory_space<semaphore_mem>>)
      %add3A_86 = arith.constant 5 : i32
      %add3A_87 = arith.addi %mul3A_21, %add3A_86 : i32
      %dma_start3A_88 = arith.constant 5 : i32
      %dma_start3A_89 = arith.constant 0 : i32
      %dma_start3A_90 = arith.constant 0 : i32
      %dma_start3A_91 = tpu.memref_slice %arg9[%dma_start3A_88, %dma_start3A_89, %dma_start3A_90] : memref<8x128x64xf32, #tpu.memory_space<vmem>> -> memref<1x128x64xf32, #tpu.memory_space<vmem>>
      %dma_start3A_92 = tpu.memref_squeeze %dma_start3A_91 : memref<1x128x64xf32, #tpu.memory_space<vmem>> -> memref<128x64xf32, #tpu.memory_space<vmem>>
      %dma_start3A_93 = arith.constant 0 : i32
      %dma_start3A_94 = tpu.memref_slice %arg7[%add3A_87, %dma_start3A_93] : memref<80x128xi32, #tpu.memory_space<vmem>> -> memref<1x128xi32, #tpu.memory_space<vmem>>
      %dma_start3A_95 = tpu.memref_squeeze %dma_start3A_94 : memref<1x128xi32, #tpu.memory_space<vmem>> -> memref<128xi32, #tpu.memory_space<vmem>>
      %dma_start3A_96 = arith.constant 0 : i32
      %dma_start3A_97 = arith.constant 0 : i32
      %dma_start3A_98 = tpu.memref_slice %arg2[%dma_start3A_96, %dma_start3A_97] : memref<10000x64xf32, #tpu.memory_space<hbm>> -> memref<10000x64xf32, #tpu.memory_space<hbm>>
      tpu.enqueue_indirect_dma source(%dma_start3A_98 : memref<10000x64xf32, #tpu.memory_space<hbm>>) target(%dma_start3A_92 : memref<128x64xf32, #tpu.memory_space<vmem>>) offsets(%dma_start3A_95 : memref<128xi32, #tpu.memory_space<vmem>>) semaphore(%arg11 : memref<!tpu.dma_semaphore, #tpu.memory_space<semaphore_mem>>)
      %add3A_99 = arith.constant 6 : i32
      %add3A_100 = arith.addi %mul3A_21, %add3A_99 : i32
      %dma_start3A_101 = arith.constant 6 : i32
      %dma_start3A_102 = arith.constant 0 : i32
      %dma_start3A_103 = arith.constant 0 : i32
      %dma_start3A_104 = tpu.memref_slice %arg9[%dma_start3A_101, %dma_start3A_102, %dma_start3A_103] : memref<8x128x64xf32, #tpu.memory_space<vmem>> -> memref<1x128x64xf32, #tpu.memory_space<vmem>>
      %dma_start3A_105 = tpu.memref_squeeze %dma_start3A_104 : memref<1x128x64xf32, #tpu.memory_space<vmem>> -> memref<128x64xf32, #tpu.memory_space<vmem>>
      %dma_start3A_106 = arith.constant 0 : i32
      %dma_start3A_107 = tpu.memref_slice %arg7[%add3A_100, %dma_start3A_106] : memref<80x128xi32, #tpu.memory_space<vmem>> -> memref<1x128xi32, #tpu.memory_space<vmem>>
      %dma_start3A_108 = tpu.memref_squeeze %dma_start3A_107 : memref<1x128xi32, #tpu.memory_space<vmem>> -> memref<128xi32, #tpu.memory_space<vmem>>
      %dma_start3A_109 = arith.constant 0 : i32
      %dma_start3A_110 = arith.constant 0 : i32
      %dma_start3A_111 = tpu.memref_slice %arg2[%dma_start3A_109, %dma_start3A_110] : memref<10000x64xf32, #tpu.memory_space<hbm>> -> memref<10000x64xf32, #tpu.memory_space<hbm>>
      tpu.enqueue_indirect_dma source(%dma_start3A_111 : memref<10000x64xf32, #tpu.memory_space<hbm>>) target(%dma_start3A_105 : memref<128x64xf32, #tpu.memory_space<vmem>>) offsets(%dma_start3A_108 : memref<128xi32, #tpu.memory_space<vmem>>) semaphore(%arg11 : memref<!tpu.dma_semaphore, #tpu.memory_space<semaphore_mem>>)
      %add3A_112 = arith.constant 7 : i32
      %add3A_113 = arith.addi %mul3A_21, %add3A_112 : i32
      %dma_start3A_114 = arith.constant 7 : i32
      %dma_start3A_115 = arith.constant 0 : i32
      %dma_start3A_116 = arith.constant 0 : i32
      %dma_start3A_117 = tpu.memref_slice %arg9[%dma_start3A_114, %dma_start3A_115, %dma_start3A_116] : memref<8x128x64xf32, #tpu.memory_space<vmem>> -> memref<1x128x64xf32, #tpu.memory_space<vmem>>
      %dma_start3A_118 = tpu.memref_squeeze %dma_start3A_117 : memref<1x128x64xf32, #tpu.memory_space<vmem>> -> memref<128x64xf32, #tpu.memory_space<vmem>>
      %dma_start3A_119 = arith.constant 0 : i32
      %dma_start3A_120 = tpu.memref_slice %arg7[%add3A_113, %dma_start3A_119] : memref<80x128xi32, #tpu.memory_space<vmem>> -> memref<1x128xi32, #tpu.memory_space<vmem>>
      %dma_start3A_121 = tpu.memref_squeeze %dma_start3A_120 : memref<1x128xi32, #tpu.memory_space<vmem>> -> memref<128xi32, #tpu.memory_space<vmem>>
      %dma_start3A_122 = arith.constant 0 : i32
      %dma_start3A_123 = arith.constant 0 : i32
      %dma_start3A_124 = tpu.memref_slice %arg2[%dma_start3A_122, %dma_start3A_123] : memref<10000x64xf32, #tpu.memory_space<hbm>> -> memref<10000x64xf32, #tpu.memory_space<hbm>>
      tpu.enqueue_indirect_dma source(%dma_start3A_124 : memref<10000x64xf32, #tpu.memory_space<hbm>>) target(%dma_start3A_118 : memref<128x64xf32, #tpu.memory_space<vmem>>) offsets(%dma_start3A_121 : memref<128xi32, #tpu.memory_space<vmem>>) semaphore(%arg11 : memref<!tpu.dma_semaphore, #tpu.memory_space<semaphore_mem>>)
      %dma_wait3A = arith.constant 0 : i32
      %dma_wait3A_125 = arith.constant 0 : i32
      %dma_wait3A_126 = arith.constant 0 : i32
      %dma_wait3A_127 = tpu.memref_slice %arg9[%dma_wait3A, %dma_wait3A_125, %dma_wait3A_126] : memref<8x128x64xf32, #tpu.memory_space<vmem>> -> memref<1x128x64xf32, #tpu.memory_space<vmem>>
      %dma_wait3A_128 = tpu.memref_squeeze %dma_wait3A_127 : memref<1x128x64xf32, #tpu.memory_space<vmem>> -> memref<128x64xf32, #tpu.memory_space<vmem>>
      %dma_wait3A_129 = arith.constant 0 : i32
      %dma_wait3A_130 = tpu.memref_slice %arg7[%add3A_23, %dma_wait3A_129] : memref<80x128xi32, #tpu.memory_space<vmem>> -> memref<1x128xi32, #tpu.memory_space<vmem>>
      %dma_wait3A_131 = tpu.memref_squeeze %dma_wait3A_130 : memref<1x128xi32, #tpu.memory_space<vmem>> -> memref<128xi32, #tpu.memory_space<vmem>>
      %dma_wait3A_132 = arith.constant 0 : i32
      %dma_wait3A_133 = arith.constant 0 : i32
      %dma_wait3A_134 = tpu.memref_slice %arg2[%dma_wait3A_132, %dma_wait3A_133] : memref<10000x64xf32, #tpu.memory_space<hbm>> -> memref<10000x64xf32, #tpu.memory_space<hbm>>
      tpu.wait_indirect_dma semaphore(%arg11 : memref<!tpu.dma_semaphore, #tpu.memory_space<semaphore_mem>>) src(%dma_wait3A_134 : memref<10000x64xf32, #tpu.memory_space<hbm>>) dst(%dma_wait3A_128 : memref<128x64xf32, #tpu.memory_space<vmem>>)
      %dma_wait3A_135 = arith.constant 1 : i32
      %dma_wait3A_136 = arith.constant 0 : i32
      %dma_wait3A_137 = arith.constant 0 : i32
      %dma_wait3A_138 = tpu.memref_slice %arg9[%dma_wait3A_135, %dma_wait3A_136, %dma_wait3A_137] : memref<8x128x64xf32, #tpu.memory_space<vmem>> -> memref<1x128x64xf32, #tpu.memory_space<vmem>>
      %dma_wait3A_139 = tpu.memref_squeeze %dma_wait3A_138 : memref<1x128x64xf32, #tpu.memory_space<vmem>> -> memref<128x64xf32, #tpu.memory_space<vmem>>
      %dma_wait3A_140 = arith.constant 0 : i32
      %dma_wait3A_141 = tpu.memref_slice %arg7[%add3A_35, %dma_wait3A_140] : memref<80x128xi32, #tpu.memory_space<vmem>> -> memref<1x128xi32, #tpu.memory_space<vmem>>
      %dma_wait3A_142 = tpu.memref_squeeze %dma_wait3A_141 : memref<1x128xi32, #tpu.memory_space<vmem>> -> memref<128xi32, #tpu.memory_space<vmem>>
      %dma_wait3A_143 = arith.constant 0 : i32
      %dma_wait3A_144 = arith.constant 0 : i32
      %dma_wait3A_145 = tpu.memref_slice %arg2[%dma_wait3A_143, %dma_wait3A_144] : memref<10000x64xf32, #tpu.memory_space<hbm>> -> memref<10000x64xf32, #tpu.memory_space<hbm>>
      tpu.wait_indirect_dma semaphore(%arg11 : memref<!tpu.dma_semaphore, #tpu.memory_space<semaphore_mem>>) src(%dma_wait3A_145 : memref<10000x64xf32, #tpu.memory_space<hbm>>) dst(%dma_wait3A_139 : memref<128x64xf32, #tpu.memory_space<vmem>>)
      %dma_wait3A_146 = arith.constant 2 : i32
      %dma_wait3A_147 = arith.constant 0 : i32
      %dma_wait3A_148 = arith.constant 0 : i32
      %dma_wait3A_149 = tpu.memref_slice %arg9[%dma_wait3A_146, %dma_wait3A_147, %dma_wait3A_148] : memref<8x128x64xf32, #tpu.memory_space<vmem>> -> memref<1x128x64xf32, #tpu.memory_space<vmem>>
      %dma_wait3A_150 = tpu.memref_squeeze %dma_wait3A_149 : memref<1x128x64xf32, #tpu.memory_space<vmem>> -> memref<128x64xf32, #tpu.memory_space<vmem>>
      %dma_wait3A_151 = arith.constant 0 : i32
      %dma_wait3A_152 = tpu.memref_slice %arg7[%add3A_48, %dma_wait3A_151] : memref<80x128xi32, #tpu.memory_space<vmem>> -> memref<1x128xi32, #tpu.memory_space<vmem>>
      %dma_wait3A_153 = tpu.memref_squeeze %dma_wait3A_152 : memref<1x128xi32, #tpu.memory_space<vmem>> -> memref<128xi32, #tpu.memory_space<vmem>>
      %dma_wait3A_154 = arith.constant 0 : i32
      %dma_wait3A_155 = arith.constant 0 : i32
      %dma_wait3A_156 = tpu.memref_slice %arg2[%dma_wait3A_154, %dma_wait3A_155] : memref<10000x64xf32, #tpu.memory_space<hbm>> -> memref<10000x64xf32, #tpu.memory_space<hbm>>
      tpu.wait_indirect_dma semaphore(%arg11 : memref<!tpu.dma_semaphore, #tpu.memory_space<semaphore_mem>>) src(%dma_wait3A_156 : memref<10000x64xf32, #tpu.memory_space<hbm>>) dst(%dma_wait3A_150 : memref<128x64xf32, #tpu.memory_space<vmem>>)
      %dma_wait3A_157 = arith.constant 3 : i32
      %dma_wait3A_158 = arith.constant 0 : i32
      %dma_wait3A_159 = arith.constant 0 : i32
      %dma_wait3A_160 = tpu.memref_slice %arg9[%dma_wait3A_157, %dma_wait3A_158, %dma_wait3A_159] : memref<8x128x64xf32, #tpu.memory_space<vmem>> -> memref<1x128x64xf32, #tpu.memory_space<vmem>>
      %dma_wait3A_161 = tpu.memref_squeeze %dma_wait3A_160 : memref<1x128x64xf32, #tpu.memory_space<vmem>> -> memref<128x64xf32, #tpu.memory_space<vmem>>
      %dma_wait3A_162 = arith.constant 0 : i32
      %dma_wait3A_163 = tpu.memref_slice %arg7[%add3A_61, %dma_wait3A_162] : memref<80x128xi32, #tpu.memory_space<vmem>> -> memref<1x128xi32, #tpu.memory_space<vmem>>
      %dma_wait3A_164 = tpu.memref_squeeze %dma_wait3A_163 : memref<1x128xi32, #tpu.memory_space<vmem>> -> memref<128xi32, #tpu.memory_space<vmem>>
      %dma_wait3A_165 = arith.constant 0 : i32
      %dma_wait3A_166 = arith.constant 0 : i32
      %dma_wait3A_167 = tpu.memref_slice %arg2[%dma_wait3A_165, %dma_wait3A_166] : memref<10000x64xf32, #tpu.memory_space<hbm>> -> memref<10000x64xf32, #tpu.memory_space<hbm>>
      tpu.wait_indirect_dma semaphore(%arg11 : memref<!tpu.dma_semaphore, #tpu.memory_space<semaphore_mem>>) src(%dma_wait3A_167 : memref<10000x64xf32, #tpu.memory_space<hbm>>) dst(%dma_wait3A_161 : memref<128x64xf32, #tpu.memory_space<vmem>>)
      %dma_wait3A_168 = arith.constant 4 : i32
      %dma_wait3A_169 = arith.constant 0 : i32
      %dma_wait3A_170 = arith.constant 0 : i32
      %dma_wait3A_171 = tpu.memref_slice %arg9[%dma_wait3A_168, %dma_wait3A_169, %dma_wait3A_170] : memref<8x128x64xf32, #tpu.memory_space<vmem>> -> memref<1x128x64xf32, #tpu.memory_space<vmem>>
      %dma_wait3A_172 = tpu.memref_squeeze %dma_wait3A_171 : memref<1x128x64xf32, #tpu.memory_space<vmem>> -> memref<128x64xf32, #tpu.memory_space<vmem>>
      %dma_wait3A_173 = arith.constant 0 : i32
      %dma_wait3A_174 = tpu.memref_slice %arg7[%add3A_74, %dma_wait3A_173] : memref<80x128xi32, #tpu.memory_space<vmem>> -> memref<1x128xi32, #tpu.memory_space<vmem>>
      %dma_wait3A_175 = tpu.memref_squeeze %dma_wait3A_174 : memref<1x128xi32, #tpu.memory_space<vmem>> -> memref<128xi32, #tpu.memory_space<vmem>>
      %dma_wait3A_176 = arith.constant 0 : i32
      %dma_wait3A_177 = arith.constant 0 : i32
      %dma_wait3A_178 = tpu.memref_slice %arg2[%dma_wait3A_176, %dma_wait3A_177] : memref<10000x64xf32, #tpu.memory_space<hbm>> -> memref<10000x64xf32, #tpu.memory_space<hbm>>
      tpu.wait_indirect_dma semaphore(%arg11 : memref<!tpu.dma_semaphore, #tpu.memory_space<semaphore_mem>>) src(%dma_wait3A_178 : memref<10000x64xf32, #tpu.memory_space<hbm>>) dst(%dma_wait3A_172 : memref<128x64xf32, #tpu.memory_space<vmem>>)
      %dma_wait3A_179 = arith.constant 5 : i32
      %dma_wait3A_180 = arith.constant 0 : i32
      %dma_wait3A_181 = arith.constant 0 : i32
      %dma_wait3A_182 = tpu.memref_slice %arg9[%dma_wait3A_179, %dma_wait3A_180, %dma_wait3A_181] : memref<8x128x64xf32, #tpu.memory_space<vmem>> -> memref<1x128x64xf32, #tpu.memory_space<vmem>>
      %dma_wait3A_183 = tpu.memref_squeeze %dma_wait3A_182 : memref<1x128x64xf32, #tpu.memory_space<vmem>> -> memref<128x64xf32, #tpu.memory_space<vmem>>
      %dma_wait3A_184 = arith.constant 0 : i32
      %dma_wait3A_185 = tpu.memref_slice %arg7[%add3A_87, %dma_wait3A_184] : memref<80x128xi32, #tpu.memory_space<vmem>> -> memref<1x128xi32, #tpu.memory_space<vmem>>
      %dma_wait3A_186 = tpu.memref_squeeze %dma_wait3A_185 : memref<1x128xi32, #tpu.memory_space<vmem>> -> memref<128xi32, #tpu.memory_space<vmem>>
      %dma_wait3A_187 = arith.constant 0 : i32
      %dma_wait3A_188 = arith.constant 0 : i32
      %dma_wait3A_189 = tpu.memref_slice %arg2[%dma_wait3A_187, %dma_wait3A_188] : memref<10000x64xf32, #tpu.memory_space<hbm>> -> memref<10000x64xf32, #tpu.memory_space<hbm>>
      tpu.wait_indirect_dma semaphore(%arg11 : memref<!tpu.dma_semaphore, #tpu.memory_space<semaphore_mem>>) src(%dma_wait3A_189 : memref<10000x64xf32, #tpu.memory_space<hbm>>) dst(%dma_wait3A_183 : memref<128x64xf32, #tpu.memory_space<vmem>>)
      %dma_wait3A_190 = arith.constant 6 : i32
      %dma_wait3A_191 = arith.constant 0 : i32
      %dma_wait3A_192 = arith.constant 0 : i32
      %dma_wait3A_193 = tpu.memref_slice %arg9[%dma_wait3A_190, %dma_wait3A_191, %dma_wait3A_192] : memref<8x128x64xf32, #tpu.memory_space<vmem>> -> memref<1x128x64xf32, #tpu.memory_space<vmem>>
      %dma_wait3A_194 = tpu.memref_squeeze %dma_wait3A_193 : memref<1x128x64xf32, #tpu.memory_space<vmem>> -> memref<128x64xf32, #tpu.memory_space<vmem>>
      %dma_wait3A_195 = arith.constant 0 : i32
      %dma_wait3A_196 = tpu.memref_slice %arg7[%add3A_100, %dma_wait3A_195] : memref<80x128xi32, #tpu.memory_space<vmem>> -> memref<1x128xi32, #tpu.memory_space<vmem>>
      %dma_wait3A_197 = tpu.memref_squeeze %dma_wait3A_196 : memref<1x128xi32, #tpu.memory_space<vmem>> -> memref<128xi32, #tpu.memory_space<vmem>>
      %dma_wait3A_198 = arith.constant 0 : i32
      %dma_wait3A_199 = arith.constant 0 : i32
      %dma_wait3A_200 = tpu.memref_slice %arg2[%dma_wait3A_198, %dma_wait3A_199] : memref<10000x64xf32, #tpu.memory_space<hbm>> -> memref<10000x64xf32, #tpu.memory_space<hbm>>
      tpu.wait_indirect_dma semaphore(%arg11 : memref<!tpu.dma_semaphore, #tpu.memory_space<semaphore_mem>>) src(%dma_wait3A_200 : memref<10000x64xf32, #tpu.memory_space<hbm>>) dst(%dma_wait3A_194 : memref<128x64xf32, #tpu.memory_space<vmem>>)
      %dma_wait3A_201 = arith.constant 7 : i32
      %dma_wait3A_202 = arith.constant 0 : i32
      %dma_wait3A_203 = arith.constant 0 : i32
      %dma_wait3A_204 = tpu.memref_slice %arg9[%dma_wait3A_201, %dma_wait3A_202, %dma_wait3A_203] : memref<8x128x64xf32, #tpu.memory_space<vmem>> -> memref<1x128x64xf32, #tpu.memory_space<vmem>>
      %dma_wait3A_205 = tpu.memref_squeeze %dma_wait3A_204 : memref<1x128x64xf32, #tpu.memory_space<vmem>> -> memref<128x64xf32, #tpu.memory_space<vmem>>
      %dma_wait3A_206 = arith.constant 0 : i32
      %dma_wait3A_207 = tpu.memref_slice %arg7[%add3A_113, %dma_wait3A_206] : memref<80x128xi32, #tpu.memory_space<vmem>> -> memref<1x128xi32, #tpu.memory_space<vmem>>
      %dma_wait3A_208 = tpu.memref_squeeze %dma_wait3A_207 : memref<1x128xi32, #tpu.memory_space<vmem>> -> memref<128xi32, #tpu.memory_space<vmem>>
      %dma_wait3A_209 = arith.constant 0 : i32
      %dma_wait3A_210 = arith.constant 0 : i32
      %dma_wait3A_211 = tpu.memref_slice %arg2[%dma_wait3A_209, %dma_wait3A_210] : memref<10000x64xf32, #tpu.memory_space<hbm>> -> memref<10000x64xf32, #tpu.memory_space<hbm>>
      tpu.wait_indirect_dma semaphore(%arg11 : memref<!tpu.dma_semaphore, #tpu.memory_space<semaphore_mem>>) src(%dma_wait3A_211 : memref<10000x64xf32, #tpu.memory_space<hbm>>) dst(%dma_wait3A_205 : memref<128x64xf32, #tpu.memory_space<vmem>>)
      %add3A_212 = arith.constant 0 : i32
      %add3A_213 = arith.addi %mul3A_21, %add3A_212 : i32
      %dma_start3A_214 = arith.constant 0 : i32
      %dma_start3A_215 = arith.constant 0 : i32
      %dma_start3A_216 = arith.constant 0 : i32
      %dma_start3A_217 = tpu.memref_slice %arg9[%dma_start3A_214, %dma_start3A_215, %dma_start3A_216] : memref<8x128x64xf32, #tpu.memory_space<vmem>> -> memref<1x128x64xf32, #tpu.memory_space<vmem>>
      %dma_start3A_218 = tpu.memref_squeeze %dma_start3A_217 : memref<1x128x64xf32, #tpu.memory_space<vmem>> -> memref<128x64xf32, #tpu.memory_space<vmem>>
      %dma_start3A_219 = arith.constant 0 : i32
      %dma_start3A_220 = tpu.memref_slice %arg8[%add3A_213, %dma_start3A_219] : memref<80x128xi32, #tpu.memory_space<vmem>> -> memref<1x128xi32, #tpu.memory_space<vmem>>
      %dma_start3A_221 = tpu.memref_squeeze %dma_start3A_220 : memref<1x128xi32, #tpu.memory_space<vmem>> -> memref<128xi32, #tpu.memory_space<vmem>>
      %dma_start3A_222 = arith.constant 0 : i32
      %dma_start3A_223 = arith.constant 0 : i32
      %dma_start3A_224 = tpu.memref_slice %arg10[%dma_start3A_222, %dma_start3A_223] : memref<10112x64xf32, #tpu.memory_space<vmem_shared>> -> memref<10112x64xf32, #tpu.memory_space<vmem_shared>>
      tpu.enqueue_indirect_dma source(%dma_start3A_218 : memref<128x64xf32, #tpu.memory_space<vmem>>) target(%dma_start3A_224 : memref<10112x64xf32, #tpu.memory_space<vmem_shared>>) offsets(%dma_start3A_221 : memref<128xi32, #tpu.memory_space<vmem>>) semaphore(%arg12 : memref<!tpu.dma_semaphore, #tpu.memory_space<semaphore_mem>>) {add = true}
      %add3A_225 = arith.constant 1 : i32
      %add3A_226 = arith.addi %mul3A_21, %add3A_225 : i32
      %dma_start3A_227 = arith.constant 1 : i32
      %dma_start3A_228 = arith.constant 0 : i32
      %dma_start3A_229 = arith.constant 0 : i32
      %dma_start3A_230 = tpu.memref_slice %arg9[%dma_start3A_227, %dma_start3A_228, %dma_start3A_229] : memref<8x128x64xf32, #tpu.memory_space<vmem>> -> memref<1x128x64xf32, #tpu.memory_space<vmem>>
      %dma_start3A_231 = tpu.memref_squeeze %dma_start3A_230 : memref<1x128x64xf32, #tpu.memory_space<vmem>> -> memref<128x64xf32, #tpu.memory_space<vmem>>
      %dma_start3A_232 = arith.constant 0 : i32
      %dma_start3A_233 = tpu.memref_slice %arg8[%add3A_226, %dma_start3A_232] : memref<80x128xi32, #tpu.memory_space<vmem>> -> memref<1x128xi32, #tpu.memory_space<vmem>>
      %dma_start3A_234 = tpu.memref_squeeze %dma_start3A_233 : memref<1x128xi32, #tpu.memory_space<vmem>> -> memref<128xi32, #tpu.memory_space<vmem>>
      %dma_start3A_235 = arith.constant 0 : i32
      %dma_start3A_236 = arith.constant 0 : i32
      %dma_start3A_237 = tpu.memref_slice %arg10[%dma_start3A_235, %dma_start3A_236] : memref<10112x64xf32, #tpu.memory_space<vmem_shared>> -> memref<10112x64xf32, #tpu.memory_space<vmem_shared>>
      tpu.enqueue_indirect_dma source(%dma_start3A_231 : memref<128x64xf32, #tpu.memory_space<vmem>>) target(%dma_start3A_237 : memref<10112x64xf32, #tpu.memory_space<vmem_shared>>) offsets(%dma_start3A_234 : memref<128xi32, #tpu.memory_space<vmem>>) semaphore(%arg12 : memref<!tpu.dma_semaphore, #tpu.memory_space<semaphore_mem>>) {add = true}
      %add3A_238 = arith.constant 2 : i32
      %add3A_239 = arith.addi %mul3A_21, %add3A_238 : i32
      %dma_start3A_240 = arith.constant 2 : i32
      %dma_start3A_241 = arith.constant 0 : i32
      %dma_start3A_242 = arith.constant 0 : i32
      %dma_start3A_243 = tpu.memref_slice %arg9[%dma_start3A_240, %dma_start3A_241, %dma_start3A_242] : memref<8x128x64xf32, #tpu.memory_space<vmem>> -> memref<1x128x64xf32, #tpu.memory_space<vmem>>
      %dma_start3A_244 = tpu.memref_squeeze %dma_start3A_243 : memref<1x128x64xf32, #tpu.memory_space<vmem>> -> memref<128x64xf32, #tpu.memory_space<vmem>>
      %dma_start3A_245 = arith.constant 0 : i32
      %dma_start3A_246 = tpu.memref_slice %arg8[%add3A_239, %dma_start3A_245] : memref<80x128xi32, #tpu.memory_space<vmem>> -> memref<1x128xi32, #tpu.memory_space<vmem>>
      %dma_start3A_247 = tpu.memref_squeeze %dma_start3A_246 : memref<1x128xi32, #tpu.memory_space<vmem>> -> memref<128xi32, #tpu.memory_space<vmem>>
      %dma_start3A_248 = arith.constant 0 : i32
      %dma_start3A_249 = arith.constant 0 : i32
      %dma_start3A_250 = tpu.memref_slice %arg10[%dma_start3A_248, %dma_start3A_249] : memref<10112x64xf32, #tpu.memory_space<vmem_shared>> -> memref<10112x64xf32, #tpu.memory_space<vmem_shared>>
      tpu.enqueue_indirect_dma source(%dma_start3A_244 : memref<128x64xf32, #tpu.memory_space<vmem>>) target(%dma_start3A_250 : memref<10112x64xf32, #tpu.memory_space<vmem_shared>>) offsets(%dma_start3A_247 : memref<128xi32, #tpu.memory_space<vmem>>) semaphore(%arg12 : memref<!tpu.dma_semaphore, #tpu.memory_space<semaphore_mem>>) {add = true}
      %add3A_251 = arith.constant 3 : i32
      %add3A_252 = arith.addi %mul3A_21, %add3A_251 : i32
      %dma_start3A_253 = arith.constant 3 : i32
      %dma_start3A_254 = arith.constant 0 : i32
      %dma_start3A_255 = arith.constant 0 : i32
      %dma_start3A_256 = tpu.memref_slice %arg9[%dma_start3A_253, %dma_start3A_254, %dma_start3A_255] : memref<8x128x64xf32, #tpu.memory_space<vmem>> -> memref<1x128x64xf32, #tpu.memory_space<vmem>>
      %dma_start3A_257 = tpu.memref_squeeze %dma_start3A_256 : memref<1x128x64xf32, #tpu.memory_space<vmem>> -> memref<128x64xf32, #tpu.memory_space<vmem>>
      %dma_start3A_258 = arith.constant 0 : i32
      %dma_start3A_259 = tpu.memref_slice %arg8[%add3A_252, %dma_start3A_258] : memref<80x128xi32, #tpu.memory_space<vmem>> -> memref<1x128xi32, #tpu.memory_space<vmem>>
      %dma_start3A_260 = tpu.memref_squeeze %dma_start3A_259 : memref<1x128xi32, #tpu.memory_space<vmem>> -> memref<128xi32, #tpu.memory_space<vmem>>
      %dma_start3A_261 = arith.constant 0 : i32
      %dma_start3A_262 = arith.constant 0 : i32
      %dma_start3A_263 = tpu.memref_slice %arg10[%dma_start3A_261, %dma_start3A_262] : memref<10112x64xf32, #tpu.memory_space<vmem_shared>> -> memref<10112x64xf32, #tpu.memory_space<vmem_shared>>
      tpu.enqueue_indirect_dma source(%dma_start3A_257 : memref<128x64xf32, #tpu.memory_space<vmem>>) target(%dma_start3A_263 : memref<10112x64xf32, #tpu.memory_space<vmem_shared>>) offsets(%dma_start3A_260 : memref<128xi32, #tpu.memory_space<vmem>>) semaphore(%arg12 : memref<!tpu.dma_semaphore, #tpu.memory_space<semaphore_mem>>) {add = true}
      %add3A_264 = arith.constant 4 : i32
      %add3A_265 = arith.addi %mul3A_21, %add3A_264 : i32
      %dma_start3A_266 = arith.constant 4 : i32
      %dma_start3A_267 = arith.constant 0 : i32
      %dma_start3A_268 = arith.constant 0 : i32
      %dma_start3A_269 = tpu.memref_slice %arg9[%dma_start3A_266, %dma_start3A_267, %dma_start3A_268] : memref<8x128x64xf32, #tpu.memory_space<vmem>> -> memref<1x128x64xf32, #tpu.memory_space<vmem>>
      %dma_start3A_270 = tpu.memref_squeeze %dma_start3A_269 : memref<1x128x64xf32, #tpu.memory_space<vmem>> -> memref<128x64xf32, #tpu.memory_space<vmem>>
      %dma_start3A_271 = arith.constant 0 : i32
      %dma_start3A_272 = tpu.memref_slice %arg8[%add3A_265, %dma_start3A_271] : memref<80x128xi32, #tpu.memory_space<vmem>> -> memref<1x128xi32, #tpu.memory_space<vmem>>
      %dma_start3A_273 = tpu.memref_squeeze %dma_start3A_272 : memref<1x128xi32, #tpu.memory_space<vmem>> -> memref<128xi32, #tpu.memory_space<vmem>>
      %dma_start3A_274 = arith.constant 0 : i32
      %dma_start3A_275 = arith.constant 0 : i32
      %dma_start3A_276 = tpu.memref_slice %arg10[%dma_start3A_274, %dma_start3A_275] : memref<10112x64xf32, #tpu.memory_space<vmem_shared>> -> memref<10112x64xf32, #tpu.memory_space<vmem_shared>>
      tpu.enqueue_indirect_dma source(%dma_start3A_270 : memref<128x64xf32, #tpu.memory_space<vmem>>) target(%dma_start3A_276 : memref<10112x64xf32, #tpu.memory_space<vmem_shared>>) offsets(%dma_start3A_273 : memref<128xi32, #tpu.memory_space<vmem>>) semaphore(%arg12 : memref<!tpu.dma_semaphore, #tpu.memory_space<semaphore_mem>>) {add = true}
      %add3A_277 = arith.constant 5 : i32
      %add3A_278 = arith.addi %mul3A_21, %add3A_277 : i32
      %dma_start3A_279 = arith.constant 5 : i32
      %dma_start3A_280 = arith.constant 0 : i32
      %dma_start3A_281 = arith.constant 0 : i32
      %dma_start3A_282 = tpu.memref_slice %arg9[%dma_start3A_279, %dma_start3A_280, %dma_start3A_281] : memref<8x128x64xf32, #tpu.memory_space<vmem>> -> memref<1x128x64xf32, #tpu.memory_space<vmem>>
      %dma_start3A_283 = tpu.memref_squeeze %dma_start3A_282 : memref<1x128x64xf32, #tpu.memory_space<vmem>> -> memref<128x64xf32, #tpu.memory_space<vmem>>
      %dma_start3A_284 = arith.constant 0 : i32
      %dma_start3A_285 = tpu.memref_slice %arg8[%add3A_278, %dma_start3A_284] : memref<80x128xi32, #tpu.memory_space<vmem>> -> memref<1x128xi32, #tpu.memory_space<vmem>>
      %dma_start3A_286 = tpu.memref_squeeze %dma_start3A_285 : memref<1x128xi32, #tpu.memory_space<vmem>> -> memref<128xi32, #tpu.memory_space<vmem>>
      %dma_start3A_287 = arith.constant 0 : i32
      %dma_start3A_288 = arith.constant 0 : i32
      %dma_start3A_289 = tpu.memref_slice %arg10[%dma_start3A_287, %dma_start3A_288] : memref<10112x64xf32, #tpu.memory_space<vmem_shared>> -> memref<10112x64xf32, #tpu.memory_space<vmem_shared>>
      tpu.enqueue_indirect_dma source(%dma_start3A_283 : memref<128x64xf32, #tpu.memory_space<vmem>>) target(%dma_start3A_289 : memref<10112x64xf32, #tpu.memory_space<vmem_shared>>) offsets(%dma_start3A_286 : memref<128xi32, #tpu.memory_space<vmem>>) semaphore(%arg12 : memref<!tpu.dma_semaphore, #tpu.memory_space<semaphore_mem>>) {add = true}
      %add3A_290 = arith.constant 6 : i32
      %add3A_291 = arith.addi %mul3A_21, %add3A_290 : i32
      %dma_start3A_292 = arith.constant 6 : i32
      %dma_start3A_293 = arith.constant 0 : i32
      %dma_start3A_294 = arith.constant 0 : i32
      %dma_start3A_295 = tpu.memref_slice %arg9[%dma_start3A_292, %dma_start3A_293, %dma_start3A_294] : memref<8x128x64xf32, #tpu.memory_space<vmem>> -> memref<1x128x64xf32, #tpu.memory_space<vmem>>
      %dma_start3A_296 = tpu.memref_squeeze %dma_start3A_295 : memref<1x128x64xf32, #tpu.memory_space<vmem>> -> memref<128x64xf32, #tpu.memory_space<vmem>>
      %dma_start3A_297 = arith.constant 0 : i32
      %dma_start3A_298 = tpu.memref_slice %arg8[%add3A_291, %dma_start3A_297] : memref<80x128xi32, #tpu.memory_space<vmem>> -> memref<1x128xi32, #tpu.memory_space<vmem>>
      %dma_start3A_299 = tpu.memref_squeeze %dma_start3A_298 : memref<1x128xi32, #tpu.memory_space<vmem>> -> memref<128xi32, #tpu.memory_space<vmem>>
      %dma_start3A_300 = arith.constant 0 : i32
      %dma_start3A_301 = arith.constant 0 : i32
      %dma_start3A_302 = tpu.memref_slice %arg10[%dma_start3A_300, %dma_start3A_301] : memref<10112x64xf32, #tpu.memory_space<vmem_shared>> -> memref<10112x64xf32, #tpu.memory_space<vmem_shared>>
      tpu.enqueue_indirect_dma source(%dma_start3A_296 : memref<128x64xf32, #tpu.memory_space<vmem>>) target(%dma_start3A_302 : memref<10112x64xf32, #tpu.memory_space<vmem_shared>>) offsets(%dma_start3A_299 : memref<128xi32, #tpu.memory_space<vmem>>) semaphore(%arg12 : memref<!tpu.dma_semaphore, #tpu.memory_space<semaphore_mem>>) {add = true}
      %add3A_303 = arith.constant 7 : i32
      %add3A_304 = arith.addi %mul3A_21, %add3A_303 : i32
      %dma_start3A_305 = arith.constant 7 : i32
      %dma_start3A_306 = arith.constant 0 : i32
      %dma_start3A_307 = arith.constant 0 : i32
      %dma_start3A_308 = tpu.memref_slice %arg9[%dma_start3A_305, %dma_start3A_306, %dma_start3A_307] : memref<8x128x64xf32, #tpu.memory_space<vmem>> -> memref<1x128x64xf32, #tpu.memory_space<vmem>>
      %dma_start3A_309 = tpu.memref_squeeze %dma_start3A_308 : memref<1x128x64xf32, #tpu.memory_space<vmem>> -> memref<128x64xf32, #tpu.memory_space<vmem>>
      %dma_start3A_310 = arith.constant 0 : i32
      %dma_start3A_311 = tpu.memref_slice %arg8[%add3A_304, %dma_start3A_310] : memref<80x128xi32, #tpu.memory_space<vmem>> -> memref<1x128xi32, #tpu.memory_space<vmem>>
      %dma_start3A_312 = tpu.memref_squeeze %dma_start3A_311 : memref<1x128xi32, #tpu.memory_space<vmem>> -> memref<128xi32, #tpu.memory_space<vmem>>
      %dma_start3A_313 = arith.constant 0 : i32
      %dma_start3A_314 = arith.constant 0 : i32
      %dma_start3A_315 = tpu.memref_slice %arg10[%dma_start3A_313, %dma_start3A_314] : memref<10112x64xf32, #tpu.memory_space<vmem_shared>> -> memref<10112x64xf32, #tpu.memory_space<vmem_shared>>
      tpu.enqueue_indirect_dma source(%dma_start3A_309 : memref<128x64xf32, #tpu.memory_space<vmem>>) target(%dma_start3A_315 : memref<10112x64xf32, #tpu.memory_space<vmem_shared>>) offsets(%dma_start3A_312 : memref<128xi32, #tpu.memory_space<vmem>>) semaphore(%arg12 : memref<!tpu.dma_semaphore, #tpu.memory_space<semaphore_mem>>) {add = true}
      %dma_wait3A_316 = arith.constant 0 : i32
      %dma_wait3A_317 = arith.constant 0 : i32
      %dma_wait3A_318 = arith.constant 0 : i32
      %dma_wait3A_319 = tpu.memref_slice %arg9[%dma_wait3A_316, %dma_wait3A_317, %dma_wait3A_318] : memref<8x128x64xf32, #tpu.memory_space<vmem>> -> memref<1x128x64xf32, #tpu.memory_space<vmem>>
      %dma_wait3A_320 = tpu.memref_squeeze %dma_wait3A_319 : memref<1x128x64xf32, #tpu.memory_space<vmem>> -> memref<128x64xf32, #tpu.memory_space<vmem>>
      %dma_wait3A_321 = arith.constant 0 : i32
      %dma_wait3A_322 = tpu.memref_slice %arg8[%add3A_213, %dma_wait3A_321] : memref<80x128xi32, #tpu.memory_space<vmem>> -> memref<1x128xi32, #tpu.memory_space<vmem>>
      %dma_wait3A_323 = tpu.memref_squeeze %dma_wait3A_322 : memref<1x128xi32, #tpu.memory_space<vmem>> -> memref<128xi32, #tpu.memory_space<vmem>>
      %dma_wait3A_324 = arith.constant 0 : i32
      %dma_wait3A_325 = arith.constant 0 : i32
      %dma_wait3A_326 = tpu.memref_slice %arg10[%dma_wait3A_324, %dma_wait3A_325] : memref<10112x64xf32, #tpu.memory_space<vmem_shared>> -> memref<10112x64xf32, #tpu.memory_space<vmem_shared>>
      tpu.wait_indirect_dma semaphore(%arg12 : memref<!tpu.dma_semaphore, #tpu.memory_space<semaphore_mem>>) src(%dma_wait3A_320 : memref<128x64xf32, #tpu.memory_space<vmem>>) dst(%dma_wait3A_326 : memref<10112x64xf32, #tpu.memory_space<vmem_shared>>)
      %dma_wait3A_327 = arith.constant 1 : i32
      %dma_wait3A_328 = arith.constant 0 : i32
      %dma_wait3A_329 = arith.constant 0 : i32
      %dma_wait3A_330 = tpu.memref_slice %arg9[%dma_wait3A_327, %dma_wait3A_328, %dma_wait3A_329] : memref<8x128x64xf32, #tpu.memory_space<vmem>> -> memref<1x128x64xf32, #tpu.memory_space<vmem>>
      %dma_wait3A_331 = tpu.memref_squeeze %dma_wait3A_330 : memref<1x128x64xf32, #tpu.memory_space<vmem>> -> memref<128x64xf32, #tpu.memory_space<vmem>>
      %dma_wait3A_332 = arith.constant 0 : i32
      %dma_wait3A_333 = tpu.memref_slice %arg8[%add3A_226, %dma_wait3A_332] : memref<80x128xi32, #tpu.memory_space<vmem>> -> memref<1x128xi32, #tpu.memory_space<vmem>>
      %dma_wait3A_334 = tpu.memref_squeeze %dma_wait3A_333 : memref<1x128xi32, #tpu.memory_space<vmem>> -> memref<128xi32, #tpu.memory_space<vmem>>
      %dma_wait3A_335 = arith.constant 0 : i32
      %dma_wait3A_336 = arith.constant 0 : i32
      %dma_wait3A_337 = tpu.memref_slice %arg10[%dma_wait3A_335, %dma_wait3A_336] : memref<10112x64xf32, #tpu.memory_space<vmem_shared>> -> memref<10112x64xf32, #tpu.memory_space<vmem_shared>>
      tpu.wait_indirect_dma semaphore(%arg12 : memref<!tpu.dma_semaphore, #tpu.memory_space<semaphore_mem>>) src(%dma_wait3A_331 : memref<128x64xf32, #tpu.memory_space<vmem>>) dst(%dma_wait3A_337 : memref<10112x64xf32, #tpu.memory_space<vmem_shared>>)
      %dma_wait3A_338 = arith.constant 2 : i32
      %dma_wait3A_339 = arith.constant 0 : i32
      %dma_wait3A_340 = arith.constant 0 : i32
      %dma_wait3A_341 = tpu.memref_slice %arg9[%dma_wait3A_338, %dma_wait3A_339, %dma_wait3A_340] : memref<8x128x64xf32, #tpu.memory_space<vmem>> -> memref<1x128x64xf32, #tpu.memory_space<vmem>>
      %dma_wait3A_342 = tpu.memref_squeeze %dma_wait3A_341 : memref<1x128x64xf32, #tpu.memory_space<vmem>> -> memref<128x64xf32, #tpu.memory_space<vmem>>
      %dma_wait3A_343 = arith.constant 0 : i32
      %dma_wait3A_344 = tpu.memref_slice %arg8[%add3A_239, %dma_wait3A_343] : memref<80x128xi32, #tpu.memory_space<vmem>> -> memref<1x128xi32, #tpu.memory_space<vmem>>
      %dma_wait3A_345 = tpu.memref_squeeze %dma_wait3A_344 : memref<1x128xi32, #tpu.memory_space<vmem>> -> memref<128xi32, #tpu.memory_space<vmem>>
      %dma_wait3A_346 = arith.constant 0 : i32
      %dma_wait3A_347 = arith.constant 0 : i32
      %dma_wait3A_348 = tpu.memref_slice %arg10[%dma_wait3A_346, %dma_wait3A_347] : memref<10112x64xf32, #tpu.memory_space<vmem_shared>> -> memref<10112x64xf32, #tpu.memory_space<vmem_shared>>
      tpu.wait_indirect_dma semaphore(%arg12 : memref<!tpu.dma_semaphore, #tpu.memory_space<semaphore_mem>>) src(%dma_wait3A_342 : memref<128x64xf32, #tpu.memory_space<vmem>>) dst(%dma_wait3A_348 : memref<10112x64xf32, #tpu.memory_space<vmem_shared>>)
      %dma_wait3A_349 = arith.constant 3 : i32
      %dma_wait3A_350 = arith.constant 0 : i32
      %dma_wait3A_351 = arith.constant 0 : i32
      %dma_wait3A_352 = tpu.memref_slice %arg9[%dma_wait3A_349, %dma_wait3A_350, %dma_wait3A_351] : memref<8x128x64xf32, #tpu.memory_space<vmem>> -> memref<1x128x64xf32, #tpu.memory_space<vmem>>
      %dma_wait3A_353 = tpu.memref_squeeze %dma_wait3A_352 : memref<1x128x64xf32, #tpu.memory_space<vmem>> -> memref<128x64xf32, #tpu.memory_space<vmem>>
      %dma_wait3A_354 = arith.constant 0 : i32
      %dma_wait3A_355 = tpu.memref_slice %arg8[%add3A_252, %dma_wait3A_354] : memref<80x128xi32, #tpu.memory_space<vmem>> -> memref<1x128xi32, #tpu.memory_space<vmem>>
      %dma_wait3A_356 = tpu.memref_squeeze %dma_wait3A_355 : memref<1x128xi32, #tpu.memory_space<vmem>> -> memref<128xi32, #tpu.memory_space<vmem>>
      %dma_wait3A_357 = arith.constant 0 : i32
      %dma_wait3A_358 = arith.constant 0 : i32
      %dma_wait3A_359 = tpu.memref_slice %arg10[%dma_wait3A_357, %dma_wait3A_358] : memref<10112x64xf32, #tpu.memory_space<vmem_shared>> -> memref<10112x64xf32, #tpu.memory_space<vmem_shared>>
      tpu.wait_indirect_dma semaphore(%arg12 : memref<!tpu.dma_semaphore, #tpu.memory_space<semaphore_mem>>) src(%dma_wait3A_353 : memref<128x64xf32, #tpu.memory_space<vmem>>) dst(%dma_wait3A_359 : memref<10112x64xf32, #tpu.memory_space<vmem_shared>>)
      %dma_wait3A_360 = arith.constant 4 : i32
      %dma_wait3A_361 = arith.constant 0 : i32
      %dma_wait3A_362 = arith.constant 0 : i32
      %dma_wait3A_363 = tpu.memref_slice %arg9[%dma_wait3A_360, %dma_wait3A_361, %dma_wait3A_362] : memref<8x128x64xf32, #tpu.memory_space<vmem>> -> memref<1x128x64xf32, #tpu.memory_space<vmem>>
      %dma_wait3A_364 = tpu.memref_squeeze %dma_wait3A_363 : memref<1x128x64xf32, #tpu.memory_space<vmem>> -> memref<128x64xf32, #tpu.memory_space<vmem>>
      %dma_wait3A_365 = arith.constant 0 : i32
      %dma_wait3A_366 = tpu.memref_slice %arg8[%add3A_265, %dma_wait3A_365] : memref<80x128xi32, #tpu.memory_space<vmem>> -> memref<1x128xi32, #tpu.memory_space<vmem>>
      %dma_wait3A_367 = tpu.memref_squeeze %dma_wait3A_366 : memref<1x128xi32, #tpu.memory_space<vmem>> -> memref<128xi32, #tpu.memory_space<vmem>>
      %dma_wait3A_368 = arith.constant 0 : i32
      %dma_wait3A_369 = arith.constant 0 : i32
      %dma_wait3A_370 = tpu.memref_slice %arg10[%dma_wait3A_368, %dma_wait3A_369] : memref<10112x64xf32, #tpu.memory_space<vmem_shared>> -> memref<10112x64xf32, #tpu.memory_space<vmem_shared>>
      tpu.wait_indirect_dma semaphore(%arg12 : memref<!tpu.dma_semaphore, #tpu.memory_space<semaphore_mem>>) src(%dma_wait3A_364 : memref<128x64xf32, #tpu.memory_space<vmem>>) dst(%dma_wait3A_370 : memref<10112x64xf32, #tpu.memory_space<vmem_shared>>)
      %dma_wait3A_371 = arith.constant 5 : i32
      %dma_wait3A_372 = arith.constant 0 : i32
      %dma_wait3A_373 = arith.constant 0 : i32
      %dma_wait3A_374 = tpu.memref_slice %arg9[%dma_wait3A_371, %dma_wait3A_372, %dma_wait3A_373] : memref<8x128x64xf32, #tpu.memory_space<vmem>> -> memref<1x128x64xf32, #tpu.memory_space<vmem>>
      %dma_wait3A_375 = tpu.memref_squeeze %dma_wait3A_374 : memref<1x128x64xf32, #tpu.memory_space<vmem>> -> memref<128x64xf32, #tpu.memory_space<vmem>>
      %dma_wait3A_376 = arith.constant 0 : i32
      %dma_wait3A_377 = tpu.memref_slice %arg8[%add3A_278, %dma_wait3A_376] : memref<80x128xi32, #tpu.memory_space<vmem>> -> memref<1x128xi32, #tpu.memory_space<vmem>>
      %dma_wait3A_378 = tpu.memref_squeeze %dma_wait3A_377 : memref<1x128xi32, #tpu.memory_space<vmem>> -> memref<128xi32, #tpu.memory_space<vmem>>
      %dma_wait3A_379 = arith.constant 0 : i32
      %dma_wait3A_380 = arith.constant 0 : i32
      %dma_wait3A_381 = tpu.memref_slice %arg10[%dma_wait3A_379, %dma_wait3A_380] : memref<10112x64xf32, #tpu.memory_space<vmem_shared>> -> memref<10112x64xf32, #tpu.memory_space<vmem_shared>>
      tpu.wait_indirect_dma semaphore(%arg12 : memref<!tpu.dma_semaphore, #tpu.memory_space<semaphore_mem>>) src(%dma_wait3A_375 : memref<128x64xf32, #tpu.memory_space<vmem>>) dst(%dma_wait3A_381 : memref<10112x64xf32, #tpu.memory_space<vmem_shared>>)
      %dma_wait3A_382 = arith.constant 6 : i32
      %dma_wait3A_383 = arith.constant 0 : i32
      %dma_wait3A_384 = arith.constant 0 : i32
      %dma_wait3A_385 = tpu.memref_slice %arg9[%dma_wait3A_382, %dma_wait3A_383, %dma_wait3A_384] : memref<8x128x64xf32, #tpu.memory_space<vmem>> -> memref<1x128x64xf32, #tpu.memory_space<vmem>>
      %dma_wait3A_386 = tpu.memref_squeeze %dma_wait3A_385 : memref<1x128x64xf32, #tpu.memory_space<vmem>> -> memref<128x64xf32, #tpu.memory_space<vmem>>
      %dma_wait3A_387 = arith.constant 0 : i32
      %dma_wait3A_388 = tpu.memref_slice %arg8[%add3A_291, %dma_wait3A_387] : memref<80x128xi32, #tpu.memory_space<vmem>> -> memref<1x128xi32, #tpu.memory_space<vmem>>
      %dma_wait3A_389 = tpu.memref_squeeze %dma_wait3A_388 : memref<1x128xi32, #tpu.memory_space<vmem>> -> memref<128xi32, #tpu.memory_space<vmem>>
      %dma_wait3A_390 = arith.constant 0 : i32
      %dma_wait3A_391 = arith.constant 0 : i32
      %dma_wait3A_392 = tpu.memref_slice %arg10[%dma_wait3A_390, %dma_wait3A_391] : memref<10112x64xf32, #tpu.memory_space<vmem_shared>> -> memref<10112x64xf32, #tpu.memory_space<vmem_shared>>
      tpu.wait_indirect_dma semaphore(%arg12 : memref<!tpu.dma_semaphore, #tpu.memory_space<semaphore_mem>>) src(%dma_wait3A_386 : memref<128x64xf32, #tpu.memory_space<vmem>>) dst(%dma_wait3A_392 : memref<10112x64xf32, #tpu.memory_space<vmem_shared>>)
      %dma_wait3A_393 = arith.constant 7 : i32
      %dma_wait3A_394 = arith.constant 0 : i32
      %dma_wait3A_395 = arith.constant 0 : i32
      %dma_wait3A_396 = tpu.memref_slice %arg9[%dma_wait3A_393, %dma_wait3A_394, %dma_wait3A_395] : memref<8x128x64xf32, #tpu.memory_space<vmem>> -> memref<1x128x64xf32, #tpu.memory_space<vmem>>
      %dma_wait3A_397 = tpu.memref_squeeze %dma_wait3A_396 : memref<1x128x64xf32, #tpu.memory_space<vmem>> -> memref<128x64xf32, #tpu.memory_space<vmem>>
      %dma_wait3A_398 = arith.constant 0 : i32
      %dma_wait3A_399 = tpu.memref_slice %arg8[%add3A_304, %dma_wait3A_398] : memref<80x128xi32, #tpu.memory_space<vmem>> -> memref<1x128xi32, #tpu.memory_space<vmem>>
      %dma_wait3A_400 = tpu.memref_squeeze %dma_wait3A_399 : memref<1x128xi32, #tpu.memory_space<vmem>> -> memref<128xi32, #tpu.memory_space<vmem>>
      %dma_wait3A_401 = arith.constant 0 : i32
      %dma_wait3A_402 = arith.constant 0 : i32
      %dma_wait3A_403 = tpu.memref_slice %arg10[%dma_wait3A_401, %dma_wait3A_402] : memref<10112x64xf32, #tpu.memory_space<vmem_shared>> -> memref<10112x64xf32, #tpu.memory_space<vmem_shared>>
      tpu.wait_indirect_dma semaphore(%arg12 : memref<!tpu.dma_semaphore, #tpu.memory_space<semaphore_mem>>) src(%dma_wait3A_397 : memref<128x64xf32, #tpu.memory_space<vmem>>) dst(%dma_wait3A_403 : memref<10112x64xf32, #tpu.memory_space<vmem_shared>>)
    }
    %scan3A_13 = arith.constant 10 : i32
    %barrier3A_14 = arith.constant 0 : index
    tpu.barrier barrier_id(%barrier3A_14)
    %mul3A_15 = arith.constant 632 : i32
    %mul3A_16 = arith.muli %arg1, %mul3A_15 : i32
    %mul3A_17 = arith.constant 632 : i32
    %mul3A_18 = arith.muli %arg1, %mul3A_17 : i32
    "tpu.region"() ({
      %run_scoped3A = tpu.sem_alloc : memref<!tpu.dma_semaphore, #tpu.memory_space<semaphore_mem>>
      %dma_start3A = arith.constant 0 : i32
      %dma_start3A_19 = tpu.memref_slice %arg6[%arg0, %mul3A_18, %dma_start3A] : memref<2x10112x64xf32, #tpu.memory_space<hbm>> -> memref<1x632x64xf32, #tpu.memory_space<hbm>>
      %dma_start3A_20 = tpu.memref_squeeze %dma_start3A_19 : memref<1x632x64xf32, #tpu.memory_space<hbm>> -> memref<632x64xf32, #tpu.memory_space<hbm>>
      %dma_start3A_21 = arith.constant 0 : i32
      %dma_start3A_22 = tpu.memref_slice %arg10[%mul3A_16, %dma_start3A_21] : memref<10112x64xf32, #tpu.memory_space<vmem_shared>> -> memref<632x64xf32, #tpu.memory_space<vmem_shared>>
      tpu.enqueue_dma source(%dma_start3A_22 : memref<632x64xf32, #tpu.memory_space<vmem_shared>>) target(%dma_start3A_20 : memref<632x64xf32, #tpu.memory_space<hbm>>) target_semaphore(%run_scoped3A : memref<!tpu.dma_semaphore, #tpu.memory_space<semaphore_mem>>)
      %dma_wait3A = arith.constant 0 : i32
      %dma_wait3A_23 = tpu.memref_slice %arg6[%arg0, %mul3A_18, %dma_wait3A] : memref<2x10112x64xf32, #tpu.memory_space<hbm>> -> memref<1x632x64xf32, #tpu.memory_space<hbm>>
      %dma_wait3A_24 = tpu.memref_squeeze %dma_wait3A_23 : memref<1x632x64xf32, #tpu.memory_space<hbm>> -> memref<632x64xf32, #tpu.memory_space<hbm>>
      %dma_wait3A_25 = arith.constant 0 : i32
      %dma_wait3A_26 = tpu.memref_slice %arg10[%mul3A_16, %dma_wait3A_25] : memref<10112x64xf32, #tpu.memory_space<vmem_shared>> -> memref<632x64xf32, #tpu.memory_space<vmem_shared>>
      tpu.wait_dma2 semaphore(%run_scoped3A : memref<!tpu.dma_semaphore, #tpu.memory_space<semaphore_mem>>) src(%dma_wait3A_26 : memref<632x64xf32, #tpu.memory_space<vmem_shared>>) dst(%dma_wait3A_24 : memref<632x64xf32, #tpu.memory_space<hbm>>)
      tpu.yield
    }) : () -> ()
    return
  }
}

#map = affine_map<(d0, d1) -> (0, 0)>
#map1 = affine_map<(d0, d1) -> (0, 0, 0)>
module attributes {stable_mosaic.version = 14 : i64} {
  func.func @_agg_body(%arg0: i32, %arg1: i32, %arg2: memref<10000x16xf32, #tpu.memory_space<hbm>>, %arg3: memref<2560x128xi32, #tpu.memory_space<hbm>>, %arg4: memref<2560x128xi32, #tpu.memory_space<hbm>>, %arg5: memref<10112x16xf32, #tpu.memory_space<hbm>>, %arg6: memref<2x10112x16xf32, #tpu.memory_space<hbm>>, %arg7: memref<80x128xi32, #tpu.memory_space<vmem>>, %arg8: memref<80x128xi32, #tpu.memory_space<vmem>>, %arg9: memref<8x128x16xf32, #tpu.memory_space<vmem>>, %arg10: memref<10112x16xf32, #tpu.memory_space<vmem_shared>>, %arg11: memref<!tpu.dma_semaphore, #tpu.memory_space<semaphore_mem>>, %arg12: memref<!tpu.dma_semaphore, #tpu.memory_space<semaphore_mem>>) attributes {dimension_semantics = [#tpu.dimension_semantics<core_parallel>, #tpu.dimension_semantics<subcore_parallel>], iteration_bounds = array<i64: 2, 16>, scalar_prefetch = 0 : i64, scratch_operands = 6 : i64, tpu.core_type = #tpu.core_type<sc_vector_subcore>, window_params = [{transform_indices = #map}, {transform_indices = #map}, {transform_indices = #map}, {transform_indices = #map}, {transform_indices = #map1}]} {
    %mul3A = arith.constant 2 : i32
    %mul3A_0 = arith.muli %arg1, %mul3A : i32
    %add3A = arith.addi %mul3A_0, %arg0 : i32
    %mul3A_1 = arith.constant 632 : i32
    %mul3A_2 = arith.muli %arg1, %mul3A_1 : i32
    %mul3A_3 = arith.constant 632 : i32
    %mul3A_4 = arith.muli %arg1, %mul3A_3 : i32
    "tpu.region"() ({
      %run_scoped3A = tpu.sem_alloc : memref<!tpu.dma_semaphore, #tpu.memory_space<semaphore_mem>>
      %dma_start3A = arith.constant 0 : i32
      %dma_start3A_19 = tpu.memref_slice %arg10[%mul3A_4, %dma_start3A] : memref<10112x16xf32, #tpu.memory_space<vmem_shared>> -> memref<632x16xf32, #tpu.memory_space<vmem_shared>>
      %dma_start3A_20 = arith.constant 0 : i32
      %dma_start3A_21 = tpu.memref_slice %arg5[%mul3A_2, %dma_start3A_20] : memref<10112x16xf32, #tpu.memory_space<hbm>> -> memref<632x16xf32, #tpu.memory_space<hbm>>
      tpu.enqueue_dma source(%dma_start3A_21 : memref<632x16xf32, #tpu.memory_space<hbm>>) target(%dma_start3A_19 : memref<632x16xf32, #tpu.memory_space<vmem_shared>>) target_semaphore(%run_scoped3A : memref<!tpu.dma_semaphore, #tpu.memory_space<semaphore_mem>>)
      %dma_wait3A = arith.constant 0 : i32
      %dma_wait3A_22 = tpu.memref_slice %arg10[%mul3A_4, %dma_wait3A] : memref<10112x16xf32, #tpu.memory_space<vmem_shared>> -> memref<632x16xf32, #tpu.memory_space<vmem_shared>>
      %dma_wait3A_23 = arith.constant 0 : i32
      %dma_wait3A_24 = tpu.memref_slice %arg5[%mul3A_2, %dma_wait3A_23] : memref<10112x16xf32, #tpu.memory_space<hbm>> -> memref<632x16xf32, #tpu.memory_space<hbm>>
      tpu.wait_dma2 semaphore(%run_scoped3A : memref<!tpu.dma_semaphore, #tpu.memory_space<semaphore_mem>>) src(%dma_wait3A_24 : memref<632x16xf32, #tpu.memory_space<hbm>>) dst(%dma_wait3A_22 : memref<632x16xf32, #tpu.memory_space<vmem_shared>>)
      tpu.yield
    }) : () -> ()
    %mul3A_5 = arith.constant 80 : i32
    %mul3A_6 = arith.muli %add3A, %mul3A_5 : i32
    "tpu.region"() ({
      %run_scoped3A = tpu.sem_alloc : memref<!tpu.dma_semaphore, #tpu.memory_space<semaphore_mem>>
      %dma_start3A = arith.constant 0 : i32
      %dma_start3A_19 = tpu.memref_slice %arg3[%mul3A_6, %dma_start3A] : memref<2560x128xi32, #tpu.memory_space<hbm>> -> memref<80x128xi32, #tpu.memory_space<hbm>>
      %dma_start3A_20 = arith.constant 0 : i32
      %dma_start3A_21 = tpu.memref_slice %arg3[%mul3A_6, %dma_start3A_20] : memref<2560x128xi32, #tpu.memory_space<hbm>> -> memref<80x128xi32, #tpu.memory_space<hbm>>
      tpu.enqueue_dma source(%dma_start3A_21 : memref<80x128xi32, #tpu.memory_space<hbm>>) target(%arg7 : memref<80x128xi32, #tpu.memory_space<vmem>>) target_semaphore(%run_scoped3A : memref<!tpu.dma_semaphore, #tpu.memory_space<semaphore_mem>>)
      %dma_wait3A = arith.constant 0 : i32
      %dma_wait3A_22 = tpu.memref_slice %arg3[%mul3A_6, %dma_wait3A] : memref<2560x128xi32, #tpu.memory_space<hbm>> -> memref<80x128xi32, #tpu.memory_space<hbm>>
      %dma_wait3A_23 = arith.constant 0 : i32
      %dma_wait3A_24 = tpu.memref_slice %arg3[%mul3A_6, %dma_wait3A_23] : memref<2560x128xi32, #tpu.memory_space<hbm>> -> memref<80x128xi32, #tpu.memory_space<hbm>>
      tpu.wait_dma2 semaphore(%run_scoped3A : memref<!tpu.dma_semaphore, #tpu.memory_space<semaphore_mem>>) src(%dma_wait3A_24 : memref<80x128xi32, #tpu.memory_space<hbm>>) dst(%arg7 : memref<80x128xi32, #tpu.memory_space<vmem>>)
      tpu.yield
    }) : () -> ()
    %mul3A_7 = arith.constant 80 : i32
    %mul3A_8 = arith.muli %add3A, %mul3A_7 : i32
    "tpu.region"() ({
      %run_scoped3A = tpu.sem_alloc : memref<!tpu.dma_semaphore, #tpu.memory_space<semaphore_mem>>
      %dma_start3A = arith.constant 0 : i32
      %dma_start3A_19 = tpu.memref_slice %arg4[%mul3A_8, %dma_start3A] : memref<2560x128xi32, #tpu.memory_space<hbm>> -> memref<80x128xi32, #tpu.memory_space<hbm>>
      %dma_start3A_20 = arith.constant 0 : i32
      %dma_start3A_21 = tpu.memref_slice %arg4[%mul3A_8, %dma_start3A_20] : memref<2560x128xi32, #tpu.memory_space<hbm>> -> memref<80x128xi32, #tpu.memory_space<hbm>>
      tpu.enqueue_dma source(%dma_start3A_21 : memref<80x128xi32, #tpu.memory_space<hbm>>) target(%arg8 : memref<80x128xi32, #tpu.memory_space<vmem>>) target_semaphore(%run_scoped3A : memref<!tpu.dma_semaphore, #tpu.memory_space<semaphore_mem>>)
      %dma_wait3A = arith.constant 0 : i32
      %dma_wait3A_22 = tpu.memref_slice %arg4[%mul3A_8, %dma_wait3A] : memref<2560x128xi32, #tpu.memory_space<hbm>> -> memref<80x128xi32, #tpu.memory_space<hbm>>
      %dma_wait3A_23 = arith.constant 0 : i32
      %dma_wait3A_24 = tpu.memref_slice %arg4[%mul3A_8, %dma_wait3A_23] : memref<2560x128xi32, #tpu.memory_space<hbm>> -> memref<80x128xi32, #tpu.memory_space<hbm>>
      tpu.wait_dma2 semaphore(%run_scoped3A : memref<!tpu.dma_semaphore, #tpu.memory_space<semaphore_mem>>) src(%dma_wait3A_24 : memref<80x128xi32, #tpu.memory_space<hbm>>) dst(%arg8 : memref<80x128xi32, #tpu.memory_space<vmem>>)
      tpu.yield
    }) : () -> ()
    %barrier3A = arith.constant 0 : index
    tpu.barrier barrier_id(%barrier3A)
    %scan3A = arith.constant 0 : i32
    %scan3A_9 = arith.constant 0 : i32
    %scan3A_10 = arith.constant 10 : i32
    %scan3A_11 = arith.addi %scan3A_9, %scan3A_10 : i32
    %scan3A_12 = arith.constant 1 : i32
    scf.for %scan3A_19 = %scan3A_9 to %scan3A_11 step %scan3A_12  : i32 {
      %mul3A_20 = arith.constant 8 : i32
      %mul3A_21 = arith.muli %scan3A_19, %mul3A_20 : i32
      %add3A_22 = arith.constant 0 : i32
      %add3A_23 = arith.addi %mul3A_21, %add3A_22 : i32
      %dma_start3A = arith.constant 0 : i32
      %dma_start3A_24 = arith.constant 0 : i32
      %dma_start3A_25 = arith.constant 0 : i32
      %dma_start3A_26 = tpu.memref_slice %arg9[%dma_start3A, %dma_start3A_24, %dma_start3A_25] : memref<8x128x16xf32, #tpu.memory_space<vmem>> -> memref<1x128x16xf32, #tpu.memory_space<vmem>>
      %dma_start3A_27 = tpu.memref_squeeze %dma_start3A_26 : memref<1x128x16xf32, #tpu.memory_space<vmem>> -> memref<128x16xf32, #tpu.memory_space<vmem>>
      %dma_start3A_28 = arith.constant 0 : i32
      %dma_start3A_29 = tpu.memref_slice %arg7[%add3A_23, %dma_start3A_28] : memref<80x128xi32, #tpu.memory_space<vmem>> -> memref<1x128xi32, #tpu.memory_space<vmem>>
      %dma_start3A_30 = tpu.memref_squeeze %dma_start3A_29 : memref<1x128xi32, #tpu.memory_space<vmem>> -> memref<128xi32, #tpu.memory_space<vmem>>
      %dma_start3A_31 = arith.constant 0 : i32
      %dma_start3A_32 = arith.constant 0 : i32
      %dma_start3A_33 = tpu.memref_slice %arg2[%dma_start3A_31, %dma_start3A_32] : memref<10000x16xf32, #tpu.memory_space<hbm>> -> memref<10000x16xf32, #tpu.memory_space<hbm>>
      tpu.enqueue_indirect_dma source(%dma_start3A_33 : memref<10000x16xf32, #tpu.memory_space<hbm>>) target(%dma_start3A_27 : memref<128x16xf32, #tpu.memory_space<vmem>>) offsets(%dma_start3A_30 : memref<128xi32, #tpu.memory_space<vmem>>) semaphore(%arg11 : memref<!tpu.dma_semaphore, #tpu.memory_space<semaphore_mem>>)
      %add3A_34 = arith.constant 1 : i32
      %add3A_35 = arith.addi %mul3A_21, %add3A_34 : i32
      %dma_start3A_36 = arith.constant 1 : i32
      %dma_start3A_37 = arith.constant 0 : i32
      %dma_start3A_38 = arith.constant 0 : i32
      %dma_start3A_39 = tpu.memref_slice %arg9[%dma_start3A_36, %dma_start3A_37, %dma_start3A_38] : memref<8x128x16xf32, #tpu.memory_space<vmem>> -> memref<1x128x16xf32, #tpu.memory_space<vmem>>
      %dma_start3A_40 = tpu.memref_squeeze %dma_start3A_39 : memref<1x128x16xf32, #tpu.memory_space<vmem>> -> memref<128x16xf32, #tpu.memory_space<vmem>>
      %dma_start3A_41 = arith.constant 0 : i32
      %dma_start3A_42 = tpu.memref_slice %arg7[%add3A_35, %dma_start3A_41] : memref<80x128xi32, #tpu.memory_space<vmem>> -> memref<1x128xi32, #tpu.memory_space<vmem>>
      %dma_start3A_43 = tpu.memref_squeeze %dma_start3A_42 : memref<1x128xi32, #tpu.memory_space<vmem>> -> memref<128xi32, #tpu.memory_space<vmem>>
      %dma_start3A_44 = arith.constant 0 : i32
      %dma_start3A_45 = arith.constant 0 : i32
      %dma_start3A_46 = tpu.memref_slice %arg2[%dma_start3A_44, %dma_start3A_45] : memref<10000x16xf32, #tpu.memory_space<hbm>> -> memref<10000x16xf32, #tpu.memory_space<hbm>>
      tpu.enqueue_indirect_dma source(%dma_start3A_46 : memref<10000x16xf32, #tpu.memory_space<hbm>>) target(%dma_start3A_40 : memref<128x16xf32, #tpu.memory_space<vmem>>) offsets(%dma_start3A_43 : memref<128xi32, #tpu.memory_space<vmem>>) semaphore(%arg11 : memref<!tpu.dma_semaphore, #tpu.memory_space<semaphore_mem>>)
      %add3A_47 = arith.constant 2 : i32
      %add3A_48 = arith.addi %mul3A_21, %add3A_47 : i32
      %dma_start3A_49 = arith.constant 2 : i32
      %dma_start3A_50 = arith.constant 0 : i32
      %dma_start3A_51 = arith.constant 0 : i32
      %dma_start3A_52 = tpu.memref_slice %arg9[%dma_start3A_49, %dma_start3A_50, %dma_start3A_51] : memref<8x128x16xf32, #tpu.memory_space<vmem>> -> memref<1x128x16xf32, #tpu.memory_space<vmem>>
      %dma_start3A_53 = tpu.memref_squeeze %dma_start3A_52 : memref<1x128x16xf32, #tpu.memory_space<vmem>> -> memref<128x16xf32, #tpu.memory_space<vmem>>
      %dma_start3A_54 = arith.constant 0 : i32
      %dma_start3A_55 = tpu.memref_slice %arg7[%add3A_48, %dma_start3A_54] : memref<80x128xi32, #tpu.memory_space<vmem>> -> memref<1x128xi32, #tpu.memory_space<vmem>>
      %dma_start3A_56 = tpu.memref_squeeze %dma_start3A_55 : memref<1x128xi32, #tpu.memory_space<vmem>> -> memref<128xi32, #tpu.memory_space<vmem>>
      %dma_start3A_57 = arith.constant 0 : i32
      %dma_start3A_58 = arith.constant 0 : i32
      %dma_start3A_59 = tpu.memref_slice %arg2[%dma_start3A_57, %dma_start3A_58] : memref<10000x16xf32, #tpu.memory_space<hbm>> -> memref<10000x16xf32, #tpu.memory_space<hbm>>
      tpu.enqueue_indirect_dma source(%dma_start3A_59 : memref<10000x16xf32, #tpu.memory_space<hbm>>) target(%dma_start3A_53 : memref<128x16xf32, #tpu.memory_space<vmem>>) offsets(%dma_start3A_56 : memref<128xi32, #tpu.memory_space<vmem>>) semaphore(%arg11 : memref<!tpu.dma_semaphore, #tpu.memory_space<semaphore_mem>>)
      %add3A_60 = arith.constant 3 : i32
      %add3A_61 = arith.addi %mul3A_21, %add3A_60 : i32
      %dma_start3A_62 = arith.constant 3 : i32
      %dma_start3A_63 = arith.constant 0 : i32
      %dma_start3A_64 = arith.constant 0 : i32
      %dma_start3A_65 = tpu.memref_slice %arg9[%dma_start3A_62, %dma_start3A_63, %dma_start3A_64] : memref<8x128x16xf32, #tpu.memory_space<vmem>> -> memref<1x128x16xf32, #tpu.memory_space<vmem>>
      %dma_start3A_66 = tpu.memref_squeeze %dma_start3A_65 : memref<1x128x16xf32, #tpu.memory_space<vmem>> -> memref<128x16xf32, #tpu.memory_space<vmem>>
      %dma_start3A_67 = arith.constant 0 : i32
      %dma_start3A_68 = tpu.memref_slice %arg7[%add3A_61, %dma_start3A_67] : memref<80x128xi32, #tpu.memory_space<vmem>> -> memref<1x128xi32, #tpu.memory_space<vmem>>
      %dma_start3A_69 = tpu.memref_squeeze %dma_start3A_68 : memref<1x128xi32, #tpu.memory_space<vmem>> -> memref<128xi32, #tpu.memory_space<vmem>>
      %dma_start3A_70 = arith.constant 0 : i32
      %dma_start3A_71 = arith.constant 0 : i32
      %dma_start3A_72 = tpu.memref_slice %arg2[%dma_start3A_70, %dma_start3A_71] : memref<10000x16xf32, #tpu.memory_space<hbm>> -> memref<10000x16xf32, #tpu.memory_space<hbm>>
      tpu.enqueue_indirect_dma source(%dma_start3A_72 : memref<10000x16xf32, #tpu.memory_space<hbm>>) target(%dma_start3A_66 : memref<128x16xf32, #tpu.memory_space<vmem>>) offsets(%dma_start3A_69 : memref<128xi32, #tpu.memory_space<vmem>>) semaphore(%arg11 : memref<!tpu.dma_semaphore, #tpu.memory_space<semaphore_mem>>)
      %add3A_73 = arith.constant 4 : i32
      %add3A_74 = arith.addi %mul3A_21, %add3A_73 : i32
      %dma_start3A_75 = arith.constant 4 : i32
      %dma_start3A_76 = arith.constant 0 : i32
      %dma_start3A_77 = arith.constant 0 : i32
      %dma_start3A_78 = tpu.memref_slice %arg9[%dma_start3A_75, %dma_start3A_76, %dma_start3A_77] : memref<8x128x16xf32, #tpu.memory_space<vmem>> -> memref<1x128x16xf32, #tpu.memory_space<vmem>>
      %dma_start3A_79 = tpu.memref_squeeze %dma_start3A_78 : memref<1x128x16xf32, #tpu.memory_space<vmem>> -> memref<128x16xf32, #tpu.memory_space<vmem>>
      %dma_start3A_80 = arith.constant 0 : i32
      %dma_start3A_81 = tpu.memref_slice %arg7[%add3A_74, %dma_start3A_80] : memref<80x128xi32, #tpu.memory_space<vmem>> -> memref<1x128xi32, #tpu.memory_space<vmem>>
      %dma_start3A_82 = tpu.memref_squeeze %dma_start3A_81 : memref<1x128xi32, #tpu.memory_space<vmem>> -> memref<128xi32, #tpu.memory_space<vmem>>
      %dma_start3A_83 = arith.constant 0 : i32
      %dma_start3A_84 = arith.constant 0 : i32
      %dma_start3A_85 = tpu.memref_slice %arg2[%dma_start3A_83, %dma_start3A_84] : memref<10000x16xf32, #tpu.memory_space<hbm>> -> memref<10000x16xf32, #tpu.memory_space<hbm>>
      tpu.enqueue_indirect_dma source(%dma_start3A_85 : memref<10000x16xf32, #tpu.memory_space<hbm>>) target(%dma_start3A_79 : memref<128x16xf32, #tpu.memory_space<vmem>>) offsets(%dma_start3A_82 : memref<128xi32, #tpu.memory_space<vmem>>) semaphore(%arg11 : memref<!tpu.dma_semaphore, #tpu.memory_space<semaphore_mem>>)
      %add3A_86 = arith.constant 5 : i32
      %add3A_87 = arith.addi %mul3A_21, %add3A_86 : i32
      %dma_start3A_88 = arith.constant 5 : i32
      %dma_start3A_89 = arith.constant 0 : i32
      %dma_start3A_90 = arith.constant 0 : i32
      %dma_start3A_91 = tpu.memref_slice %arg9[%dma_start3A_88, %dma_start3A_89, %dma_start3A_90] : memref<8x128x16xf32, #tpu.memory_space<vmem>> -> memref<1x128x16xf32, #tpu.memory_space<vmem>>
      %dma_start3A_92 = tpu.memref_squeeze %dma_start3A_91 : memref<1x128x16xf32, #tpu.memory_space<vmem>> -> memref<128x16xf32, #tpu.memory_space<vmem>>
      %dma_start3A_93 = arith.constant 0 : i32
      %dma_start3A_94 = tpu.memref_slice %arg7[%add3A_87, %dma_start3A_93] : memref<80x128xi32, #tpu.memory_space<vmem>> -> memref<1x128xi32, #tpu.memory_space<vmem>>
      %dma_start3A_95 = tpu.memref_squeeze %dma_start3A_94 : memref<1x128xi32, #tpu.memory_space<vmem>> -> memref<128xi32, #tpu.memory_space<vmem>>
      %dma_start3A_96 = arith.constant 0 : i32
      %dma_start3A_97 = arith.constant 0 : i32
      %dma_start3A_98 = tpu.memref_slice %arg2[%dma_start3A_96, %dma_start3A_97] : memref<10000x16xf32, #tpu.memory_space<hbm>> -> memref<10000x16xf32, #tpu.memory_space<hbm>>
      tpu.enqueue_indirect_dma source(%dma_start3A_98 : memref<10000x16xf32, #tpu.memory_space<hbm>>) target(%dma_start3A_92 : memref<128x16xf32, #tpu.memory_space<vmem>>) offsets(%dma_start3A_95 : memref<128xi32, #tpu.memory_space<vmem>>) semaphore(%arg11 : memref<!tpu.dma_semaphore, #tpu.memory_space<semaphore_mem>>)
      %add3A_99 = arith.constant 6 : i32
      %add3A_100 = arith.addi %mul3A_21, %add3A_99 : i32
      %dma_start3A_101 = arith.constant 6 : i32
      %dma_start3A_102 = arith.constant 0 : i32
      %dma_start3A_103 = arith.constant 0 : i32
      %dma_start3A_104 = tpu.memref_slice %arg9[%dma_start3A_101, %dma_start3A_102, %dma_start3A_103] : memref<8x128x16xf32, #tpu.memory_space<vmem>> -> memref<1x128x16xf32, #tpu.memory_space<vmem>>
      %dma_start3A_105 = tpu.memref_squeeze %dma_start3A_104 : memref<1x128x16xf32, #tpu.memory_space<vmem>> -> memref<128x16xf32, #tpu.memory_space<vmem>>
      %dma_start3A_106 = arith.constant 0 : i32
      %dma_start3A_107 = tpu.memref_slice %arg7[%add3A_100, %dma_start3A_106] : memref<80x128xi32, #tpu.memory_space<vmem>> -> memref<1x128xi32, #tpu.memory_space<vmem>>
      %dma_start3A_108 = tpu.memref_squeeze %dma_start3A_107 : memref<1x128xi32, #tpu.memory_space<vmem>> -> memref<128xi32, #tpu.memory_space<vmem>>
      %dma_start3A_109 = arith.constant 0 : i32
      %dma_start3A_110 = arith.constant 0 : i32
      %dma_start3A_111 = tpu.memref_slice %arg2[%dma_start3A_109, %dma_start3A_110] : memref<10000x16xf32, #tpu.memory_space<hbm>> -> memref<10000x16xf32, #tpu.memory_space<hbm>>
      tpu.enqueue_indirect_dma source(%dma_start3A_111 : memref<10000x16xf32, #tpu.memory_space<hbm>>) target(%dma_start3A_105 : memref<128x16xf32, #tpu.memory_space<vmem>>) offsets(%dma_start3A_108 : memref<128xi32, #tpu.memory_space<vmem>>) semaphore(%arg11 : memref<!tpu.dma_semaphore, #tpu.memory_space<semaphore_mem>>)
      %add3A_112 = arith.constant 7 : i32
      %add3A_113 = arith.addi %mul3A_21, %add3A_112 : i32
      %dma_start3A_114 = arith.constant 7 : i32
      %dma_start3A_115 = arith.constant 0 : i32
      %dma_start3A_116 = arith.constant 0 : i32
      %dma_start3A_117 = tpu.memref_slice %arg9[%dma_start3A_114, %dma_start3A_115, %dma_start3A_116] : memref<8x128x16xf32, #tpu.memory_space<vmem>> -> memref<1x128x16xf32, #tpu.memory_space<vmem>>
      %dma_start3A_118 = tpu.memref_squeeze %dma_start3A_117 : memref<1x128x16xf32, #tpu.memory_space<vmem>> -> memref<128x16xf32, #tpu.memory_space<vmem>>
      %dma_start3A_119 = arith.constant 0 : i32
      %dma_start3A_120 = tpu.memref_slice %arg7[%add3A_113, %dma_start3A_119] : memref<80x128xi32, #tpu.memory_space<vmem>> -> memref<1x128xi32, #tpu.memory_space<vmem>>
      %dma_start3A_121 = tpu.memref_squeeze %dma_start3A_120 : memref<1x128xi32, #tpu.memory_space<vmem>> -> memref<128xi32, #tpu.memory_space<vmem>>
      %dma_start3A_122 = arith.constant 0 : i32
      %dma_start3A_123 = arith.constant 0 : i32
      %dma_start3A_124 = tpu.memref_slice %arg2[%dma_start3A_122, %dma_start3A_123] : memref<10000x16xf32, #tpu.memory_space<hbm>> -> memref<10000x16xf32, #tpu.memory_space<hbm>>
      tpu.enqueue_indirect_dma source(%dma_start3A_124 : memref<10000x16xf32, #tpu.memory_space<hbm>>) target(%dma_start3A_118 : memref<128x16xf32, #tpu.memory_space<vmem>>) offsets(%dma_start3A_121 : memref<128xi32, #tpu.memory_space<vmem>>) semaphore(%arg11 : memref<!tpu.dma_semaphore, #tpu.memory_space<semaphore_mem>>)
      %dma_wait3A = arith.constant 0 : i32
      %dma_wait3A_125 = arith.constant 0 : i32
      %dma_wait3A_126 = arith.constant 0 : i32
      %dma_wait3A_127 = tpu.memref_slice %arg9[%dma_wait3A, %dma_wait3A_125, %dma_wait3A_126] : memref<8x128x16xf32, #tpu.memory_space<vmem>> -> memref<1x128x16xf32, #tpu.memory_space<vmem>>
      %dma_wait3A_128 = tpu.memref_squeeze %dma_wait3A_127 : memref<1x128x16xf32, #tpu.memory_space<vmem>> -> memref<128x16xf32, #tpu.memory_space<vmem>>
      %dma_wait3A_129 = arith.constant 0 : i32
      %dma_wait3A_130 = tpu.memref_slice %arg7[%add3A_23, %dma_wait3A_129] : memref<80x128xi32, #tpu.memory_space<vmem>> -> memref<1x128xi32, #tpu.memory_space<vmem>>
      %dma_wait3A_131 = tpu.memref_squeeze %dma_wait3A_130 : memref<1x128xi32, #tpu.memory_space<vmem>> -> memref<128xi32, #tpu.memory_space<vmem>>
      %dma_wait3A_132 = arith.constant 0 : i32
      %dma_wait3A_133 = arith.constant 0 : i32
      %dma_wait3A_134 = tpu.memref_slice %arg2[%dma_wait3A_132, %dma_wait3A_133] : memref<10000x16xf32, #tpu.memory_space<hbm>> -> memref<10000x16xf32, #tpu.memory_space<hbm>>
      tpu.wait_indirect_dma semaphore(%arg11 : memref<!tpu.dma_semaphore, #tpu.memory_space<semaphore_mem>>) src(%dma_wait3A_134 : memref<10000x16xf32, #tpu.memory_space<hbm>>) dst(%dma_wait3A_128 : memref<128x16xf32, #tpu.memory_space<vmem>>)
      %dma_wait3A_135 = arith.constant 1 : i32
      %dma_wait3A_136 = arith.constant 0 : i32
      %dma_wait3A_137 = arith.constant 0 : i32
      %dma_wait3A_138 = tpu.memref_slice %arg9[%dma_wait3A_135, %dma_wait3A_136, %dma_wait3A_137] : memref<8x128x16xf32, #tpu.memory_space<vmem>> -> memref<1x128x16xf32, #tpu.memory_space<vmem>>
      %dma_wait3A_139 = tpu.memref_squeeze %dma_wait3A_138 : memref<1x128x16xf32, #tpu.memory_space<vmem>> -> memref<128x16xf32, #tpu.memory_space<vmem>>
      %dma_wait3A_140 = arith.constant 0 : i32
      %dma_wait3A_141 = tpu.memref_slice %arg7[%add3A_35, %dma_wait3A_140] : memref<80x128xi32, #tpu.memory_space<vmem>> -> memref<1x128xi32, #tpu.memory_space<vmem>>
      %dma_wait3A_142 = tpu.memref_squeeze %dma_wait3A_141 : memref<1x128xi32, #tpu.memory_space<vmem>> -> memref<128xi32, #tpu.memory_space<vmem>>
      %dma_wait3A_143 = arith.constant 0 : i32
      %dma_wait3A_144 = arith.constant 0 : i32
      %dma_wait3A_145 = tpu.memref_slice %arg2[%dma_wait3A_143, %dma_wait3A_144] : memref<10000x16xf32, #tpu.memory_space<hbm>> -> memref<10000x16xf32, #tpu.memory_space<hbm>>
      tpu.wait_indirect_dma semaphore(%arg11 : memref<!tpu.dma_semaphore, #tpu.memory_space<semaphore_mem>>) src(%dma_wait3A_145 : memref<10000x16xf32, #tpu.memory_space<hbm>>) dst(%dma_wait3A_139 : memref<128x16xf32, #tpu.memory_space<vmem>>)
      %dma_wait3A_146 = arith.constant 2 : i32
      %dma_wait3A_147 = arith.constant 0 : i32
      %dma_wait3A_148 = arith.constant 0 : i32
      %dma_wait3A_149 = tpu.memref_slice %arg9[%dma_wait3A_146, %dma_wait3A_147, %dma_wait3A_148] : memref<8x128x16xf32, #tpu.memory_space<vmem>> -> memref<1x128x16xf32, #tpu.memory_space<vmem>>
      %dma_wait3A_150 = tpu.memref_squeeze %dma_wait3A_149 : memref<1x128x16xf32, #tpu.memory_space<vmem>> -> memref<128x16xf32, #tpu.memory_space<vmem>>
      %dma_wait3A_151 = arith.constant 0 : i32
      %dma_wait3A_152 = tpu.memref_slice %arg7[%add3A_48, %dma_wait3A_151] : memref<80x128xi32, #tpu.memory_space<vmem>> -> memref<1x128xi32, #tpu.memory_space<vmem>>
      %dma_wait3A_153 = tpu.memref_squeeze %dma_wait3A_152 : memref<1x128xi32, #tpu.memory_space<vmem>> -> memref<128xi32, #tpu.memory_space<vmem>>
      %dma_wait3A_154 = arith.constant 0 : i32
      %dma_wait3A_155 = arith.constant 0 : i32
      %dma_wait3A_156 = tpu.memref_slice %arg2[%dma_wait3A_154, %dma_wait3A_155] : memref<10000x16xf32, #tpu.memory_space<hbm>> -> memref<10000x16xf32, #tpu.memory_space<hbm>>
      tpu.wait_indirect_dma semaphore(%arg11 : memref<!tpu.dma_semaphore, #tpu.memory_space<semaphore_mem>>) src(%dma_wait3A_156 : memref<10000x16xf32, #tpu.memory_space<hbm>>) dst(%dma_wait3A_150 : memref<128x16xf32, #tpu.memory_space<vmem>>)
      %dma_wait3A_157 = arith.constant 3 : i32
      %dma_wait3A_158 = arith.constant 0 : i32
      %dma_wait3A_159 = arith.constant 0 : i32
      %dma_wait3A_160 = tpu.memref_slice %arg9[%dma_wait3A_157, %dma_wait3A_158, %dma_wait3A_159] : memref<8x128x16xf32, #tpu.memory_space<vmem>> -> memref<1x128x16xf32, #tpu.memory_space<vmem>>
      %dma_wait3A_161 = tpu.memref_squeeze %dma_wait3A_160 : memref<1x128x16xf32, #tpu.memory_space<vmem>> -> memref<128x16xf32, #tpu.memory_space<vmem>>
      %dma_wait3A_162 = arith.constant 0 : i32
      %dma_wait3A_163 = tpu.memref_slice %arg7[%add3A_61, %dma_wait3A_162] : memref<80x128xi32, #tpu.memory_space<vmem>> -> memref<1x128xi32, #tpu.memory_space<vmem>>
      %dma_wait3A_164 = tpu.memref_squeeze %dma_wait3A_163 : memref<1x128xi32, #tpu.memory_space<vmem>> -> memref<128xi32, #tpu.memory_space<vmem>>
      %dma_wait3A_165 = arith.constant 0 : i32
      %dma_wait3A_166 = arith.constant 0 : i32
      %dma_wait3A_167 = tpu.memref_slice %arg2[%dma_wait3A_165, %dma_wait3A_166] : memref<10000x16xf32, #tpu.memory_space<hbm>> -> memref<10000x16xf32, #tpu.memory_space<hbm>>
      tpu.wait_indirect_dma semaphore(%arg11 : memref<!tpu.dma_semaphore, #tpu.memory_space<semaphore_mem>>) src(%dma_wait3A_167 : memref<10000x16xf32, #tpu.memory_space<hbm>>) dst(%dma_wait3A_161 : memref<128x16xf32, #tpu.memory_space<vmem>>)
      %dma_wait3A_168 = arith.constant 4 : i32
      %dma_wait3A_169 = arith.constant 0 : i32
      %dma_wait3A_170 = arith.constant 0 : i32
      %dma_wait3A_171 = tpu.memref_slice %arg9[%dma_wait3A_168, %dma_wait3A_169, %dma_wait3A_170] : memref<8x128x16xf32, #tpu.memory_space<vmem>> -> memref<1x128x16xf32, #tpu.memory_space<vmem>>
      %dma_wait3A_172 = tpu.memref_squeeze %dma_wait3A_171 : memref<1x128x16xf32, #tpu.memory_space<vmem>> -> memref<128x16xf32, #tpu.memory_space<vmem>>
      %dma_wait3A_173 = arith.constant 0 : i32
      %dma_wait3A_174 = tpu.memref_slice %arg7[%add3A_74, %dma_wait3A_173] : memref<80x128xi32, #tpu.memory_space<vmem>> -> memref<1x128xi32, #tpu.memory_space<vmem>>
      %dma_wait3A_175 = tpu.memref_squeeze %dma_wait3A_174 : memref<1x128xi32, #tpu.memory_space<vmem>> -> memref<128xi32, #tpu.memory_space<vmem>>
      %dma_wait3A_176 = arith.constant 0 : i32
      %dma_wait3A_177 = arith.constant 0 : i32
      %dma_wait3A_178 = tpu.memref_slice %arg2[%dma_wait3A_176, %dma_wait3A_177] : memref<10000x16xf32, #tpu.memory_space<hbm>> -> memref<10000x16xf32, #tpu.memory_space<hbm>>
      tpu.wait_indirect_dma semaphore(%arg11 : memref<!tpu.dma_semaphore, #tpu.memory_space<semaphore_mem>>) src(%dma_wait3A_178 : memref<10000x16xf32, #tpu.memory_space<hbm>>) dst(%dma_wait3A_172 : memref<128x16xf32, #tpu.memory_space<vmem>>)
      %dma_wait3A_179 = arith.constant 5 : i32
      %dma_wait3A_180 = arith.constant 0 : i32
      %dma_wait3A_181 = arith.constant 0 : i32
      %dma_wait3A_182 = tpu.memref_slice %arg9[%dma_wait3A_179, %dma_wait3A_180, %dma_wait3A_181] : memref<8x128x16xf32, #tpu.memory_space<vmem>> -> memref<1x128x16xf32, #tpu.memory_space<vmem>>
      %dma_wait3A_183 = tpu.memref_squeeze %dma_wait3A_182 : memref<1x128x16xf32, #tpu.memory_space<vmem>> -> memref<128x16xf32, #tpu.memory_space<vmem>>
      %dma_wait3A_184 = arith.constant 0 : i32
      %dma_wait3A_185 = tpu.memref_slice %arg7[%add3A_87, %dma_wait3A_184] : memref<80x128xi32, #tpu.memory_space<vmem>> -> memref<1x128xi32, #tpu.memory_space<vmem>>
      %dma_wait3A_186 = tpu.memref_squeeze %dma_wait3A_185 : memref<1x128xi32, #tpu.memory_space<vmem>> -> memref<128xi32, #tpu.memory_space<vmem>>
      %dma_wait3A_187 = arith.constant 0 : i32
      %dma_wait3A_188 = arith.constant 0 : i32
      %dma_wait3A_189 = tpu.memref_slice %arg2[%dma_wait3A_187, %dma_wait3A_188] : memref<10000x16xf32, #tpu.memory_space<hbm>> -> memref<10000x16xf32, #tpu.memory_space<hbm>>
      tpu.wait_indirect_dma semaphore(%arg11 : memref<!tpu.dma_semaphore, #tpu.memory_space<semaphore_mem>>) src(%dma_wait3A_189 : memref<10000x16xf32, #tpu.memory_space<hbm>>) dst(%dma_wait3A_183 : memref<128x16xf32, #tpu.memory_space<vmem>>)
      %dma_wait3A_190 = arith.constant 6 : i32
      %dma_wait3A_191 = arith.constant 0 : i32
      %dma_wait3A_192 = arith.constant 0 : i32
      %dma_wait3A_193 = tpu.memref_slice %arg9[%dma_wait3A_190, %dma_wait3A_191, %dma_wait3A_192] : memref<8x128x16xf32, #tpu.memory_space<vmem>> -> memref<1x128x16xf32, #tpu.memory_space<vmem>>
      %dma_wait3A_194 = tpu.memref_squeeze %dma_wait3A_193 : memref<1x128x16xf32, #tpu.memory_space<vmem>> -> memref<128x16xf32, #tpu.memory_space<vmem>>
      %dma_wait3A_195 = arith.constant 0 : i32
      %dma_wait3A_196 = tpu.memref_slice %arg7[%add3A_100, %dma_wait3A_195] : memref<80x128xi32, #tpu.memory_space<vmem>> -> memref<1x128xi32, #tpu.memory_space<vmem>>
      %dma_wait3A_197 = tpu.memref_squeeze %dma_wait3A_196 : memref<1x128xi32, #tpu.memory_space<vmem>> -> memref<128xi32, #tpu.memory_space<vmem>>
      %dma_wait3A_198 = arith.constant 0 : i32
      %dma_wait3A_199 = arith.constant 0 : i32
      %dma_wait3A_200 = tpu.memref_slice %arg2[%dma_wait3A_198, %dma_wait3A_199] : memref<10000x16xf32, #tpu.memory_space<hbm>> -> memref<10000x16xf32, #tpu.memory_space<hbm>>
      tpu.wait_indirect_dma semaphore(%arg11 : memref<!tpu.dma_semaphore, #tpu.memory_space<semaphore_mem>>) src(%dma_wait3A_200 : memref<10000x16xf32, #tpu.memory_space<hbm>>) dst(%dma_wait3A_194 : memref<128x16xf32, #tpu.memory_space<vmem>>)
      %dma_wait3A_201 = arith.constant 7 : i32
      %dma_wait3A_202 = arith.constant 0 : i32
      %dma_wait3A_203 = arith.constant 0 : i32
      %dma_wait3A_204 = tpu.memref_slice %arg9[%dma_wait3A_201, %dma_wait3A_202, %dma_wait3A_203] : memref<8x128x16xf32, #tpu.memory_space<vmem>> -> memref<1x128x16xf32, #tpu.memory_space<vmem>>
      %dma_wait3A_205 = tpu.memref_squeeze %dma_wait3A_204 : memref<1x128x16xf32, #tpu.memory_space<vmem>> -> memref<128x16xf32, #tpu.memory_space<vmem>>
      %dma_wait3A_206 = arith.constant 0 : i32
      %dma_wait3A_207 = tpu.memref_slice %arg7[%add3A_113, %dma_wait3A_206] : memref<80x128xi32, #tpu.memory_space<vmem>> -> memref<1x128xi32, #tpu.memory_space<vmem>>
      %dma_wait3A_208 = tpu.memref_squeeze %dma_wait3A_207 : memref<1x128xi32, #tpu.memory_space<vmem>> -> memref<128xi32, #tpu.memory_space<vmem>>
      %dma_wait3A_209 = arith.constant 0 : i32
      %dma_wait3A_210 = arith.constant 0 : i32
      %dma_wait3A_211 = tpu.memref_slice %arg2[%dma_wait3A_209, %dma_wait3A_210] : memref<10000x16xf32, #tpu.memory_space<hbm>> -> memref<10000x16xf32, #tpu.memory_space<hbm>>
      tpu.wait_indirect_dma semaphore(%arg11 : memref<!tpu.dma_semaphore, #tpu.memory_space<semaphore_mem>>) src(%dma_wait3A_211 : memref<10000x16xf32, #tpu.memory_space<hbm>>) dst(%dma_wait3A_205 : memref<128x16xf32, #tpu.memory_space<vmem>>)
      %add3A_212 = arith.constant 0 : i32
      %add3A_213 = arith.addi %mul3A_21, %add3A_212 : i32
      %dma_start3A_214 = arith.constant 0 : i32
      %dma_start3A_215 = arith.constant 0 : i32
      %dma_start3A_216 = arith.constant 0 : i32
      %dma_start3A_217 = tpu.memref_slice %arg9[%dma_start3A_214, %dma_start3A_215, %dma_start3A_216] : memref<8x128x16xf32, #tpu.memory_space<vmem>> -> memref<1x128x16xf32, #tpu.memory_space<vmem>>
      %dma_start3A_218 = tpu.memref_squeeze %dma_start3A_217 : memref<1x128x16xf32, #tpu.memory_space<vmem>> -> memref<128x16xf32, #tpu.memory_space<vmem>>
      %dma_start3A_219 = arith.constant 0 : i32
      %dma_start3A_220 = tpu.memref_slice %arg8[%add3A_213, %dma_start3A_219] : memref<80x128xi32, #tpu.memory_space<vmem>> -> memref<1x128xi32, #tpu.memory_space<vmem>>
      %dma_start3A_221 = tpu.memref_squeeze %dma_start3A_220 : memref<1x128xi32, #tpu.memory_space<vmem>> -> memref<128xi32, #tpu.memory_space<vmem>>
      %dma_start3A_222 = arith.constant 0 : i32
      %dma_start3A_223 = arith.constant 0 : i32
      %dma_start3A_224 = tpu.memref_slice %arg10[%dma_start3A_222, %dma_start3A_223] : memref<10112x16xf32, #tpu.memory_space<vmem_shared>> -> memref<10112x16xf32, #tpu.memory_space<vmem_shared>>
      tpu.enqueue_indirect_dma source(%dma_start3A_218 : memref<128x16xf32, #tpu.memory_space<vmem>>) target(%dma_start3A_224 : memref<10112x16xf32, #tpu.memory_space<vmem_shared>>) offsets(%dma_start3A_221 : memref<128xi32, #tpu.memory_space<vmem>>) semaphore(%arg12 : memref<!tpu.dma_semaphore, #tpu.memory_space<semaphore_mem>>) {add = true}
      %add3A_225 = arith.constant 1 : i32
      %add3A_226 = arith.addi %mul3A_21, %add3A_225 : i32
      %dma_start3A_227 = arith.constant 1 : i32
      %dma_start3A_228 = arith.constant 0 : i32
      %dma_start3A_229 = arith.constant 0 : i32
      %dma_start3A_230 = tpu.memref_slice %arg9[%dma_start3A_227, %dma_start3A_228, %dma_start3A_229] : memref<8x128x16xf32, #tpu.memory_space<vmem>> -> memref<1x128x16xf32, #tpu.memory_space<vmem>>
      %dma_start3A_231 = tpu.memref_squeeze %dma_start3A_230 : memref<1x128x16xf32, #tpu.memory_space<vmem>> -> memref<128x16xf32, #tpu.memory_space<vmem>>
      %dma_start3A_232 = arith.constant 0 : i32
      %dma_start3A_233 = tpu.memref_slice %arg8[%add3A_226, %dma_start3A_232] : memref<80x128xi32, #tpu.memory_space<vmem>> -> memref<1x128xi32, #tpu.memory_space<vmem>>
      %dma_start3A_234 = tpu.memref_squeeze %dma_start3A_233 : memref<1x128xi32, #tpu.memory_space<vmem>> -> memref<128xi32, #tpu.memory_space<vmem>>
      %dma_start3A_235 = arith.constant 0 : i32
      %dma_start3A_236 = arith.constant 0 : i32
      %dma_start3A_237 = tpu.memref_slice %arg10[%dma_start3A_235, %dma_start3A_236] : memref<10112x16xf32, #tpu.memory_space<vmem_shared>> -> memref<10112x16xf32, #tpu.memory_space<vmem_shared>>
      tpu.enqueue_indirect_dma source(%dma_start3A_231 : memref<128x16xf32, #tpu.memory_space<vmem>>) target(%dma_start3A_237 : memref<10112x16xf32, #tpu.memory_space<vmem_shared>>) offsets(%dma_start3A_234 : memref<128xi32, #tpu.memory_space<vmem>>) semaphore(%arg12 : memref<!tpu.dma_semaphore, #tpu.memory_space<semaphore_mem>>) {add = true}
      %add3A_238 = arith.constant 2 : i32
      %add3A_239 = arith.addi %mul3A_21, %add3A_238 : i32
      %dma_start3A_240 = arith.constant 2 : i32
      %dma_start3A_241 = arith.constant 0 : i32
      %dma_start3A_242 = arith.constant 0 : i32
      %dma_start3A_243 = tpu.memref_slice %arg9[%dma_start3A_240, %dma_start3A_241, %dma_start3A_242] : memref<8x128x16xf32, #tpu.memory_space<vmem>> -> memref<1x128x16xf32, #tpu.memory_space<vmem>>
      %dma_start3A_244 = tpu.memref_squeeze %dma_start3A_243 : memref<1x128x16xf32, #tpu.memory_space<vmem>> -> memref<128x16xf32, #tpu.memory_space<vmem>>
      %dma_start3A_245 = arith.constant 0 : i32
      %dma_start3A_246 = tpu.memref_slice %arg8[%add3A_239, %dma_start3A_245] : memref<80x128xi32, #tpu.memory_space<vmem>> -> memref<1x128xi32, #tpu.memory_space<vmem>>
      %dma_start3A_247 = tpu.memref_squeeze %dma_start3A_246 : memref<1x128xi32, #tpu.memory_space<vmem>> -> memref<128xi32, #tpu.memory_space<vmem>>
      %dma_start3A_248 = arith.constant 0 : i32
      %dma_start3A_249 = arith.constant 0 : i32
      %dma_start3A_250 = tpu.memref_slice %arg10[%dma_start3A_248, %dma_start3A_249] : memref<10112x16xf32, #tpu.memory_space<vmem_shared>> -> memref<10112x16xf32, #tpu.memory_space<vmem_shared>>
      tpu.enqueue_indirect_dma source(%dma_start3A_244 : memref<128x16xf32, #tpu.memory_space<vmem>>) target(%dma_start3A_250 : memref<10112x16xf32, #tpu.memory_space<vmem_shared>>) offsets(%dma_start3A_247 : memref<128xi32, #tpu.memory_space<vmem>>) semaphore(%arg12 : memref<!tpu.dma_semaphore, #tpu.memory_space<semaphore_mem>>) {add = true}
      %add3A_251 = arith.constant 3 : i32
      %add3A_252 = arith.addi %mul3A_21, %add3A_251 : i32
      %dma_start3A_253 = arith.constant 3 : i32
      %dma_start3A_254 = arith.constant 0 : i32
      %dma_start3A_255 = arith.constant 0 : i32
      %dma_start3A_256 = tpu.memref_slice %arg9[%dma_start3A_253, %dma_start3A_254, %dma_start3A_255] : memref<8x128x16xf32, #tpu.memory_space<vmem>> -> memref<1x128x16xf32, #tpu.memory_space<vmem>>
      %dma_start3A_257 = tpu.memref_squeeze %dma_start3A_256 : memref<1x128x16xf32, #tpu.memory_space<vmem>> -> memref<128x16xf32, #tpu.memory_space<vmem>>
      %dma_start3A_258 = arith.constant 0 : i32
      %dma_start3A_259 = tpu.memref_slice %arg8[%add3A_252, %dma_start3A_258] : memref<80x128xi32, #tpu.memory_space<vmem>> -> memref<1x128xi32, #tpu.memory_space<vmem>>
      %dma_start3A_260 = tpu.memref_squeeze %dma_start3A_259 : memref<1x128xi32, #tpu.memory_space<vmem>> -> memref<128xi32, #tpu.memory_space<vmem>>
      %dma_start3A_261 = arith.constant 0 : i32
      %dma_start3A_262 = arith.constant 0 : i32
      %dma_start3A_263 = tpu.memref_slice %arg10[%dma_start3A_261, %dma_start3A_262] : memref<10112x16xf32, #tpu.memory_space<vmem_shared>> -> memref<10112x16xf32, #tpu.memory_space<vmem_shared>>
      tpu.enqueue_indirect_dma source(%dma_start3A_257 : memref<128x16xf32, #tpu.memory_space<vmem>>) target(%dma_start3A_263 : memref<10112x16xf32, #tpu.memory_space<vmem_shared>>) offsets(%dma_start3A_260 : memref<128xi32, #tpu.memory_space<vmem>>) semaphore(%arg12 : memref<!tpu.dma_semaphore, #tpu.memory_space<semaphore_mem>>) {add = true}
      %add3A_264 = arith.constant 4 : i32
      %add3A_265 = arith.addi %mul3A_21, %add3A_264 : i32
      %dma_start3A_266 = arith.constant 4 : i32
      %dma_start3A_267 = arith.constant 0 : i32
      %dma_start3A_268 = arith.constant 0 : i32
      %dma_start3A_269 = tpu.memref_slice %arg9[%dma_start3A_266, %dma_start3A_267, %dma_start3A_268] : memref<8x128x16xf32, #tpu.memory_space<vmem>> -> memref<1x128x16xf32, #tpu.memory_space<vmem>>
      %dma_start3A_270 = tpu.memref_squeeze %dma_start3A_269 : memref<1x128x16xf32, #tpu.memory_space<vmem>> -> memref<128x16xf32, #tpu.memory_space<vmem>>
      %dma_start3A_271 = arith.constant 0 : i32
      %dma_start3A_272 = tpu.memref_slice %arg8[%add3A_265, %dma_start3A_271] : memref<80x128xi32, #tpu.memory_space<vmem>> -> memref<1x128xi32, #tpu.memory_space<vmem>>
      %dma_start3A_273 = tpu.memref_squeeze %dma_start3A_272 : memref<1x128xi32, #tpu.memory_space<vmem>> -> memref<128xi32, #tpu.memory_space<vmem>>
      %dma_start3A_274 = arith.constant 0 : i32
      %dma_start3A_275 = arith.constant 0 : i32
      %dma_start3A_276 = tpu.memref_slice %arg10[%dma_start3A_274, %dma_start3A_275] : memref<10112x16xf32, #tpu.memory_space<vmem_shared>> -> memref<10112x16xf32, #tpu.memory_space<vmem_shared>>
      tpu.enqueue_indirect_dma source(%dma_start3A_270 : memref<128x16xf32, #tpu.memory_space<vmem>>) target(%dma_start3A_276 : memref<10112x16xf32, #tpu.memory_space<vmem_shared>>) offsets(%dma_start3A_273 : memref<128xi32, #tpu.memory_space<vmem>>) semaphore(%arg12 : memref<!tpu.dma_semaphore, #tpu.memory_space<semaphore_mem>>) {add = true}
      %add3A_277 = arith.constant 5 : i32
      %add3A_278 = arith.addi %mul3A_21, %add3A_277 : i32
      %dma_start3A_279 = arith.constant 5 : i32
      %dma_start3A_280 = arith.constant 0 : i32
      %dma_start3A_281 = arith.constant 0 : i32
      %dma_start3A_282 = tpu.memref_slice %arg9[%dma_start3A_279, %dma_start3A_280, %dma_start3A_281] : memref<8x128x16xf32, #tpu.memory_space<vmem>> -> memref<1x128x16xf32, #tpu.memory_space<vmem>>
      %dma_start3A_283 = tpu.memref_squeeze %dma_start3A_282 : memref<1x128x16xf32, #tpu.memory_space<vmem>> -> memref<128x16xf32, #tpu.memory_space<vmem>>
      %dma_start3A_284 = arith.constant 0 : i32
      %dma_start3A_285 = tpu.memref_slice %arg8[%add3A_278, %dma_start3A_284] : memref<80x128xi32, #tpu.memory_space<vmem>> -> memref<1x128xi32, #tpu.memory_space<vmem>>
      %dma_start3A_286 = tpu.memref_squeeze %dma_start3A_285 : memref<1x128xi32, #tpu.memory_space<vmem>> -> memref<128xi32, #tpu.memory_space<vmem>>
      %dma_start3A_287 = arith.constant 0 : i32
      %dma_start3A_288 = arith.constant 0 : i32
      %dma_start3A_289 = tpu.memref_slice %arg10[%dma_start3A_287, %dma_start3A_288] : memref<10112x16xf32, #tpu.memory_space<vmem_shared>> -> memref<10112x16xf32, #tpu.memory_space<vmem_shared>>
      tpu.enqueue_indirect_dma source(%dma_start3A_283 : memref<128x16xf32, #tpu.memory_space<vmem>>) target(%dma_start3A_289 : memref<10112x16xf32, #tpu.memory_space<vmem_shared>>) offsets(%dma_start3A_286 : memref<128xi32, #tpu.memory_space<vmem>>) semaphore(%arg12 : memref<!tpu.dma_semaphore, #tpu.memory_space<semaphore_mem>>) {add = true}
      %add3A_290 = arith.constant 6 : i32
      %add3A_291 = arith.addi %mul3A_21, %add3A_290 : i32
      %dma_start3A_292 = arith.constant 6 : i32
      %dma_start3A_293 = arith.constant 0 : i32
      %dma_start3A_294 = arith.constant 0 : i32
      %dma_start3A_295 = tpu.memref_slice %arg9[%dma_start3A_292, %dma_start3A_293, %dma_start3A_294] : memref<8x128x16xf32, #tpu.memory_space<vmem>> -> memref<1x128x16xf32, #tpu.memory_space<vmem>>
      %dma_start3A_296 = tpu.memref_squeeze %dma_start3A_295 : memref<1x128x16xf32, #tpu.memory_space<vmem>> -> memref<128x16xf32, #tpu.memory_space<vmem>>
      %dma_start3A_297 = arith.constant 0 : i32
      %dma_start3A_298 = tpu.memref_slice %arg8[%add3A_291, %dma_start3A_297] : memref<80x128xi32, #tpu.memory_space<vmem>> -> memref<1x128xi32, #tpu.memory_space<vmem>>
      %dma_start3A_299 = tpu.memref_squeeze %dma_start3A_298 : memref<1x128xi32, #tpu.memory_space<vmem>> -> memref<128xi32, #tpu.memory_space<vmem>>
      %dma_start3A_300 = arith.constant 0 : i32
      %dma_start3A_301 = arith.constant 0 : i32
      %dma_start3A_302 = tpu.memref_slice %arg10[%dma_start3A_300, %dma_start3A_301] : memref<10112x16xf32, #tpu.memory_space<vmem_shared>> -> memref<10112x16xf32, #tpu.memory_space<vmem_shared>>
      tpu.enqueue_indirect_dma source(%dma_start3A_296 : memref<128x16xf32, #tpu.memory_space<vmem>>) target(%dma_start3A_302 : memref<10112x16xf32, #tpu.memory_space<vmem_shared>>) offsets(%dma_start3A_299 : memref<128xi32, #tpu.memory_space<vmem>>) semaphore(%arg12 : memref<!tpu.dma_semaphore, #tpu.memory_space<semaphore_mem>>) {add = true}
      %add3A_303 = arith.constant 7 : i32
      %add3A_304 = arith.addi %mul3A_21, %add3A_303 : i32
      %dma_start3A_305 = arith.constant 7 : i32
      %dma_start3A_306 = arith.constant 0 : i32
      %dma_start3A_307 = arith.constant 0 : i32
      %dma_start3A_308 = tpu.memref_slice %arg9[%dma_start3A_305, %dma_start3A_306, %dma_start3A_307] : memref<8x128x16xf32, #tpu.memory_space<vmem>> -> memref<1x128x16xf32, #tpu.memory_space<vmem>>
      %dma_start3A_309 = tpu.memref_squeeze %dma_start3A_308 : memref<1x128x16xf32, #tpu.memory_space<vmem>> -> memref<128x16xf32, #tpu.memory_space<vmem>>
      %dma_start3A_310 = arith.constant 0 : i32
      %dma_start3A_311 = tpu.memref_slice %arg8[%add3A_304, %dma_start3A_310] : memref<80x128xi32, #tpu.memory_space<vmem>> -> memref<1x128xi32, #tpu.memory_space<vmem>>
      %dma_start3A_312 = tpu.memref_squeeze %dma_start3A_311 : memref<1x128xi32, #tpu.memory_space<vmem>> -> memref<128xi32, #tpu.memory_space<vmem>>
      %dma_start3A_313 = arith.constant 0 : i32
      %dma_start3A_314 = arith.constant 0 : i32
      %dma_start3A_315 = tpu.memref_slice %arg10[%dma_start3A_313, %dma_start3A_314] : memref<10112x16xf32, #tpu.memory_space<vmem_shared>> -> memref<10112x16xf32, #tpu.memory_space<vmem_shared>>
      tpu.enqueue_indirect_dma source(%dma_start3A_309 : memref<128x16xf32, #tpu.memory_space<vmem>>) target(%dma_start3A_315 : memref<10112x16xf32, #tpu.memory_space<vmem_shared>>) offsets(%dma_start3A_312 : memref<128xi32, #tpu.memory_space<vmem>>) semaphore(%arg12 : memref<!tpu.dma_semaphore, #tpu.memory_space<semaphore_mem>>) {add = true}
      %dma_wait3A_316 = arith.constant 0 : i32
      %dma_wait3A_317 = arith.constant 0 : i32
      %dma_wait3A_318 = arith.constant 0 : i32
      %dma_wait3A_319 = tpu.memref_slice %arg9[%dma_wait3A_316, %dma_wait3A_317, %dma_wait3A_318] : memref<8x128x16xf32, #tpu.memory_space<vmem>> -> memref<1x128x16xf32, #tpu.memory_space<vmem>>
      %dma_wait3A_320 = tpu.memref_squeeze %dma_wait3A_319 : memref<1x128x16xf32, #tpu.memory_space<vmem>> -> memref<128x16xf32, #tpu.memory_space<vmem>>
      %dma_wait3A_321 = arith.constant 0 : i32
      %dma_wait3A_322 = tpu.memref_slice %arg8[%add3A_213, %dma_wait3A_321] : memref<80x128xi32, #tpu.memory_space<vmem>> -> memref<1x128xi32, #tpu.memory_space<vmem>>
      %dma_wait3A_323 = tpu.memref_squeeze %dma_wait3A_322 : memref<1x128xi32, #tpu.memory_space<vmem>> -> memref<128xi32, #tpu.memory_space<vmem>>
      %dma_wait3A_324 = arith.constant 0 : i32
      %dma_wait3A_325 = arith.constant 0 : i32
      %dma_wait3A_326 = tpu.memref_slice %arg10[%dma_wait3A_324, %dma_wait3A_325] : memref<10112x16xf32, #tpu.memory_space<vmem_shared>> -> memref<10112x16xf32, #tpu.memory_space<vmem_shared>>
      tpu.wait_indirect_dma semaphore(%arg12 : memref<!tpu.dma_semaphore, #tpu.memory_space<semaphore_mem>>) src(%dma_wait3A_320 : memref<128x16xf32, #tpu.memory_space<vmem>>) dst(%dma_wait3A_326 : memref<10112x16xf32, #tpu.memory_space<vmem_shared>>)
      %dma_wait3A_327 = arith.constant 1 : i32
      %dma_wait3A_328 = arith.constant 0 : i32
      %dma_wait3A_329 = arith.constant 0 : i32
      %dma_wait3A_330 = tpu.memref_slice %arg9[%dma_wait3A_327, %dma_wait3A_328, %dma_wait3A_329] : memref<8x128x16xf32, #tpu.memory_space<vmem>> -> memref<1x128x16xf32, #tpu.memory_space<vmem>>
      %dma_wait3A_331 = tpu.memref_squeeze %dma_wait3A_330 : memref<1x128x16xf32, #tpu.memory_space<vmem>> -> memref<128x16xf32, #tpu.memory_space<vmem>>
      %dma_wait3A_332 = arith.constant 0 : i32
      %dma_wait3A_333 = tpu.memref_slice %arg8[%add3A_226, %dma_wait3A_332] : memref<80x128xi32, #tpu.memory_space<vmem>> -> memref<1x128xi32, #tpu.memory_space<vmem>>
      %dma_wait3A_334 = tpu.memref_squeeze %dma_wait3A_333 : memref<1x128xi32, #tpu.memory_space<vmem>> -> memref<128xi32, #tpu.memory_space<vmem>>
      %dma_wait3A_335 = arith.constant 0 : i32
      %dma_wait3A_336 = arith.constant 0 : i32
      %dma_wait3A_337 = tpu.memref_slice %arg10[%dma_wait3A_335, %dma_wait3A_336] : memref<10112x16xf32, #tpu.memory_space<vmem_shared>> -> memref<10112x16xf32, #tpu.memory_space<vmem_shared>>
      tpu.wait_indirect_dma semaphore(%arg12 : memref<!tpu.dma_semaphore, #tpu.memory_space<semaphore_mem>>) src(%dma_wait3A_331 : memref<128x16xf32, #tpu.memory_space<vmem>>) dst(%dma_wait3A_337 : memref<10112x16xf32, #tpu.memory_space<vmem_shared>>)
      %dma_wait3A_338 = arith.constant 2 : i32
      %dma_wait3A_339 = arith.constant 0 : i32
      %dma_wait3A_340 = arith.constant 0 : i32
      %dma_wait3A_341 = tpu.memref_slice %arg9[%dma_wait3A_338, %dma_wait3A_339, %dma_wait3A_340] : memref<8x128x16xf32, #tpu.memory_space<vmem>> -> memref<1x128x16xf32, #tpu.memory_space<vmem>>
      %dma_wait3A_342 = tpu.memref_squeeze %dma_wait3A_341 : memref<1x128x16xf32, #tpu.memory_space<vmem>> -> memref<128x16xf32, #tpu.memory_space<vmem>>
      %dma_wait3A_343 = arith.constant 0 : i32
      %dma_wait3A_344 = tpu.memref_slice %arg8[%add3A_239, %dma_wait3A_343] : memref<80x128xi32, #tpu.memory_space<vmem>> -> memref<1x128xi32, #tpu.memory_space<vmem>>
      %dma_wait3A_345 = tpu.memref_squeeze %dma_wait3A_344 : memref<1x128xi32, #tpu.memory_space<vmem>> -> memref<128xi32, #tpu.memory_space<vmem>>
      %dma_wait3A_346 = arith.constant 0 : i32
      %dma_wait3A_347 = arith.constant 0 : i32
      %dma_wait3A_348 = tpu.memref_slice %arg10[%dma_wait3A_346, %dma_wait3A_347] : memref<10112x16xf32, #tpu.memory_space<vmem_shared>> -> memref<10112x16xf32, #tpu.memory_space<vmem_shared>>
      tpu.wait_indirect_dma semaphore(%arg12 : memref<!tpu.dma_semaphore, #tpu.memory_space<semaphore_mem>>) src(%dma_wait3A_342 : memref<128x16xf32, #tpu.memory_space<vmem>>) dst(%dma_wait3A_348 : memref<10112x16xf32, #tpu.memory_space<vmem_shared>>)
      %dma_wait3A_349 = arith.constant 3 : i32
      %dma_wait3A_350 = arith.constant 0 : i32
      %dma_wait3A_351 = arith.constant 0 : i32
      %dma_wait3A_352 = tpu.memref_slice %arg9[%dma_wait3A_349, %dma_wait3A_350, %dma_wait3A_351] : memref<8x128x16xf32, #tpu.memory_space<vmem>> -> memref<1x128x16xf32, #tpu.memory_space<vmem>>
      %dma_wait3A_353 = tpu.memref_squeeze %dma_wait3A_352 : memref<1x128x16xf32, #tpu.memory_space<vmem>> -> memref<128x16xf32, #tpu.memory_space<vmem>>
      %dma_wait3A_354 = arith.constant 0 : i32
      %dma_wait3A_355 = tpu.memref_slice %arg8[%add3A_252, %dma_wait3A_354] : memref<80x128xi32, #tpu.memory_space<vmem>> -> memref<1x128xi32, #tpu.memory_space<vmem>>
      %dma_wait3A_356 = tpu.memref_squeeze %dma_wait3A_355 : memref<1x128xi32, #tpu.memory_space<vmem>> -> memref<128xi32, #tpu.memory_space<vmem>>
      %dma_wait3A_357 = arith.constant 0 : i32
      %dma_wait3A_358 = arith.constant 0 : i32
      %dma_wait3A_359 = tpu.memref_slice %arg10[%dma_wait3A_357, %dma_wait3A_358] : memref<10112x16xf32, #tpu.memory_space<vmem_shared>> -> memref<10112x16xf32, #tpu.memory_space<vmem_shared>>
      tpu.wait_indirect_dma semaphore(%arg12 : memref<!tpu.dma_semaphore, #tpu.memory_space<semaphore_mem>>) src(%dma_wait3A_353 : memref<128x16xf32, #tpu.memory_space<vmem>>) dst(%dma_wait3A_359 : memref<10112x16xf32, #tpu.memory_space<vmem_shared>>)
      %dma_wait3A_360 = arith.constant 4 : i32
      %dma_wait3A_361 = arith.constant 0 : i32
      %dma_wait3A_362 = arith.constant 0 : i32
      %dma_wait3A_363 = tpu.memref_slice %arg9[%dma_wait3A_360, %dma_wait3A_361, %dma_wait3A_362] : memref<8x128x16xf32, #tpu.memory_space<vmem>> -> memref<1x128x16xf32, #tpu.memory_space<vmem>>
      %dma_wait3A_364 = tpu.memref_squeeze %dma_wait3A_363 : memref<1x128x16xf32, #tpu.memory_space<vmem>> -> memref<128x16xf32, #tpu.memory_space<vmem>>
      %dma_wait3A_365 = arith.constant 0 : i32
      %dma_wait3A_366 = tpu.memref_slice %arg8[%add3A_265, %dma_wait3A_365] : memref<80x128xi32, #tpu.memory_space<vmem>> -> memref<1x128xi32, #tpu.memory_space<vmem>>
      %dma_wait3A_367 = tpu.memref_squeeze %dma_wait3A_366 : memref<1x128xi32, #tpu.memory_space<vmem>> -> memref<128xi32, #tpu.memory_space<vmem>>
      %dma_wait3A_368 = arith.constant 0 : i32
      %dma_wait3A_369 = arith.constant 0 : i32
      %dma_wait3A_370 = tpu.memref_slice %arg10[%dma_wait3A_368, %dma_wait3A_369] : memref<10112x16xf32, #tpu.memory_space<vmem_shared>> -> memref<10112x16xf32, #tpu.memory_space<vmem_shared>>
      tpu.wait_indirect_dma semaphore(%arg12 : memref<!tpu.dma_semaphore, #tpu.memory_space<semaphore_mem>>) src(%dma_wait3A_364 : memref<128x16xf32, #tpu.memory_space<vmem>>) dst(%dma_wait3A_370 : memref<10112x16xf32, #tpu.memory_space<vmem_shared>>)
      %dma_wait3A_371 = arith.constant 5 : i32
      %dma_wait3A_372 = arith.constant 0 : i32
      %dma_wait3A_373 = arith.constant 0 : i32
      %dma_wait3A_374 = tpu.memref_slice %arg9[%dma_wait3A_371, %dma_wait3A_372, %dma_wait3A_373] : memref<8x128x16xf32, #tpu.memory_space<vmem>> -> memref<1x128x16xf32, #tpu.memory_space<vmem>>
      %dma_wait3A_375 = tpu.memref_squeeze %dma_wait3A_374 : memref<1x128x16xf32, #tpu.memory_space<vmem>> -> memref<128x16xf32, #tpu.memory_space<vmem>>
      %dma_wait3A_376 = arith.constant 0 : i32
      %dma_wait3A_377 = tpu.memref_slice %arg8[%add3A_278, %dma_wait3A_376] : memref<80x128xi32, #tpu.memory_space<vmem>> -> memref<1x128xi32, #tpu.memory_space<vmem>>
      %dma_wait3A_378 = tpu.memref_squeeze %dma_wait3A_377 : memref<1x128xi32, #tpu.memory_space<vmem>> -> memref<128xi32, #tpu.memory_space<vmem>>
      %dma_wait3A_379 = arith.constant 0 : i32
      %dma_wait3A_380 = arith.constant 0 : i32
      %dma_wait3A_381 = tpu.memref_slice %arg10[%dma_wait3A_379, %dma_wait3A_380] : memref<10112x16xf32, #tpu.memory_space<vmem_shared>> -> memref<10112x16xf32, #tpu.memory_space<vmem_shared>>
      tpu.wait_indirect_dma semaphore(%arg12 : memref<!tpu.dma_semaphore, #tpu.memory_space<semaphore_mem>>) src(%dma_wait3A_375 : memref<128x16xf32, #tpu.memory_space<vmem>>) dst(%dma_wait3A_381 : memref<10112x16xf32, #tpu.memory_space<vmem_shared>>)
      %dma_wait3A_382 = arith.constant 6 : i32
      %dma_wait3A_383 = arith.constant 0 : i32
      %dma_wait3A_384 = arith.constant 0 : i32
      %dma_wait3A_385 = tpu.memref_slice %arg9[%dma_wait3A_382, %dma_wait3A_383, %dma_wait3A_384] : memref<8x128x16xf32, #tpu.memory_space<vmem>> -> memref<1x128x16xf32, #tpu.memory_space<vmem>>
      %dma_wait3A_386 = tpu.memref_squeeze %dma_wait3A_385 : memref<1x128x16xf32, #tpu.memory_space<vmem>> -> memref<128x16xf32, #tpu.memory_space<vmem>>
      %dma_wait3A_387 = arith.constant 0 : i32
      %dma_wait3A_388 = tpu.memref_slice %arg8[%add3A_291, %dma_wait3A_387] : memref<80x128xi32, #tpu.memory_space<vmem>> -> memref<1x128xi32, #tpu.memory_space<vmem>>
      %dma_wait3A_389 = tpu.memref_squeeze %dma_wait3A_388 : memref<1x128xi32, #tpu.memory_space<vmem>> -> memref<128xi32, #tpu.memory_space<vmem>>
      %dma_wait3A_390 = arith.constant 0 : i32
      %dma_wait3A_391 = arith.constant 0 : i32
      %dma_wait3A_392 = tpu.memref_slice %arg10[%dma_wait3A_390, %dma_wait3A_391] : memref<10112x16xf32, #tpu.memory_space<vmem_shared>> -> memref<10112x16xf32, #tpu.memory_space<vmem_shared>>
      tpu.wait_indirect_dma semaphore(%arg12 : memref<!tpu.dma_semaphore, #tpu.memory_space<semaphore_mem>>) src(%dma_wait3A_386 : memref<128x16xf32, #tpu.memory_space<vmem>>) dst(%dma_wait3A_392 : memref<10112x16xf32, #tpu.memory_space<vmem_shared>>)
      %dma_wait3A_393 = arith.constant 7 : i32
      %dma_wait3A_394 = arith.constant 0 : i32
      %dma_wait3A_395 = arith.constant 0 : i32
      %dma_wait3A_396 = tpu.memref_slice %arg9[%dma_wait3A_393, %dma_wait3A_394, %dma_wait3A_395] : memref<8x128x16xf32, #tpu.memory_space<vmem>> -> memref<1x128x16xf32, #tpu.memory_space<vmem>>
      %dma_wait3A_397 = tpu.memref_squeeze %dma_wait3A_396 : memref<1x128x16xf32, #tpu.memory_space<vmem>> -> memref<128x16xf32, #tpu.memory_space<vmem>>
      %dma_wait3A_398 = arith.constant 0 : i32
      %dma_wait3A_399 = tpu.memref_slice %arg8[%add3A_304, %dma_wait3A_398] : memref<80x128xi32, #tpu.memory_space<vmem>> -> memref<1x128xi32, #tpu.memory_space<vmem>>
      %dma_wait3A_400 = tpu.memref_squeeze %dma_wait3A_399 : memref<1x128xi32, #tpu.memory_space<vmem>> -> memref<128xi32, #tpu.memory_space<vmem>>
      %dma_wait3A_401 = arith.constant 0 : i32
      %dma_wait3A_402 = arith.constant 0 : i32
      %dma_wait3A_403 = tpu.memref_slice %arg10[%dma_wait3A_401, %dma_wait3A_402] : memref<10112x16xf32, #tpu.memory_space<vmem_shared>> -> memref<10112x16xf32, #tpu.memory_space<vmem_shared>>
      tpu.wait_indirect_dma semaphore(%arg12 : memref<!tpu.dma_semaphore, #tpu.memory_space<semaphore_mem>>) src(%dma_wait3A_397 : memref<128x16xf32, #tpu.memory_space<vmem>>) dst(%dma_wait3A_403 : memref<10112x16xf32, #tpu.memory_space<vmem_shared>>)
    }
    %scan3A_13 = arith.constant 10 : i32
    %barrier3A_14 = arith.constant 0 : index
    tpu.barrier barrier_id(%barrier3A_14)
    %mul3A_15 = arith.constant 632 : i32
    %mul3A_16 = arith.muli %arg1, %mul3A_15 : i32
    %mul3A_17 = arith.constant 632 : i32
    %mul3A_18 = arith.muli %arg1, %mul3A_17 : i32
    "tpu.region"() ({
      %run_scoped3A = tpu.sem_alloc : memref<!tpu.dma_semaphore, #tpu.memory_space<semaphore_mem>>
      %dma_start3A = arith.constant 0 : i32
      %dma_start3A_19 = tpu.memref_slice %arg6[%arg0, %mul3A_18, %dma_start3A] : memref<2x10112x16xf32, #tpu.memory_space<hbm>> -> memref<1x632x16xf32, #tpu.memory_space<hbm>>
      %dma_start3A_20 = tpu.memref_squeeze %dma_start3A_19 : memref<1x632x16xf32, #tpu.memory_space<hbm>> -> memref<632x16xf32, #tpu.memory_space<hbm>>
      %dma_start3A_21 = arith.constant 0 : i32
      %dma_start3A_22 = tpu.memref_slice %arg10[%mul3A_16, %dma_start3A_21] : memref<10112x16xf32, #tpu.memory_space<vmem_shared>> -> memref<632x16xf32, #tpu.memory_space<vmem_shared>>
      tpu.enqueue_dma source(%dma_start3A_22 : memref<632x16xf32, #tpu.memory_space<vmem_shared>>) target(%dma_start3A_20 : memref<632x16xf32, #tpu.memory_space<hbm>>) target_semaphore(%run_scoped3A : memref<!tpu.dma_semaphore, #tpu.memory_space<semaphore_mem>>)
      %dma_wait3A = arith.constant 0 : i32
      %dma_wait3A_23 = tpu.memref_slice %arg6[%arg0, %mul3A_18, %dma_wait3A] : memref<2x10112x16xf32, #tpu.memory_space<hbm>> -> memref<1x632x16xf32, #tpu.memory_space<hbm>>
      %dma_wait3A_24 = tpu.memref_squeeze %dma_wait3A_23 : memref<1x632x16xf32, #tpu.memory_space<hbm>> -> memref<632x16xf32, #tpu.memory_space<hbm>>
      %dma_wait3A_25 = arith.constant 0 : i32
      %dma_wait3A_26 = tpu.memref_slice %arg10[%mul3A_16, %dma_wait3A_25] : memref<10112x16xf32, #tpu.memory_space<vmem_shared>> -> memref<632x16xf32, #tpu.memory_space<vmem_shared>>
      tpu.wait_dma2 semaphore(%run_scoped3A : memref<!tpu.dma_semaphore, #tpu.memory_space<semaphore_mem>>) src(%dma_wait3A_26 : memref<632x16xf32, #tpu.memory_space<vmem_shared>>) dst(%dma_wait3A_24 : memref<632x16xf32, #tpu.memory_space<hbm>>)
      tpu.yield
    }) : () -> ()
    return
  }
}

#map = affine_map<(d0, d1) -> (0, 0)>
#map1 = affine_map<(d0, d1) -> (0, 0, 0)>
module attributes {stable_mosaic.version = 14 : i64} {
  func.func @_agg_body(%arg0: i32, %arg1: i32, %arg2: memref<10000x32xf32, #tpu.memory_space<hbm>>, %arg3: memref<2560x128xi32, #tpu.memory_space<hbm>>, %arg4: memref<2560x128xi32, #tpu.memory_space<hbm>>, %arg5: memref<10112x32xf32, #tpu.memory_space<hbm>>, %arg6: memref<2x10112x32xf32, #tpu.memory_space<hbm>>, %arg7: memref<80x128xi32, #tpu.memory_space<vmem>>, %arg8: memref<80x128xi32, #tpu.memory_space<vmem>>, %arg9: memref<8x128x32xf32, #tpu.memory_space<vmem>>, %arg10: memref<10112x32xf32, #tpu.memory_space<vmem_shared>>, %arg11: memref<!tpu.dma_semaphore, #tpu.memory_space<semaphore_mem>>, %arg12: memref<!tpu.dma_semaphore, #tpu.memory_space<semaphore_mem>>) attributes {dimension_semantics = [#tpu.dimension_semantics<core_parallel>, #tpu.dimension_semantics<subcore_parallel>], iteration_bounds = array<i64: 2, 16>, scalar_prefetch = 0 : i64, scratch_operands = 6 : i64, tpu.core_type = #tpu.core_type<sc_vector_subcore>, window_params = [{transform_indices = #map}, {transform_indices = #map}, {transform_indices = #map}, {transform_indices = #map}, {transform_indices = #map1}]} {
    %mul3A = arith.constant 2 : i32
    %mul3A_0 = arith.muli %arg1, %mul3A : i32
    %add3A = arith.addi %mul3A_0, %arg0 : i32
    %mul3A_1 = arith.constant 632 : i32
    %mul3A_2 = arith.muli %arg1, %mul3A_1 : i32
    %mul3A_3 = arith.constant 632 : i32
    %mul3A_4 = arith.muli %arg1, %mul3A_3 : i32
    "tpu.region"() ({
      %run_scoped3A = tpu.sem_alloc : memref<!tpu.dma_semaphore, #tpu.memory_space<semaphore_mem>>
      %dma_start3A = arith.constant 0 : i32
      %dma_start3A_19 = tpu.memref_slice %arg10[%mul3A_4, %dma_start3A] : memref<10112x32xf32, #tpu.memory_space<vmem_shared>> -> memref<632x32xf32, #tpu.memory_space<vmem_shared>>
      %dma_start3A_20 = arith.constant 0 : i32
      %dma_start3A_21 = tpu.memref_slice %arg5[%mul3A_2, %dma_start3A_20] : memref<10112x32xf32, #tpu.memory_space<hbm>> -> memref<632x32xf32, #tpu.memory_space<hbm>>
      tpu.enqueue_dma source(%dma_start3A_21 : memref<632x32xf32, #tpu.memory_space<hbm>>) target(%dma_start3A_19 : memref<632x32xf32, #tpu.memory_space<vmem_shared>>) target_semaphore(%run_scoped3A : memref<!tpu.dma_semaphore, #tpu.memory_space<semaphore_mem>>)
      %dma_wait3A = arith.constant 0 : i32
      %dma_wait3A_22 = tpu.memref_slice %arg10[%mul3A_4, %dma_wait3A] : memref<10112x32xf32, #tpu.memory_space<vmem_shared>> -> memref<632x32xf32, #tpu.memory_space<vmem_shared>>
      %dma_wait3A_23 = arith.constant 0 : i32
      %dma_wait3A_24 = tpu.memref_slice %arg5[%mul3A_2, %dma_wait3A_23] : memref<10112x32xf32, #tpu.memory_space<hbm>> -> memref<632x32xf32, #tpu.memory_space<hbm>>
      tpu.wait_dma2 semaphore(%run_scoped3A : memref<!tpu.dma_semaphore, #tpu.memory_space<semaphore_mem>>) src(%dma_wait3A_24 : memref<632x32xf32, #tpu.memory_space<hbm>>) dst(%dma_wait3A_22 : memref<632x32xf32, #tpu.memory_space<vmem_shared>>)
      tpu.yield
    }) : () -> ()
    %mul3A_5 = arith.constant 80 : i32
    %mul3A_6 = arith.muli %add3A, %mul3A_5 : i32
    "tpu.region"() ({
      %run_scoped3A = tpu.sem_alloc : memref<!tpu.dma_semaphore, #tpu.memory_space<semaphore_mem>>
      %dma_start3A = arith.constant 0 : i32
      %dma_start3A_19 = tpu.memref_slice %arg3[%mul3A_6, %dma_start3A] : memref<2560x128xi32, #tpu.memory_space<hbm>> -> memref<80x128xi32, #tpu.memory_space<hbm>>
      %dma_start3A_20 = arith.constant 0 : i32
      %dma_start3A_21 = tpu.memref_slice %arg3[%mul3A_6, %dma_start3A_20] : memref<2560x128xi32, #tpu.memory_space<hbm>> -> memref<80x128xi32, #tpu.memory_space<hbm>>
      tpu.enqueue_dma source(%dma_start3A_21 : memref<80x128xi32, #tpu.memory_space<hbm>>) target(%arg7 : memref<80x128xi32, #tpu.memory_space<vmem>>) target_semaphore(%run_scoped3A : memref<!tpu.dma_semaphore, #tpu.memory_space<semaphore_mem>>)
      %dma_wait3A = arith.constant 0 : i32
      %dma_wait3A_22 = tpu.memref_slice %arg3[%mul3A_6, %dma_wait3A] : memref<2560x128xi32, #tpu.memory_space<hbm>> -> memref<80x128xi32, #tpu.memory_space<hbm>>
      %dma_wait3A_23 = arith.constant 0 : i32
      %dma_wait3A_24 = tpu.memref_slice %arg3[%mul3A_6, %dma_wait3A_23] : memref<2560x128xi32, #tpu.memory_space<hbm>> -> memref<80x128xi32, #tpu.memory_space<hbm>>
      tpu.wait_dma2 semaphore(%run_scoped3A : memref<!tpu.dma_semaphore, #tpu.memory_space<semaphore_mem>>) src(%dma_wait3A_24 : memref<80x128xi32, #tpu.memory_space<hbm>>) dst(%arg7 : memref<80x128xi32, #tpu.memory_space<vmem>>)
      tpu.yield
    }) : () -> ()
    %mul3A_7 = arith.constant 80 : i32
    %mul3A_8 = arith.muli %add3A, %mul3A_7 : i32
    "tpu.region"() ({
      %run_scoped3A = tpu.sem_alloc : memref<!tpu.dma_semaphore, #tpu.memory_space<semaphore_mem>>
      %dma_start3A = arith.constant 0 : i32
      %dma_start3A_19 = tpu.memref_slice %arg4[%mul3A_8, %dma_start3A] : memref<2560x128xi32, #tpu.memory_space<hbm>> -> memref<80x128xi32, #tpu.memory_space<hbm>>
      %dma_start3A_20 = arith.constant 0 : i32
      %dma_start3A_21 = tpu.memref_slice %arg4[%mul3A_8, %dma_start3A_20] : memref<2560x128xi32, #tpu.memory_space<hbm>> -> memref<80x128xi32, #tpu.memory_space<hbm>>
      tpu.enqueue_dma source(%dma_start3A_21 : memref<80x128xi32, #tpu.memory_space<hbm>>) target(%arg8 : memref<80x128xi32, #tpu.memory_space<vmem>>) target_semaphore(%run_scoped3A : memref<!tpu.dma_semaphore, #tpu.memory_space<semaphore_mem>>)
      %dma_wait3A = arith.constant 0 : i32
      %dma_wait3A_22 = tpu.memref_slice %arg4[%mul3A_8, %dma_wait3A] : memref<2560x128xi32, #tpu.memory_space<hbm>> -> memref<80x128xi32, #tpu.memory_space<hbm>>
      %dma_wait3A_23 = arith.constant 0 : i32
      %dma_wait3A_24 = tpu.memref_slice %arg4[%mul3A_8, %dma_wait3A_23] : memref<2560x128xi32, #tpu.memory_space<hbm>> -> memref<80x128xi32, #tpu.memory_space<hbm>>
      tpu.wait_dma2 semaphore(%run_scoped3A : memref<!tpu.dma_semaphore, #tpu.memory_space<semaphore_mem>>) src(%dma_wait3A_24 : memref<80x128xi32, #tpu.memory_space<hbm>>) dst(%arg8 : memref<80x128xi32, #tpu.memory_space<vmem>>)
      tpu.yield
    }) : () -> ()
    %barrier3A = arith.constant 0 : index
    tpu.barrier barrier_id(%barrier3A)
    %scan3A = arith.constant 0 : i32
    %scan3A_9 = arith.constant 0 : i32
    %scan3A_10 = arith.constant 10 : i32
    %scan3A_11 = arith.addi %scan3A_9, %scan3A_10 : i32
    %scan3A_12 = arith.constant 1 : i32
    scf.for %scan3A_19 = %scan3A_9 to %scan3A_11 step %scan3A_12  : i32 {
      %mul3A_20 = arith.constant 8 : i32
      %mul3A_21 = arith.muli %scan3A_19, %mul3A_20 : i32
      %add3A_22 = arith.constant 0 : i32
      %add3A_23 = arith.addi %mul3A_21, %add3A_22 : i32
      %dma_start3A = arith.constant 0 : i32
      %dma_start3A_24 = arith.constant 0 : i32
      %dma_start3A_25 = arith.constant 0 : i32
      %dma_start3A_26 = tpu.memref_slice %arg9[%dma_start3A, %dma_start3A_24, %dma_start3A_25] : memref<8x128x32xf32, #tpu.memory_space<vmem>> -> memref<1x128x32xf32, #tpu.memory_space<vmem>>
      %dma_start3A_27 = tpu.memref_squeeze %dma_start3A_26 : memref<1x128x32xf32, #tpu.memory_space<vmem>> -> memref<128x32xf32, #tpu.memory_space<vmem>>
      %dma_start3A_28 = arith.constant 0 : i32
      %dma_start3A_29 = tpu.memref_slice %arg7[%add3A_23, %dma_start3A_28] : memref<80x128xi32, #tpu.memory_space<vmem>> -> memref<1x128xi32, #tpu.memory_space<vmem>>
      %dma_start3A_30 = tpu.memref_squeeze %dma_start3A_29 : memref<1x128xi32, #tpu.memory_space<vmem>> -> memref<128xi32, #tpu.memory_space<vmem>>
      %dma_start3A_31 = arith.constant 0 : i32
      %dma_start3A_32 = arith.constant 0 : i32
      %dma_start3A_33 = tpu.memref_slice %arg2[%dma_start3A_31, %dma_start3A_32] : memref<10000x32xf32, #tpu.memory_space<hbm>> -> memref<10000x32xf32, #tpu.memory_space<hbm>>
      tpu.enqueue_indirect_dma source(%dma_start3A_33 : memref<10000x32xf32, #tpu.memory_space<hbm>>) target(%dma_start3A_27 : memref<128x32xf32, #tpu.memory_space<vmem>>) offsets(%dma_start3A_30 : memref<128xi32, #tpu.memory_space<vmem>>) semaphore(%arg11 : memref<!tpu.dma_semaphore, #tpu.memory_space<semaphore_mem>>)
      %add3A_34 = arith.constant 1 : i32
      %add3A_35 = arith.addi %mul3A_21, %add3A_34 : i32
      %dma_start3A_36 = arith.constant 1 : i32
      %dma_start3A_37 = arith.constant 0 : i32
      %dma_start3A_38 = arith.constant 0 : i32
      %dma_start3A_39 = tpu.memref_slice %arg9[%dma_start3A_36, %dma_start3A_37, %dma_start3A_38] : memref<8x128x32xf32, #tpu.memory_space<vmem>> -> memref<1x128x32xf32, #tpu.memory_space<vmem>>
      %dma_start3A_40 = tpu.memref_squeeze %dma_start3A_39 : memref<1x128x32xf32, #tpu.memory_space<vmem>> -> memref<128x32xf32, #tpu.memory_space<vmem>>
      %dma_start3A_41 = arith.constant 0 : i32
      %dma_start3A_42 = tpu.memref_slice %arg7[%add3A_35, %dma_start3A_41] : memref<80x128xi32, #tpu.memory_space<vmem>> -> memref<1x128xi32, #tpu.memory_space<vmem>>
      %dma_start3A_43 = tpu.memref_squeeze %dma_start3A_42 : memref<1x128xi32, #tpu.memory_space<vmem>> -> memref<128xi32, #tpu.memory_space<vmem>>
      %dma_start3A_44 = arith.constant 0 : i32
      %dma_start3A_45 = arith.constant 0 : i32
      %dma_start3A_46 = tpu.memref_slice %arg2[%dma_start3A_44, %dma_start3A_45] : memref<10000x32xf32, #tpu.memory_space<hbm>> -> memref<10000x32xf32, #tpu.memory_space<hbm>>
      tpu.enqueue_indirect_dma source(%dma_start3A_46 : memref<10000x32xf32, #tpu.memory_space<hbm>>) target(%dma_start3A_40 : memref<128x32xf32, #tpu.memory_space<vmem>>) offsets(%dma_start3A_43 : memref<128xi32, #tpu.memory_space<vmem>>) semaphore(%arg11 : memref<!tpu.dma_semaphore, #tpu.memory_space<semaphore_mem>>)
      %add3A_47 = arith.constant 2 : i32
      %add3A_48 = arith.addi %mul3A_21, %add3A_47 : i32
      %dma_start3A_49 = arith.constant 2 : i32
      %dma_start3A_50 = arith.constant 0 : i32
      %dma_start3A_51 = arith.constant 0 : i32
      %dma_start3A_52 = tpu.memref_slice %arg9[%dma_start3A_49, %dma_start3A_50, %dma_start3A_51] : memref<8x128x32xf32, #tpu.memory_space<vmem>> -> memref<1x128x32xf32, #tpu.memory_space<vmem>>
      %dma_start3A_53 = tpu.memref_squeeze %dma_start3A_52 : memref<1x128x32xf32, #tpu.memory_space<vmem>> -> memref<128x32xf32, #tpu.memory_space<vmem>>
      %dma_start3A_54 = arith.constant 0 : i32
      %dma_start3A_55 = tpu.memref_slice %arg7[%add3A_48, %dma_start3A_54] : memref<80x128xi32, #tpu.memory_space<vmem>> -> memref<1x128xi32, #tpu.memory_space<vmem>>
      %dma_start3A_56 = tpu.memref_squeeze %dma_start3A_55 : memref<1x128xi32, #tpu.memory_space<vmem>> -> memref<128xi32, #tpu.memory_space<vmem>>
      %dma_start3A_57 = arith.constant 0 : i32
      %dma_start3A_58 = arith.constant 0 : i32
      %dma_start3A_59 = tpu.memref_slice %arg2[%dma_start3A_57, %dma_start3A_58] : memref<10000x32xf32, #tpu.memory_space<hbm>> -> memref<10000x32xf32, #tpu.memory_space<hbm>>
      tpu.enqueue_indirect_dma source(%dma_start3A_59 : memref<10000x32xf32, #tpu.memory_space<hbm>>) target(%dma_start3A_53 : memref<128x32xf32, #tpu.memory_space<vmem>>) offsets(%dma_start3A_56 : memref<128xi32, #tpu.memory_space<vmem>>) semaphore(%arg11 : memref<!tpu.dma_semaphore, #tpu.memory_space<semaphore_mem>>)
      %add3A_60 = arith.constant 3 : i32
      %add3A_61 = arith.addi %mul3A_21, %add3A_60 : i32
      %dma_start3A_62 = arith.constant 3 : i32
      %dma_start3A_63 = arith.constant 0 : i32
      %dma_start3A_64 = arith.constant 0 : i32
      %dma_start3A_65 = tpu.memref_slice %arg9[%dma_start3A_62, %dma_start3A_63, %dma_start3A_64] : memref<8x128x32xf32, #tpu.memory_space<vmem>> -> memref<1x128x32xf32, #tpu.memory_space<vmem>>
      %dma_start3A_66 = tpu.memref_squeeze %dma_start3A_65 : memref<1x128x32xf32, #tpu.memory_space<vmem>> -> memref<128x32xf32, #tpu.memory_space<vmem>>
      %dma_start3A_67 = arith.constant 0 : i32
      %dma_start3A_68 = tpu.memref_slice %arg7[%add3A_61, %dma_start3A_67] : memref<80x128xi32, #tpu.memory_space<vmem>> -> memref<1x128xi32, #tpu.memory_space<vmem>>
      %dma_start3A_69 = tpu.memref_squeeze %dma_start3A_68 : memref<1x128xi32, #tpu.memory_space<vmem>> -> memref<128xi32, #tpu.memory_space<vmem>>
      %dma_start3A_70 = arith.constant 0 : i32
      %dma_start3A_71 = arith.constant 0 : i32
      %dma_start3A_72 = tpu.memref_slice %arg2[%dma_start3A_70, %dma_start3A_71] : memref<10000x32xf32, #tpu.memory_space<hbm>> -> memref<10000x32xf32, #tpu.memory_space<hbm>>
      tpu.enqueue_indirect_dma source(%dma_start3A_72 : memref<10000x32xf32, #tpu.memory_space<hbm>>) target(%dma_start3A_66 : memref<128x32xf32, #tpu.memory_space<vmem>>) offsets(%dma_start3A_69 : memref<128xi32, #tpu.memory_space<vmem>>) semaphore(%arg11 : memref<!tpu.dma_semaphore, #tpu.memory_space<semaphore_mem>>)
      %add3A_73 = arith.constant 4 : i32
      %add3A_74 = arith.addi %mul3A_21, %add3A_73 : i32
      %dma_start3A_75 = arith.constant 4 : i32
      %dma_start3A_76 = arith.constant 0 : i32
      %dma_start3A_77 = arith.constant 0 : i32
      %dma_start3A_78 = tpu.memref_slice %arg9[%dma_start3A_75, %dma_start3A_76, %dma_start3A_77] : memref<8x128x32xf32, #tpu.memory_space<vmem>> -> memref<1x128x32xf32, #tpu.memory_space<vmem>>
      %dma_start3A_79 = tpu.memref_squeeze %dma_start3A_78 : memref<1x128x32xf32, #tpu.memory_space<vmem>> -> memref<128x32xf32, #tpu.memory_space<vmem>>
      %dma_start3A_80 = arith.constant 0 : i32
      %dma_start3A_81 = tpu.memref_slice %arg7[%add3A_74, %dma_start3A_80] : memref<80x128xi32, #tpu.memory_space<vmem>> -> memref<1x128xi32, #tpu.memory_space<vmem>>
      %dma_start3A_82 = tpu.memref_squeeze %dma_start3A_81 : memref<1x128xi32, #tpu.memory_space<vmem>> -> memref<128xi32, #tpu.memory_space<vmem>>
      %dma_start3A_83 = arith.constant 0 : i32
      %dma_start3A_84 = arith.constant 0 : i32
      %dma_start3A_85 = tpu.memref_slice %arg2[%dma_start3A_83, %dma_start3A_84] : memref<10000x32xf32, #tpu.memory_space<hbm>> -> memref<10000x32xf32, #tpu.memory_space<hbm>>
      tpu.enqueue_indirect_dma source(%dma_start3A_85 : memref<10000x32xf32, #tpu.memory_space<hbm>>) target(%dma_start3A_79 : memref<128x32xf32, #tpu.memory_space<vmem>>) offsets(%dma_start3A_82 : memref<128xi32, #tpu.memory_space<vmem>>) semaphore(%arg11 : memref<!tpu.dma_semaphore, #tpu.memory_space<semaphore_mem>>)
      %add3A_86 = arith.constant 5 : i32
      %add3A_87 = arith.addi %mul3A_21, %add3A_86 : i32
      %dma_start3A_88 = arith.constant 5 : i32
      %dma_start3A_89 = arith.constant 0 : i32
      %dma_start3A_90 = arith.constant 0 : i32
      %dma_start3A_91 = tpu.memref_slice %arg9[%dma_start3A_88, %dma_start3A_89, %dma_start3A_90] : memref<8x128x32xf32, #tpu.memory_space<vmem>> -> memref<1x128x32xf32, #tpu.memory_space<vmem>>
      %dma_start3A_92 = tpu.memref_squeeze %dma_start3A_91 : memref<1x128x32xf32, #tpu.memory_space<vmem>> -> memref<128x32xf32, #tpu.memory_space<vmem>>
      %dma_start3A_93 = arith.constant 0 : i32
      %dma_start3A_94 = tpu.memref_slice %arg7[%add3A_87, %dma_start3A_93] : memref<80x128xi32, #tpu.memory_space<vmem>> -> memref<1x128xi32, #tpu.memory_space<vmem>>
      %dma_start3A_95 = tpu.memref_squeeze %dma_start3A_94 : memref<1x128xi32, #tpu.memory_space<vmem>> -> memref<128xi32, #tpu.memory_space<vmem>>
      %dma_start3A_96 = arith.constant 0 : i32
      %dma_start3A_97 = arith.constant 0 : i32
      %dma_start3A_98 = tpu.memref_slice %arg2[%dma_start3A_96, %dma_start3A_97] : memref<10000x32xf32, #tpu.memory_space<hbm>> -> memref<10000x32xf32, #tpu.memory_space<hbm>>
      tpu.enqueue_indirect_dma source(%dma_start3A_98 : memref<10000x32xf32, #tpu.memory_space<hbm>>) target(%dma_start3A_92 : memref<128x32xf32, #tpu.memory_space<vmem>>) offsets(%dma_start3A_95 : memref<128xi32, #tpu.memory_space<vmem>>) semaphore(%arg11 : memref<!tpu.dma_semaphore, #tpu.memory_space<semaphore_mem>>)
      %add3A_99 = arith.constant 6 : i32
      %add3A_100 = arith.addi %mul3A_21, %add3A_99 : i32
      %dma_start3A_101 = arith.constant 6 : i32
      %dma_start3A_102 = arith.constant 0 : i32
      %dma_start3A_103 = arith.constant 0 : i32
      %dma_start3A_104 = tpu.memref_slice %arg9[%dma_start3A_101, %dma_start3A_102, %dma_start3A_103] : memref<8x128x32xf32, #tpu.memory_space<vmem>> -> memref<1x128x32xf32, #tpu.memory_space<vmem>>
      %dma_start3A_105 = tpu.memref_squeeze %dma_start3A_104 : memref<1x128x32xf32, #tpu.memory_space<vmem>> -> memref<128x32xf32, #tpu.memory_space<vmem>>
      %dma_start3A_106 = arith.constant 0 : i32
      %dma_start3A_107 = tpu.memref_slice %arg7[%add3A_100, %dma_start3A_106] : memref<80x128xi32, #tpu.memory_space<vmem>> -> memref<1x128xi32, #tpu.memory_space<vmem>>
      %dma_start3A_108 = tpu.memref_squeeze %dma_start3A_107 : memref<1x128xi32, #tpu.memory_space<vmem>> -> memref<128xi32, #tpu.memory_space<vmem>>
      %dma_start3A_109 = arith.constant 0 : i32
      %dma_start3A_110 = arith.constant 0 : i32
      %dma_start3A_111 = tpu.memref_slice %arg2[%dma_start3A_109, %dma_start3A_110] : memref<10000x32xf32, #tpu.memory_space<hbm>> -> memref<10000x32xf32, #tpu.memory_space<hbm>>
      tpu.enqueue_indirect_dma source(%dma_start3A_111 : memref<10000x32xf32, #tpu.memory_space<hbm>>) target(%dma_start3A_105 : memref<128x32xf32, #tpu.memory_space<vmem>>) offsets(%dma_start3A_108 : memref<128xi32, #tpu.memory_space<vmem>>) semaphore(%arg11 : memref<!tpu.dma_semaphore, #tpu.memory_space<semaphore_mem>>)
      %add3A_112 = arith.constant 7 : i32
      %add3A_113 = arith.addi %mul3A_21, %add3A_112 : i32
      %dma_start3A_114 = arith.constant 7 : i32
      %dma_start3A_115 = arith.constant 0 : i32
      %dma_start3A_116 = arith.constant 0 : i32
      %dma_start3A_117 = tpu.memref_slice %arg9[%dma_start3A_114, %dma_start3A_115, %dma_start3A_116] : memref<8x128x32xf32, #tpu.memory_space<vmem>> -> memref<1x128x32xf32, #tpu.memory_space<vmem>>
      %dma_start3A_118 = tpu.memref_squeeze %dma_start3A_117 : memref<1x128x32xf32, #tpu.memory_space<vmem>> -> memref<128x32xf32, #tpu.memory_space<vmem>>
      %dma_start3A_119 = arith.constant 0 : i32
      %dma_start3A_120 = tpu.memref_slice %arg7[%add3A_113, %dma_start3A_119] : memref<80x128xi32, #tpu.memory_space<vmem>> -> memref<1x128xi32, #tpu.memory_space<vmem>>
      %dma_start3A_121 = tpu.memref_squeeze %dma_start3A_120 : memref<1x128xi32, #tpu.memory_space<vmem>> -> memref<128xi32, #tpu.memory_space<vmem>>
      %dma_start3A_122 = arith.constant 0 : i32
      %dma_start3A_123 = arith.constant 0 : i32
      %dma_start3A_124 = tpu.memref_slice %arg2[%dma_start3A_122, %dma_start3A_123] : memref<10000x32xf32, #tpu.memory_space<hbm>> -> memref<10000x32xf32, #tpu.memory_space<hbm>>
      tpu.enqueue_indirect_dma source(%dma_start3A_124 : memref<10000x32xf32, #tpu.memory_space<hbm>>) target(%dma_start3A_118 : memref<128x32xf32, #tpu.memory_space<vmem>>) offsets(%dma_start3A_121 : memref<128xi32, #tpu.memory_space<vmem>>) semaphore(%arg11 : memref<!tpu.dma_semaphore, #tpu.memory_space<semaphore_mem>>)
      %dma_wait3A = arith.constant 0 : i32
      %dma_wait3A_125 = arith.constant 0 : i32
      %dma_wait3A_126 = arith.constant 0 : i32
      %dma_wait3A_127 = tpu.memref_slice %arg9[%dma_wait3A, %dma_wait3A_125, %dma_wait3A_126] : memref<8x128x32xf32, #tpu.memory_space<vmem>> -> memref<1x128x32xf32, #tpu.memory_space<vmem>>
      %dma_wait3A_128 = tpu.memref_squeeze %dma_wait3A_127 : memref<1x128x32xf32, #tpu.memory_space<vmem>> -> memref<128x32xf32, #tpu.memory_space<vmem>>
      %dma_wait3A_129 = arith.constant 0 : i32
      %dma_wait3A_130 = tpu.memref_slice %arg7[%add3A_23, %dma_wait3A_129] : memref<80x128xi32, #tpu.memory_space<vmem>> -> memref<1x128xi32, #tpu.memory_space<vmem>>
      %dma_wait3A_131 = tpu.memref_squeeze %dma_wait3A_130 : memref<1x128xi32, #tpu.memory_space<vmem>> -> memref<128xi32, #tpu.memory_space<vmem>>
      %dma_wait3A_132 = arith.constant 0 : i32
      %dma_wait3A_133 = arith.constant 0 : i32
      %dma_wait3A_134 = tpu.memref_slice %arg2[%dma_wait3A_132, %dma_wait3A_133] : memref<10000x32xf32, #tpu.memory_space<hbm>> -> memref<10000x32xf32, #tpu.memory_space<hbm>>
      tpu.wait_indirect_dma semaphore(%arg11 : memref<!tpu.dma_semaphore, #tpu.memory_space<semaphore_mem>>) src(%dma_wait3A_134 : memref<10000x32xf32, #tpu.memory_space<hbm>>) dst(%dma_wait3A_128 : memref<128x32xf32, #tpu.memory_space<vmem>>)
      %dma_wait3A_135 = arith.constant 1 : i32
      %dma_wait3A_136 = arith.constant 0 : i32
      %dma_wait3A_137 = arith.constant 0 : i32
      %dma_wait3A_138 = tpu.memref_slice %arg9[%dma_wait3A_135, %dma_wait3A_136, %dma_wait3A_137] : memref<8x128x32xf32, #tpu.memory_space<vmem>> -> memref<1x128x32xf32, #tpu.memory_space<vmem>>
      %dma_wait3A_139 = tpu.memref_squeeze %dma_wait3A_138 : memref<1x128x32xf32, #tpu.memory_space<vmem>> -> memref<128x32xf32, #tpu.memory_space<vmem>>
      %dma_wait3A_140 = arith.constant 0 : i32
      %dma_wait3A_141 = tpu.memref_slice %arg7[%add3A_35, %dma_wait3A_140] : memref<80x128xi32, #tpu.memory_space<vmem>> -> memref<1x128xi32, #tpu.memory_space<vmem>>
      %dma_wait3A_142 = tpu.memref_squeeze %dma_wait3A_141 : memref<1x128xi32, #tpu.memory_space<vmem>> -> memref<128xi32, #tpu.memory_space<vmem>>
      %dma_wait3A_143 = arith.constant 0 : i32
      %dma_wait3A_144 = arith.constant 0 : i32
      %dma_wait3A_145 = tpu.memref_slice %arg2[%dma_wait3A_143, %dma_wait3A_144] : memref<10000x32xf32, #tpu.memory_space<hbm>> -> memref<10000x32xf32, #tpu.memory_space<hbm>>
      tpu.wait_indirect_dma semaphore(%arg11 : memref<!tpu.dma_semaphore, #tpu.memory_space<semaphore_mem>>) src(%dma_wait3A_145 : memref<10000x32xf32, #tpu.memory_space<hbm>>) dst(%dma_wait3A_139 : memref<128x32xf32, #tpu.memory_space<vmem>>)
      %dma_wait3A_146 = arith.constant 2 : i32
      %dma_wait3A_147 = arith.constant 0 : i32
      %dma_wait3A_148 = arith.constant 0 : i32
      %dma_wait3A_149 = tpu.memref_slice %arg9[%dma_wait3A_146, %dma_wait3A_147, %dma_wait3A_148] : memref<8x128x32xf32, #tpu.memory_space<vmem>> -> memref<1x128x32xf32, #tpu.memory_space<vmem>>
      %dma_wait3A_150 = tpu.memref_squeeze %dma_wait3A_149 : memref<1x128x32xf32, #tpu.memory_space<vmem>> -> memref<128x32xf32, #tpu.memory_space<vmem>>
      %dma_wait3A_151 = arith.constant 0 : i32
      %dma_wait3A_152 = tpu.memref_slice %arg7[%add3A_48, %dma_wait3A_151] : memref<80x128xi32, #tpu.memory_space<vmem>> -> memref<1x128xi32, #tpu.memory_space<vmem>>
      %dma_wait3A_153 = tpu.memref_squeeze %dma_wait3A_152 : memref<1x128xi32, #tpu.memory_space<vmem>> -> memref<128xi32, #tpu.memory_space<vmem>>
      %dma_wait3A_154 = arith.constant 0 : i32
      %dma_wait3A_155 = arith.constant 0 : i32
      %dma_wait3A_156 = tpu.memref_slice %arg2[%dma_wait3A_154, %dma_wait3A_155] : memref<10000x32xf32, #tpu.memory_space<hbm>> -> memref<10000x32xf32, #tpu.memory_space<hbm>>
      tpu.wait_indirect_dma semaphore(%arg11 : memref<!tpu.dma_semaphore, #tpu.memory_space<semaphore_mem>>) src(%dma_wait3A_156 : memref<10000x32xf32, #tpu.memory_space<hbm>>) dst(%dma_wait3A_150 : memref<128x32xf32, #tpu.memory_space<vmem>>)
      %dma_wait3A_157 = arith.constant 3 : i32
      %dma_wait3A_158 = arith.constant 0 : i32
      %dma_wait3A_159 = arith.constant 0 : i32
      %dma_wait3A_160 = tpu.memref_slice %arg9[%dma_wait3A_157, %dma_wait3A_158, %dma_wait3A_159] : memref<8x128x32xf32, #tpu.memory_space<vmem>> -> memref<1x128x32xf32, #tpu.memory_space<vmem>>
      %dma_wait3A_161 = tpu.memref_squeeze %dma_wait3A_160 : memref<1x128x32xf32, #tpu.memory_space<vmem>> -> memref<128x32xf32, #tpu.memory_space<vmem>>
      %dma_wait3A_162 = arith.constant 0 : i32
      %dma_wait3A_163 = tpu.memref_slice %arg7[%add3A_61, %dma_wait3A_162] : memref<80x128xi32, #tpu.memory_space<vmem>> -> memref<1x128xi32, #tpu.memory_space<vmem>>
      %dma_wait3A_164 = tpu.memref_squeeze %dma_wait3A_163 : memref<1x128xi32, #tpu.memory_space<vmem>> -> memref<128xi32, #tpu.memory_space<vmem>>
      %dma_wait3A_165 = arith.constant 0 : i32
      %dma_wait3A_166 = arith.constant 0 : i32
      %dma_wait3A_167 = tpu.memref_slice %arg2[%dma_wait3A_165, %dma_wait3A_166] : memref<10000x32xf32, #tpu.memory_space<hbm>> -> memref<10000x32xf32, #tpu.memory_space<hbm>>
      tpu.wait_indirect_dma semaphore(%arg11 : memref<!tpu.dma_semaphore, #tpu.memory_space<semaphore_mem>>) src(%dma_wait3A_167 : memref<10000x32xf32, #tpu.memory_space<hbm>>) dst(%dma_wait3A_161 : memref<128x32xf32, #tpu.memory_space<vmem>>)
      %dma_wait3A_168 = arith.constant 4 : i32
      %dma_wait3A_169 = arith.constant 0 : i32
      %dma_wait3A_170 = arith.constant 0 : i32
      %dma_wait3A_171 = tpu.memref_slice %arg9[%dma_wait3A_168, %dma_wait3A_169, %dma_wait3A_170] : memref<8x128x32xf32, #tpu.memory_space<vmem>> -> memref<1x128x32xf32, #tpu.memory_space<vmem>>
      %dma_wait3A_172 = tpu.memref_squeeze %dma_wait3A_171 : memref<1x128x32xf32, #tpu.memory_space<vmem>> -> memref<128x32xf32, #tpu.memory_space<vmem>>
      %dma_wait3A_173 = arith.constant 0 : i32
      %dma_wait3A_174 = tpu.memref_slice %arg7[%add3A_74, %dma_wait3A_173] : memref<80x128xi32, #tpu.memory_space<vmem>> -> memref<1x128xi32, #tpu.memory_space<vmem>>
      %dma_wait3A_175 = tpu.memref_squeeze %dma_wait3A_174 : memref<1x128xi32, #tpu.memory_space<vmem>> -> memref<128xi32, #tpu.memory_space<vmem>>
      %dma_wait3A_176 = arith.constant 0 : i32
      %dma_wait3A_177 = arith.constant 0 : i32
      %dma_wait3A_178 = tpu.memref_slice %arg2[%dma_wait3A_176, %dma_wait3A_177] : memref<10000x32xf32, #tpu.memory_space<hbm>> -> memref<10000x32xf32, #tpu.memory_space<hbm>>
      tpu.wait_indirect_dma semaphore(%arg11 : memref<!tpu.dma_semaphore, #tpu.memory_space<semaphore_mem>>) src(%dma_wait3A_178 : memref<10000x32xf32, #tpu.memory_space<hbm>>) dst(%dma_wait3A_172 : memref<128x32xf32, #tpu.memory_space<vmem>>)
      %dma_wait3A_179 = arith.constant 5 : i32
      %dma_wait3A_180 = arith.constant 0 : i32
      %dma_wait3A_181 = arith.constant 0 : i32
      %dma_wait3A_182 = tpu.memref_slice %arg9[%dma_wait3A_179, %dma_wait3A_180, %dma_wait3A_181] : memref<8x128x32xf32, #tpu.memory_space<vmem>> -> memref<1x128x32xf32, #tpu.memory_space<vmem>>
      %dma_wait3A_183 = tpu.memref_squeeze %dma_wait3A_182 : memref<1x128x32xf32, #tpu.memory_space<vmem>> -> memref<128x32xf32, #tpu.memory_space<vmem>>
      %dma_wait3A_184 = arith.constant 0 : i32
      %dma_wait3A_185 = tpu.memref_slice %arg7[%add3A_87, %dma_wait3A_184] : memref<80x128xi32, #tpu.memory_space<vmem>> -> memref<1x128xi32, #tpu.memory_space<vmem>>
      %dma_wait3A_186 = tpu.memref_squeeze %dma_wait3A_185 : memref<1x128xi32, #tpu.memory_space<vmem>> -> memref<128xi32, #tpu.memory_space<vmem>>
      %dma_wait3A_187 = arith.constant 0 : i32
      %dma_wait3A_188 = arith.constant 0 : i32
      %dma_wait3A_189 = tpu.memref_slice %arg2[%dma_wait3A_187, %dma_wait3A_188] : memref<10000x32xf32, #tpu.memory_space<hbm>> -> memref<10000x32xf32, #tpu.memory_space<hbm>>
      tpu.wait_indirect_dma semaphore(%arg11 : memref<!tpu.dma_semaphore, #tpu.memory_space<semaphore_mem>>) src(%dma_wait3A_189 : memref<10000x32xf32, #tpu.memory_space<hbm>>) dst(%dma_wait3A_183 : memref<128x32xf32, #tpu.memory_space<vmem>>)
      %dma_wait3A_190 = arith.constant 6 : i32
      %dma_wait3A_191 = arith.constant 0 : i32
      %dma_wait3A_192 = arith.constant 0 : i32
      %dma_wait3A_193 = tpu.memref_slice %arg9[%dma_wait3A_190, %dma_wait3A_191, %dma_wait3A_192] : memref<8x128x32xf32, #tpu.memory_space<vmem>> -> memref<1x128x32xf32, #tpu.memory_space<vmem>>
      %dma_wait3A_194 = tpu.memref_squeeze %dma_wait3A_193 : memref<1x128x32xf32, #tpu.memory_space<vmem>> -> memref<128x32xf32, #tpu.memory_space<vmem>>
      %dma_wait3A_195 = arith.constant 0 : i32
      %dma_wait3A_196 = tpu.memref_slice %arg7[%add3A_100, %dma_wait3A_195] : memref<80x128xi32, #tpu.memory_space<vmem>> -> memref<1x128xi32, #tpu.memory_space<vmem>>
      %dma_wait3A_197 = tpu.memref_squeeze %dma_wait3A_196 : memref<1x128xi32, #tpu.memory_space<vmem>> -> memref<128xi32, #tpu.memory_space<vmem>>
      %dma_wait3A_198 = arith.constant 0 : i32
      %dma_wait3A_199 = arith.constant 0 : i32
      %dma_wait3A_200 = tpu.memref_slice %arg2[%dma_wait3A_198, %dma_wait3A_199] : memref<10000x32xf32, #tpu.memory_space<hbm>> -> memref<10000x32xf32, #tpu.memory_space<hbm>>
      tpu.wait_indirect_dma semaphore(%arg11 : memref<!tpu.dma_semaphore, #tpu.memory_space<semaphore_mem>>) src(%dma_wait3A_200 : memref<10000x32xf32, #tpu.memory_space<hbm>>) dst(%dma_wait3A_194 : memref<128x32xf32, #tpu.memory_space<vmem>>)
      %dma_wait3A_201 = arith.constant 7 : i32
      %dma_wait3A_202 = arith.constant 0 : i32
      %dma_wait3A_203 = arith.constant 0 : i32
      %dma_wait3A_204 = tpu.memref_slice %arg9[%dma_wait3A_201, %dma_wait3A_202, %dma_wait3A_203] : memref<8x128x32xf32, #tpu.memory_space<vmem>> -> memref<1x128x32xf32, #tpu.memory_space<vmem>>
      %dma_wait3A_205 = tpu.memref_squeeze %dma_wait3A_204 : memref<1x128x32xf32, #tpu.memory_space<vmem>> -> memref<128x32xf32, #tpu.memory_space<vmem>>
      %dma_wait3A_206 = arith.constant 0 : i32
      %dma_wait3A_207 = tpu.memref_slice %arg7[%add3A_113, %dma_wait3A_206] : memref<80x128xi32, #tpu.memory_space<vmem>> -> memref<1x128xi32, #tpu.memory_space<vmem>>
      %dma_wait3A_208 = tpu.memref_squeeze %dma_wait3A_207 : memref<1x128xi32, #tpu.memory_space<vmem>> -> memref<128xi32, #tpu.memory_space<vmem>>
      %dma_wait3A_209 = arith.constant 0 : i32
      %dma_wait3A_210 = arith.constant 0 : i32
      %dma_wait3A_211 = tpu.memref_slice %arg2[%dma_wait3A_209, %dma_wait3A_210] : memref<10000x32xf32, #tpu.memory_space<hbm>> -> memref<10000x32xf32, #tpu.memory_space<hbm>>
      tpu.wait_indirect_dma semaphore(%arg11 : memref<!tpu.dma_semaphore, #tpu.memory_space<semaphore_mem>>) src(%dma_wait3A_211 : memref<10000x32xf32, #tpu.memory_space<hbm>>) dst(%dma_wait3A_205 : memref<128x32xf32, #tpu.memory_space<vmem>>)
      %add3A_212 = arith.constant 0 : i32
      %add3A_213 = arith.addi %mul3A_21, %add3A_212 : i32
      %dma_start3A_214 = arith.constant 0 : i32
      %dma_start3A_215 = arith.constant 0 : i32
      %dma_start3A_216 = arith.constant 0 : i32
      %dma_start3A_217 = tpu.memref_slice %arg9[%dma_start3A_214, %dma_start3A_215, %dma_start3A_216] : memref<8x128x32xf32, #tpu.memory_space<vmem>> -> memref<1x128x32xf32, #tpu.memory_space<vmem>>
      %dma_start3A_218 = tpu.memref_squeeze %dma_start3A_217 : memref<1x128x32xf32, #tpu.memory_space<vmem>> -> memref<128x32xf32, #tpu.memory_space<vmem>>
      %dma_start3A_219 = arith.constant 0 : i32
      %dma_start3A_220 = tpu.memref_slice %arg8[%add3A_213, %dma_start3A_219] : memref<80x128xi32, #tpu.memory_space<vmem>> -> memref<1x128xi32, #tpu.memory_space<vmem>>
      %dma_start3A_221 = tpu.memref_squeeze %dma_start3A_220 : memref<1x128xi32, #tpu.memory_space<vmem>> -> memref<128xi32, #tpu.memory_space<vmem>>
      %dma_start3A_222 = arith.constant 0 : i32
      %dma_start3A_223 = arith.constant 0 : i32
      %dma_start3A_224 = tpu.memref_slice %arg10[%dma_start3A_222, %dma_start3A_223] : memref<10112x32xf32, #tpu.memory_space<vmem_shared>> -> memref<10112x32xf32, #tpu.memory_space<vmem_shared>>
      tpu.enqueue_indirect_dma source(%dma_start3A_218 : memref<128x32xf32, #tpu.memory_space<vmem>>) target(%dma_start3A_224 : memref<10112x32xf32, #tpu.memory_space<vmem_shared>>) offsets(%dma_start3A_221 : memref<128xi32, #tpu.memory_space<vmem>>) semaphore(%arg12 : memref<!tpu.dma_semaphore, #tpu.memory_space<semaphore_mem>>) {add = true}
      %add3A_225 = arith.constant 1 : i32
      %add3A_226 = arith.addi %mul3A_21, %add3A_225 : i32
      %dma_start3A_227 = arith.constant 1 : i32
      %dma_start3A_228 = arith.constant 0 : i32
      %dma_start3A_229 = arith.constant 0 : i32
      %dma_start3A_230 = tpu.memref_slice %arg9[%dma_start3A_227, %dma_start3A_228, %dma_start3A_229] : memref<8x128x32xf32, #tpu.memory_space<vmem>> -> memref<1x128x32xf32, #tpu.memory_space<vmem>>
      %dma_start3A_231 = tpu.memref_squeeze %dma_start3A_230 : memref<1x128x32xf32, #tpu.memory_space<vmem>> -> memref<128x32xf32, #tpu.memory_space<vmem>>
      %dma_start3A_232 = arith.constant 0 : i32
      %dma_start3A_233 = tpu.memref_slice %arg8[%add3A_226, %dma_start3A_232] : memref<80x128xi32, #tpu.memory_space<vmem>> -> memref<1x128xi32, #tpu.memory_space<vmem>>
      %dma_start3A_234 = tpu.memref_squeeze %dma_start3A_233 : memref<1x128xi32, #tpu.memory_space<vmem>> -> memref<128xi32, #tpu.memory_space<vmem>>
      %dma_start3A_235 = arith.constant 0 : i32
      %dma_start3A_236 = arith.constant 0 : i32
      %dma_start3A_237 = tpu.memref_slice %arg10[%dma_start3A_235, %dma_start3A_236] : memref<10112x32xf32, #tpu.memory_space<vmem_shared>> -> memref<10112x32xf32, #tpu.memory_space<vmem_shared>>
      tpu.enqueue_indirect_dma source(%dma_start3A_231 : memref<128x32xf32, #tpu.memory_space<vmem>>) target(%dma_start3A_237 : memref<10112x32xf32, #tpu.memory_space<vmem_shared>>) offsets(%dma_start3A_234 : memref<128xi32, #tpu.memory_space<vmem>>) semaphore(%arg12 : memref<!tpu.dma_semaphore, #tpu.memory_space<semaphore_mem>>) {add = true}
      %add3A_238 = arith.constant 2 : i32
      %add3A_239 = arith.addi %mul3A_21, %add3A_238 : i32
      %dma_start3A_240 = arith.constant 2 : i32
      %dma_start3A_241 = arith.constant 0 : i32
      %dma_start3A_242 = arith.constant 0 : i32
      %dma_start3A_243 = tpu.memref_slice %arg9[%dma_start3A_240, %dma_start3A_241, %dma_start3A_242] : memref<8x128x32xf32, #tpu.memory_space<vmem>> -> memref<1x128x32xf32, #tpu.memory_space<vmem>>
      %dma_start3A_244 = tpu.memref_squeeze %dma_start3A_243 : memref<1x128x32xf32, #tpu.memory_space<vmem>> -> memref<128x32xf32, #tpu.memory_space<vmem>>
      %dma_start3A_245 = arith.constant 0 : i32
      %dma_start3A_246 = tpu.memref_slice %arg8[%add3A_239, %dma_start3A_245] : memref<80x128xi32, #tpu.memory_space<vmem>> -> memref<1x128xi32, #tpu.memory_space<vmem>>
      %dma_start3A_247 = tpu.memref_squeeze %dma_start3A_246 : memref<1x128xi32, #tpu.memory_space<vmem>> -> memref<128xi32, #tpu.memory_space<vmem>>
      %dma_start3A_248 = arith.constant 0 : i32
      %dma_start3A_249 = arith.constant 0 : i32
      %dma_start3A_250 = tpu.memref_slice %arg10[%dma_start3A_248, %dma_start3A_249] : memref<10112x32xf32, #tpu.memory_space<vmem_shared>> -> memref<10112x32xf32, #tpu.memory_space<vmem_shared>>
      tpu.enqueue_indirect_dma source(%dma_start3A_244 : memref<128x32xf32, #tpu.memory_space<vmem>>) target(%dma_start3A_250 : memref<10112x32xf32, #tpu.memory_space<vmem_shared>>) offsets(%dma_start3A_247 : memref<128xi32, #tpu.memory_space<vmem>>) semaphore(%arg12 : memref<!tpu.dma_semaphore, #tpu.memory_space<semaphore_mem>>) {add = true}
      %add3A_251 = arith.constant 3 : i32
      %add3A_252 = arith.addi %mul3A_21, %add3A_251 : i32
      %dma_start3A_253 = arith.constant 3 : i32
      %dma_start3A_254 = arith.constant 0 : i32
      %dma_start3A_255 = arith.constant 0 : i32
      %dma_start3A_256 = tpu.memref_slice %arg9[%dma_start3A_253, %dma_start3A_254, %dma_start3A_255] : memref<8x128x32xf32, #tpu.memory_space<vmem>> -> memref<1x128x32xf32, #tpu.memory_space<vmem>>
      %dma_start3A_257 = tpu.memref_squeeze %dma_start3A_256 : memref<1x128x32xf32, #tpu.memory_space<vmem>> -> memref<128x32xf32, #tpu.memory_space<vmem>>
      %dma_start3A_258 = arith.constant 0 : i32
      %dma_start3A_259 = tpu.memref_slice %arg8[%add3A_252, %dma_start3A_258] : memref<80x128xi32, #tpu.memory_space<vmem>> -> memref<1x128xi32, #tpu.memory_space<vmem>>
      %dma_start3A_260 = tpu.memref_squeeze %dma_start3A_259 : memref<1x128xi32, #tpu.memory_space<vmem>> -> memref<128xi32, #tpu.memory_space<vmem>>
      %dma_start3A_261 = arith.constant 0 : i32
      %dma_start3A_262 = arith.constant 0 : i32
      %dma_start3A_263 = tpu.memref_slice %arg10[%dma_start3A_261, %dma_start3A_262] : memref<10112x32xf32, #tpu.memory_space<vmem_shared>> -> memref<10112x32xf32, #tpu.memory_space<vmem_shared>>
      tpu.enqueue_indirect_dma source(%dma_start3A_257 : memref<128x32xf32, #tpu.memory_space<vmem>>) target(%dma_start3A_263 : memref<10112x32xf32, #tpu.memory_space<vmem_shared>>) offsets(%dma_start3A_260 : memref<128xi32, #tpu.memory_space<vmem>>) semaphore(%arg12 : memref<!tpu.dma_semaphore, #tpu.memory_space<semaphore_mem>>) {add = true}
      %add3A_264 = arith.constant 4 : i32
      %add3A_265 = arith.addi %mul3A_21, %add3A_264 : i32
      %dma_start3A_266 = arith.constant 4 : i32
      %dma_start3A_267 = arith.constant 0 : i32
      %dma_start3A_268 = arith.constant 0 : i32
      %dma_start3A_269 = tpu.memref_slice %arg9[%dma_start3A_266, %dma_start3A_267, %dma_start3A_268] : memref<8x128x32xf32, #tpu.memory_space<vmem>> -> memref<1x128x32xf32, #tpu.memory_space<vmem>>
      %dma_start3A_270 = tpu.memref_squeeze %dma_start3A_269 : memref<1x128x32xf32, #tpu.memory_space<vmem>> -> memref<128x32xf32, #tpu.memory_space<vmem>>
      %dma_start3A_271 = arith.constant 0 : i32
      %dma_start3A_272 = tpu.memref_slice %arg8[%add3A_265, %dma_start3A_271] : memref<80x128xi32, #tpu.memory_space<vmem>> -> memref<1x128xi32, #tpu.memory_space<vmem>>
      %dma_start3A_273 = tpu.memref_squeeze %dma_start3A_272 : memref<1x128xi32, #tpu.memory_space<vmem>> -> memref<128xi32, #tpu.memory_space<vmem>>
      %dma_start3A_274 = arith.constant 0 : i32
      %dma_start3A_275 = arith.constant 0 : i32
      %dma_start3A_276 = tpu.memref_slice %arg10[%dma_start3A_274, %dma_start3A_275] : memref<10112x32xf32, #tpu.memory_space<vmem_shared>> -> memref<10112x32xf32, #tpu.memory_space<vmem_shared>>
      tpu.enqueue_indirect_dma source(%dma_start3A_270 : memref<128x32xf32, #tpu.memory_space<vmem>>) target(%dma_start3A_276 : memref<10112x32xf32, #tpu.memory_space<vmem_shared>>) offsets(%dma_start3A_273 : memref<128xi32, #tpu.memory_space<vmem>>) semaphore(%arg12 : memref<!tpu.dma_semaphore, #tpu.memory_space<semaphore_mem>>) {add = true}
      %add3A_277 = arith.constant 5 : i32
      %add3A_278 = arith.addi %mul3A_21, %add3A_277 : i32
      %dma_start3A_279 = arith.constant 5 : i32
      %dma_start3A_280 = arith.constant 0 : i32
      %dma_start3A_281 = arith.constant 0 : i32
      %dma_start3A_282 = tpu.memref_slice %arg9[%dma_start3A_279, %dma_start3A_280, %dma_start3A_281] : memref<8x128x32xf32, #tpu.memory_space<vmem>> -> memref<1x128x32xf32, #tpu.memory_space<vmem>>
      %dma_start3A_283 = tpu.memref_squeeze %dma_start3A_282 : memref<1x128x32xf32, #tpu.memory_space<vmem>> -> memref<128x32xf32, #tpu.memory_space<vmem>>
      %dma_start3A_284 = arith.constant 0 : i32
      %dma_start3A_285 = tpu.memref_slice %arg8[%add3A_278, %dma_start3A_284] : memref<80x128xi32, #tpu.memory_space<vmem>> -> memref<1x128xi32, #tpu.memory_space<vmem>>
      %dma_start3A_286 = tpu.memref_squeeze %dma_start3A_285 : memref<1x128xi32, #tpu.memory_space<vmem>> -> memref<128xi32, #tpu.memory_space<vmem>>
      %dma_start3A_287 = arith.constant 0 : i32
      %dma_start3A_288 = arith.constant 0 : i32
      %dma_start3A_289 = tpu.memref_slice %arg10[%dma_start3A_287, %dma_start3A_288] : memref<10112x32xf32, #tpu.memory_space<vmem_shared>> -> memref<10112x32xf32, #tpu.memory_space<vmem_shared>>
      tpu.enqueue_indirect_dma source(%dma_start3A_283 : memref<128x32xf32, #tpu.memory_space<vmem>>) target(%dma_start3A_289 : memref<10112x32xf32, #tpu.memory_space<vmem_shared>>) offsets(%dma_start3A_286 : memref<128xi32, #tpu.memory_space<vmem>>) semaphore(%arg12 : memref<!tpu.dma_semaphore, #tpu.memory_space<semaphore_mem>>) {add = true}
      %add3A_290 = arith.constant 6 : i32
      %add3A_291 = arith.addi %mul3A_21, %add3A_290 : i32
      %dma_start3A_292 = arith.constant 6 : i32
      %dma_start3A_293 = arith.constant 0 : i32
      %dma_start3A_294 = arith.constant 0 : i32
      %dma_start3A_295 = tpu.memref_slice %arg9[%dma_start3A_292, %dma_start3A_293, %dma_start3A_294] : memref<8x128x32xf32, #tpu.memory_space<vmem>> -> memref<1x128x32xf32, #tpu.memory_space<vmem>>
      %dma_start3A_296 = tpu.memref_squeeze %dma_start3A_295 : memref<1x128x32xf32, #tpu.memory_space<vmem>> -> memref<128x32xf32, #tpu.memory_space<vmem>>
      %dma_start3A_297 = arith.constant 0 : i32
      %dma_start3A_298 = tpu.memref_slice %arg8[%add3A_291, %dma_start3A_297] : memref<80x128xi32, #tpu.memory_space<vmem>> -> memref<1x128xi32, #tpu.memory_space<vmem>>
      %dma_start3A_299 = tpu.memref_squeeze %dma_start3A_298 : memref<1x128xi32, #tpu.memory_space<vmem>> -> memref<128xi32, #tpu.memory_space<vmem>>
      %dma_start3A_300 = arith.constant 0 : i32
      %dma_start3A_301 = arith.constant 0 : i32
      %dma_start3A_302 = tpu.memref_slice %arg10[%dma_start3A_300, %dma_start3A_301] : memref<10112x32xf32, #tpu.memory_space<vmem_shared>> -> memref<10112x32xf32, #tpu.memory_space<vmem_shared>>
      tpu.enqueue_indirect_dma source(%dma_start3A_296 : memref<128x32xf32, #tpu.memory_space<vmem>>) target(%dma_start3A_302 : memref<10112x32xf32, #tpu.memory_space<vmem_shared>>) offsets(%dma_start3A_299 : memref<128xi32, #tpu.memory_space<vmem>>) semaphore(%arg12 : memref<!tpu.dma_semaphore, #tpu.memory_space<semaphore_mem>>) {add = true}
      %add3A_303 = arith.constant 7 : i32
      %add3A_304 = arith.addi %mul3A_21, %add3A_303 : i32
      %dma_start3A_305 = arith.constant 7 : i32
      %dma_start3A_306 = arith.constant 0 : i32
      %dma_start3A_307 = arith.constant 0 : i32
      %dma_start3A_308 = tpu.memref_slice %arg9[%dma_start3A_305, %dma_start3A_306, %dma_start3A_307] : memref<8x128x32xf32, #tpu.memory_space<vmem>> -> memref<1x128x32xf32, #tpu.memory_space<vmem>>
      %dma_start3A_309 = tpu.memref_squeeze %dma_start3A_308 : memref<1x128x32xf32, #tpu.memory_space<vmem>> -> memref<128x32xf32, #tpu.memory_space<vmem>>
      %dma_start3A_310 = arith.constant 0 : i32
      %dma_start3A_311 = tpu.memref_slice %arg8[%add3A_304, %dma_start3A_310] : memref<80x128xi32, #tpu.memory_space<vmem>> -> memref<1x128xi32, #tpu.memory_space<vmem>>
      %dma_start3A_312 = tpu.memref_squeeze %dma_start3A_311 : memref<1x128xi32, #tpu.memory_space<vmem>> -> memref<128xi32, #tpu.memory_space<vmem>>
      %dma_start3A_313 = arith.constant 0 : i32
      %dma_start3A_314 = arith.constant 0 : i32
      %dma_start3A_315 = tpu.memref_slice %arg10[%dma_start3A_313, %dma_start3A_314] : memref<10112x32xf32, #tpu.memory_space<vmem_shared>> -> memref<10112x32xf32, #tpu.memory_space<vmem_shared>>
      tpu.enqueue_indirect_dma source(%dma_start3A_309 : memref<128x32xf32, #tpu.memory_space<vmem>>) target(%dma_start3A_315 : memref<10112x32xf32, #tpu.memory_space<vmem_shared>>) offsets(%dma_start3A_312 : memref<128xi32, #tpu.memory_space<vmem>>) semaphore(%arg12 : memref<!tpu.dma_semaphore, #tpu.memory_space<semaphore_mem>>) {add = true}
      %dma_wait3A_316 = arith.constant 0 : i32
      %dma_wait3A_317 = arith.constant 0 : i32
      %dma_wait3A_318 = arith.constant 0 : i32
      %dma_wait3A_319 = tpu.memref_slice %arg9[%dma_wait3A_316, %dma_wait3A_317, %dma_wait3A_318] : memref<8x128x32xf32, #tpu.memory_space<vmem>> -> memref<1x128x32xf32, #tpu.memory_space<vmem>>
      %dma_wait3A_320 = tpu.memref_squeeze %dma_wait3A_319 : memref<1x128x32xf32, #tpu.memory_space<vmem>> -> memref<128x32xf32, #tpu.memory_space<vmem>>
      %dma_wait3A_321 = arith.constant 0 : i32
      %dma_wait3A_322 = tpu.memref_slice %arg8[%add3A_213, %dma_wait3A_321] : memref<80x128xi32, #tpu.memory_space<vmem>> -> memref<1x128xi32, #tpu.memory_space<vmem>>
      %dma_wait3A_323 = tpu.memref_squeeze %dma_wait3A_322 : memref<1x128xi32, #tpu.memory_space<vmem>> -> memref<128xi32, #tpu.memory_space<vmem>>
      %dma_wait3A_324 = arith.constant 0 : i32
      %dma_wait3A_325 = arith.constant 0 : i32
      %dma_wait3A_326 = tpu.memref_slice %arg10[%dma_wait3A_324, %dma_wait3A_325] : memref<10112x32xf32, #tpu.memory_space<vmem_shared>> -> memref<10112x32xf32, #tpu.memory_space<vmem_shared>>
      tpu.wait_indirect_dma semaphore(%arg12 : memref<!tpu.dma_semaphore, #tpu.memory_space<semaphore_mem>>) src(%dma_wait3A_320 : memref<128x32xf32, #tpu.memory_space<vmem>>) dst(%dma_wait3A_326 : memref<10112x32xf32, #tpu.memory_space<vmem_shared>>)
      %dma_wait3A_327 = arith.constant 1 : i32
      %dma_wait3A_328 = arith.constant 0 : i32
      %dma_wait3A_329 = arith.constant 0 : i32
      %dma_wait3A_330 = tpu.memref_slice %arg9[%dma_wait3A_327, %dma_wait3A_328, %dma_wait3A_329] : memref<8x128x32xf32, #tpu.memory_space<vmem>> -> memref<1x128x32xf32, #tpu.memory_space<vmem>>
      %dma_wait3A_331 = tpu.memref_squeeze %dma_wait3A_330 : memref<1x128x32xf32, #tpu.memory_space<vmem>> -> memref<128x32xf32, #tpu.memory_space<vmem>>
      %dma_wait3A_332 = arith.constant 0 : i32
      %dma_wait3A_333 = tpu.memref_slice %arg8[%add3A_226, %dma_wait3A_332] : memref<80x128xi32, #tpu.memory_space<vmem>> -> memref<1x128xi32, #tpu.memory_space<vmem>>
      %dma_wait3A_334 = tpu.memref_squeeze %dma_wait3A_333 : memref<1x128xi32, #tpu.memory_space<vmem>> -> memref<128xi32, #tpu.memory_space<vmem>>
      %dma_wait3A_335 = arith.constant 0 : i32
      %dma_wait3A_336 = arith.constant 0 : i32
      %dma_wait3A_337 = tpu.memref_slice %arg10[%dma_wait3A_335, %dma_wait3A_336] : memref<10112x32xf32, #tpu.memory_space<vmem_shared>> -> memref<10112x32xf32, #tpu.memory_space<vmem_shared>>
      tpu.wait_indirect_dma semaphore(%arg12 : memref<!tpu.dma_semaphore, #tpu.memory_space<semaphore_mem>>) src(%dma_wait3A_331 : memref<128x32xf32, #tpu.memory_space<vmem>>) dst(%dma_wait3A_337 : memref<10112x32xf32, #tpu.memory_space<vmem_shared>>)
      %dma_wait3A_338 = arith.constant 2 : i32
      %dma_wait3A_339 = arith.constant 0 : i32
      %dma_wait3A_340 = arith.constant 0 : i32
      %dma_wait3A_341 = tpu.memref_slice %arg9[%dma_wait3A_338, %dma_wait3A_339, %dma_wait3A_340] : memref<8x128x32xf32, #tpu.memory_space<vmem>> -> memref<1x128x32xf32, #tpu.memory_space<vmem>>
      %dma_wait3A_342 = tpu.memref_squeeze %dma_wait3A_341 : memref<1x128x32xf32, #tpu.memory_space<vmem>> -> memref<128x32xf32, #tpu.memory_space<vmem>>
      %dma_wait3A_343 = arith.constant 0 : i32
      %dma_wait3A_344 = tpu.memref_slice %arg8[%add3A_239, %dma_wait3A_343] : memref<80x128xi32, #tpu.memory_space<vmem>> -> memref<1x128xi32, #tpu.memory_space<vmem>>
      %dma_wait3A_345 = tpu.memref_squeeze %dma_wait3A_344 : memref<1x128xi32, #tpu.memory_space<vmem>> -> memref<128xi32, #tpu.memory_space<vmem>>
      %dma_wait3A_346 = arith.constant 0 : i32
      %dma_wait3A_347 = arith.constant 0 : i32
      %dma_wait3A_348 = tpu.memref_slice %arg10[%dma_wait3A_346, %dma_wait3A_347] : memref<10112x32xf32, #tpu.memory_space<vmem_shared>> -> memref<10112x32xf32, #tpu.memory_space<vmem_shared>>
      tpu.wait_indirect_dma semaphore(%arg12 : memref<!tpu.dma_semaphore, #tpu.memory_space<semaphore_mem>>) src(%dma_wait3A_342 : memref<128x32xf32, #tpu.memory_space<vmem>>) dst(%dma_wait3A_348 : memref<10112x32xf32, #tpu.memory_space<vmem_shared>>)
      %dma_wait3A_349 = arith.constant 3 : i32
      %dma_wait3A_350 = arith.constant 0 : i32
      %dma_wait3A_351 = arith.constant 0 : i32
      %dma_wait3A_352 = tpu.memref_slice %arg9[%dma_wait3A_349, %dma_wait3A_350, %dma_wait3A_351] : memref<8x128x32xf32, #tpu.memory_space<vmem>> -> memref<1x128x32xf32, #tpu.memory_space<vmem>>
      %dma_wait3A_353 = tpu.memref_squeeze %dma_wait3A_352 : memref<1x128x32xf32, #tpu.memory_space<vmem>> -> memref<128x32xf32, #tpu.memory_space<vmem>>
      %dma_wait3A_354 = arith.constant 0 : i32
      %dma_wait3A_355 = tpu.memref_slice %arg8[%add3A_252, %dma_wait3A_354] : memref<80x128xi32, #tpu.memory_space<vmem>> -> memref<1x128xi32, #tpu.memory_space<vmem>>
      %dma_wait3A_356 = tpu.memref_squeeze %dma_wait3A_355 : memref<1x128xi32, #tpu.memory_space<vmem>> -> memref<128xi32, #tpu.memory_space<vmem>>
      %dma_wait3A_357 = arith.constant 0 : i32
      %dma_wait3A_358 = arith.constant 0 : i32
      %dma_wait3A_359 = tpu.memref_slice %arg10[%dma_wait3A_357, %dma_wait3A_358] : memref<10112x32xf32, #tpu.memory_space<vmem_shared>> -> memref<10112x32xf32, #tpu.memory_space<vmem_shared>>
      tpu.wait_indirect_dma semaphore(%arg12 : memref<!tpu.dma_semaphore, #tpu.memory_space<semaphore_mem>>) src(%dma_wait3A_353 : memref<128x32xf32, #tpu.memory_space<vmem>>) dst(%dma_wait3A_359 : memref<10112x32xf32, #tpu.memory_space<vmem_shared>>)
      %dma_wait3A_360 = arith.constant 4 : i32
      %dma_wait3A_361 = arith.constant 0 : i32
      %dma_wait3A_362 = arith.constant 0 : i32
      %dma_wait3A_363 = tpu.memref_slice %arg9[%dma_wait3A_360, %dma_wait3A_361, %dma_wait3A_362] : memref<8x128x32xf32, #tpu.memory_space<vmem>> -> memref<1x128x32xf32, #tpu.memory_space<vmem>>
      %dma_wait3A_364 = tpu.memref_squeeze %dma_wait3A_363 : memref<1x128x32xf32, #tpu.memory_space<vmem>> -> memref<128x32xf32, #tpu.memory_space<vmem>>
      %dma_wait3A_365 = arith.constant 0 : i32
      %dma_wait3A_366 = tpu.memref_slice %arg8[%add3A_265, %dma_wait3A_365] : memref<80x128xi32, #tpu.memory_space<vmem>> -> memref<1x128xi32, #tpu.memory_space<vmem>>
      %dma_wait3A_367 = tpu.memref_squeeze %dma_wait3A_366 : memref<1x128xi32, #tpu.memory_space<vmem>> -> memref<128xi32, #tpu.memory_space<vmem>>
      %dma_wait3A_368 = arith.constant 0 : i32
      %dma_wait3A_369 = arith.constant 0 : i32
      %dma_wait3A_370 = tpu.memref_slice %arg10[%dma_wait3A_368, %dma_wait3A_369] : memref<10112x32xf32, #tpu.memory_space<vmem_shared>> -> memref<10112x32xf32, #tpu.memory_space<vmem_shared>>
      tpu.wait_indirect_dma semaphore(%arg12 : memref<!tpu.dma_semaphore, #tpu.memory_space<semaphore_mem>>) src(%dma_wait3A_364 : memref<128x32xf32, #tpu.memory_space<vmem>>) dst(%dma_wait3A_370 : memref<10112x32xf32, #tpu.memory_space<vmem_shared>>)
      %dma_wait3A_371 = arith.constant 5 : i32
      %dma_wait3A_372 = arith.constant 0 : i32
      %dma_wait3A_373 = arith.constant 0 : i32
      %dma_wait3A_374 = tpu.memref_slice %arg9[%dma_wait3A_371, %dma_wait3A_372, %dma_wait3A_373] : memref<8x128x32xf32, #tpu.memory_space<vmem>> -> memref<1x128x32xf32, #tpu.memory_space<vmem>>
      %dma_wait3A_375 = tpu.memref_squeeze %dma_wait3A_374 : memref<1x128x32xf32, #tpu.memory_space<vmem>> -> memref<128x32xf32, #tpu.memory_space<vmem>>
      %dma_wait3A_376 = arith.constant 0 : i32
      %dma_wait3A_377 = tpu.memref_slice %arg8[%add3A_278, %dma_wait3A_376] : memref<80x128xi32, #tpu.memory_space<vmem>> -> memref<1x128xi32, #tpu.memory_space<vmem>>
      %dma_wait3A_378 = tpu.memref_squeeze %dma_wait3A_377 : memref<1x128xi32, #tpu.memory_space<vmem>> -> memref<128xi32, #tpu.memory_space<vmem>>
      %dma_wait3A_379 = arith.constant 0 : i32
      %dma_wait3A_380 = arith.constant 0 : i32
      %dma_wait3A_381 = tpu.memref_slice %arg10[%dma_wait3A_379, %dma_wait3A_380] : memref<10112x32xf32, #tpu.memory_space<vmem_shared>> -> memref<10112x32xf32, #tpu.memory_space<vmem_shared>>
      tpu.wait_indirect_dma semaphore(%arg12 : memref<!tpu.dma_semaphore, #tpu.memory_space<semaphore_mem>>) src(%dma_wait3A_375 : memref<128x32xf32, #tpu.memory_space<vmem>>) dst(%dma_wait3A_381 : memref<10112x32xf32, #tpu.memory_space<vmem_shared>>)
      %dma_wait3A_382 = arith.constant 6 : i32
      %dma_wait3A_383 = arith.constant 0 : i32
      %dma_wait3A_384 = arith.constant 0 : i32
      %dma_wait3A_385 = tpu.memref_slice %arg9[%dma_wait3A_382, %dma_wait3A_383, %dma_wait3A_384] : memref<8x128x32xf32, #tpu.memory_space<vmem>> -> memref<1x128x32xf32, #tpu.memory_space<vmem>>
      %dma_wait3A_386 = tpu.memref_squeeze %dma_wait3A_385 : memref<1x128x32xf32, #tpu.memory_space<vmem>> -> memref<128x32xf32, #tpu.memory_space<vmem>>
      %dma_wait3A_387 = arith.constant 0 : i32
      %dma_wait3A_388 = tpu.memref_slice %arg8[%add3A_291, %dma_wait3A_387] : memref<80x128xi32, #tpu.memory_space<vmem>> -> memref<1x128xi32, #tpu.memory_space<vmem>>
      %dma_wait3A_389 = tpu.memref_squeeze %dma_wait3A_388 : memref<1x128xi32, #tpu.memory_space<vmem>> -> memref<128xi32, #tpu.memory_space<vmem>>
      %dma_wait3A_390 = arith.constant 0 : i32
      %dma_wait3A_391 = arith.constant 0 : i32
      %dma_wait3A_392 = tpu.memref_slice %arg10[%dma_wait3A_390, %dma_wait3A_391] : memref<10112x32xf32, #tpu.memory_space<vmem_shared>> -> memref<10112x32xf32, #tpu.memory_space<vmem_shared>>
      tpu.wait_indirect_dma semaphore(%arg12 : memref<!tpu.dma_semaphore, #tpu.memory_space<semaphore_mem>>) src(%dma_wait3A_386 : memref<128x32xf32, #tpu.memory_space<vmem>>) dst(%dma_wait3A_392 : memref<10112x32xf32, #tpu.memory_space<vmem_shared>>)
      %dma_wait3A_393 = arith.constant 7 : i32
      %dma_wait3A_394 = arith.constant 0 : i32
      %dma_wait3A_395 = arith.constant 0 : i32
      %dma_wait3A_396 = tpu.memref_slice %arg9[%dma_wait3A_393, %dma_wait3A_394, %dma_wait3A_395] : memref<8x128x32xf32, #tpu.memory_space<vmem>> -> memref<1x128x32xf32, #tpu.memory_space<vmem>>
      %dma_wait3A_397 = tpu.memref_squeeze %dma_wait3A_396 : memref<1x128x32xf32, #tpu.memory_space<vmem>> -> memref<128x32xf32, #tpu.memory_space<vmem>>
      %dma_wait3A_398 = arith.constant 0 : i32
      %dma_wait3A_399 = tpu.memref_slice %arg8[%add3A_304, %dma_wait3A_398] : memref<80x128xi32, #tpu.memory_space<vmem>> -> memref<1x128xi32, #tpu.memory_space<vmem>>
      %dma_wait3A_400 = tpu.memref_squeeze %dma_wait3A_399 : memref<1x128xi32, #tpu.memory_space<vmem>> -> memref<128xi32, #tpu.memory_space<vmem>>
      %dma_wait3A_401 = arith.constant 0 : i32
      %dma_wait3A_402 = arith.constant 0 : i32
      %dma_wait3A_403 = tpu.memref_slice %arg10[%dma_wait3A_401, %dma_wait3A_402] : memref<10112x32xf32, #tpu.memory_space<vmem_shared>> -> memref<10112x32xf32, #tpu.memory_space<vmem_shared>>
      tpu.wait_indirect_dma semaphore(%arg12 : memref<!tpu.dma_semaphore, #tpu.memory_space<semaphore_mem>>) src(%dma_wait3A_397 : memref<128x32xf32, #tpu.memory_space<vmem>>) dst(%dma_wait3A_403 : memref<10112x32xf32, #tpu.memory_space<vmem_shared>>)
    }
    %scan3A_13 = arith.constant 10 : i32
    %barrier3A_14 = arith.constant 0 : index
    tpu.barrier barrier_id(%barrier3A_14)
    %mul3A_15 = arith.constant 632 : i32
    %mul3A_16 = arith.muli %arg1, %mul3A_15 : i32
    %mul3A_17 = arith.constant 632 : i32
    %mul3A_18 = arith.muli %arg1, %mul3A_17 : i32
    "tpu.region"() ({
      %run_scoped3A = tpu.sem_alloc : memref<!tpu.dma_semaphore, #tpu.memory_space<semaphore_mem>>
      %dma_start3A = arith.constant 0 : i32
      %dma_start3A_19 = tpu.memref_slice %arg6[%arg0, %mul3A_18, %dma_start3A] : memref<2x10112x32xf32, #tpu.memory_space<hbm>> -> memref<1x632x32xf32, #tpu.memory_space<hbm>>
      %dma_start3A_20 = tpu.memref_squeeze %dma_start3A_19 : memref<1x632x32xf32, #tpu.memory_space<hbm>> -> memref<632x32xf32, #tpu.memory_space<hbm>>
      %dma_start3A_21 = arith.constant 0 : i32
      %dma_start3A_22 = tpu.memref_slice %arg10[%mul3A_16, %dma_start3A_21] : memref<10112x32xf32, #tpu.memory_space<vmem_shared>> -> memref<632x32xf32, #tpu.memory_space<vmem_shared>>
      tpu.enqueue_dma source(%dma_start3A_22 : memref<632x32xf32, #tpu.memory_space<vmem_shared>>) target(%dma_start3A_20 : memref<632x32xf32, #tpu.memory_space<hbm>>) target_semaphore(%run_scoped3A : memref<!tpu.dma_semaphore, #tpu.memory_space<semaphore_mem>>)
      %dma_wait3A = arith.constant 0 : i32
      %dma_wait3A_23 = tpu.memref_slice %arg6[%arg0, %mul3A_18, %dma_wait3A] : memref<2x10112x32xf32, #tpu.memory_space<hbm>> -> memref<1x632x32xf32, #tpu.memory_space<hbm>>
      %dma_wait3A_24 = tpu.memref_squeeze %dma_wait3A_23 : memref<1x632x32xf32, #tpu.memory_space<hbm>> -> memref<632x32xf32, #tpu.memory_space<hbm>>
      %dma_wait3A_25 = arith.constant 0 : i32
      %dma_wait3A_26 = tpu.memref_slice %arg10[%mul3A_16, %dma_wait3A_25] : memref<10112x32xf32, #tpu.memory_space<vmem_shared>> -> memref<632x32xf32, #tpu.memory_space<vmem_shared>>
      tpu.wait_dma2 semaphore(%run_scoped3A : memref<!tpu.dma_semaphore, #tpu.memory_space<semaphore_mem>>) src(%dma_wait3A_26 : memref<632x32xf32, #tpu.memory_space<vmem_shared>>) dst(%dma_wait3A_24 : memref<632x32xf32, #tpu.memory_space<hbm>>)
      tpu.yield
    }) : () -> ()
    return
  }
}

#map = affine_map<(d0, d1) -> (0, 0)>
#map1 = affine_map<(d0, d1) -> (0, 0, 0)>
module attributes {stable_mosaic.version = 14 : i64} {
  func.func @_deg_body(%arg0: i32, %arg1: i32, %arg2: memref<2560x128xi32, #tpu.memory_space<hbm>>, %arg3: memref<128x8xf32, #tpu.memory_space<hbm>>, %arg4: memref<10112x8xf32, #tpu.memory_space<hbm>>, %arg5: memref<2x10112x8xf32, #tpu.memory_space<hbm>>, %arg6: memref<80x128xi32, #tpu.memory_space<vmem>>, %arg7: memref<128x8xf32, #tpu.memory_space<vmem>>, %arg8: memref<10112x8xf32, #tpu.memory_space<vmem_shared>>, %arg9: memref<!tpu.dma_semaphore, #tpu.memory_space<semaphore_mem>>) attributes {dimension_semantics = [#tpu.dimension_semantics<core_parallel>, #tpu.dimension_semantics<subcore_parallel>], iteration_bounds = array<i64: 2, 16>, scalar_prefetch = 0 : i64, scratch_operands = 4 : i64, tpu.core_type = #tpu.core_type<sc_vector_subcore>, window_params = [{transform_indices = #map}, {transform_indices = #map}, {transform_indices = #map}, {transform_indices = #map1}]} {
    %mul3A = arith.constant 2 : i32
    %mul3A_0 = arith.muli %arg1, %mul3A : i32
    %add3A = arith.addi %mul3A_0, %arg0 : i32
    %mul3A_1 = arith.constant 80 : i32
    %mul3A_2 = arith.muli %add3A, %mul3A_1 : i32
    %mul3A_3 = arith.constant 632 : i32
    %mul3A_4 = arith.muli %arg1, %mul3A_3 : i32
    %mul3A_5 = arith.constant 632 : i32
    %mul3A_6 = arith.muli %arg1, %mul3A_5 : i32
    "tpu.region"() ({
      %run_scoped3A = tpu.sem_alloc : memref<!tpu.dma_semaphore, #tpu.memory_space<semaphore_mem>>
      %dma_start3A = arith.constant 0 : i32
      %dma_start3A_17 = tpu.memref_slice %arg8[%mul3A_6, %dma_start3A] : memref<10112x8xf32, #tpu.memory_space<vmem_shared>> -> memref<632x8xf32, #tpu.memory_space<vmem_shared>>
      %dma_start3A_18 = arith.constant 0 : i32
      %dma_start3A_19 = tpu.memref_slice %arg4[%mul3A_4, %dma_start3A_18] : memref<10112x8xf32, #tpu.memory_space<hbm>> -> memref<632x8xf32, #tpu.memory_space<hbm>>
      tpu.enqueue_dma source(%dma_start3A_19 : memref<632x8xf32, #tpu.memory_space<hbm>>) target(%dma_start3A_17 : memref<632x8xf32, #tpu.memory_space<vmem_shared>>) target_semaphore(%run_scoped3A : memref<!tpu.dma_semaphore, #tpu.memory_space<semaphore_mem>>)
      %dma_wait3A = arith.constant 0 : i32
      %dma_wait3A_20 = tpu.memref_slice %arg8[%mul3A_6, %dma_wait3A] : memref<10112x8xf32, #tpu.memory_space<vmem_shared>> -> memref<632x8xf32, #tpu.memory_space<vmem_shared>>
      %dma_wait3A_21 = arith.constant 0 : i32
      %dma_wait3A_22 = tpu.memref_slice %arg4[%mul3A_4, %dma_wait3A_21] : memref<10112x8xf32, #tpu.memory_space<hbm>> -> memref<632x8xf32, #tpu.memory_space<hbm>>
      tpu.wait_dma2 semaphore(%run_scoped3A : memref<!tpu.dma_semaphore, #tpu.memory_space<semaphore_mem>>) src(%dma_wait3A_22 : memref<632x8xf32, #tpu.memory_space<hbm>>) dst(%dma_wait3A_20 : memref<632x8xf32, #tpu.memory_space<vmem_shared>>)
      tpu.yield
    }) : () -> ()
    "tpu.region"() ({
      %run_scoped3A = tpu.sem_alloc : memref<!tpu.dma_semaphore, #tpu.memory_space<semaphore_mem>>
      tpu.enqueue_dma source(%arg3 : memref<128x8xf32, #tpu.memory_space<hbm>>) target(%arg7 : memref<128x8xf32, #tpu.memory_space<vmem>>) target_semaphore(%run_scoped3A : memref<!tpu.dma_semaphore, #tpu.memory_space<semaphore_mem>>)
      tpu.wait_dma2 semaphore(%run_scoped3A : memref<!tpu.dma_semaphore, #tpu.memory_space<semaphore_mem>>) src(%arg3 : memref<128x8xf32, #tpu.memory_space<hbm>>) dst(%arg7 : memref<128x8xf32, #tpu.memory_space<vmem>>)
      tpu.yield
    }) : () -> ()
    "tpu.region"() ({
      %run_scoped3A = tpu.sem_alloc : memref<!tpu.dma_semaphore, #tpu.memory_space<semaphore_mem>>
      %dma_start3A = arith.constant 0 : i32
      %dma_start3A_17 = tpu.memref_slice %arg2[%mul3A_2, %dma_start3A] : memref<2560x128xi32, #tpu.memory_space<hbm>> -> memref<80x128xi32, #tpu.memory_space<hbm>>
      %dma_start3A_18 = arith.constant 0 : i32
      %dma_start3A_19 = tpu.memref_slice %arg2[%mul3A_2, %dma_start3A_18] : memref<2560x128xi32, #tpu.memory_space<hbm>> -> memref<80x128xi32, #tpu.memory_space<hbm>>
      tpu.enqueue_dma source(%dma_start3A_19 : memref<80x128xi32, #tpu.memory_space<hbm>>) target(%arg6 : memref<80x128xi32, #tpu.memory_space<vmem>>) target_semaphore(%run_scoped3A : memref<!tpu.dma_semaphore, #tpu.memory_space<semaphore_mem>>)
      %dma_wait3A = arith.constant 0 : i32
      %dma_wait3A_20 = tpu.memref_slice %arg2[%mul3A_2, %dma_wait3A] : memref<2560x128xi32, #tpu.memory_space<hbm>> -> memref<80x128xi32, #tpu.memory_space<hbm>>
      %dma_wait3A_21 = arith.constant 0 : i32
      %dma_wait3A_22 = tpu.memref_slice %arg2[%mul3A_2, %dma_wait3A_21] : memref<2560x128xi32, #tpu.memory_space<hbm>> -> memref<80x128xi32, #tpu.memory_space<hbm>>
      tpu.wait_dma2 semaphore(%run_scoped3A : memref<!tpu.dma_semaphore, #tpu.memory_space<semaphore_mem>>) src(%dma_wait3A_22 : memref<80x128xi32, #tpu.memory_space<hbm>>) dst(%arg6 : memref<80x128xi32, #tpu.memory_space<vmem>>)
      tpu.yield
    }) : () -> ()
    %barrier3A = arith.constant 0 : index
    tpu.barrier barrier_id(%barrier3A)
    %scan3A = arith.constant 0 : i32
    %scan3A_7 = arith.constant 0 : i32
    %scan3A_8 = arith.constant 10 : i32
    %scan3A_9 = arith.addi %scan3A_7, %scan3A_8 : i32
    %scan3A_10 = arith.constant 1 : i32
    scf.for %scan3A_17 = %scan3A_7 to %scan3A_9 step %scan3A_10  : i32 {
      %mul3A_18 = arith.constant 8 : i32
      %mul3A_19 = arith.muli %scan3A_17, %mul3A_18 : i32
      %add3A_20 = arith.constant 0 : i32
      %add3A_21 = arith.addi %mul3A_19, %add3A_20 : i32
      %dma_start3A = arith.constant 0 : i32
      %dma_start3A_22 = tpu.memref_slice %arg6[%add3A_21, %dma_start3A] : memref<80x128xi32, #tpu.memory_space<vmem>> -> memref<1x128xi32, #tpu.memory_space<vmem>>
      %dma_start3A_23 = tpu.memref_squeeze %dma_start3A_22 : memref<1x128xi32, #tpu.memory_space<vmem>> -> memref<128xi32, #tpu.memory_space<vmem>>
      %dma_start3A_24 = arith.constant 0 : i32
      %dma_start3A_25 = arith.constant 0 : i32
      %dma_start3A_26 = tpu.memref_slice %arg8[%dma_start3A_24, %dma_start3A_25] : memref<10112x8xf32, #tpu.memory_space<vmem_shared>> -> memref<10112x8xf32, #tpu.memory_space<vmem_shared>>
      tpu.enqueue_indirect_dma source(%arg7 : memref<128x8xf32, #tpu.memory_space<vmem>>) target(%dma_start3A_26 : memref<10112x8xf32, #tpu.memory_space<vmem_shared>>) offsets(%dma_start3A_23 : memref<128xi32, #tpu.memory_space<vmem>>) semaphore(%arg9 : memref<!tpu.dma_semaphore, #tpu.memory_space<semaphore_mem>>) {add = true}
      %mul3A_27 = arith.constant 8 : i32
      %mul3A_28 = arith.muli %scan3A_17, %mul3A_27 : i32
      %add3A_29 = arith.constant 1 : i32
      %add3A_30 = arith.addi %mul3A_28, %add3A_29 : i32
      %dma_start3A_31 = arith.constant 0 : i32
      %dma_start3A_32 = tpu.memref_slice %arg6[%add3A_30, %dma_start3A_31] : memref<80x128xi32, #tpu.memory_space<vmem>> -> memref<1x128xi32, #tpu.memory_space<vmem>>
      %dma_start3A_33 = tpu.memref_squeeze %dma_start3A_32 : memref<1x128xi32, #tpu.memory_space<vmem>> -> memref<128xi32, #tpu.memory_space<vmem>>
      %dma_start3A_34 = arith.constant 0 : i32
      %dma_start3A_35 = arith.constant 0 : i32
      %dma_start3A_36 = tpu.memref_slice %arg8[%dma_start3A_34, %dma_start3A_35] : memref<10112x8xf32, #tpu.memory_space<vmem_shared>> -> memref<10112x8xf32, #tpu.memory_space<vmem_shared>>
      tpu.enqueue_indirect_dma source(%arg7 : memref<128x8xf32, #tpu.memory_space<vmem>>) target(%dma_start3A_36 : memref<10112x8xf32, #tpu.memory_space<vmem_shared>>) offsets(%dma_start3A_33 : memref<128xi32, #tpu.memory_space<vmem>>) semaphore(%arg9 : memref<!tpu.dma_semaphore, #tpu.memory_space<semaphore_mem>>) {add = true}
      %mul3A_37 = arith.constant 8 : i32
      %mul3A_38 = arith.muli %scan3A_17, %mul3A_37 : i32
      %add3A_39 = arith.constant 2 : i32
      %add3A_40 = arith.addi %mul3A_38, %add3A_39 : i32
      %dma_start3A_41 = arith.constant 0 : i32
      %dma_start3A_42 = tpu.memref_slice %arg6[%add3A_40, %dma_start3A_41] : memref<80x128xi32, #tpu.memory_space<vmem>> -> memref<1x128xi32, #tpu.memory_space<vmem>>
      %dma_start3A_43 = tpu.memref_squeeze %dma_start3A_42 : memref<1x128xi32, #tpu.memory_space<vmem>> -> memref<128xi32, #tpu.memory_space<vmem>>
      %dma_start3A_44 = arith.constant 0 : i32
      %dma_start3A_45 = arith.constant 0 : i32
      %dma_start3A_46 = tpu.memref_slice %arg8[%dma_start3A_44, %dma_start3A_45] : memref<10112x8xf32, #tpu.memory_space<vmem_shared>> -> memref<10112x8xf32, #tpu.memory_space<vmem_shared>>
      tpu.enqueue_indirect_dma source(%arg7 : memref<128x8xf32, #tpu.memory_space<vmem>>) target(%dma_start3A_46 : memref<10112x8xf32, #tpu.memory_space<vmem_shared>>) offsets(%dma_start3A_43 : memref<128xi32, #tpu.memory_space<vmem>>) semaphore(%arg9 : memref<!tpu.dma_semaphore, #tpu.memory_space<semaphore_mem>>) {add = true}
      %mul3A_47 = arith.constant 8 : i32
      %mul3A_48 = arith.muli %scan3A_17, %mul3A_47 : i32
      %add3A_49 = arith.constant 3 : i32
      %add3A_50 = arith.addi %mul3A_48, %add3A_49 : i32
      %dma_start3A_51 = arith.constant 0 : i32
      %dma_start3A_52 = tpu.memref_slice %arg6[%add3A_50, %dma_start3A_51] : memref<80x128xi32, #tpu.memory_space<vmem>> -> memref<1x128xi32, #tpu.memory_space<vmem>>
      %dma_start3A_53 = tpu.memref_squeeze %dma_start3A_52 : memref<1x128xi32, #tpu.memory_space<vmem>> -> memref<128xi32, #tpu.memory_space<vmem>>
      %dma_start3A_54 = arith.constant 0 : i32
      %dma_start3A_55 = arith.constant 0 : i32
      %dma_start3A_56 = tpu.memref_slice %arg8[%dma_start3A_54, %dma_start3A_55] : memref<10112x8xf32, #tpu.memory_space<vmem_shared>> -> memref<10112x8xf32, #tpu.memory_space<vmem_shared>>
      tpu.enqueue_indirect_dma source(%arg7 : memref<128x8xf32, #tpu.memory_space<vmem>>) target(%dma_start3A_56 : memref<10112x8xf32, #tpu.memory_space<vmem_shared>>) offsets(%dma_start3A_53 : memref<128xi32, #tpu.memory_space<vmem>>) semaphore(%arg9 : memref<!tpu.dma_semaphore, #tpu.memory_space<semaphore_mem>>) {add = true}
      %mul3A_57 = arith.constant 8 : i32
      %mul3A_58 = arith.muli %scan3A_17, %mul3A_57 : i32
      %add3A_59 = arith.constant 4 : i32
      %add3A_60 = arith.addi %mul3A_58, %add3A_59 : i32
      %dma_start3A_61 = arith.constant 0 : i32
      %dma_start3A_62 = tpu.memref_slice %arg6[%add3A_60, %dma_start3A_61] : memref<80x128xi32, #tpu.memory_space<vmem>> -> memref<1x128xi32, #tpu.memory_space<vmem>>
      %dma_start3A_63 = tpu.memref_squeeze %dma_start3A_62 : memref<1x128xi32, #tpu.memory_space<vmem>> -> memref<128xi32, #tpu.memory_space<vmem>>
      %dma_start3A_64 = arith.constant 0 : i32
      %dma_start3A_65 = arith.constant 0 : i32
      %dma_start3A_66 = tpu.memref_slice %arg8[%dma_start3A_64, %dma_start3A_65] : memref<10112x8xf32, #tpu.memory_space<vmem_shared>> -> memref<10112x8xf32, #tpu.memory_space<vmem_shared>>
      tpu.enqueue_indirect_dma source(%arg7 : memref<128x8xf32, #tpu.memory_space<vmem>>) target(%dma_start3A_66 : memref<10112x8xf32, #tpu.memory_space<vmem_shared>>) offsets(%dma_start3A_63 : memref<128xi32, #tpu.memory_space<vmem>>) semaphore(%arg9 : memref<!tpu.dma_semaphore, #tpu.memory_space<semaphore_mem>>) {add = true}
      %mul3A_67 = arith.constant 8 : i32
      %mul3A_68 = arith.muli %scan3A_17, %mul3A_67 : i32
      %add3A_69 = arith.constant 5 : i32
      %add3A_70 = arith.addi %mul3A_68, %add3A_69 : i32
      %dma_start3A_71 = arith.constant 0 : i32
      %dma_start3A_72 = tpu.memref_slice %arg6[%add3A_70, %dma_start3A_71] : memref<80x128xi32, #tpu.memory_space<vmem>> -> memref<1x128xi32, #tpu.memory_space<vmem>>
      %dma_start3A_73 = tpu.memref_squeeze %dma_start3A_72 : memref<1x128xi32, #tpu.memory_space<vmem>> -> memref<128xi32, #tpu.memory_space<vmem>>
      %dma_start3A_74 = arith.constant 0 : i32
      %dma_start3A_75 = arith.constant 0 : i32
      %dma_start3A_76 = tpu.memref_slice %arg8[%dma_start3A_74, %dma_start3A_75] : memref<10112x8xf32, #tpu.memory_space<vmem_shared>> -> memref<10112x8xf32, #tpu.memory_space<vmem_shared>>
      tpu.enqueue_indirect_dma source(%arg7 : memref<128x8xf32, #tpu.memory_space<vmem>>) target(%dma_start3A_76 : memref<10112x8xf32, #tpu.memory_space<vmem_shared>>) offsets(%dma_start3A_73 : memref<128xi32, #tpu.memory_space<vmem>>) semaphore(%arg9 : memref<!tpu.dma_semaphore, #tpu.memory_space<semaphore_mem>>) {add = true}
      %mul3A_77 = arith.constant 8 : i32
      %mul3A_78 = arith.muli %scan3A_17, %mul3A_77 : i32
      %add3A_79 = arith.constant 6 : i32
      %add3A_80 = arith.addi %mul3A_78, %add3A_79 : i32
      %dma_start3A_81 = arith.constant 0 : i32
      %dma_start3A_82 = tpu.memref_slice %arg6[%add3A_80, %dma_start3A_81] : memref<80x128xi32, #tpu.memory_space<vmem>> -> memref<1x128xi32, #tpu.memory_space<vmem>>
      %dma_start3A_83 = tpu.memref_squeeze %dma_start3A_82 : memref<1x128xi32, #tpu.memory_space<vmem>> -> memref<128xi32, #tpu.memory_space<vmem>>
      %dma_start3A_84 = arith.constant 0 : i32
      %dma_start3A_85 = arith.constant 0 : i32
      %dma_start3A_86 = tpu.memref_slice %arg8[%dma_start3A_84, %dma_start3A_85] : memref<10112x8xf32, #tpu.memory_space<vmem_shared>> -> memref<10112x8xf32, #tpu.memory_space<vmem_shared>>
      tpu.enqueue_indirect_dma source(%arg7 : memref<128x8xf32, #tpu.memory_space<vmem>>) target(%dma_start3A_86 : memref<10112x8xf32, #tpu.memory_space<vmem_shared>>) offsets(%dma_start3A_83 : memref<128xi32, #tpu.memory_space<vmem>>) semaphore(%arg9 : memref<!tpu.dma_semaphore, #tpu.memory_space<semaphore_mem>>) {add = true}
      %mul3A_87 = arith.constant 8 : i32
      %mul3A_88 = arith.muli %scan3A_17, %mul3A_87 : i32
      %add3A_89 = arith.constant 7 : i32
      %add3A_90 = arith.addi %mul3A_88, %add3A_89 : i32
      %dma_start3A_91 = arith.constant 0 : i32
      %dma_start3A_92 = tpu.memref_slice %arg6[%add3A_90, %dma_start3A_91] : memref<80x128xi32, #tpu.memory_space<vmem>> -> memref<1x128xi32, #tpu.memory_space<vmem>>
      %dma_start3A_93 = tpu.memref_squeeze %dma_start3A_92 : memref<1x128xi32, #tpu.memory_space<vmem>> -> memref<128xi32, #tpu.memory_space<vmem>>
      %dma_start3A_94 = arith.constant 0 : i32
      %dma_start3A_95 = arith.constant 0 : i32
      %dma_start3A_96 = tpu.memref_slice %arg8[%dma_start3A_94, %dma_start3A_95] : memref<10112x8xf32, #tpu.memory_space<vmem_shared>> -> memref<10112x8xf32, #tpu.memory_space<vmem_shared>>
      tpu.enqueue_indirect_dma source(%arg7 : memref<128x8xf32, #tpu.memory_space<vmem>>) target(%dma_start3A_96 : memref<10112x8xf32, #tpu.memory_space<vmem_shared>>) offsets(%dma_start3A_93 : memref<128xi32, #tpu.memory_space<vmem>>) semaphore(%arg9 : memref<!tpu.dma_semaphore, #tpu.memory_space<semaphore_mem>>) {add = true}
      %dma_wait3A = arith.constant 0 : i32
      %dma_wait3A_97 = tpu.memref_slice %arg6[%add3A_21, %dma_wait3A] : memref<80x128xi32, #tpu.memory_space<vmem>> -> memref<1x128xi32, #tpu.memory_space<vmem>>
      %dma_wait3A_98 = tpu.memref_squeeze %dma_wait3A_97 : memref<1x128xi32, #tpu.memory_space<vmem>> -> memref<128xi32, #tpu.memory_space<vmem>>
      %dma_wait3A_99 = arith.constant 0 : i32
      %dma_wait3A_100 = arith.constant 0 : i32
      %dma_wait3A_101 = tpu.memref_slice %arg8[%dma_wait3A_99, %dma_wait3A_100] : memref<10112x8xf32, #tpu.memory_space<vmem_shared>> -> memref<10112x8xf32, #tpu.memory_space<vmem_shared>>
      tpu.wait_indirect_dma semaphore(%arg9 : memref<!tpu.dma_semaphore, #tpu.memory_space<semaphore_mem>>) src(%arg7 : memref<128x8xf32, #tpu.memory_space<vmem>>) dst(%dma_wait3A_101 : memref<10112x8xf32, #tpu.memory_space<vmem_shared>>)
      %dma_wait3A_102 = arith.constant 0 : i32
      %dma_wait3A_103 = tpu.memref_slice %arg6[%add3A_30, %dma_wait3A_102] : memref<80x128xi32, #tpu.memory_space<vmem>> -> memref<1x128xi32, #tpu.memory_space<vmem>>
      %dma_wait3A_104 = tpu.memref_squeeze %dma_wait3A_103 : memref<1x128xi32, #tpu.memory_space<vmem>> -> memref<128xi32, #tpu.memory_space<vmem>>
      %dma_wait3A_105 = arith.constant 0 : i32
      %dma_wait3A_106 = arith.constant 0 : i32
      %dma_wait3A_107 = tpu.memref_slice %arg8[%dma_wait3A_105, %dma_wait3A_106] : memref<10112x8xf32, #tpu.memory_space<vmem_shared>> -> memref<10112x8xf32, #tpu.memory_space<vmem_shared>>
      tpu.wait_indirect_dma semaphore(%arg9 : memref<!tpu.dma_semaphore, #tpu.memory_space<semaphore_mem>>) src(%arg7 : memref<128x8xf32, #tpu.memory_space<vmem>>) dst(%dma_wait3A_107 : memref<10112x8xf32, #tpu.memory_space<vmem_shared>>)
      %dma_wait3A_108 = arith.constant 0 : i32
      %dma_wait3A_109 = tpu.memref_slice %arg6[%add3A_40, %dma_wait3A_108] : memref<80x128xi32, #tpu.memory_space<vmem>> -> memref<1x128xi32, #tpu.memory_space<vmem>>
      %dma_wait3A_110 = tpu.memref_squeeze %dma_wait3A_109 : memref<1x128xi32, #tpu.memory_space<vmem>> -> memref<128xi32, #tpu.memory_space<vmem>>
      %dma_wait3A_111 = arith.constant 0 : i32
      %dma_wait3A_112 = arith.constant 0 : i32
      %dma_wait3A_113 = tpu.memref_slice %arg8[%dma_wait3A_111, %dma_wait3A_112] : memref<10112x8xf32, #tpu.memory_space<vmem_shared>> -> memref<10112x8xf32, #tpu.memory_space<vmem_shared>>
      tpu.wait_indirect_dma semaphore(%arg9 : memref<!tpu.dma_semaphore, #tpu.memory_space<semaphore_mem>>) src(%arg7 : memref<128x8xf32, #tpu.memory_space<vmem>>) dst(%dma_wait3A_113 : memref<10112x8xf32, #tpu.memory_space<vmem_shared>>)
      %dma_wait3A_114 = arith.constant 0 : i32
      %dma_wait3A_115 = tpu.memref_slice %arg6[%add3A_50, %dma_wait3A_114] : memref<80x128xi32, #tpu.memory_space<vmem>> -> memref<1x128xi32, #tpu.memory_space<vmem>>
      %dma_wait3A_116 = tpu.memref_squeeze %dma_wait3A_115 : memref<1x128xi32, #tpu.memory_space<vmem>> -> memref<128xi32, #tpu.memory_space<vmem>>
      %dma_wait3A_117 = arith.constant 0 : i32
      %dma_wait3A_118 = arith.constant 0 : i32
      %dma_wait3A_119 = tpu.memref_slice %arg8[%dma_wait3A_117, %dma_wait3A_118] : memref<10112x8xf32, #tpu.memory_space<vmem_shared>> -> memref<10112x8xf32, #tpu.memory_space<vmem_shared>>
      tpu.wait_indirect_dma semaphore(%arg9 : memref<!tpu.dma_semaphore, #tpu.memory_space<semaphore_mem>>) src(%arg7 : memref<128x8xf32, #tpu.memory_space<vmem>>) dst(%dma_wait3A_119 : memref<10112x8xf32, #tpu.memory_space<vmem_shared>>)
      %dma_wait3A_120 = arith.constant 0 : i32
      %dma_wait3A_121 = tpu.memref_slice %arg6[%add3A_60, %dma_wait3A_120] : memref<80x128xi32, #tpu.memory_space<vmem>> -> memref<1x128xi32, #tpu.memory_space<vmem>>
      %dma_wait3A_122 = tpu.memref_squeeze %dma_wait3A_121 : memref<1x128xi32, #tpu.memory_space<vmem>> -> memref<128xi32, #tpu.memory_space<vmem>>
      %dma_wait3A_123 = arith.constant 0 : i32
      %dma_wait3A_124 = arith.constant 0 : i32
      %dma_wait3A_125 = tpu.memref_slice %arg8[%dma_wait3A_123, %dma_wait3A_124] : memref<10112x8xf32, #tpu.memory_space<vmem_shared>> -> memref<10112x8xf32, #tpu.memory_space<vmem_shared>>
      tpu.wait_indirect_dma semaphore(%arg9 : memref<!tpu.dma_semaphore, #tpu.memory_space<semaphore_mem>>) src(%arg7 : memref<128x8xf32, #tpu.memory_space<vmem>>) dst(%dma_wait3A_125 : memref<10112x8xf32, #tpu.memory_space<vmem_shared>>)
      %dma_wait3A_126 = arith.constant 0 : i32
      %dma_wait3A_127 = tpu.memref_slice %arg6[%add3A_70, %dma_wait3A_126] : memref<80x128xi32, #tpu.memory_space<vmem>> -> memref<1x128xi32, #tpu.memory_space<vmem>>
      %dma_wait3A_128 = tpu.memref_squeeze %dma_wait3A_127 : memref<1x128xi32, #tpu.memory_space<vmem>> -> memref<128xi32, #tpu.memory_space<vmem>>
      %dma_wait3A_129 = arith.constant 0 : i32
      %dma_wait3A_130 = arith.constant 0 : i32
      %dma_wait3A_131 = tpu.memref_slice %arg8[%dma_wait3A_129, %dma_wait3A_130] : memref<10112x8xf32, #tpu.memory_space<vmem_shared>> -> memref<10112x8xf32, #tpu.memory_space<vmem_shared>>
      tpu.wait_indirect_dma semaphore(%arg9 : memref<!tpu.dma_semaphore, #tpu.memory_space<semaphore_mem>>) src(%arg7 : memref<128x8xf32, #tpu.memory_space<vmem>>) dst(%dma_wait3A_131 : memref<10112x8xf32, #tpu.memory_space<vmem_shared>>)
      %dma_wait3A_132 = arith.constant 0 : i32
      %dma_wait3A_133 = tpu.memref_slice %arg6[%add3A_80, %dma_wait3A_132] : memref<80x128xi32, #tpu.memory_space<vmem>> -> memref<1x128xi32, #tpu.memory_space<vmem>>
      %dma_wait3A_134 = tpu.memref_squeeze %dma_wait3A_133 : memref<1x128xi32, #tpu.memory_space<vmem>> -> memref<128xi32, #tpu.memory_space<vmem>>
      %dma_wait3A_135 = arith.constant 0 : i32
      %dma_wait3A_136 = arith.constant 0 : i32
      %dma_wait3A_137 = tpu.memref_slice %arg8[%dma_wait3A_135, %dma_wait3A_136] : memref<10112x8xf32, #tpu.memory_space<vmem_shared>> -> memref<10112x8xf32, #tpu.memory_space<vmem_shared>>
      tpu.wait_indirect_dma semaphore(%arg9 : memref<!tpu.dma_semaphore, #tpu.memory_space<semaphore_mem>>) src(%arg7 : memref<128x8xf32, #tpu.memory_space<vmem>>) dst(%dma_wait3A_137 : memref<10112x8xf32, #tpu.memory_space<vmem_shared>>)
      %dma_wait3A_138 = arith.constant 0 : i32
      %dma_wait3A_139 = tpu.memref_slice %arg6[%add3A_90, %dma_wait3A_138] : memref<80x128xi32, #tpu.memory_space<vmem>> -> memref<1x128xi32, #tpu.memory_space<vmem>>
      %dma_wait3A_140 = tpu.memref_squeeze %dma_wait3A_139 : memref<1x128xi32, #tpu.memory_space<vmem>> -> memref<128xi32, #tpu.memory_space<vmem>>
      %dma_wait3A_141 = arith.constant 0 : i32
      %dma_wait3A_142 = arith.constant 0 : i32
      %dma_wait3A_143 = tpu.memref_slice %arg8[%dma_wait3A_141, %dma_wait3A_142] : memref<10112x8xf32, #tpu.memory_space<vmem_shared>> -> memref<10112x8xf32, #tpu.memory_space<vmem_shared>>
      tpu.wait_indirect_dma semaphore(%arg9 : memref<!tpu.dma_semaphore, #tpu.memory_space<semaphore_mem>>) src(%arg7 : memref<128x8xf32, #tpu.memory_space<vmem>>) dst(%dma_wait3A_143 : memref<10112x8xf32, #tpu.memory_space<vmem_shared>>)
    }
    %scan3A_11 = arith.constant 10 : i32
    %barrier3A_12 = arith.constant 0 : index
    tpu.barrier barrier_id(%barrier3A_12)
    %mul3A_13 = arith.constant 632 : i32
    %mul3A_14 = arith.muli %arg1, %mul3A_13 : i32
    %mul3A_15 = arith.constant 632 : i32
    %mul3A_16 = arith.muli %arg1, %mul3A_15 : i32
    "tpu.region"() ({
      %run_scoped3A = tpu.sem_alloc : memref<!tpu.dma_semaphore, #tpu.memory_space<semaphore_mem>>
      %dma_start3A = arith.constant 0 : i32
      %dma_start3A_17 = tpu.memref_slice %arg5[%arg0, %mul3A_16, %dma_start3A] : memref<2x10112x8xf32, #tpu.memory_space<hbm>> -> memref<1x632x8xf32, #tpu.memory_space<hbm>>
      %dma_start3A_18 = tpu.memref_squeeze %dma_start3A_17 : memref<1x632x8xf32, #tpu.memory_space<hbm>> -> memref<632x8xf32, #tpu.memory_space<hbm>>
      %dma_start3A_19 = arith.constant 0 : i32
      %dma_start3A_20 = tpu.memref_slice %arg8[%mul3A_14, %dma_start3A_19] : memref<10112x8xf32, #tpu.memory_space<vmem_shared>> -> memref<632x8xf32, #tpu.memory_space<vmem_shared>>
      tpu.enqueue_dma source(%dma_start3A_20 : memref<632x8xf32, #tpu.memory_space<vmem_shared>>) target(%dma_start3A_18 : memref<632x8xf32, #tpu.memory_space<hbm>>) target_semaphore(%run_scoped3A : memref<!tpu.dma_semaphore, #tpu.memory_space<semaphore_mem>>)
      %dma_wait3A = arith.constant 0 : i32
      %dma_wait3A_21 = tpu.memref_slice %arg5[%arg0, %mul3A_16, %dma_wait3A] : memref<2x10112x8xf32, #tpu.memory_space<hbm>> -> memref<1x632x8xf32, #tpu.memory_space<hbm>>
      %dma_wait3A_22 = tpu.memref_squeeze %dma_wait3A_21 : memref<1x632x8xf32, #tpu.memory_space<hbm>> -> memref<632x8xf32, #tpu.memory_space<hbm>>
      %dma_wait3A_23 = arith.constant 0 : i32
      %dma_wait3A_24 = tpu.memref_slice %arg8[%mul3A_14, %dma_wait3A_23] : memref<10112x8xf32, #tpu.memory_space<vmem_shared>> -> memref<632x8xf32, #tpu.memory_space<vmem_shared>>
      tpu.wait_dma2 semaphore(%run_scoped3A : memref<!tpu.dma_semaphore, #tpu.memory_space<semaphore_mem>>) src(%dma_wait3A_24 : memref<632x8xf32, #tpu.memory_space<vmem_shared>>) dst(%dma_wait3A_22 : memref<632x8xf32, #tpu.memory_space<hbm>>)
      tpu.yield
    }) : () -> ()
    return
  }
}

module attributes {stable_mosaic.version = 14 : i64} {
  func.func @_mm_scale_body(%arg0: i32, %arg1: memref<2000x128xf32, #tpu.memory_space<vmem>>, %arg2: memref<128x64xf32, #tpu.memory_space<vmem>>, %arg3: memref<2x2000x8xf32, #tpu.memory_space<vmem>>, %arg4: memref<2000x64xf32, #tpu.memory_space<vmem>>) attributes {dimension_semantics = [#tpu.dimension_semantics<arbitrary>], iteration_bounds = array<i64: 5>, scalar_prefetch = 0 : i64, scratch_operands = 0 : i64, tpu.core_type = #tpu.core_type<tc>, window_params = [{transform_indices = @transform_0, window_bounds = array<i64: 2000, 128>}, {pipeline_mode = #tpu.pipeline_mode<synchronous>, transform_indices = @transform_1, window_bounds = array<i64: 128, 64>}, {transform_indices = @transform_2, window_bounds = array<i64: 2, 2000, 8>}, {transform_indices = @transform_3, window_bounds = array<i64: 2000, 64>}]} {
    %get3A = arith.constant 0 : index
    %get3A_0 = arith.constant 0 : index
    %get3A_1 = vector.load %arg1[%get3A, %get3A_0] : memref<2000x128xf32, #tpu.memory_space<vmem>>, vector<2000x128xf32>
    %get3A_2 = arith.constant 0 : index
    %get3A_3 = arith.constant 0 : index
    %get3A_4 = vector.load %arg2[%get3A_2, %get3A_3] : memref<128x64xf32, #tpu.memory_space<vmem>>, vector<128x64xf32>
    %dot_general3A = arith.constant dense<0.000000e+00> : vector<2000x64xf32>
    %dot_general3A_5 = tpu.matmul %get3A_1, %get3A_4, %dot_general3A {dimension_numbers = #tpu.dot_dimension_numbers<[1], [0], [0], [1], [0, 0, 1, 1], [], []>, transpose_lhs_hint = false} : vector<2000x128xf32>, vector<128x64xf32>, vector<2000x64xf32> -> vector<2000x64xf32>
    %get3A_6 = arith.constant 0 : index
    %get3A_7 = arith.constant 0 : index
    %get3A_8 = arith.constant 0 : index
    %get3A_9 = vector.load %arg3[%get3A_6, %get3A_7, %get3A_8] : memref<2x2000x8xf32, #tpu.memory_space<vmem>>, vector<1x2000x1xf32>
    %get3A_10 = vector.shape_cast %get3A_9 : vector<1x2000x1xf32> to vector<2000x1xf32>
    %add3A = arith.constant 1.000000e+00 : f32
    %add3A_11 = vector.broadcast %add3A : f32 to vector<2000x1xf32>
    %add3A_12 = arith.addf %get3A_10, %add3A_11 : vector<2000x1xf32>
    %get3A_13 = arith.constant 1 : index
    %get3A_14 = arith.constant 0 : index
    %get3A_15 = arith.constant 0 : index
    %get3A_16 = vector.load %arg3[%get3A_13, %get3A_14, %get3A_15] : memref<2x2000x8xf32, #tpu.memory_space<vmem>>, vector<1x2000x1xf32>
    %get3A_17 = vector.shape_cast %get3A_16 : vector<1x2000x1xf32> to vector<2000x1xf32>
    %add3A_18 = arith.addf %add3A_12, %get3A_17 : vector<2000x1xf32>
    %rsqrt3A = math.rsqrt %add3A_18 : vector<2000x1xf32>
    %mul3A = vector.broadcast %rsqrt3A : vector<2000x1xf32> to vector<2000x64xf32>
    %mul3A_19 = arith.mulf %dot_general3A_5, %mul3A : vector<2000x64xf32>
    %swap3A = arith.constant 0 : index
    %swap3A_20 = arith.constant 0 : index
    %swap3A_21 = vector.load %arg4[%swap3A, %swap3A_20] : memref<2000x64xf32, #tpu.memory_space<vmem>>, vector<2000x64xf32>
    tpu.vector_store %arg4[%swap3A, %swap3A_20], %mul3A_19 {strides = array<i32>} : memref<2000x64xf32, #tpu.memory_space<vmem>>, vector<2000x64xf32>,
    return
  }
  func.func @transform_0(%arg0: i32) -> (i32, i32) {
    %c0_i32 = arith.constant 0 : i32
    %c0_i32_0 = arith.constant 0 : i32
    return %arg0, %c0_i32 : i32, i32
  }
  func.func @transform_1(%arg0: i32) -> (i32, i32) {
    %c0_i32 = arith.constant 0 : i32
    %c0_i32_0 = arith.constant 0 : i32
    %c0_i32_1 = arith.constant 0 : i32
    return %c0_i32, %c0_i32_0 : i32, i32
  }
  func.func @transform_2(%arg0: i32) -> (i32, i32, i32) {
    %c0_i32 = arith.constant 0 : i32
    %c0_i32_0 = arith.constant 0 : i32
    %c0_i32_1 = arith.constant 0 : i32
    return %c0_i32, %arg0, %c0_i32_0 : i32, i32, i32
  }
  func.func @transform_3(%arg0: i32) -> (i32, i32) {
    %c0_i32 = arith.constant 0 : i32
    %c0_i32_0 = arith.constant 0 : i32
    return %arg0, %c0_i32 : i32, i32
  }
}

module attributes {stable_mosaic.version = 14 : i64} {
  func.func @_mid_body(%arg0: i32, %arg1: memref<2x2000x64xf32, #tpu.memory_space<vmem>>, %arg2: memref<2000x64xf32, #tpu.memory_space<vmem>>, %arg3: memref<2x2000x8xf32, #tpu.memory_space<vmem>>, %arg4: memref<1x64xf32, #tpu.memory_space<vmem>>, %arg5: memref<64x32xf32, #tpu.memory_space<vmem>>, %arg6: memref<2000x32xf32, #tpu.memory_space<vmem>>) attributes {dimension_semantics = [#tpu.dimension_semantics<arbitrary>], iteration_bounds = array<i64: 5>, scalar_prefetch = 0 : i64, scratch_operands = 0 : i64, tpu.core_type = #tpu.core_type<tc>, window_params = [{transform_indices = @transform_0, window_bounds = array<i64: 2, 2000, 64>}, {transform_indices = @transform_1, window_bounds = array<i64: 2000, 64>}, {transform_indices = @transform_2, window_bounds = array<i64: 2, 2000, 8>}, {pipeline_mode = #tpu.pipeline_mode<synchronous>, transform_indices = @transform_3, window_bounds = array<i64: 1, 64>}, {pipeline_mode = #tpu.pipeline_mode<synchronous>, transform_indices = @transform_4, window_bounds = array<i64: 64, 32>}, {transform_indices = @transform_5, window_bounds = array<i64: 2000, 32>}]} {
    %get3A = arith.constant 0 : index
    %get3A_0 = arith.constant 0 : index
    %get3A_1 = arith.constant 0 : index
    %get3A_2 = vector.load %arg3[%get3A, %get3A_0, %get3A_1] : memref<2x2000x8xf32, #tpu.memory_space<vmem>>, vector<1x2000x1xf32>
    %get3A_3 = vector.shape_cast %get3A_2 : vector<1x2000x1xf32> to vector<2000x1xf32>
    %add3A = arith.constant 1.000000e+00 : f32
    %add3A_4 = vector.broadcast %add3A : f32 to vector<2000x1xf32>
    %add3A_5 = arith.addf %get3A_3, %add3A_4 : vector<2000x1xf32>
    %get3A_6 = arith.constant 1 : index
    %get3A_7 = arith.constant 0 : index
    %get3A_8 = arith.constant 0 : index
    %get3A_9 = vector.load %arg3[%get3A_6, %get3A_7, %get3A_8] : memref<2x2000x8xf32, #tpu.memory_space<vmem>>, vector<1x2000x1xf32>
    %get3A_10 = vector.shape_cast %get3A_9 : vector<1x2000x1xf32> to vector<2000x1xf32>
    %add3A_11 = arith.addf %add3A_5, %get3A_10 : vector<2000x1xf32>
    %rsqrt3A = math.rsqrt %add3A_11 : vector<2000x1xf32>
    %get3A_12 = arith.constant 0 : index
    %get3A_13 = arith.constant 0 : index
    %get3A_14 = arith.constant 0 : index
    %get3A_15 = vector.load %arg1[%get3A_12, %get3A_13, %get3A_14] : memref<2x2000x64xf32, #tpu.memory_space<vmem>>, vector<1x2000x64xf32>
    %get3A_16 = vector.shape_cast %get3A_15 : vector<1x2000x64xf32> to vector<2000x64xf32>
    %get3A_17 = arith.constant 1 : index
    %get3A_18 = arith.constant 0 : index
    %get3A_19 = arith.constant 0 : index
    %get3A_20 = vector.load %arg1[%get3A_17, %get3A_18, %get3A_19] : memref<2x2000x64xf32, #tpu.memory_space<vmem>>, vector<1x2000x64xf32>
    %get3A_21 = vector.shape_cast %get3A_20 : vector<1x2000x64xf32> to vector<2000x64xf32>
    %add3A_22 = arith.addf %get3A_16, %get3A_21 : vector<2000x64xf32>
    %get3A_23 = arith.constant 0 : index
    %get3A_24 = arith.constant 0 : index
    %get3A_25 = vector.load %arg2[%get3A_23, %get3A_24] : memref<2000x64xf32, #tpu.memory_space<vmem>>, vector<2000x64xf32>
    %add3A_26 = arith.addf %add3A_22, %get3A_25 : vector<2000x64xf32>
    %mul3A = vector.broadcast %rsqrt3A : vector<2000x1xf32> to vector<2000x64xf32>
    %mul3A_27 = arith.mulf %mul3A, %add3A_26 : vector<2000x64xf32>
    %get3A_28 = arith.constant 0 : index
    %get3A_29 = arith.constant 0 : index
    %get3A_30 = vector.load %arg4[%get3A_28, %get3A_29] : memref<1x64xf32, #tpu.memory_space<vmem>>, vector<1x64xf32>
    %add3A_31 = vector.broadcast %get3A_30 : vector<1x64xf32> to vector<2000x64xf32>
    %add3A_32 = arith.addf %mul3A_27, %add3A_31 : vector<2000x64xf32>
    %max3A = arith.constant 0.000000e+00 : f32
    %max3A_33 = vector.broadcast %max3A : f32 to vector<2000x64xf32>
    %max3A_34 = arith.maximumf %add3A_32, %max3A_33 : vector<2000x64xf32>
    %get3A_35 = arith.constant 0 : index
    %get3A_36 = arith.constant 0 : index
    %get3A_37 = vector.load %arg5[%get3A_35, %get3A_36] : memref<64x32xf32, #tpu.memory_space<vmem>>, vector<64x32xf32>
    %dot_general3A = arith.constant dense<0.000000e+00> : vector<2000x32xf32>
    %dot_general3A_38 = tpu.matmul %max3A_34, %get3A_37, %dot_general3A {dimension_numbers = #tpu.dot_dimension_numbers<[1], [0], [0], [1], [0, 0, 1, 1], [], []>, transpose_lhs_hint = false} : vector<2000x64xf32>, vector<64x32xf32>, vector<2000x32xf32> -> vector<2000x32xf32>
    %mul3A_39 = vector.broadcast %rsqrt3A : vector<2000x1xf32> to vector<2000x32xf32>
    %mul3A_40 = arith.mulf %dot_general3A_38, %mul3A_39 : vector<2000x32xf32>
    %swap3A = arith.constant 0 : index
    %swap3A_41 = arith.constant 0 : index
    %swap3A_42 = vector.load %arg6[%swap3A, %swap3A_41] : memref<2000x32xf32, #tpu.memory_space<vmem>>, vector<2000x32xf32>
    tpu.vector_store %arg6[%swap3A, %swap3A_41], %mul3A_40 {strides = array<i32>} : memref<2000x32xf32, #tpu.memory_space<vmem>>, vector<2000x32xf32>,
    return
  }
  func.func @transform_0(%arg0: i32) -> (i32, i32, i32) {
    %c0_i32 = arith.constant 0 : i32
    %c0_i32_0 = arith.constant 0 : i32
    %c0_i32_1 = arith.constant 0 : i32
    return %c0_i32, %arg0, %c0_i32_0 : i32, i32, i32
  }
  func.func @transform_1(%arg0: i32) -> (i32, i32) {
    %c0_i32 = arith.constant 0 : i32
    %c0_i32_0 = arith.constant 0 : i32
    return %arg0, %c0_i32 : i32, i32
  }
  func.func @transform_2(%arg0: i32) -> (i32, i32, i32) {
    %c0_i32 = arith.constant 0 : i32
    %c0_i32_0 = arith.constant 0 : i32
    %c0_i32_1 = arith.constant 0 : i32
    return %c0_i32, %arg0, %c0_i32_0 : i32, i32, i32
  }
  func.func @transform_3(%arg0: i32) -> (i32, i32) {
    %c0_i32 = arith.constant 0 : i32
    %c0_i32_0 = arith.constant 0 : i32
    %c0_i32_1 = arith.constant 0 : i32
    return %c0_i32, %c0_i32_0 : i32, i32
  }
  func.func @transform_4(%arg0: i32) -> (i32, i32) {
    %c0_i32 = arith.constant 0 : i32
    %c0_i32_0 = arith.constant 0 : i32
    %c0_i32_1 = arith.constant 0 : i32
    return %c0_i32, %c0_i32_0 : i32, i32
  }
  func.func @transform_5(%arg0: i32) -> (i32, i32) {
    %c0_i32 = arith.constant 0 : i32
    %c0_i32_0 = arith.constant 0 : i32
    return %arg0, %c0_i32 : i32, i32
  }
}

module attributes {stable_mosaic.version = 14 : i64} {
  func.func @_mid_body(%arg0: i32, %arg1: memref<2x2000x32xf32, #tpu.memory_space<vmem>>, %arg2: memref<2000x32xf32, #tpu.memory_space<vmem>>, %arg3: memref<2x2000x8xf32, #tpu.memory_space<vmem>>, %arg4: memref<1x32xf32, #tpu.memory_space<vmem>>, %arg5: memref<32x16xf32, #tpu.memory_space<vmem>>, %arg6: memref<2000x16xf32, #tpu.memory_space<vmem>>) attributes {dimension_semantics = [#tpu.dimension_semantics<arbitrary>], iteration_bounds = array<i64: 5>, scalar_prefetch = 0 : i64, scratch_operands = 0 : i64, tpu.core_type = #tpu.core_type<tc>, window_params = [{transform_indices = @transform_0, window_bounds = array<i64: 2, 2000, 32>}, {transform_indices = @transform_1, window_bounds = array<i64: 2000, 32>}, {transform_indices = @transform_2, window_bounds = array<i64: 2, 2000, 8>}, {pipeline_mode = #tpu.pipeline_mode<synchronous>, transform_indices = @transform_3, window_bounds = array<i64: 1, 32>}, {pipeline_mode = #tpu.pipeline_mode<synchronous>, transform_indices = @transform_4, window_bounds = array<i64: 32, 16>}, {transform_indices = @transform_5, window_bounds = array<i64: 2000, 16>}]} {
    %get3A = arith.constant 0 : index
    %get3A_0 = arith.constant 0 : index
    %get3A_1 = arith.constant 0 : index
    %get3A_2 = vector.load %arg3[%get3A, %get3A_0, %get3A_1] : memref<2x2000x8xf32, #tpu.memory_space<vmem>>, vector<1x2000x1xf32>
    %get3A_3 = vector.shape_cast %get3A_2 : vector<1x2000x1xf32> to vector<2000x1xf32>
    %add3A = arith.constant 1.000000e+00 : f32
    %add3A_4 = vector.broadcast %add3A : f32 to vector<2000x1xf32>
    %add3A_5 = arith.addf %get3A_3, %add3A_4 : vector<2000x1xf32>
    %get3A_6 = arith.constant 1 : index
    %get3A_7 = arith.constant 0 : index
    %get3A_8 = arith.constant 0 : index
    %get3A_9 = vector.load %arg3[%get3A_6, %get3A_7, %get3A_8] : memref<2x2000x8xf32, #tpu.memory_space<vmem>>, vector<1x2000x1xf32>
    %get3A_10 = vector.shape_cast %get3A_9 : vector<1x2000x1xf32> to vector<2000x1xf32>
    %add3A_11 = arith.addf %add3A_5, %get3A_10 : vector<2000x1xf32>
    %rsqrt3A = math.rsqrt %add3A_11 : vector<2000x1xf32>
    %get3A_12 = arith.constant 0 : index
    %get3A_13 = arith.constant 0 : index
    %get3A_14 = arith.constant 0 : index
    %get3A_15 = vector.load %arg1[%get3A_12, %get3A_13, %get3A_14] : memref<2x2000x32xf32, #tpu.memory_space<vmem>>, vector<1x2000x32xf32>
    %get3A_16 = vector.shape_cast %get3A_15 : vector<1x2000x32xf32> to vector<2000x32xf32>
    %get3A_17 = arith.constant 1 : index
    %get3A_18 = arith.constant 0 : index
    %get3A_19 = arith.constant 0 : index
    %get3A_20 = vector.load %arg1[%get3A_17, %get3A_18, %get3A_19] : memref<2x2000x32xf32, #tpu.memory_space<vmem>>, vector<1x2000x32xf32>
    %get3A_21 = vector.shape_cast %get3A_20 : vector<1x2000x32xf32> to vector<2000x32xf32>
    %add3A_22 = arith.addf %get3A_16, %get3A_21 : vector<2000x32xf32>
    %get3A_23 = arith.constant 0 : index
    %get3A_24 = arith.constant 0 : index
    %get3A_25 = vector.load %arg2[%get3A_23, %get3A_24] : memref<2000x32xf32, #tpu.memory_space<vmem>>, vector<2000x32xf32>
    %add3A_26 = arith.addf %add3A_22, %get3A_25 : vector<2000x32xf32>
    %mul3A = vector.broadcast %rsqrt3A : vector<2000x1xf32> to vector<2000x32xf32>
    %mul3A_27 = arith.mulf %mul3A, %add3A_26 : vector<2000x32xf32>
    %get3A_28 = arith.constant 0 : index
    %get3A_29 = arith.constant 0 : index
    %get3A_30 = vector.load %arg4[%get3A_28, %get3A_29] : memref<1x32xf32, #tpu.memory_space<vmem>>, vector<1x32xf32>
    %add3A_31 = vector.broadcast %get3A_30 : vector<1x32xf32> to vector<2000x32xf32>
    %add3A_32 = arith.addf %mul3A_27, %add3A_31 : vector<2000x32xf32>
    %max3A = arith.constant 0.000000e+00 : f32
    %max3A_33 = vector.broadcast %max3A : f32 to vector<2000x32xf32>
    %max3A_34 = arith.maximumf %add3A_32, %max3A_33 : vector<2000x32xf32>
    %get3A_35 = arith.constant 0 : index
    %get3A_36 = arith.constant 0 : index
    %get3A_37 = vector.load %arg5[%get3A_35, %get3A_36] : memref<32x16xf32, #tpu.memory_space<vmem>>, vector<32x16xf32>
    %dot_general3A = arith.constant dense<0.000000e+00> : vector<2000x16xf32>
    %dot_general3A_38 = tpu.matmul %max3A_34, %get3A_37, %dot_general3A {dimension_numbers = #tpu.dot_dimension_numbers<[1], [0], [0], [1], [0, 0, 1, 1], [], []>, transpose_lhs_hint = false} : vector<2000x32xf32>, vector<32x16xf32>, vector<2000x16xf32> -> vector<2000x16xf32>
    %mul3A_39 = vector.broadcast %rsqrt3A : vector<2000x1xf32> to vector<2000x16xf32>
    %mul3A_40 = arith.mulf %dot_general3A_38, %mul3A_39 : vector<2000x16xf32>
    %swap3A = arith.constant 0 : index
    %swap3A_41 = arith.constant 0 : index
    %swap3A_42 = vector.load %arg6[%swap3A, %swap3A_41] : memref<2000x16xf32, #tpu.memory_space<vmem>>, vector<2000x16xf32>
    tpu.vector_store %arg6[%swap3A, %swap3A_41], %mul3A_40 {strides = array<i32>} : memref<2000x16xf32, #tpu.memory_space<vmem>>, vector<2000x16xf32>,
    return
  }
  func.func @transform_0(%arg0: i32) -> (i32, i32, i32) {
    %c0_i32 = arith.constant 0 : i32
    %c0_i32_0 = arith.constant 0 : i32
    %c0_i32_1 = arith.constant 0 : i32
    return %c0_i32, %arg0, %c0_i32_0 : i32, i32, i32
  }
  func.func @transform_1(%arg0: i32) -> (i32, i32) {
    %c0_i32 = arith.constant 0 : i32
    %c0_i32_0 = arith.constant 0 : i32
    return %arg0, %c0_i32 : i32, i32
  }
  func.func @transform_2(%arg0: i32) -> (i32, i32, i32) {
    %c0_i32 = arith.constant 0 : i32
    %c0_i32_0 = arith.constant 0 : i32
    %c0_i32_1 = arith.constant 0 : i32
    return %c0_i32, %arg0, %c0_i32_0 : i32, i32, i32
  }
  func.func @transform_3(%arg0: i32) -> (i32, i32) {
    %c0_i32 = arith.constant 0 : i32
    %c0_i32_0 = arith.constant 0 : i32
    %c0_i32_1 = arith.constant 0 : i32
    return %c0_i32, %c0_i32_0 : i32, i32
  }
  func.func @transform_4(%arg0: i32) -> (i32, i32) {
    %c0_i32 = arith.constant 0 : i32
    %c0_i32_0 = arith.constant 0 : i32
    %c0_i32_1 = arith.constant 0 : i32
    return %c0_i32, %c0_i32_0 : i32, i32
  }
  func.func @transform_5(%arg0: i32) -> (i32, i32) {
    %c0_i32 = arith.constant 0 : i32
    %c0_i32_0 = arith.constant 0 : i32
    return %arg0, %c0_i32 : i32, i32
  }
}

module attributes {stable_mosaic.version = 14 : i64} {
  func.func @_final_body(%arg0: i32, %arg1: memref<2x2000x16xf32, #tpu.memory_space<vmem>>, %arg2: memref<2000x16xf32, #tpu.memory_space<vmem>>, %arg3: memref<2x2000x8xf32, #tpu.memory_space<vmem>>, %arg4: memref<1x16xf32, #tpu.memory_space<vmem>>, %arg5: memref<2000x16xf32, #tpu.memory_space<vmem>>) attributes {dimension_semantics = [#tpu.dimension_semantics<arbitrary>], iteration_bounds = array<i64: 5>, scalar_prefetch = 0 : i64, scratch_operands = 0 : i64, tpu.core_type = #tpu.core_type<tc>, window_params = [{transform_indices = @transform_0, window_bounds = array<i64: 2, 2000, 16>}, {transform_indices = @transform_1, window_bounds = array<i64: 2000, 16>}, {transform_indices = @transform_2, window_bounds = array<i64: 2, 2000, 8>}, {pipeline_mode = #tpu.pipeline_mode<synchronous>, transform_indices = @transform_3, window_bounds = array<i64: 1, 16>}, {transform_indices = @transform_4, window_bounds = array<i64: 2000, 16>}]} {
    %get3A = arith.constant 0 : index
    %get3A_0 = arith.constant 0 : index
    %get3A_1 = arith.constant 0 : index
    %get3A_2 = vector.load %arg3[%get3A, %get3A_0, %get3A_1] : memref<2x2000x8xf32, #tpu.memory_space<vmem>>, vector<1x2000x1xf32>
    %get3A_3 = vector.shape_cast %get3A_2 : vector<1x2000x1xf32> to vector<2000x1xf32>
    %add3A = arith.constant 1.000000e+00 : f32
    %add3A_4 = vector.broadcast %add3A : f32 to vector<2000x1xf32>
    %add3A_5 = arith.addf %get3A_3, %add3A_4 : vector<2000x1xf32>
    %get3A_6 = arith.constant 1 : index
    %get3A_7 = arith.constant 0 : index
    %get3A_8 = arith.constant 0 : index
    %get3A_9 = vector.load %arg3[%get3A_6, %get3A_7, %get3A_8] : memref<2x2000x8xf32, #tpu.memory_space<vmem>>, vector<1x2000x1xf32>
    %get3A_10 = vector.shape_cast %get3A_9 : vector<1x2000x1xf32> to vector<2000x1xf32>
    %add3A_11 = arith.addf %add3A_5, %get3A_10 : vector<2000x1xf32>
    %rsqrt3A = math.rsqrt %add3A_11 : vector<2000x1xf32>
    %get3A_12 = arith.constant 0 : index
    %get3A_13 = arith.constant 0 : index
    %get3A_14 = arith.constant 0 : index
    %get3A_15 = vector.load %arg1[%get3A_12, %get3A_13, %get3A_14] : memref<2x2000x16xf32, #tpu.memory_space<vmem>>, vector<1x2000x16xf32>
    %get3A_16 = vector.shape_cast %get3A_15 : vector<1x2000x16xf32> to vector<2000x16xf32>
    %get3A_17 = arith.constant 1 : index
    %get3A_18 = arith.constant 0 : index
    %get3A_19 = arith.constant 0 : index
    %get3A_20 = vector.load %arg1[%get3A_17, %get3A_18, %get3A_19] : memref<2x2000x16xf32, #tpu.memory_space<vmem>>, vector<1x2000x16xf32>
    %get3A_21 = vector.shape_cast %get3A_20 : vector<1x2000x16xf32> to vector<2000x16xf32>
    %add3A_22 = arith.addf %get3A_16, %get3A_21 : vector<2000x16xf32>
    %get3A_23 = arith.constant 0 : index
    %get3A_24 = arith.constant 0 : index
    %get3A_25 = vector.load %arg2[%get3A_23, %get3A_24] : memref<2000x16xf32, #tpu.memory_space<vmem>>, vector<2000x16xf32>
    %add3A_26 = arith.addf %add3A_22, %get3A_25 : vector<2000x16xf32>
    %mul3A = vector.broadcast %rsqrt3A : vector<2000x1xf32> to vector<2000x16xf32>
    %mul3A_27 = arith.mulf %mul3A, %add3A_26 : vector<2000x16xf32>
    %get3A_28 = arith.constant 0 : index
    %get3A_29 = arith.constant 0 : index
    %get3A_30 = vector.load %arg4[%get3A_28, %get3A_29] : memref<1x16xf32, #tpu.memory_space<vmem>>, vector<1x16xf32>
    %add3A_31 = vector.broadcast %get3A_30 : vector<1x16xf32> to vector<2000x16xf32>
    %add3A_32 = arith.addf %mul3A_27, %add3A_31 : vector<2000x16xf32>
    %reduce_max3A = arith.constant dense<0xFF800000> : vector<2000xf32>
    %reduce_max3A_33 = vector.multi_reduction <maximumf>, %add3A_32, %reduce_max3A [1] : vector<2000x16xf32> to vector<2000xf32>
    %broadcast_in_dim3A = vector.shape_cast %reduce_max3A_33 : vector<2000xf32> to vector<2000x1xf32>
    %sub3A = vector.broadcast %broadcast_in_dim3A : vector<2000x1xf32> to vector<2000x16xf32>
    %sub3A_34 = arith.subf %add3A_32, %sub3A : vector<2000x16xf32>
    %exp3A = math.exp %sub3A_34 : vector<2000x16xf32>
    %reduce_sum3A = arith.constant dense<0.000000e+00> : vector<2000xf32>
    %reduce_sum3A_35 = vector.multi_reduction <add>, %exp3A, %reduce_sum3A [1] : vector<2000x16xf32> to vector<2000xf32>
    %broadcast_in_dim3A_36 = vector.shape_cast %reduce_sum3A_35 : vector<2000xf32> to vector<2000x1xf32>
    %log3A = math.log %broadcast_in_dim3A_36 : vector<2000x1xf32>
    %add3A_37 = arith.addf %broadcast_in_dim3A, %log3A : vector<2000x1xf32>
    %sub3A_38 = vector.broadcast %add3A_37 : vector<2000x1xf32> to vector<2000x16xf32>
    %sub3A_39 = arith.subf %add3A_32, %sub3A_38 : vector<2000x16xf32>
    %swap3A = arith.constant 0 : index
    %swap3A_40 = arith.constant 0 : index
    %swap3A_41 = vector.load %arg5[%swap3A, %swap3A_40] : memref<2000x16xf32, #tpu.memory_space<vmem>>, vector<2000x16xf32>
    tpu.vector_store %arg5[%swap3A, %swap3A_40], %sub3A_39 {strides = array<i32>} : memref<2000x16xf32, #tpu.memory_space<vmem>>, vector<2000x16xf32>,
    return
  }
  func.func @transform_0(%arg0: i32) -> (i32, i32, i32) {
    %c0_i32 = arith.constant 0 : i32
    %c0_i32_0 = arith.constant 0 : i32
    %c0_i32_1 = arith.constant 0 : i32
    return %c0_i32, %arg0, %c0_i32_0 : i32, i32, i32
  }
  func.func @transform_1(%arg0: i32) -> (i32, i32) {
    %c0_i32 = arith.constant 0 : i32
    %c0_i32_0 = arith.constant 0 : i32
    return %arg0, %c0_i32 : i32, i32
  }
  func.func @transform_2(%arg0: i32) -> (i32, i32, i32) {
    %c0_i32 = arith.constant 0 : i32
    %c0_i32_0 = arith.constant 0 : i32
    %c0_i32_1 = arith.constant 0 : i32
    return %c0_i32, %arg0, %c0_i32_0 : i32, i32, i32
  }
  func.func @transform_3(%arg0: i32) -> (i32, i32) {
    %c0_i32 = arith.constant 0 : i32
    %c0_i32_0 = arith.constant 0 : i32
    %c0_i32_1 = arith.constant 0 : i32
    return %c0_i32, %c0_i32_0 : i32, i32
  }
  func.func @transform_4(%arg0: i32) -> (i32, i32) {
    %c0_i32 = arith.constant 0 : i32
    %c0_i32_0 = arith.constant 0 : i32
    return %arg0, %c0_i32 : i32, i32
  }
}

</mosaic_0001>

<sc_bundles>
// kernel: _gcn.10.cloned.1.call-start
scs
__scs_entry_jumppad:
0x0: {  	(pc) =	sbr.rel $0x88, $3  }
0x1: {  	(tag) =	ssettag $0x0;
	lr =	simm.s32 $0x1  }
0x2: {  	[smem:$0x3F99] =	sst lr;
	_ =	strace $0xD0000000  }
0x3: {  	_ = 	snop  }
0x4: {  	_ = 	snop  }
0x5: {  	_ = 	snop  }
0x6: {  	_ = 	snop  }
0x7: {  	_ = 	snop  }
__scs_overlays_trampoline_lowered:
0x8: {  	[smem:$0x3FA8] =	sst s0  }
0x9: {  	[smem:$0x3FA9] =	sst s1  }
0xa: {  	[smem:$0x3FAA] =	sst s2  }
0xb: {  	[smem:$0x3FAB] =	sst s3  }
0xc: {  	[smem:$0x3FAC] =	sst s4  }
0xd: {  	[smem:$0x3FAD] =	sst s5  }
0xe: {  	[smem:$0x3FAE] =	sst s6  }
0xf: {  	[smem:$0x3FAF] =	sst s7  }
0x10: {  	[smem:$0x3FB0] =	sst s8  }
0x11: {  	[smem:$0x3FB1] =	sst s9;
	s0 =	simm.s32 @!p0 $0x0  }
0x12: {  	s1 =	sld [smem:$0x3F97];
	s0 =	simm.s32 @p0 $0x1  }
0x13: {  	[smem:$0x3FB2] =	sst s0;
	s0 =	simm.s32 @!p1 $0x0  }
0x14: {  	s2 =	sld [smem:$0x3F96];
	s0 =	simm.s32 @p1 $0x1  }
0x15: {  	[smem:$0x3FB3] =	sst s0;
	s0 =	simm.s32 @!p2 $0x0  }
0x16: {  	s3 =	sld [smem:$0x3FDB];
	s0 =	simm.s32 @p2 $0x1  }
0x17: {  	s4 =	simm.s32 $0x1BF5;
	[smem:$0x3FB5] =	sst s0  }
0x18: {  	s0 =	sld [smem:$0x3F98];
	_ =	swait.ge [sflag:s4], $0x0  }
0x19: {  	s7 =	sld [smem:$0x3F99]  }
0x1a: {  	s8 =	sadd.s32 $0xFFFFE003, lr  }
0x1b: {  	s9 =	sadd.s32 $0xFFFFFEF7, lr;
	s5 =	simm.s32 $0xFFFFFFFF;
	p2 =	slt.u32 s8, $0xFFFFF086  }
0x1c: {  	p1 =	slt.u32 s9, $0xF7A;
	s5 =	simm.s32 @!p2 $0x0  }
0x1d: {  	s5 =	simm.s32 @p1 $0x1;
	p0 =	seq.s32 s7, s2  }
0x1e: {  	s7 =	smul.u32 @!p0 $0xF7A, s2;
	p2 =	seq.s32 @!p0 s5, $0x0  }
0x1f: {  	s9 =	smul.u32 $0xF7A, s1;
	s8 =	simm.s32 @!p0 $0x1BF5;
	p2 =	por !p2, p0  }
0x20: {  	[sflag:s8] =	ssyncset.s32 @!p0 $0xFFFFF086;
	s6 =	sadd.s32 @!p0 s3, s7;
	s7 =	simm.s32 @!p0 $0x108  }
0x21: {  	s3 =	sadd.s32 s3, s9;
	s6 =	sadd.s32 @!p0 $0x88, s6;
	s7 =	simm.s32 @p2 $0x1082  }
0x22: {  	[simem:s7], [sflag:s8] =	dma.local @!p0 [hbm:s6], $0xF7A  }
0x23: {  	s9 =	sor.u32 $0xD0000000, s2;
	s6 =	simm.s32 $0x108;
	_ =	swait.ge @!p0 [sflag:s8], $0x0  }
0x24: {  	s3 =	sadd.s32 $0x88, s3;
	s6 =	simm.s32 @!p1 $0x1082;
	[sflag:s4] =	ssyncset.s32 $0xFFFFF086  }
0x25: {  	[simem:s6], [sflag:s4] =	dma.local [hbm:s3], $0xF7A  }
0x26: {  	[smem:$0x3F99] =	sst s1;
	(tag) =	ssettag s2;
	_ =	strace s9  }
0x27: {  	s1 =	sld [smem:$0x3FA9]  }
0x28: {  	s2 =	sld [smem:$0x3FAA]  }
0x29: {  	s4 =	sld [smem:$0x3FAC]  }
0x2a: {  	p0 =	seq.s32 s5, $0x0;
	s5 =	sld [smem:$0x3FAD]  }
0x2b: {  	s6 =	sld [smem:$0x3FAE]  }
0x2c: {  	s7 =	sld [smem:$0x3FAF]  }
0x2d: {  	s3 =	simm.s32 $0x108;
	s8 =	sld [smem:$0x3FB0]  }
0x2e: {  	s3 =	simm.s32 @!p0 $0x1082;
	s9 =	sld [smem:$0x3FB1]  }
0x2f: {  	lr =	sadd.s32 s0, s3;
	s0 =	sld [smem:$0x3FA8]  }
0x30: {  	s3 =	sld [smem:$0x3FAB]  }
0x31: {  	[smem:$0x3FB4] =	sst s10  }
0x32: {  	s10 =	sld [smem:$0x3FB2];
	_ =	sdelay $0x3  }
0x33: {  	p0 =	seq.s32 s10, $0x1;
	s10 =	sld [smem:$0x3FB4];
	_ =	sdelay $0x3  }
0x34: {  	[smem:$0x3FB4] =	sst s10  }
0x35: {  	s10 =	sld [smem:$0x3FB3];
	_ =	sdelay $0x3  }
0x36: {  	p1 =	seq.s32 s10, $0x1;
	s10 =	sld [smem:$0x3FB4];
	_ =	sdelay $0x3  }
0x37: {  	[smem:$0x3FB4] =	sst s10  }
0x38: {  	s10 =	sld [smem:$0x3FB5]  }
0x39: {  	_ = 	snop;
	(pc) =	sbr.ind lr, $3  }
0x3a: {  	_ = 	snop  }
0x3b: {  	_ = 	snop  }
0x3c: {  	p2 =	seq.s32 s10, $0x1;
	s10 =	sld [smem:$0x3FB4]  }
0x3d: {  	_ =	shalt  }
0x3e: {  	_ =	shalt  }
0x3f: {  	_ =	shalt  }
0x40: {  	_ =	shalt  }
0x41: {  	_ =	shalt  }
0x42: {  	_ =	shalt  }
0x43: {  	_ =	shalt  }
0x44: {  	_ =	shalt  }
0x45: {  	_ =	shalt  }
0x46: {  	_ =	shalt  }
0x47: {  	_ =	shalt  }
0x48: {  	_ =	shalt  }
0x49: {  	_ =	shalt  }
0x4a: {  	_ =	shalt  }
0x4b: {  	_ =	shalt  }
0x4c: {  	_ =	shalt  }
0x4d: {  	_ =	shalt  }
0x4e: {  	_ =	shalt  }
0x4f: {  	_ =	shalt  }
0x50: {  	_ =	shalt  }
0x51: {  	_ =	shalt  }
0x52: {  	_ =	shalt  }
0x53: {  	_ =	shalt  }
0x54: {  	_ =	shalt  }
0x55: {  	_ =	shalt  }
0x56: {  	_ =	shalt  }
0x57: {  	_ =	shalt  }
0x58: {  	_ =	shalt  }
0x59: {  	_ =	shalt  }
0x5a: {  	_ =	shalt  }
0x5b: {  	_ =	shalt  }
0x5c: {  	_ =	shalt  }
0x5d: {  	_ =	shalt  }
0x5e: {  	_ =	shalt  }
0x5f: {  	_ =	shalt  }
0x60: {  	_ =	shalt  }
0x61: {  	_ =	shalt  }
0x62: {  	_ =	shalt  }
0x63: {  	_ =	shalt  }
0x64: {  	_ =	shalt  }
0x65: {  	_ =	shalt  }
0x66: {  	_ =	shalt  }
0x67: {  	_ =	shalt  }
0x68: {  	_ =	shalt  }
0x69: {  	_ =	shalt  }
0x6a: {  	_ =	shalt  }
0x6b: {  	_ =	shalt  }
0x6c: {  	_ =	shalt  }
0x6d: {  	_ =	shalt  }
0x6e: {  	_ =	shalt  }
0x6f: {  	_ =	shalt  }
0x70: {  	_ =	shalt  }
0x71: {  	_ =	shalt  }
0x72: {  	_ =	shalt  }
0x73: {  	_ =	shalt  }
0x74: {  	_ =	shalt  }
0x75: {  	_ =	shalt  }
0x76: {  	_ =	shalt  }
0x77: {  	_ =	shalt  }
0x78: {  	_ =	shalt  }
0x79: {  	_ =	shalt  }
0x7a: {  	_ =	shalt  }
0x7b: {  	_ =	shalt  }
0x7c: {  	_ =	shalt  }
0x7d: {  	_ =	shalt  }
0x7e: {  	_ =	shalt  }
0x7f: {  	_ =	shalt  }
0x80: {  	_ =	shalt  }
0x81: {  	_ =	shalt  }
0x82: {  	_ =	shalt  }
0x83: {  	_ =	shalt  }
0x84: {  	_ =	shalt  }
0x85: {  	_ =	shalt  }
0x86: {  	_ =	shalt  }
0x87: {  	_ =	shalt  }
.Lfunc_end0:
.L_simem_size_0:
called_computation_lowered:
.L_overlay_start_0:
0x88: {  	s2 =	sld [smem:$0x3FD9]  }
0x89: {  	s3 =	sld [smem:$0x3FFE];
	_ =	sdelay $0x1  }
0x8a: {  	s1 =	srdreg.scid  }
0x8b: {  	s0 =	sand.u32 $0x1, s1  }
0x8c: {  	s17 =	sshll.u32 s0, $0xA;
	s2 =	sadd.s32 s3, s2  }
0x8d: {  	s2 =	sadd.s32 s2, s17  }
0x8e: {  	[smem:$0x3FC0] =	sst s2  }
0x8f: {  	_ = 	snop  }
0x90: {  	s2 =	sld [smem:$0x3FD0];
	(tm) =	ssettm $0x1  }
0x91: {  	s18 =	sld [smem:$0x3FFB];
	_ =	sdelay $0x3  }
0x92: {  	_ =	strace s18  }
0x93: {  	s3 =	sld [smem:$0x3FFC];
	_ =	sdelay $0x3  }
0x94: {  	_ =	strace s3  }
0x95: {  	s3 =	sld [smem:$0x3FFD];
	_ =	sdelay $0x3  }
0x96: {  	_ =	strace s3  }
0x97: {  	_ =	strace $0x8FFFFFFF  }
0x98: {  	s19 =	sld [smem:$0x3FDB];
	_ =	sdelay $0x1  }
0x99: {  	s4 =	simm.s32 $_scs_section_size  }
0x9a: {  	s5 =	simm.s32 $_size__tile_overlayer_lowered;
	s6 =	simm.s32 $_tile_overlayer_lowered  }
0x9b: {  	s22 =	simm.s32 $0x1BFF;
	s21 =	sshll.u32 s6, $0x1;
	s3 =	sadd.s32 s4, s19  }
0x9c: {  	s7 =	simm.s32 $0x0;
	s20 =	sshll.u32 s5, $0x1;
	s5 =	sadd.s32 s21, s3  }
0x9d: {  	[timem:s7], [sflag:s22] =	dma.local [hbm:s5], s20  }
0x9e: {  	_ =	swait.ge [sflag:s22], s20  }
0x9f: {  	s4 =	ssub.s32 $0x0, s20;
	[sflag:s22] =	ssyncset.done $0x0  }
0xa0: {  	[sflag:s22] =	ssyncadd.s32 s4;
	_ =	sdelay $0x1  }
0xa1: {  	s23 =	simm.s32 $0x1B8B  }
0xa2: {  	_ =	swait.ge [sflag:s23], $0x1  }
0xa3: {  	[sflag:s23] =	ssyncset.done $0x0  }
0xa4: {  	s25 =	simm.s32 $0x1B8E;
	s24 =	sld [smem:$0x3FFE];
	[sflag:s23] =	ssyncadd.s32 $0xFFFFFFFF  }
0xa5: {  	s26 =	simm.s32 $execute0_lowered;
	[smem:$0x3FD2] =	sst s25  }
0xa6: {  	s5 =	sshll.u32 s26, $0x1;
	_ =	strace $0x80000046;
	[dreg:$0x1] =	wrdreg $0xFFFFFFFF  }
0xa7: {  	s28 =	simm.s32 $_size_execute0_lowered;
	s3 =	sadd.s32 s3, s5;
	[dreg:$0x0] =	wrdreg $0x0  }
0xa8: {  	s5 =	sshll.u32 s28, $0x1;
	[dreg:$0x2] =	wrdreg s3  }
0xa9: {  	[dreg:$0x3] =	wrdreg s5  }
0xaa: {  	[dreg:$0x4] =	wrdreg $0xC0  }
0xab: {  	_ =	task [dreg:s7], $0x5FFFF  }
0xac: {  	[dreg:$0x1] =	wrdreg $0xFFFFFFFF  }
0xad: {  	[dreg:$0x0] =	wrdreg $0x60  }
0xae: {  	[dreg:$0x2] =	wrdreg s24  }
0xaf: {  	[dreg:$0x3] =	wrdreg s2  }
0xb0: {  	[dreg:$0x4] =	wrdreg $0x2C000  }
0xb1: {  	[dreg:$0x5] =	wrdreg $0x9  }
0xb2: {  	_ =	task.clear_ibuf [dreg:s7], $0x6FFFF;
	_ =	strace $0x90000046  }
0xb3: {  	s29 =	simm.s32 $0x9;
	_ =	strace $0x80000048  }
0xb4: {  	_ =	swait.ge [sflag:s29], $0x1  }
0xb5: {  	[sflag:s29] =	ssyncadd.s32 $0xFFFFFFFF  }
0xb6: {  	_ =	strace $0x90000048  }
0xb7: {  	_ =	sfence  }
0xb8: {  	s30 =	sld [smem:$0x0];
	_ =	sdelay $0x2  }
0xb9: {  	s31 =	sshll.u32 s1, $0xD;
	s1 =	sshrl.u32 s1, $0x2  }
0xba: {  	s3 =	sand.u32 $0x4000, s31;
	s1 =	sadd.s32 s1, s30  }
0xbb: {  	s0 =	sor.u32 s3, s0;
	s1 =	sshll.u32 s1, $0x11  }
0xbc: {  	s0 =	sor.u32 s1, s0  }
0xbd: {  	s0 =	sadd.s32 $0x8F2B, s0  }
0xbe: {  	[sflag:s0] =	ssyncadd.remote.s32 $0x1  }
0xbf: {  	_ =	sfence.sel $0xFFFF  }
0xc0: {  	[dreg:$0x0] =	wrdreg $0xFFFFFFFF;
	(pc) =	sbr.abs _section_cstart, $3  }
0xc1: {  	[dreg:$0x1] =	wrdreg $0xFFFFFFFF  }
0xc2: {  	_ =	task.clear_ibuf [dreg:s7], $0x2FFFF;
	_ =	strace $0x9FFFFFFF  }
0xc3: {  	(tm) =	ssettm $0x7FFFFFFF  }
tec
execute0_lowered:
.L_overlay_start_1:
0x0: {  	(tag) =	ssettag $0x1  }
0x1: {  	s5 =	rddreg [dreg:$0x0];
	s1 =	srdreg.scid  }
0x2: {  	s0 =	stileid.u32;
	s8 =	rddreg [dreg:$0x1]  }
0x3: {  	s2 =	rddreg [dreg:$0x2];
	s3 =	simm.s32 $0x0;
	s13 =	simm.s32 $0x80  }
0x4: {  	s14 =	simm.s32 $0x1;
	s4 =	sand.u32 $0x1, s1;
	s1 =	rddreg [dreg:$0x3]  }
0x5: {  	s15 =	simm.s32 $0x0;
	s26 =	sshll.u32 s0, $0x1;
	[smem:$0x7FF] =	sst s3  }
0x6: {  	s7 =	smul.u32 $0x13C0, s0;
	s31 =	sshll.u32 s0, $0x6;
	s6 =	sor.u32 s4, s26  }
0x7: {  	_ =	strace $0x80000047;
	s28 =	ssub.s32 $0x2, s4;
	s12 =	smul.u32 $0x13C00, s4  }
0x8: {  	s4 =	sadd.s32 $0xF000, s5;
	s6 =	smul.u32 $0x500, s6;
	s11 =	sshrl.u32 s28, $0x1  }
0x9: {  	s10 =	sshrl.u32 s7, $0x3;
	s30 =	sadd.s32 s7, s2;
	s29 =	ssub.s32 s28, s11  }
0xa: {  	s7 =	sadd.s32 s7, s12;
	s11 =	simm.s32 $0x2;
	s9 =	sadd.s32 s6, s5  }
0xb: {  	s5 =	sadd.s32 s10, s5;
	s6 =	sor.u32 $0x1C02, s31;
	s12 =	sshrl.u32 s7, $0x3  }
0xc: {  	s10 =	sshrl.u32 s30, $0x3;
	s5 =	sadd.s32 $0xC800, s5;
	s7 =	sadd.s32 $0x2800, s9  }
0xd: {  	s8 =	sadd.s32 s8, s12;
	s9 =	smax.u32 s29, $0x1;
	s12 =	simm.s32 $0x2800  }
.LBB2_1:
0xe: {  	[spmem:s10], [sflag:s6] =	dma.local [hbm:s5], $0x278  }
0xf: {  	_ =	swait.ge [sflag:s11], $0x278  }
0x10: {  	[sflag:s11] =	ssyncset.done $0x0  }
0x11: {  	[sflag:s11] =	ssyncadd.s32 $0xFFFFFD88  }
0x12: {  	[tilespmem:s12], [sflag:$0x2] =	stream.linear.gather [hbm4b:s4+s3], $0x400, $0x38;
	[tilespmem:$0x3FC0] =	vst v63  }
0x13: {  	_ =	swait.ge [sflag:s11], $0x400  }
0x14: {  	[sflag:s11] =	ssyncset.done $0x0  }
0x15: {  	[sflag:s11] =	ssyncadd.s32 $0xFFFFFC00  }
0x16: {  	[tilespmem:s3], [sflag:$0x2] =	stream.linear.gather [hbm4b:s7+s3], $0x2800, $0x38;
	[tilespmem:$0x3FC0] =	vst v63  }
0x17: {  	_ =	swait.ge [sflag:s11], $0x2800  }
0x18: {  	[sflag:s11] =	ssyncset.done $0x0  }
0x19: {  	[sflag:s11] =	ssyncadd.s32 $0xFFFFD800  }
0x1a: {  	s16 =	simm.s32 $0x0;
	[bflag:$0x0] =	sbarrier.arrive $0xFFFF  }
0x1b: {  	[spmem:s2] =	stream.indirect.scatter.add.f32 [tilespmem:s12], [sflag:$0x1], $0x8, s16, s13, $0xb8;
	[tilespmem:$0x3FC0] =	vst v63  }
0x1c: {  	s24 =	simm.s32 $0x80  }
0x1d: {  	[spmem:s2] =	stream.indirect.scatter.add.f32 [tilespmem:s12], [sflag:$0x1], $0x8, s24, s13, $0xb8;
	[tilespmem:$0x3FC0] =	vst v63  }
0x1e: {  	s25 =	simm.s32 $0x100  }
0x1f: {  	[spmem:s2] =	stream.indirect.scatter.add.f32 [tilespmem:s12], [sflag:$0x1], $0x8, s25, s13, $0xb8;
	[tilespmem:$0x3FC0] =	vst v63  }
0x20: {  	s26 =	simm.s32 $0x180  }
0x21: {  	[spmem:s2] =	stream.indirect.scatter.add.f32 [tilespmem:s12], [sflag:$0x1], $0x8, s26, s13, $0xb8;
	[tilespmem:$0x3FC0] =	vst v63  }
0x22: {  	s28 =	simm.s32 $0x200  }
0x23: {  	[spmem:s2] =	stream.indirect.scatter.add.f32 [tilespmem:s12], [sflag:$0x1], $0x8, s28, s13, $0xb8;
	[tilespmem:$0x3FC0] =	vst v63  }
0x24: {  	s29 =	simm.s32 $0x280  }
0x25: {  	[spmem:s2] =	stream.indirect.scatter.add.f32 [tilespmem:s12], [sflag:$0x1], $0x8, s29, s13, $0xb8;
	[tilespmem:$0x3FC0] =	vst v63  }
0x26: {  	s30 =	simm.s32 $0x300  }
0x27: {  	[spmem:s2] =	stream.indirect.scatter.add.f32 [tilespmem:s12], [sflag:$0x1], $0x8, s30, s13, $0xb8;
	[tilespmem:$0x3FC0] =	vst v63  }
0x28: {  	s31 =	simm.s32 $0x380  }
0x29: {  	[spmem:s2] =	stream.indirect.scatter.add.f32 [tilespmem:s12], [sflag:$0x1], $0x8, s31, s13, $0xb8;
	[tilespmem:$0x3FC0] =	vst v63  }
0x2a: {  	_ =	swait.ge [sflag:s14], $0x400  }
0x2b: {  	[sflag:s14] =	ssyncset.done $0x0  }
0x2c: {  	[sflag:s14] =	ssyncadd.s32 $0xFFFFFC00  }
0x2d: {  	_ =	swait.ge [sflag:s14], $0x400  }
0x2e: {  	[sflag:s14] =	ssyncset.done $0x0  }
0x2f: {  	[sflag:s14] =	ssyncadd.s32 $0xFFFFFC00  }
0x30: {  	_ =	swait.ge [sflag:s14], $0x400  }
0x31: {  	[sflag:s14] =	ssyncset.done $0x0  }
0x32: {  	[sflag:s14] =	ssyncadd.s32 $0xFFFFFC00  }
0x33: {  	_ =	swait.ge [sflag:s14], $0x400  }
0x34: {  	[sflag:s14] =	ssyncset.done $0x0  }
0x35: {  	[sflag:s14] =	ssyncadd.s32 $0xFFFFFC00  }
0x36: {  	_ =	swait.ge [sflag:s14], $0x400  }
0x37: {  	[sflag:s14] =	ssyncset.done $0x0  }
0x38: {  	[sflag:s14] =	ssyncadd.s32 $0xFFFFFC00  }
0x39: {  	_ =	swait.ge [sflag:s14], $0x400  }
0x3a: {  	[sflag:s14] =	ssyncset.done $0x0  }
0x3b: {  	[sflag:s14] =	ssyncadd.s32 $0xFFFFFC00  }
0x3c: {  	_ =	swait.ge [sflag:s14], $0x400  }
0x3d: {  	[sflag:s14] =	ssyncset.done $0x0  }
0x3e: {  	[sflag:s14] =	ssyncadd.s32 $0xFFFFFC00  }
0x3f: {  	_ =	swait.ge [sflag:s14], $0x400  }
0x40: {  	s18 =	simm.s32 $0x2000;
	s16 =	simm.s32 $0x1000;
	[sflag:s14] =	ssyncset.done $0x0  }
.LBB2_2:
0x41: {  	s19 =	sshra.s32 s16, $0x2  }
0x42: {  	[sflag:s14] =	ssyncadd.s32 $0xFFFFFC00;
	s16 =	smov.u32 s18;
	s17 =	sadd.s32 $0x1000, s18  }
0x43: {  	[spmem:s2] =	stream.indirect.scatter.add.f32 [tilespmem:s12], [sflag:$0x1], $0x8, s19, s13, $0xb8;
	[tilespmem:$0x3FC0] =	vst v63  }
0x44: {  	p0 =	sne.s32 s18, $0x9000;
	s18 =	sadd.s32 $0x80, s19  }
0x45: {  	[spmem:s2] =	stream.indirect.scatter.add.f32 [tilespmem:s12], [sflag:$0x1], $0x8, s18, s13, $0xb8;
	[tilespmem:$0x3FC0] =	vst v63  }
0x46: {  	s18 =	sadd.s32 $0x100, s19  }
0x47: {  	[spmem:s2] =	stream.indirect.scatter.add.f32 [tilespmem:s12], [sflag:$0x1], $0x8, s18, s13, $0xb8;
	[tilespmem:$0x3FC0] =	vst v63  }
0x48: {  	s18 =	sadd.s32 $0x180, s19  }
0x49: {  	[spmem:s2] =	stream.indirect.scatter.add.f32 [tilespmem:s12], [sflag:$0x1], $0x8, s18, s13, $0xb8;
	[tilespmem:$0x3FC0] =	vst v63  }
0x4a: {  	s18 =	sadd.s32 $0x200, s19  }
0x4b: {  	[spmem:s2] =	stream.indirect.scatter.add.f32 [tilespmem:s12], [sflag:$0x1], $0x8, s18, s13, $0xb8;
	[tilespmem:$0x3FC0] =	vst v63  }
0x4c: {  	s18 =	sadd.s32 $0x280, s19  }
0x4d: {  	[spmem:s2] =	stream.indirect.scatter.add.f32 [tilespmem:s12], [sflag:$0x1], $0x8, s18, s13, $0xb8;
	[tilespmem:$0x3FC0] =	vst v63  }
0x4e: {  	s18 =	sadd.s32 $0x300, s19  }
0x4f: {  	[spmem:s2] =	stream.indirect.scatter.add.f32 [tilespmem:s12], [sflag:$0x1], $0x8, s18, s13, $0xb8;
	[tilespmem:$0x3FC0] =	vst v63  }
0x50: {  	s18 =	sadd.s32 $0x380, s19  }
0x51: {  	[spmem:s2] =	stream.indirect.scatter.add.f32 [tilespmem:s12], [sflag:$0x1], $0x8, s18, s13, $0xb8;
	[tilespmem:$0x3FC0] =	vst v63  }
0x52: {  	_ =	swait.ge [sflag:s14], $0x400  }
0x53: {  	[sflag:s14] =	ssyncset.done $0x0  }
0x54: {  	[sflag:s14] =	ssyncadd.s32 $0xFFFFFC00  }
0x55: {  	_ =	swait.ge [sflag:s14], $0x400  }
0x56: {  	[sflag:s14] =	ssyncset.done $0x0  }
0x57: {  	[sflag:s14] =	ssyncadd.s32 $0xFFFFFC00  }
0x58: {  	_ =	swait.ge [sflag:s14], $0x400  }
0x59: {  	[sflag:s14] =	ssyncset.done $0x0  }
0x5a: {  	[sflag:s14] =	ssyncadd.s32 $0xFFFFFC00  }
0x5b: {  	_ =	swait.ge [sflag:s14], $0x400  }
0x5c: {  	[sflag:s14] =	ssyncset.done $0x0  }
0x5d: {  	[sflag:s14] =	ssyncadd.s32 $0xFFFFFC00  }
0x5e: {  	_ =	swait.ge [sflag:s14], $0x400  }
0x5f: {  	[sflag:s14] =	ssyncset.done $0x0  }
0x60: {  	[sflag:s14] =	ssyncadd.s32 $0xFFFFFC00  }
0x61: {  	_ =	swait.ge [sflag:s14], $0x400  }
0x62: {  	[sflag:s14] =	ssyncset.done $0x0  }
0x63: {  	[sflag:s14] =	ssyncadd.s32 $0xFFFFFC00  }
.Ltmp0:
0x64: {  	_ =	swait.ge [sflag:s14], $0x400;
	(pc) =	sbr.rel @p0 .LBB2_2-.Ltmp0, $4  }
0x65: {  	[sflag:s14] =	ssyncset.done $0x0  }
0x66: {  	[sflag:s14] =	ssyncadd.s32 $0xFFFFFC00  }
0x67: {  	_ =	swait.ge [sflag:s14], $0x400  }
0x68: {  	s18 =	smov.u32 s17;
	[sflag:s14] =	ssyncset.done $0x0  }
0x69: {  	s16 =	sshra.s32 s16, $0x2;
	[sflag:s14] =	ssyncadd.s32 $0xFFFFFC00  }
0x6a: {  	[spmem:s2] =	stream.indirect.scatter.add.f32 [tilespmem:s12], [sflag:$0x1], $0x8, s16, s13, $0xb8;
	[tilespmem:$0x3FC0] =	vst v63  }
0x6b: {  	s17 =	sadd.s32 $0x80, s16  }
0x6c: {  	[spmem:s2] =	stream.indirect.scatter.add.f32 [tilespmem:s12], [sflag:$0x1], $0x8, s17, s13, $0xb8;
	[tilespmem:$0x3FC0] =	vst v63  }
0x6d: {  	s26 =	sadd.s32 $0x100, s16  }
0x6e: {  	[spmem:s2] =	stream.indirect.scatter.add.f32 [tilespmem:s12], [sflag:$0x1], $0x8, s26, s13, $0xb8;
	[tilespmem:$0x3FC0] =	vst v63  }
0x6f: {  	s28 =	sadd.s32 $0x180, s16  }
0x70: {  	[spmem:s2] =	stream.indirect.scatter.add.f32 [tilespmem:s12], [sflag:$0x1], $0x8, s28, s13, $0xb8;
	[tilespmem:$0x3FC0] =	vst v63  }
0x71: {  	s29 =	sadd.s32 $0x200, s16  }
0x72: {  	[spmem:s2] =	stream.indirect.scatter.add.f32 [tilespmem:s12], [sflag:$0x1], $0x8, s29, s13, $0xb8;
	[tilespmem:$0x3FC0] =	vst v63  }
0x73: {  	s30 =	sadd.s32 $0x280, s16  }
0x74: {  	[spmem:s2] =	stream.indirect.scatter.add.f32 [tilespmem:s12], [sflag:$0x1], $0x8, s30, s13, $0xb8;
	[tilespmem:$0x3FC0] =	vst v63  }
0x75: {  	s31 =	sadd.s32 $0x300, s16  }
0x76: {  	[spmem:s2] =	stream.indirect.scatter.add.f32 [tilespmem:s12], [sflag:$0x1], $0x8, s31, s13, $0xb8;
	[tilespmem:$0x3FC0] =	vst v63  }
0x77: {  	s16 =	sadd.s32 $0x380, s16  }
0x78: {  	[spmem:s2] =	stream.indirect.scatter.add.f32 [tilespmem:s12], [sflag:$0x1], $0x8, s16, s13, $0xb8;
	[tilespmem:$0x3FC0] =	vst v63  }
0x79: {  	_ =	swait.ge [sflag:s14], $0x400  }
0x7a: {  	[sflag:s14] =	ssyncset.done $0x0  }
0x7b: {  	[sflag:s14] =	ssyncadd.s32 $0xFFFFFC00  }
0x7c: {  	_ =	swait.ge [sflag:s14], $0x400  }
0x7d: {  	[sflag:s14] =	ssyncset.done $0x0  }
0x7e: {  	[sflag:s14] =	ssyncadd.s32 $0xFFFFFC00  }
0x7f: {  	_ =	swait.ge [sflag:s14], $0x400  }
0x80: {  	[sflag:s14] =	ssyncset.done $0x0  }
0x81: {  	[sflag:s14] =	ssyncadd.s32 $0xFFFFFC00  }
0x82: {  	_ =	swait.ge [sflag:s14], $0x400  }
0x83: {  	[sflag:s14] =	ssyncset.done $0x0  }
0x84: {  	[sflag:s14] =	ssyncadd.s32 $0xFFFFFC00  }
0x85: {  	_ =	swait.ge [sflag:s14], $0x400  }
0x86: {  	[sflag:s14] =	ssyncset.done $0x0  }
0x87: {  	[sflag:s14] =	ssyncadd.s32 $0xFFFFFC00  }
0x88: {  	_ =	swait.ge [sflag:s14], $0x400  }
0x89: {  	[sflag:s14] =	ssyncset.done $0x0  }
0x8a: {  	[sflag:s14] =	ssyncadd.s32 $0xFFFFFC00  }
0x8b: {  	_ =	swait.ge [sflag:s14], $0x400  }
0x8c: {  	[sflag:s14] =	ssyncset.done $0x0  }
0x8d: {  	[sflag:s14] =	ssyncadd.s32 $0xFFFFFC00  }
0x8e: {  	_ =	swait.ge [sflag:s14], $0x400  }
0x8f: {  	s15 =	sadd.s32 $0x1, s15;
	[sflag:s14] =	ssyncset.done $0x0  }
0x90: {  	p0 =	sne.s32 s15, s9;
	[sflag:s14] =	ssyncadd.s32 $0xFFFFFC00  }
.Ltmp1:
0x91: {  	[bflag:$0x0] =	sbarrier.arrive $0xFFFF;
	(pc) =	sbr.rel @p0 .LBB2_1-.Ltmp1, $4  }
0x92: {  	[hbm:s8], [sflag:s6] =	dma.local [spmem:s10], $0x278  }
0x93: {  	_ =	swait.ge [sflag:s11], $0x278  }
0x94: {  	[sflag:s11] =	ssyncset.done $0x0  }
0x95: {  	[sflag:s11] =	ssyncadd.s32 $0xFFFFFD88  }
0x96: {  	_ =	sfence.sel $0x180000  }
0x97: {  	[bflag:$0x0] =	sbarrier.arrive $0xFFFF  }
0x98: {  	p0 =	sne.s32 s0, $0x0;
	_ =	strace $0x90000047  }
0x99: {  	s0 =	sadd.s32 @!p0 $0x100000, s1;
	[bflag:$0x2] =	sbarrier.arrive $0xFFFF  }
0x9a: {  	[sflag:s0] =	ssyncadd.tile.s32 @!p0 $0x1;
	_ =	shalt  }
.Lfunc_end2:
_tile_overlayer_lowered:
.L_overlay_start_2:
0x9b: {  	(tag) =	ssettag $0x2  }
0x9c: {  	s0 =	rddreg [dreg:$0x0];
	s2 =	stileid.u32  }
0x9d: {  	s1 =	rddreg [dreg:$0x1];
	p0 =	sne.s32 s2, $0x0  }
0x9e: {  	s3 =	rddreg [dreg:$0x2];
	[bflag:$0x3] =	sbarrier.arrive $0xFFFF;
	s2 =	simm.s32 @!p0 $0x1C02  }
0x9f: {  	[timem:s3], [sflag:s2] =	dma.local @!p0 [hbm:s0], s1  }
0xa0: {  	s0 =	simm.s32 @!p0 $0x2  }
0xa1: {  	_ =	swait.ge @!p0 [sflag:s0], s1  }
0xa2: {  	s1 =	ssub.s32 @!p0 $0x0, s1;
	[sflag:s0] =	ssyncset.done @!p0 $0x0  }
0xa3: {  	[sflag:s0] =	ssyncadd.s32 @!p0 s1  }
0xa4: {  	[bflag:$0x3] =	sbarrier.arrive $0xFFFF  }
0xa5: {  	_ =	shalt  }

// kernel: _gcn.13.cloned.1.call-start
scs
__scs_entry_jumppad:
0x0: {  	(pc) =	sbr.rel $0x88, $3  }
0x1: {  	(tag) =	ssettag $0x0;
	lr =	simm.s32 $0x1  }
0x2: {  	[smem:$0x3F99] =	sst lr;
	_ =	strace $0xD0000000  }
0x3: {  	_ = 	snop  }
0x4: {  	_ = 	snop  }
0x5: {  	_ = 	snop  }
0x6: {  	_ = 	snop  }
0x7: {  	_ = 	snop  }
__scs_overlays_trampoline_lowered:
0x8: {  	[smem:$0x3FA8] =	sst s0  }
0x9: {  	[smem:$0x3FA9] =	sst s1  }
0xa: {  	[smem:$0x3FAA] =	sst s2  }
0xb: {  	[smem:$0x3FAB] =	sst s3  }
0xc: {  	[smem:$0x3FAC] =	sst s4  }
0xd: {  	[smem:$0x3FAD] =	sst s5  }
0xe: {  	[smem:$0x3FAE] =	sst s6  }
0xf: {  	[smem:$0x3FAF] =	sst s7  }
0x10: {  	[smem:$0x3FB0] =	sst s8  }
0x11: {  	[smem:$0x3FB1] =	sst s9;
	s0 =	simm.s32 @!p0 $0x0  }
0x12: {  	s1 =	sld [smem:$0x3F97];
	s0 =	simm.s32 @p0 $0x1  }
0x13: {  	[smem:$0x3FB2] =	sst s0;
	s0 =	simm.s32 @!p1 $0x0  }
0x14: {  	s2 =	sld [smem:$0x3F96];
	s0 =	simm.s32 @p1 $0x1  }
0x15: {  	[smem:$0x3FB3] =	sst s0;
	s0 =	simm.s32 @!p2 $0x0  }
0x16: {  	s3 =	sld [smem:$0x3FDB];
	s0 =	simm.s32 @p2 $0x1  }
0x17: {  	s4 =	simm.s32 $0x1BF5;
	[smem:$0x3FB5] =	sst s0  }
0x18: {  	s0 =	sld [smem:$0x3F98];
	_ =	swait.ge [sflag:s4], $0x0  }
0x19: {  	s7 =	sld [smem:$0x3F99]  }
0x1a: {  	s8 =	sadd.s32 $0xFFFFE003, lr  }
0x1b: {  	s9 =	sadd.s32 $0xFFFFFEF7, lr;
	s5 =	simm.s32 $0xFFFFFFFF;
	p2 =	slt.u32 s8, $0xFFFFF086  }
0x1c: {  	p1 =	slt.u32 s9, $0xF7A;
	s5 =	simm.s32 @!p2 $0x0  }
0x1d: {  	s5 =	simm.s32 @p1 $0x1;
	p0 =	seq.s32 s7, s2  }
0x1e: {  	s7 =	smul.u32 @!p0 $0xF7A, s2;
	p2 =	seq.s32 @!p0 s5, $0x0  }
0x1f: {  	s9 =	smul.u32 $0xF7A, s1;
	s8 =	simm.s32 @!p0 $0x1BF5;
	p2 =	por !p2, p0  }
0x20: {  	[sflag:s8] =	ssyncset.s32 @!p0 $0xFFFFF086;
	s6 =	sadd.s32 @!p0 s3, s7;
	s7 =	simm.s32 @!p0 $0x108  }
0x21: {  	s3 =	sadd.s32 s3, s9;
	s6 =	sadd.s32 @!p0 $0x88, s6;
	s7 =	simm.s32 @p2 $0x1082  }
0x22: {  	[simem:s7], [sflag:s8] =	dma.local @!p0 [hbm:s6], $0xF7A  }
0x23: {  	s9 =	sor.u32 $0xD0000000, s2;
	s6 =	simm.s32 $0x108;
	_ =	swait.ge @!p0 [sflag:s8], $0x0  }
0x24: {  	s3 =	sadd.s32 $0x88, s3;
	s6 =	simm.s32 @!p1 $0x1082;
	[sflag:s4] =	ssyncset.s32 $0xFFFFF086  }
0x25: {  	[simem:s6], [sflag:s4] =	dma.local [hbm:s3], $0xF7A  }
0x26: {  	[smem:$0x3F99] =	sst s1;
	(tag) =	ssettag s2;
	_ =	strace s9  }
0x27: {  	s1 =	sld [smem:$0x3FA9]  }
0x28: {  	s2 =	sld [smem:$0x3FAA]  }
0x29: {  	s4 =	sld [smem:$0x3FAC]  }
0x2a: {  	p0 =	seq.s32 s5, $0x0;
	s5 =	sld [smem:$0x3FAD]  }
0x2b: {  	s6 =	sld [smem:$0x3FAE]  }
0x2c: {  	s7 =	sld [smem:$0x3FAF]  }
0x2d: {  	s3 =	simm.s32 $0x108;
	s8 =	sld [smem:$0x3FB0]  }
0x2e: {  	s3 =	simm.s32 @!p0 $0x1082;
	s9 =	sld [smem:$0x3FB1]  }
0x2f: {  	lr =	sadd.s32 s0, s3;
	s0 =	sld [smem:$0x3FA8]  }
0x30: {  	s3 =	sld [smem:$0x3FAB]  }
0x31: {  	[smem:$0x3FB4] =	sst s10  }
0x32: {  	s10 =	sld [smem:$0x3FB2];
	_ =	sdelay $0x3  }
0x33: {  	p0 =	seq.s32 s10, $0x1;
	s10 =	sld [smem:$0x3FB4];
	_ =	sdelay $0x3  }
0x34: {  	[smem:$0x3FB4] =	sst s10  }
0x35: {  	s10 =	sld [smem:$0x3FB3];
	_ =	sdelay $0x3  }
0x36: {  	p1 =	seq.s32 s10, $0x1;
	s10 =	sld [smem:$0x3FB4];
	_ =	sdelay $0x3  }
0x37: {  	[smem:$0x3FB4] =	sst s10  }
0x38: {  	s10 =	sld [smem:$0x3FB5]  }
0x39: {  	_ = 	snop;
	(pc) =	sbr.ind lr, $3  }
0x3a: {  	_ = 	snop  }
0x3b: {  	_ = 	snop  }
0x3c: {  	p2 =	seq.s32 s10, $0x1;
	s10 =	sld [smem:$0x3FB4]  }
0x3d: {  	_ =	shalt  }
0x3e: {  	_ =	shalt  }
0x3f: {  	_ =	shalt  }
0x40: {  	_ =	shalt  }
0x41: {  	_ =	shalt  }
0x42: {  	_ =	shalt  }
0x43: {  	_ =	shalt  }
0x44: {  	_ =	shalt  }
0x45: {  	_ =	shalt  }
0x46: {  	_ =	shalt  }
0x47: {  	_ =	shalt  }
0x48: {  	_ =	shalt  }
0x49: {  	_ =	shalt  }
0x4a: {  	_ =	shalt  }
0x4b: {  	_ =	shalt  }
0x4c: {  	_ =	shalt  }
0x4d: {  	_ =	shalt  }
0x4e: {  	_ =	shalt  }
0x4f: {  	_ =	shalt  }
0x50: {  	_ =	shalt  }
0x51: {  	_ =	shalt  }
0x52: {  	_ =	shalt  }
0x53: {  	_ =	shalt  }
0x54: {  	_ =	shalt  }
0x55: {  	_ =	shalt  }
0x56: {  	_ =	shalt  }
0x57: {  	_ =	shalt  }
0x58: {  	_ =	shalt  }
0x59: {  	_ =	shalt  }
0x5a: {  	_ =	shalt  }
0x5b: {  	_ =	shalt  }
0x5c: {  	_ =	shalt  }
0x5d: {  	_ =	shalt  }
0x5e: {  	_ =	shalt  }
0x5f: {  	_ =	shalt  }
0x60: {  	_ =	shalt  }
0x61: {  	_ =	shalt  }
0x62: {  	_ =	shalt  }
0x63: {  	_ =	shalt  }
0x64: {  	_ =	shalt  }
0x65: {  	_ =	shalt  }
0x66: {  	_ =	shalt  }
0x67: {  	_ =	shalt  }
0x68: {  	_ =	shalt  }
0x69: {  	_ =	shalt  }
0x6a: {  	_ =	shalt  }
0x6b: {  	_ =	shalt  }
0x6c: {  	_ =	shalt  }
0x6d: {  	_ =	shalt  }
0x6e: {  	_ =	shalt  }
0x6f: {  	_ =	shalt  }
0x70: {  	_ =	shalt  }
0x71: {  	_ =	shalt  }
0x72: {  	_ =	shalt  }
0x73: {  	_ =	shalt  }
0x74: {  	_ =	shalt  }
0x75: {  	_ =	shalt  }
0x76: {  	_ =	shalt  }
0x77: {  	_ =	shalt  }
0x78: {  	_ =	shalt  }
0x79: {  	_ =	shalt  }
0x7a: {  	_ =	shalt  }
0x7b: {  	_ =	shalt  }
0x7c: {  	_ =	shalt  }
0x7d: {  	_ =	shalt  }
0x7e: {  	_ =	shalt  }
0x7f: {  	_ =	shalt  }
0x80: {  	_ =	shalt  }
0x81: {  	_ =	shalt  }
0x82: {  	_ =	shalt  }
0x83: {  	_ =	shalt  }
0x84: {  	_ =	shalt  }
0x85: {  	_ =	shalt  }
0x86: {  	_ =	shalt  }
0x87: {  	_ =	shalt  }
.Lfunc_end0:
.L_simem_size_0:
called_computation.1_lowered:
.L_overlay_start_0:
0x88: {  	s2 =	sld [smem:$0x3FD9]  }
0x89: {  	s3 =	sld [smem:$0x3FFE];
	_ =	sdelay $0x1  }
0x8a: {  	s1 =	srdreg.scid  }
0x8b: {  	s0 =	sand.u32 $0x1, s1  }
0x8c: {  	s16 =	sshll.u32 s0, $0xA;
	s2 =	sadd.s32 s3, s2  }
0x8d: {  	s2 =	sadd.s32 s2, s16  }
0x8e: {  	[smem:$0x3FC0] =	sst s2  }
0x8f: {  	_ = 	snop  }
0x90: {  	(tm) =	ssettm $0x1  }
0x91: {  	s17 =	sld [smem:$0x3FFB];
	_ =	sdelay $0x3  }
0x92: {  	_ =	strace s17  }
0x93: {  	s2 =	sld [smem:$0x3FFC];
	_ =	sdelay $0x3  }
0x94: {  	_ =	strace s2  }
0x95: {  	s2 =	sld [smem:$0x3FFD];
	_ =	sdelay $0x3  }
0x96: {  	_ =	strace s2  }
0x97: {  	_ =	strace $0x8FFFFFFF  }
0x98: {  	s18 =	sld [smem:$0x3FDB];
	_ =	sdelay $0x1  }
0x99: {  	s19 =	simm.s32 $_scs_section_size  }
0x9a: {  	s4 =	simm.s32 $_size__tile_overlayer_lowered;
	s5 =	simm.s32 $_tile_overlayer_lowered  }
0x9b: {  	s22 =	simm.s32 $0x1BFF;
	s21 =	sshll.u32 s5, $0x1;
	s2 =	sadd.s32 s19, s18  }
0x9c: {  	s6 =	simm.s32 $0x0;
	s20 =	sshll.u32 s4, $0x1;
	s4 =	sadd.s32 s21, s2  }
0x9d: {  	[timem:s6], [sflag:s22] =	dma.local [hbm:s4], s20  }
0x9e: {  	_ =	swait.ge [sflag:s22], s20  }
0x9f: {  	s3 =	ssub.s32 $0x0, s20;
	[sflag:s22] =	ssyncset.done $0x0  }
0xa0: {  	[sflag:s22] =	ssyncadd.s32 s3;
	_ =	sdelay $0x1  }
0xa1: {  	s23 =	simm.s32 $0x1B8B  }
0xa2: {  	_ =	swait.ge [sflag:s23], $0x1  }
0xa3: {  	[sflag:s23] =	ssyncset.done $0x0  }
0xa4: {  	s25 =	simm.s32 $0x1B8E;
	s24 =	sld [smem:$0x3FFE];
	[sflag:s23] =	ssyncadd.s32 $0xFFFFFFFF  }
0xa5: {  	s26 =	simm.s32 $execute0_lowered;
	[smem:$0x3FD2] =	sst s25  }
0xa6: {  	s4 =	sshll.u32 s26, $0x1;
	_ =	strace $0x80000049;
	[dreg:$0x1] =	wrdreg $0xFFFFFFFF  }
0xa7: {  	s28 =	simm.s32 $_size_execute0_lowered;
	s2 =	sadd.s32 s2, s4;
	[dreg:$0x0] =	wrdreg $0x0  }
0xa8: {  	s4 =	sshll.u32 s28, $0x1;
	[dreg:$0x2] =	wrdreg s2  }
0xa9: {  	[dreg:$0x3] =	wrdreg s4  }
0xaa: {  	[dreg:$0x4] =	wrdreg $0xC0  }
0xab: {  	_ =	task [dreg:s6], $0x5FFFF  }
0xac: {  	[dreg:$0x1] =	wrdreg $0xFFFFFFFF  }
0xad: {  	[dreg:$0x0] =	wrdreg $0x60  }
0xae: {  	[dreg:$0x2] =	wrdreg s24  }
0xaf: {  	[dreg:$0x3] =	wrdreg $0x150000  }
0xb0: {  	[dreg:$0x4] =	wrdreg $0x9  }
0xb1: {  	_ =	task.clear_ibuf [dreg:s6], $0x5FFFF;
	_ =	strace $0x90000049  }
0xb2: {  	s29 =	simm.s32 $0x9;
	_ =	strace $0x8000004B  }
0xb3: {  	_ =	swait.ge [sflag:s29], $0x1  }
0xb4: {  	[sflag:s29] =	ssyncadd.s32 $0xFFFFFFFF  }
0xb5: {  	_ =	strace $0x9000004B  }
0xb6: {  	_ =	sfence  }
0xb7: {  	s30 =	sld [smem:$0x0];
	_ =	sdelay $0x2  }
0xb8: {  	s31 =	sshll.u32 s1, $0xD;
	s1 =	sshrl.u32 s1, $0x2  }
0xb9: {  	s3 =	sand.u32 $0x4000, s31;
	s1 =	sadd.s32 s1, s30  }
0xba: {  	s0 =	sor.u32 s3, s0;
	s1 =	sshll.u32 s1, $0x11  }
0xbb: {  	s0 =	sor.u32 s1, s0  }
0xbc: {  	s0 =	sadd.s32 $0x8F2B, s0  }
0xbd: {  	[sflag:s0] =	ssyncadd.remote.s32 $0x1  }
0xbe: {  	_ =	sfence.sel $0xFFFF  }
0xbf: {  	[dreg:$0x0] =	wrdreg $0xFFFFFFFF;
	(pc) =	sbr.abs _section_cstart, $3  }
0xc0: {  	[dreg:$0x1] =	wrdreg $0xFFFFFFFF  }
0xc1: {  	_ =	task.clear_ibuf [dreg:s6], $0x2FFFF;
	_ =	strace $0x9FFFFFFF  }
0xc2: {  	(tm) =	ssettm $0x7FFFFFFF  }
0xc3: {  	_ =	shalt  }
tec
execute0_lowered:
.L_overlay_start_1:
0x0: {  	(tag) =	ssettag $0x1  }
0x1: {  	s1 =	srdreg.scid;
	s6 =	rddreg [dreg:$0x0]  }
0x2: {  	s0 =	stileid.u32;
	s2 =	rddreg [dreg:$0x1];
	s3 =	simm.s32 $0x0  }
0x3: {  	s14 =	simm.s32 $0x80;
	s15 =	simm.s32 $0x5000;
	s16 =	simm.s32 $0x7000  }
0x4: {  	s17 =	simm.s32 $0x9000;
	s18 =	simm.s32 $0xB000;
	s19 =	simm.s32 $0xD000  }
0x5: {  	s20 =	simm.s32 $0xF000;
	s21 =	simm.s32 $0x11000;
	s22 =	simm.s32 $0x13000  }
0x6: {  	s23 =	simm.s32 $0x1;
	s24 =	simm.s32 $0x2;
	s25 =	simm.s32 $0x0  }
0x7: {  	s5 =	sand.u32 $0x1, s1;
	s26 =	sshll.u32 s0, $0x1;
	s8 =	smul.u32 $0x9E00, s0  }
0x8: {  	[smem:$0x7FF] =	sst s3;
	s4 =	sadd.s32 $0x8F400, s6;
	s31 =	sshll.u32 s0, $0x6  }
0x9: {  	s1 =	sor.u32 s5, s26;
	s9 =	smul.u32 $0x9E000, s5;
	s5 =	ssub.s32 $0x2, s5  }
0xa: {  	s7 =	smul.u32 $0x500, s1;
	s1 =	rddreg [dreg:$0x2];
	_ =	strace $0x8000004A  }
0xb: {  	s29 =	sshrl.u32 s8, $0x3;
	s30 =	sshrl.u32 s5, $0x1;
	s13 =	sadd.s32 s8, s2  }
0xc: {  	s28 =	sadd.s32 s8, s9;
	s9 =	sadd.s32 s29, s6;
	s12 =	ssub.s32 s5, s30  }
0xd: {  	s10 =	sadd.s32 s7, s6;
	s7 =	sshrl.u32 s28, $0x3;
	s5 =	sadd.s32 $0xA2E00, s9  }
0xe: {  	s11 =	sadd.s32 s7, s6;
	s6 =	sor.u32 $0x1C03, s31;
	s7 =	sadd.s32 $0xF200, s10  }
0xf: {  	s8 =	sadd.s32 $0x2800, s10;
	s10 =	smax.u32 s12, $0x1;
	s12 =	simm.s32 $0x3  }
0x10: {  	s9 =	sadd.s32 $0xB6A00, s11;
	s11 =	sshrl.u32 s13, $0x3;
	s13 =	simm.s32 $0x2800  }
.LBB2_1:
0x11: {  	[spmem:s11], [sflag:s6] =	dma.local [hbm:s5], $0x13C0  }
0x12: {  	_ =	swait.ge [sflag:s12], $0x13C0  }
0x13: {  	[sflag:s12] =	ssyncset.done $0x0  }
0x14: {  	[sflag:s12] =	ssyncadd.s32 $0xFFFFEC40  }
0x15: {  	[tilespmem:s3], [sflag:$0x3] =	stream.linear.gather [hbm4b:s7+s3], $0x2800, $0x38;
	[tilespmem:$0x1EE00] =	vst v63  }
0x16: {  	_ =	swait.ge [sflag:s12], $0x2800  }
0x17: {  	[sflag:s12] =	ssyncset.done $0x0  }
0x18: {  	[sflag:s12] =	ssyncadd.s32 $0xFFFFD800  }
0x19: {  	[tilespmem:s13], [sflag:$0x3] =	stream.linear.gather [hbm4b:s8+s3], $0x2800, $0x38;
	[tilespmem:$0x1EE00] =	vst v63  }
0x1a: {  	_ =	swait.ge [sflag:s12], $0x2800  }
0x1b: {  	[sflag:s12] =	ssyncset.done $0x0  }
0x1c: {  	[sflag:s12] =	ssyncadd.s32 $0xFFFFD800  }
0x1d: {  	s26 =	simm.s32 $0x0;
	[bflag:$0x0] =	sbarrier.arrive $0xFFFF  }
0x1e: {  	[tilespmem:s15], [sflag:$0x1] =	stream.indirect.gather [hbm4b:s4+s14], $0x40, s26, s14, $0xb8;
	[tilespmem:$0x1EE00] =	vst v63  }
0x1f: {  	s28 =	simm.s32 $0x80  }
0x20: {  	[tilespmem:s16], [sflag:$0x1] =	stream.indirect.gather [hbm4b:s4+s14], $0x40, s28, s14, $0xb8;
	[tilespmem:$0x1EE00] =	vst v63  }
0x21: {  	s29 =	simm.s32 $0x100  }
0x22: {  	[tilespmem:s17], [sflag:$0x1] =	stream.indirect.gather [hbm4b:s4+s14], $0x40, s29, s14, $0xb8;
	[tilespmem:$0x1EE00] =	vst v63  }
0x23: {  	s31 =	simm.s32 $0x180  }
0x24: {  	[tilespmem:s18], [sflag:$0x1] =	stream.indirect.gather [hbm4b:s4+s14], $0x40, s31, s14, $0xb8;
	[tilespmem:$0x1EE00] =	vst v63  }
0x25: {  	s28 =	simm.s32 $0x200  }
0x26: {  	[tilespmem:s19], [sflag:$0x1] =	stream.indirect.gather [hbm4b:s4+s14], $0x40, s28, s14, $0xb8;
	[tilespmem:$0x1EE00] =	vst v63  }
0x27: {  	s29 =	simm.s32 $0x280  }
0x28: {  	[tilespmem:s20], [sflag:$0x1] =	stream.indirect.gather [hbm4b:s4+s14], $0x40, s29, s14, $0xb8;
	[tilespmem:$0x1EE00] =	vst v63  }
0x29: {  	s31 =	simm.s32 $0x300  }
0x2a: {  	[tilespmem:s21], [sflag:$0x1] =	stream.indirect.gather [hbm4b:s4+s14], $0x40, s31, s14, $0xb8;
	[tilespmem:$0x1EE00] =	vst v63  }
0x2b: {  	s28 =	simm.s32 $0x380  }
0x2c: {  	[tilespmem:s22], [sflag:$0x1] =	stream.indirect.gather [hbm4b:s4+s14], $0x40, s28, s14, $0xb8;
	[tilespmem:$0x1EE00] =	vst v63  }
0x2d: {  	_ =	swait.ge [sflag:s23], $0x2000  }
0x2e: {  	[sflag:s23] =	ssyncset.done $0x0  }
0x2f: {  	[sflag:s23] =	ssyncadd.s32 $0xFFFFE000  }
0x30: {  	_ =	swait.ge [sflag:s23], $0x2000  }
0x31: {  	[sflag:s23] =	ssyncset.done $0x0  }
0x32: {  	[sflag:s23] =	ssyncadd.s32 $0xFFFFE000  }
0x33: {  	_ =	swait.ge [sflag:s23], $0x2000  }
0x34: {  	[sflag:s23] =	ssyncset.done $0x0  }
0x35: {  	[sflag:s23] =	ssyncadd.s32 $0xFFFFE000  }
0x36: {  	_ =	swait.ge [sflag:s23], $0x2000  }
0x37: {  	[sflag:s23] =	ssyncset.done $0x0  }
0x38: {  	[sflag:s23] =	ssyncadd.s32 $0xFFFFE000  }
0x39: {  	_ =	swait.ge [sflag:s23], $0x2000  }
0x3a: {  	[sflag:s23] =	ssyncset.done $0x0  }
0x3b: {  	[sflag:s23] =	ssyncadd.s32 $0xFFFFE000  }
0x3c: {  	_ =	swait.ge [sflag:s23], $0x2000  }
0x3d: {  	[sflag:s23] =	ssyncset.done $0x0  }
0x3e: {  	[sflag:s23] =	ssyncadd.s32 $0xFFFFE000  }
0x3f: {  	_ =	swait.ge [sflag:s23], $0x2000  }
0x40: {  	[sflag:s23] =	ssyncset.done $0x0  }
0x41: {  	[sflag:s23] =	ssyncadd.s32 $0xFFFFE000  }
0x42: {  	_ =	swait.ge [sflag:s23], $0x2000  }
0x43: {  	[sflag:s23] =	ssyncset.done $0x0  }
0x44: {  	s29 =	simm.s32 $0x2800;
	[sflag:s23] =	ssyncadd.s32 $0xFFFFE000  }
0x45: {  	[spmem:s2] =	stream.indirect.scatter.add.f32 [tilespmem:s15], [sflag:$0x2], $0x40, s29, s14, $0xb8;
	[tilespmem:$0x1EE00] =	vst v63  }
0x46: {  	s31 =	simm.s32 $0x2880  }
0x47: {  	[spmem:s2] =	stream.indirect.scatter.add.f32 [tilespmem:s16], [sflag:$0x2], $0x40, s31, s14, $0xb8;
	[tilespmem:$0x1EE00] =	vst v63  }
0x48: {  	s28 =	simm.s32 $0x2900  }
0x49: {  	[spmem:s2] =	stream.indirect.scatter.add.f32 [tilespmem:s17], [sflag:$0x2], $0x40, s28, s14, $0xb8;
	[tilespmem:$0x1EE00] =	vst v63  }
0x4a: {  	s29 =	simm.s32 $0x2980  }
0x4b: {  	[spmem:s2] =	stream.indirect.scatter.add.f32 [tilespmem:s18], [sflag:$0x2], $0x40, s29, s14, $0xb8;
	[tilespmem:$0x1EE00] =	vst v63  }
0x4c: {  	s31 =	simm.s32 $0x2A00  }
0x4d: {  	[spmem:s2] =	stream.indirect.scatter.add.f32 [tilespmem:s19], [sflag:$0x2], $0x40, s31, s14, $0xb8;
	[tilespmem:$0x1EE00] =	vst v63  }
0x4e: {  	s28 =	simm.s32 $0x2A80  }
0x4f: {  	[spmem:s2] =	stream.indirect.scatter.add.f32 [tilespmem:s20], [sflag:$0x2], $0x40, s28, s14, $0xb8;
	[tilespmem:$0x1EE00] =	vst v63  }
0x50: {  	s29 =	simm.s32 $0x2B00  }
0x51: {  	[spmem:s2] =	stream.indirect.scatter.add.f32 [tilespmem:s21], [sflag:$0x2], $0x40, s29, s14, $0xb8;
	[tilespmem:$0x1EE00] =	vst v63  }
0x52: {  	s31 =	simm.s32 $0x2B80  }
0x53: {  	[spmem:s2] =	stream.indirect.scatter.add.f32 [tilespmem:s22], [sflag:$0x2], $0x40, s31, s14, $0xb8;
	[tilespmem:$0x1EE00] =	vst v63  }
0x54: {  	_ =	swait.ge [sflag:s24], $0x2000  }
0x55: {  	[sflag:s24] =	ssyncset.done $0x0  }
0x56: {  	[sflag:s24] =	ssyncadd.s32 $0xFFFFE000  }
0x57: {  	_ =	swait.ge [sflag:s24], $0x2000  }
0x58: {  	[sflag:s24] =	ssyncset.done $0x0  }
0x59: {  	[sflag:s24] =	ssyncadd.s32 $0xFFFFE000  }
0x5a: {  	_ =	swait.ge [sflag:s24], $0x2000  }
0x5b: {  	[sflag:s24] =	ssyncset.done $0x0  }
0x5c: {  	[sflag:s24] =	ssyncadd.s32 $0xFFFFE000  }
0x5d: {  	_ =	swait.ge [sflag:s24], $0x2000  }
0x5e: {  	[sflag:s24] =	ssyncset.done $0x0  }
0x5f: {  	[sflag:s24] =	ssyncadd.s32 $0xFFFFE000  }
0x60: {  	_ =	swait.ge [sflag:s24], $0x2000  }
0x61: {  	[sflag:s24] =	ssyncset.done $0x0  }
0x62: {  	[sflag:s24] =	ssyncadd.s32 $0xFFFFE000  }
0x63: {  	_ =	swait.ge [sflag:s24], $0x2000  }
0x64: {  	[sflag:s24] =	ssyncset.done $0x0  }
0x65: {  	[sflag:s24] =	ssyncadd.s32 $0xFFFFE000  }
0x66: {  	_ =	swait.ge [sflag:s24], $0x2000  }
0x67: {  	[sflag:s24] =	ssyncset.done $0x0  }
0x68: {  	[sflag:s24] =	ssyncadd.s32 $0xFFFFE000  }
0x69: {  	_ =	swait.ge [sflag:s24], $0x2000  }
0x6a: {  	s30 =	simm.s32 $0x2000;
	s26 =	simm.s32 $0x1000;
	[sflag:s24] =	ssyncset.done $0x0  }
.LBB2_2:
0x6b: {  	s29 =	sshra.s32 s26, $0x2  }
0x6c: {  	[sflag:s24] =	ssyncadd.s32 $0xFFFFE000;
	s26 =	smov.u32 s30;
	s28 =	sadd.s32 $0x1000, s30  }
0x6d: {  	[tilespmem:s15], [sflag:$0x1] =	stream.indirect.gather [hbm4b:s4+s14], $0x40, s29, s14, $0xb8;
	[tilespmem:$0x1EE00] =	vst v63  }
0x6e: {  	p0 =	sne.s32 s30, $0x9000;
	s30 =	sadd.s32 $0x80, s29  }
0x6f: {  	[tilespmem:s16], [sflag:$0x1] =	stream.indirect.gather [hbm4b:s4+s14], $0x40, s30, s14, $0xb8;
	[tilespmem:$0x1EE00] =	vst v63  }
0x70: {  	s30 =	sadd.s32 $0x100, s29  }
0x71: {  	[tilespmem:s17], [sflag:$0x1] =	stream.indirect.gather [hbm4b:s4+s14], $0x40, s30, s14, $0xb8;
	[tilespmem:$0x1EE00] =	vst v63  }
0x72: {  	s30 =	sadd.s32 $0x180, s29  }
0x73: {  	[tilespmem:s18], [sflag:$0x1] =	stream.indirect.gather [hbm4b:s4+s14], $0x40, s30, s14, $0xb8;
	[tilespmem:$0x1EE00] =	vst v63  }
0x74: {  	s30 =	sadd.s32 $0x200, s29  }
0x75: {  	[tilespmem:s19], [sflag:$0x1] =	stream.indirect.gather [hbm4b:s4+s14], $0x40, s30, s14, $0xb8;
	[tilespmem:$0x1EE00] =	vst v63  }
0x76: {  	s30 =	sadd.s32 $0x280, s29  }
0x77: {  	[tilespmem:s20], [sflag:$0x1] =	stream.indirect.gather [hbm4b:s4+s14], $0x40, s30, s14, $0xb8;
	[tilespmem:$0x1EE00] =	vst v63  }
0x78: {  	s30 =	sadd.s32 $0x300, s29  }
0x79: {  	[tilespmem:s21], [sflag:$0x1] =	stream.indirect.gather [hbm4b:s4+s14], $0x40, s30, s14, $0xb8;
	[tilespmem:$0x1EE00] =	vst v63  }
0x7a: {  	s30 =	sadd.s32 $0x380, s29  }
0x7b: {  	[tilespmem:s22], [sflag:$0x1] =	stream.indirect.gather [hbm4b:s4+s14], $0x40, s30, s14, $0xb8;
	[tilespmem:$0x1EE00] =	vst v63  }
0x7c: {  	_ =	swait.ge [sflag:s23], $0x2000  }
0x7d: {  	[sflag:s23] =	ssyncset.done $0x0  }
0x7e: {  	[sflag:s23] =	ssyncadd.s32 $0xFFFFE000  }
0x7f: {  	_ =	swait.ge [sflag:s23], $0x2000  }
0x80: {  	[sflag:s23] =	ssyncset.done $0x0  }
0x81: {  	[sflag:s23] =	ssyncadd.s32 $0xFFFFE000  }
0x82: {  	_ =	swait.ge [sflag:s23], $0x2000  }
0x83: {  	[sflag:s23] =	ssyncset.done $0x0  }
0x84: {  	[sflag:s23] =	ssyncadd.s32 $0xFFFFE000  }
0x85: {  	_ =	swait.ge [sflag:s23], $0x2000  }
0x86: {  	[sflag:s23] =	ssyncset.done $0x0  }
0x87: {  	[sflag:s23] =	ssyncadd.s32 $0xFFFFE000  }
0x88: {  	_ =	swait.ge [sflag:s23], $0x2000  }
0x89: {  	[sflag:s23] =	ssyncset.done $0x0  }
0x8a: {  	[sflag:s23] =	ssyncadd.s32 $0xFFFFE000  }
0x8b: {  	_ =	swait.ge [sflag:s23], $0x2000  }
0x8c: {  	[sflag:s23] =	ssyncset.done $0x0  }
0x8d: {  	[sflag:s23] =	ssyncadd.s32 $0xFFFFE000  }
0x8e: {  	_ =	swait.ge [sflag:s23], $0x2000  }
0x8f: {  	[sflag:s23] =	ssyncset.done $0x0  }
0x90: {  	[sflag:s23] =	ssyncadd.s32 $0xFFFFE000  }
0x91: {  	_ =	swait.ge [sflag:s23], $0x2000  }
0x92: {  	[sflag:s23] =	ssyncset.done $0x0  }
0x93: {  	s30 =	sadd.s32 $0x2800, s29;
	[sflag:s23] =	ssyncadd.s32 $0xFFFFE000  }
0x94: {  	[spmem:s2] =	stream.indirect.scatter.add.f32 [tilespmem:s15], [sflag:$0x2], $0x40, s30, s14, $0xb8;
	[tilespmem:$0x1EE00] =	vst v63  }
0x95: {  	s30 =	sadd.s32 $0x2880, s29  }
0x96: {  	[spmem:s2] =	stream.indirect.scatter.add.f32 [tilespmem:s16], [sflag:$0x2], $0x40, s30, s14, $0xb8;
	[tilespmem:$0x1EE00] =	vst v63  }
0x97: {  	s30 =	sadd.s32 $0x2900, s29  }
0x98: {  	[spmem:s2] =	stream.indirect.scatter.add.f32 [tilespmem:s17], [sflag:$0x2], $0x40, s30, s14, $0xb8;
	[tilespmem:$0x1EE00] =	vst v63  }
0x99: {  	s30 =	sadd.s32 $0x2980, s29  }
0x9a: {  	[spmem:s2] =	stream.indirect.scatter.add.f32 [tilespmem:s18], [sflag:$0x2], $0x40, s30, s14, $0xb8;
	[tilespmem:$0x1EE00] =	vst v63  }
0x9b: {  	s30 =	sadd.s32 $0x2A00, s29  }
0x9c: {  	[spmem:s2] =	stream.indirect.scatter.add.f32 [tilespmem:s19], [sflag:$0x2], $0x40, s30, s14, $0xb8;
	[tilespmem:$0x1EE00] =	vst v63  }
0x9d: {  	s30 =	sadd.s32 $0x2A80, s29  }
0x9e: {  	[spmem:s2] =	stream.indirect.scatter.add.f32 [tilespmem:s20], [sflag:$0x2], $0x40, s30, s14, $0xb8;
	[tilespmem:$0x1EE00] =	vst v63  }
0x9f: {  	s30 =	sadd.s32 $0x2B00, s29  }
0xa0: {  	[spmem:s2] =	stream.indirect.scatter.add.f32 [tilespmem:s21], [sflag:$0x2], $0x40, s30, s14, $0xb8;
	[tilespmem:$0x1EE00] =	vst v63  }
0xa1: {  	s29 =	sadd.s32 $0x2B80, s29  }
0xa2: {  	[spmem:s2] =	stream.indirect.scatter.add.f32 [tilespmem:s22], [sflag:$0x2], $0x40, s29, s14, $0xb8;
	[tilespmem:$0x1EE00] =	vst v63  }
0xa3: {  	_ =	swait.ge [sflag:s24], $0x2000  }
0xa4: {  	[sflag:s24] =	ssyncset.done $0x0  }
0xa5: {  	[sflag:s24] =	ssyncadd.s32 $0xFFFFE000  }
0xa6: {  	_ =	swait.ge [sflag:s24], $0x2000  }
0xa7: {  	[sflag:s24] =	ssyncset.done $0x0  }
0xa8: {  	[sflag:s24] =	ssyncadd.s32 $0xFFFFE000  }
0xa9: {  	_ =	swait.ge [sflag:s24], $0x2000  }
0xaa: {  	[sflag:s24] =	ssyncset.done $0x0  }
0xab: {  	[sflag:s24] =	ssyncadd.s32 $0xFFFFE000  }
0xac: {  	_ =	swait.ge [sflag:s24], $0x2000  }
0xad: {  	[sflag:s24] =	ssyncset.done $0x0  }
0xae: {  	[sflag:s24] =	ssyncadd.s32 $0xFFFFE000  }
0xaf: {  	_ =	swait.ge [sflag:s24], $0x2000  }
0xb0: {  	[sflag:s24] =	ssyncset.done $0x0  }
0xb1: {  	[sflag:s24] =	ssyncadd.s32 $0xFFFFE000  }
0xb2: {  	_ =	swait.ge [sflag:s24], $0x2000  }
0xb3: {  	[sflag:s24] =	ssyncset.done $0x0  }
0xb4: {  	[sflag:s24] =	ssyncadd.s32 $0xFFFFE000  }
.Ltmp0:
0xb5: {  	_ =	swait.ge [sflag:s24], $0x2000;
	(pc) =	sbr.rel @p0 .LBB2_2-.Ltmp0, $4  }
0xb6: {  	[sflag:s24] =	ssyncset.done $0x0  }
0xb7: {  	[sflag:s24] =	ssyncadd.s32 $0xFFFFE000  }
0xb8: {  	_ =	swait.ge [sflag:s24], $0x2000  }
0xb9: {  	s30 =	smov.u32 s28;
	[sflag:s24] =	ssyncset.done $0x0  }
0xba: {  	s26 =	sshra.s32 s26, $0x2;
	[sflag:s24] =	ssyncadd.s32 $0xFFFFE000  }
0xbb: {  	[tilespmem:s15], [sflag:$0x1] =	stream.indirect.gather [hbm4b:s4+s14], $0x40, s26, s14, $0xb8;
	[tilespmem:$0x1EE00] =	vst v63  }
0xbc: {  	s28 =	sadd.s32 $0x80, s26  }
0xbd: {  	[tilespmem:s16], [sflag:$0x1] =	stream.indirect.gather [hbm4b:s4+s14], $0x40, s28, s14, $0xb8;
	[tilespmem:$0x1EE00] =	vst v63  }
0xbe: {  	s31 =	sadd.s32 $0x100, s26  }
0xbf: {  	[tilespmem:s17], [sflag:$0x1] =	stream.indirect.gather [hbm4b:s4+s14], $0x40, s31, s14, $0xb8;
	[tilespmem:$0x1EE00] =	vst v63  }
0xc0: {  	s29 =	sadd.s32 $0x180, s26  }
0xc1: {  	[tilespmem:s18], [sflag:$0x1] =	stream.indirect.gather [hbm4b:s4+s14], $0x40, s29, s14, $0xb8;
	[tilespmem:$0x1EE00] =	vst v63  }
0xc2: {  	s30 =	sadd.s32 $0x200, s26  }
0xc3: {  	[tilespmem:s19], [sflag:$0x1] =	stream.indirect.gather [hbm4b:s4+s14], $0x40, s30, s14, $0xb8;
	[tilespmem:$0x1EE00] =	vst v63  }
0xc4: {  	s31 =	sadd.s32 $0x280, s26  }
0xc5: {  	[tilespmem:s20], [sflag:$0x1] =	stream.indirect.gather [hbm4b:s4+s14], $0x40, s31, s14, $0xb8;
	[tilespmem:$0x1EE00] =	vst v63  }
0xc6: {  	s29 =	sadd.s32 $0x300, s26  }
0xc7: {  	[tilespmem:s21], [sflag:$0x1] =	stream.indirect.gather [hbm4b:s4+s14], $0x40, s29, s14, $0xb8;
	[tilespmem:$0x1EE00] =	vst v63  }
0xc8: {  	s30 =	sadd.s32 $0x380, s26  }
0xc9: {  	[tilespmem:s22], [sflag:$0x1] =	stream.indirect.gather [hbm4b:s4+s14], $0x40, s30, s14, $0xb8;
	[tilespmem:$0x1EE00] =	vst v63  }
0xca: {  	_ =	swait.ge [sflag:s23], $0x2000  }
0xcb: {  	[sflag:s23] =	ssyncset.done $0x0  }
0xcc: {  	[sflag:s23] =	ssyncadd.s32 $0xFFFFE000  }
0xcd: {  	_ =	swait.ge [sflag:s23], $0x2000  }
0xce: {  	[sflag:s23] =	ssyncset.done $0x0  }
0xcf: {  	[sflag:s23] =	ssyncadd.s32 $0xFFFFE000  }
0xd0: {  	_ =	swait.ge [sflag:s23], $0x2000  }
0xd1: {  	[sflag:s23] =	ssyncset.done $0x0  }
0xd2: {  	[sflag:s23] =	ssyncadd.s32 $0xFFFFE000  }
0xd3: {  	_ =	swait.ge [sflag:s23], $0x2000  }
0xd4: {  	[sflag:s23] =	ssyncset.done $0x0  }
0xd5: {  	[sflag:s23] =	ssyncadd.s32 $0xFFFFE000  }
0xd6: {  	_ =	swait.ge [sflag:s23], $0x2000  }
0xd7: {  	[sflag:s23] =	ssyncset.done $0x0  }
0xd8: {  	[sflag:s23] =	ssyncadd.s32 $0xFFFFE000  }
0xd9: {  	_ =	swait.ge [sflag:s23], $0x2000  }
0xda: {  	[sflag:s23] =	ssyncset.done $0x0  }
0xdb: {  	[sflag:s23] =	ssyncadd.s32 $0xFFFFE000  }
0xdc: {  	_ =	swait.ge [sflag:s23], $0x2000  }
0xdd: {  	[sflag:s23] =	ssyncset.done $0x0  }
0xde: {  	[sflag:s23] =	ssyncadd.s32 $0xFFFFE000  }
0xdf: {  	_ =	swait.ge [sflag:s23], $0x2000  }
0xe0: {  	[sflag:s23] =	ssyncset.done $0x0  }
0xe1: {  	s31 =	sadd.s32 $0x2800, s26;
	[sflag:s23] =	ssyncadd.s32 $0xFFFFE000  }
0xe2: {  	[spmem:s2] =	stream.indirect.scatter.add.f32 [tilespmem:s15], [sflag:$0x2], $0x40, s31, s14, $0xb8;
	[tilespmem:$0x1EE00] =	vst v63  }
0xe3: {  	s29 =	sadd.s32 $0x2880, s26  }
0xe4: {  	[spmem:s2] =	stream.indirect.scatter.add.f32 [tilespmem:s16], [sflag:$0x2], $0x40, s29, s14, $0xb8;
	[tilespmem:$0x1EE00] =	vst v63  }
0xe5: {  	s30 =	sadd.s32 $0x2900, s26  }
0xe6: {  	[spmem:s2] =	stream.indirect.scatter.add.f32 [tilespmem:s17], [sflag:$0x2], $0x40, s30, s14, $0xb8;
	[tilespmem:$0x1EE00] =	vst v63  }
0xe7: {  	s31 =	sadd.s32 $0x2980, s26  }
0xe8: {  	[spmem:s2] =	stream.indirect.scatter.add.f32 [tilespmem:s18], [sflag:$0x2], $0x40, s31, s14, $0xb8;
	[tilespmem:$0x1EE00] =	vst v63  }
0xe9: {  	s29 =	sadd.s32 $0x2A00, s26  }
0xea: {  	[spmem:s2] =	stream.indirect.scatter.add.f32 [tilespmem:s19], [sflag:$0x2], $0x40, s29, s14, $0xb8;
	[tilespmem:$0x1EE00] =	vst v63  }
0xeb: {  	s30 =	sadd.s32 $0x2A80, s26  }
0xec: {  	[spmem:s2] =	stream.indirect.scatter.add.f32 [tilespmem:s20], [sflag:$0x2], $0x40, s30, s14, $0xb8;
	[tilespmem:$0x1EE00] =	vst v63  }
0xed: {  	s31 =	sadd.s32 $0x2B00, s26  }
0xee: {  	[spmem:s2] =	stream.indirect.scatter.add.f32 [tilespmem:s21], [sflag:$0x2], $0x40, s31, s14, $0xb8;
	[tilespmem:$0x1EE00] =	vst v63  }
0xef: {  	s26 =	sadd.s32 $0x2B80, s26  }
0xf0: {  	[spmem:s2] =	stream.indirect.scatter.add.f32 [tilespmem:s22], [sflag:$0x2], $0x40, s26, s14, $0xb8;
	[tilespmem:$0x1EE00] =	vst v63  }
0xf1: {  	_ =	swait.ge [sflag:s24], $0x2000  }
0xf2: {  	[sflag:s24] =	ssyncset.done $0x0  }
0xf3: {  	[sflag:s24] =	ssyncadd.s32 $0xFFFFE000  }
0xf4: {  	_ =	swait.ge [sflag:s24], $0x2000  }
0xf5: {  	[sflag:s24] =	ssyncset.done $0x0  }
0xf6: {  	[sflag:s24] =	ssyncadd.s32 $0xFFFFE000  }
0xf7: {  	_ =	swait.ge [sflag:s24], $0x2000  }
0xf8: {  	[sflag:s24] =	ssyncset.done $0x0  }
0xf9: {  	[sflag:s24] =	ssyncadd.s32 $0xFFFFE000  }
0xfa: {  	_ =	swait.ge [sflag:s24], $0x2000  }
0xfb: {  	[sflag:s24] =	ssyncset.done $0x0  }
0xfc: {  	[sflag:s24] =	ssyncadd.s32 $0xFFFFE000  }
0xfd: {  	_ =	swait.ge [sflag:s24], $0x2000  }
0xfe: {  	[sflag:s24] =	ssyncset.done $0x0  }
0xff: {  	[sflag:s24] =	ssyncadd.s32 $0xFFFFE000  }
0x100: {  	_ =	swait.ge [sflag:s24], $0x2000  }
0x101: {  	[sflag:s24] =	ssyncset.done $0x0  }
0x102: {  	[sflag:s24] =	ssyncadd.s32 $0xFFFFE000  }
0x103: {  	_ =	swait.ge [sflag:s24], $0x2000  }
0x104: {  	[sflag:s24] =	ssyncset.done $0x0  }
0x105: {  	[sflag:s24] =	ssyncadd.s32 $0xFFFFE000  }
0x106: {  	_ =	swait.ge [sflag:s24], $0x2000  }
0x107: {  	s25 =	sadd.s32 $0x1, s25;
	[sflag:s24] =	ssyncset.done $0x0  }
0x108: {  	p0 =	sne.s32 s25, s10;
	[sflag:s24] =	ssyncadd.s32 $0xFFFFE000  }
.Ltmp1:
0x109: {  	[bflag:$0x0] =	sbarrier.arrive $0xFFFF;
	(pc) =	sbr.rel @p0 .LBB2_1-.Ltmp1, $4  }
0x10a: {  	[hbm:s9], [sflag:s6] =	dma.local [spmem:s11], $0x13C0  }
0x10b: {  	_ =	swait.ge [sflag:s12], $0x13C0  }
0x10c: {  	[sflag:s12] =	ssyncset.done $0x0  }
0x10d: {  	[sflag:s12] =	ssyncadd.s32 $0xFFFFEC40  }
0x10e: {  	_ =	sfence.sel $0x180000  }
0x10f: {  	[bflag:$0x0] =	sbarrier.arrive $0xFFFF  }
0x110: {  	p0 =	sne.s32 s0, $0x0;
	_ =	strace $0x9000004A  }
0x111: {  	s0 =	sadd.s32 @!p0 $0x100000, s1;
	[bflag:$0x2] =	sbarrier.arrive $0xFFFF  }
0x112: {  	[sflag:s0] =	ssyncadd.tile.s32 @!p0 $0x1;
	_ =	shalt  }
.Lfunc_end2:
_tile_overlayer_lowered:
.L_overlay_start_2:
0x113: {  	(tag) =	ssettag $0x2  }
0x114: {  	s0 =	rddreg [dreg:$0x0];
	s2 =	stileid.u32  }
0x115: {  	s1 =	rddreg [dreg:$0x1];
	p0 =	sne.s32 s2, $0x0  }
0x116: {  	s3 =	rddreg [dreg:$0x2];
	[bflag:$0x3] =	sbarrier.arrive $0xFFFF;
	s2 =	simm.s32 @!p0 $0x1C03  }
0x117: {  	[timem:s3], [sflag:s2] =	dma.local @!p0 [hbm:s0], s1  }
0x118: {  	s0 =	simm.s32 @!p0 $0x3  }
0x119: {  	_ =	swait.ge @!p0 [sflag:s0], s1  }
0x11a: {  	s1 =	ssub.s32 @!p0 $0x0, s1;
	[sflag:s0] =	ssyncset.done @!p0 $0x0  }
0x11b: {  	[sflag:s0] =	ssyncadd.s32 @!p0 s1  }
0x11c: {  	[bflag:$0x3] =	sbarrier.arrive $0xFFFF  }
0x11d: {  	_ =	shalt  }

// kernel: _gcn.16.cloned.1.call-start
scs
__scs_entry_jumppad:
0x0: {  	(pc) =	sbr.rel $0x88, $3  }
0x1: {  	(tag) =	ssettag $0x0;
	lr =	simm.s32 $0x1  }
0x2: {  	[smem:$0x3F99] =	sst lr;
	_ =	strace $0xD0000000  }
0x3: {  	_ = 	snop  }
0x4: {  	_ = 	snop  }
0x5: {  	_ = 	snop  }
0x6: {  	_ = 	snop  }
0x7: {  	_ = 	snop  }
__scs_overlays_trampoline_lowered:
0x8: {  	[smem:$0x3FA8] =	sst s0  }
0x9: {  	[smem:$0x3FA9] =	sst s1  }
0xa: {  	[smem:$0x3FAA] =	sst s2  }
0xb: {  	[smem:$0x3FAB] =	sst s3  }
0xc: {  	[smem:$0x3FAC] =	sst s4  }
0xd: {  	[smem:$0x3FAD] =	sst s5  }
0xe: {  	[smem:$0x3FAE] =	sst s6  }
0xf: {  	[smem:$0x3FAF] =	sst s7  }
0x10: {  	[smem:$0x3FB0] =	sst s8  }
0x11: {  	[smem:$0x3FB1] =	sst s9;
	s0 =	simm.s32 @!p0 $0x0  }
0x12: {  	s1 =	sld [smem:$0x3F97];
	s0 =	simm.s32 @p0 $0x1  }
0x13: {  	[smem:$0x3FB2] =	sst s0;
	s0 =	simm.s32 @!p1 $0x0  }
0x14: {  	s2 =	sld [smem:$0x3F96];
	s0 =	simm.s32 @p1 $0x1  }
0x15: {  	[smem:$0x3FB3] =	sst s0;
	s0 =	simm.s32 @!p2 $0x0  }
0x16: {  	s3 =	sld [smem:$0x3FDB];
	s0 =	simm.s32 @p2 $0x1  }
0x17: {  	s4 =	simm.s32 $0x1BF5;
	[smem:$0x3FB5] =	sst s0  }
0x18: {  	s0 =	sld [smem:$0x3F98];
	_ =	swait.ge [sflag:s4], $0x0  }
0x19: {  	s7 =	sld [smem:$0x3F99]  }
0x1a: {  	s8 =	sadd.s32 $0xFFFFE003, lr  }
0x1b: {  	s9 =	sadd.s32 $0xFFFFFEF7, lr;
	s5 =	simm.s32 $0xFFFFFFFF;
	p2 =	slt.u32 s8, $0xFFFFF086  }
0x1c: {  	p1 =	slt.u32 s9, $0xF7A;
	s5 =	simm.s32 @!p2 $0x0  }
0x1d: {  	s5 =	simm.s32 @p1 $0x1;
	p0 =	seq.s32 s7, s2  }
0x1e: {  	s7 =	smul.u32 @!p0 $0xF7A, s2;
	p2 =	seq.s32 @!p0 s5, $0x0  }
0x1f: {  	s9 =	smul.u32 $0xF7A, s1;
	s8 =	simm.s32 @!p0 $0x1BF5;
	p2 =	por !p2, p0  }
0x20: {  	[sflag:s8] =	ssyncset.s32 @!p0 $0xFFFFF086;
	s6 =	sadd.s32 @!p0 s3, s7;
	s7 =	simm.s32 @!p0 $0x108  }
0x21: {  	s3 =	sadd.s32 s3, s9;
	s6 =	sadd.s32 @!p0 $0x88, s6;
	s7 =	simm.s32 @p2 $0x1082  }
0x22: {  	[simem:s7], [sflag:s8] =	dma.local @!p0 [hbm:s6], $0xF7A  }
0x23: {  	s9 =	sor.u32 $0xD0000000, s2;
	s6 =	simm.s32 $0x108;
	_ =	swait.ge @!p0 [sflag:s8], $0x0  }
0x24: {  	s3 =	sadd.s32 $0x88, s3;
	s6 =	simm.s32 @!p1 $0x1082;
	[sflag:s4] =	ssyncset.s32 $0xFFFFF086  }
0x25: {  	[simem:s6], [sflag:s4] =	dma.local [hbm:s3], $0xF7A  }
0x26: {  	[smem:$0x3F99] =	sst s1;
	(tag) =	ssettag s2;
	_ =	strace s9  }
0x27: {  	s1 =	sld [smem:$0x3FA9]  }
0x28: {  	s2 =	sld [smem:$0x3FAA]  }
0x29: {  	s4 =	sld [smem:$0x3FAC]  }
0x2a: {  	p0 =	seq.s32 s5, $0x0;
	s5 =	sld [smem:$0x3FAD]  }
0x2b: {  	s6 =	sld [smem:$0x3FAE]  }
0x2c: {  	s7 =	sld [smem:$0x3FAF]  }
0x2d: {  	s3 =	simm.s32 $0x108;
	s8 =	sld [smem:$0x3FB0]  }
0x2e: {  	s3 =	simm.s32 @!p0 $0x1082;
	s9 =	sld [smem:$0x3FB1]  }
0x2f: {  	lr =	sadd.s32 s0, s3;
	s0 =	sld [smem:$0x3FA8]  }
0x30: {  	s3 =	sld [smem:$0x3FAB]  }
0x31: {  	[smem:$0x3FB4] =	sst s10  }
0x32: {  	s10 =	sld [smem:$0x3FB2];
	_ =	sdelay $0x3  }
0x33: {  	p0 =	seq.s32 s10, $0x1;
	s10 =	sld [smem:$0x3FB4];
	_ =	sdelay $0x3  }
0x34: {  	[smem:$0x3FB4] =	sst s10  }
0x35: {  	s10 =	sld [smem:$0x3FB3];
	_ =	sdelay $0x3  }
0x36: {  	p1 =	seq.s32 s10, $0x1;
	s10 =	sld [smem:$0x3FB4];
	_ =	sdelay $0x3  }
0x37: {  	[smem:$0x3FB4] =	sst s10  }
0x38: {  	s10 =	sld [smem:$0x3FB5]  }
0x39: {  	_ = 	snop;
	(pc) =	sbr.ind lr, $3  }
0x3a: {  	_ = 	snop  }
0x3b: {  	_ = 	snop  }
0x3c: {  	p2 =	seq.s32 s10, $0x1;
	s10 =	sld [smem:$0x3FB4]  }
0x3d: {  	_ =	shalt  }
0x3e: {  	_ =	shalt  }
0x3f: {  	_ =	shalt  }
0x40: {  	_ =	shalt  }
0x41: {  	_ =	shalt  }
0x42: {  	_ =	shalt  }
0x43: {  	_ =	shalt  }
0x44: {  	_ =	shalt  }
0x45: {  	_ =	shalt  }
0x46: {  	_ =	shalt  }
0x47: {  	_ =	shalt  }
0x48: {  	_ =	shalt  }
0x49: {  	_ =	shalt  }
0x4a: {  	_ =	shalt  }
0x4b: {  	_ =	shalt  }
0x4c: {  	_ =	shalt  }
0x4d: {  	_ =	shalt  }
0x4e: {  	_ =	shalt  }
0x4f: {  	_ =	shalt  }
0x50: {  	_ =	shalt  }
0x51: {  	_ =	shalt  }
0x52: {  	_ =	shalt  }
0x53: {  	_ =	shalt  }
0x54: {  	_ =	shalt  }
0x55: {  	_ =	shalt  }
0x56: {  	_ =	shalt  }
0x57: {  	_ =	shalt  }
0x58: {  	_ =	shalt  }
0x59: {  	_ =	shalt  }
0x5a: {  	_ =	shalt  }
0x5b: {  	_ =	shalt  }
0x5c: {  	_ =	shalt  }
0x5d: {  	_ =	shalt  }
0x5e: {  	_ =	shalt  }
0x5f: {  	_ =	shalt  }
0x60: {  	_ =	shalt  }
0x61: {  	_ =	shalt  }
0x62: {  	_ =	shalt  }
0x63: {  	_ =	shalt  }
0x64: {  	_ =	shalt  }
0x65: {  	_ =	shalt  }
0x66: {  	_ =	shalt  }
0x67: {  	_ =	shalt  }
0x68: {  	_ =	shalt  }
0x69: {  	_ =	shalt  }
0x6a: {  	_ =	shalt  }
0x6b: {  	_ =	shalt  }
0x6c: {  	_ =	shalt  }
0x6d: {  	_ =	shalt  }
0x6e: {  	_ =	shalt  }
0x6f: {  	_ =	shalt  }
0x70: {  	_ =	shalt  }
0x71: {  	_ =	shalt  }
0x72: {  	_ =	shalt  }
0x73: {  	_ =	shalt  }
0x74: {  	_ =	shalt  }
0x75: {  	_ =	shalt  }
0x76: {  	_ =	shalt  }
0x77: {  	_ =	shalt  }
0x78: {  	_ =	shalt  }
0x79: {  	_ =	shalt  }
0x7a: {  	_ =	shalt  }
0x7b: {  	_ =	shalt  }
0x7c: {  	_ =	shalt  }
0x7d: {  	_ =	shalt  }
0x7e: {  	_ =	shalt  }
0x7f: {  	_ =	shalt  }
0x80: {  	_ =	shalt  }
0x81: {  	_ =	shalt  }
0x82: {  	_ =	shalt  }
0x83: {  	_ =	shalt  }
0x84: {  	_ =	shalt  }
0x85: {  	_ =	shalt  }
0x86: {  	_ =	shalt  }
0x87: {  	_ =	shalt  }
.Lfunc_end0:
.L_simem_size_0:
called_computation.2_lowered:
.L_overlay_start_0:
0x88: {  	s2 =	sld [smem:$0x3FD9]  }
0x89: {  	s3 =	sld [smem:$0x3FFE];
	_ =	sdelay $0x1  }
0x8a: {  	s1 =	srdreg.scid  }
0x8b: {  	s0 =	sand.u32 $0x1, s1  }
0x8c: {  	s16 =	sshll.u32 s0, $0xA;
	s2 =	sadd.s32 s3, s2  }
0x8d: {  	s2 =	sadd.s32 s2, s16  }
0x8e: {  	[smem:$0x3FC0] =	sst s2  }
0x8f: {  	_ = 	snop  }
0x90: {  	(tm) =	ssettm $0x1  }
0x91: {  	s17 =	sld [smem:$0x3FFB];
	_ =	sdelay $0x3  }
0x92: {  	_ =	strace s17  }
0x93: {  	s2 =	sld [smem:$0x3FFC];
	_ =	sdelay $0x3  }
0x94: {  	_ =	strace s2  }
0x95: {  	s2 =	sld [smem:$0x3FFD];
	_ =	sdelay $0x3  }
0x96: {  	_ =	strace s2  }
0x97: {  	_ =	strace $0x8FFFFFFF  }
0x98: {  	s18 =	sld [smem:$0x3FDB];
	_ =	sdelay $0x1  }
0x99: {  	s19 =	simm.s32 $_scs_section_size  }
0x9a: {  	s4 =	simm.s32 $_size__tile_overlayer_lowered;
	s5 =	simm.s32 $_tile_overlayer_lowered  }
0x9b: {  	s22 =	simm.s32 $0x1BFF;
	s21 =	sshll.u32 s5, $0x1;
	s2 =	sadd.s32 s19, s18  }
0x9c: {  	s6 =	simm.s32 $0x0;
	s20 =	sshll.u32 s4, $0x1;
	s4 =	sadd.s32 s21, s2  }
0x9d: {  	[timem:s6], [sflag:s22] =	dma.local [hbm:s4], s20  }
0x9e: {  	_ =	swait.ge [sflag:s22], s20  }
0x9f: {  	s3 =	ssub.s32 $0x0, s20;
	[sflag:s22] =	ssyncset.done $0x0  }
0xa0: {  	[sflag:s22] =	ssyncadd.s32 s3;
	_ =	sdelay $0x1  }
0xa1: {  	s23 =	simm.s32 $0x1B8B  }
0xa2: {  	_ =	swait.ge [sflag:s23], $0x1  }
0xa3: {  	[sflag:s23] =	ssyncset.done $0x0  }
0xa4: {  	s25 =	simm.s32 $0x1B8E;
	s24 =	sld [smem:$0x3FFE];
	[sflag:s23] =	ssyncadd.s32 $0xFFFFFFFF  }
0xa5: {  	s26 =	simm.s32 $execute0_lowered;
	[smem:$0x3FD2] =	sst s25  }
0xa6: {  	s4 =	sshll.u32 s26, $0x1;
	_ =	strace $0x8000004C;
	[dreg:$0x1] =	wrdreg $0xFFFFFFFF  }
0xa7: {  	s28 =	simm.s32 $_size_execute0_lowered;
	s2 =	sadd.s32 s2, s4;
	[dreg:$0x0] =	wrdreg $0x0  }
0xa8: {  	s4 =	sshll.u32 s28, $0x1;
	[dreg:$0x2] =	wrdreg s2  }
0xa9: {  	[dreg:$0x3] =	wrdreg s4  }
0xaa: {  	[dreg:$0x4] =	wrdreg $0xC0  }
0xab: {  	_ =	task [dreg:s6], $0x5FFFF  }
0xac: {  	[dreg:$0x1] =	wrdreg $0xFFFFFFFF  }
0xad: {  	[dreg:$0x0] =	wrdreg $0x60  }
0xae: {  	[dreg:$0x2] =	wrdreg s24  }
0xaf: {  	[dreg:$0x3] =	wrdreg $0xD0000  }
0xb0: {  	[dreg:$0x4] =	wrdreg $0x9  }
0xb1: {  	_ =	task.clear_ibuf [dreg:s6], $0x5FFFF;
	_ =	strace $0x9000004C  }
0xb2: {  	s29 =	simm.s32 $0x9;
	_ =	strace $0x8000004E  }
0xb3: {  	_ =	swait.ge [sflag:s29], $0x1  }
0xb4: {  	[sflag:s29] =	ssyncadd.s32 $0xFFFFFFFF  }
0xb5: {  	_ =	strace $0x9000004E  }
0xb6: {  	_ =	sfence  }
0xb7: {  	s30 =	sld [smem:$0x0];
	_ =	sdelay $0x2  }
0xb8: {  	s31 =	sshll.u32 s1, $0xD;
	s1 =	sshrl.u32 s1, $0x2  }
0xb9: {  	s3 =	sand.u32 $0x4000, s31;
	s1 =	sadd.s32 s1, s30  }
0xba: {  	s0 =	sor.u32 s3, s0;
	s1 =	sshll.u32 s1, $0x11  }
0xbb: {  	s0 =	sor.u32 s1, s0  }
0xbc: {  	s0 =	sadd.s32 $0x8F2B, s0  }
0xbd: {  	[sflag:s0] =	ssyncadd.remote.s32 $0x1  }
0xbe: {  	_ =	sfence.sel $0xFFFF  }
0xbf: {  	[dreg:$0x0] =	wrdreg $0xFFFFFFFF;
	(pc) =	sbr.abs _section_cstart, $3  }
0xc0: {  	[dreg:$0x1] =	wrdreg $0xFFFFFFFF  }
0xc1: {  	_ =	task.clear_ibuf [dreg:s6], $0x2FFFF;
	_ =	strace $0x9FFFFFFF  }
0xc2: {  	(tm) =	ssettm $0x7FFFFFFF  }
0xc3: {  	_ =	shalt  }
tec
execute0_lowered:
.L_overlay_start_1:
0x0: {  	(tag) =	ssettag $0x1  }
0x1: {  	s1 =	srdreg.scid;
	s6 =	rddreg [dreg:$0x0]  }
0x2: {  	s0 =	stileid.u32;
	s2 =	rddreg [dreg:$0x1];
	s3 =	simm.s32 $0x0  }
0x3: {  	s14 =	simm.s32 $0x80;
	s15 =	simm.s32 $0x5000;
	s16 =	simm.s32 $0x6000  }
0x4: {  	s17 =	simm.s32 $0x7000;
	s18 =	simm.s32 $0x8000;
	s19 =	simm.s32 $0x9000  }
0x5: {  	s20 =	simm.s32 $0xA000;
	s21 =	simm.s32 $0xB000;
	s22 =	simm.s32 $0xC000  }
0x6: {  	s23 =	simm.s32 $0x1;
	s24 =	simm.s32 $0x2;
	s25 =	simm.s32 $0x0  }
0x7: {  	s5 =	sand.u32 $0x1, s1;
	s26 =	sshll.u32 s0, $0x1;
	s8 =	smul.u32 $0x4F00, s0  }
0x8: {  	[smem:$0x7FF] =	sst s3;
	s4 =	sadd.s32 $0x68200, s6;
	s31 =	sshll.u32 s0, $0x6  }
0x9: {  	s1 =	sor.u32 s5, s26;
	s9 =	smul.u32 $0x4F000, s5;
	s5 =	ssub.s32 $0x2, s5  }
0xa: {  	s7 =	smul.u32 $0x500, s1;
	s1 =	rddreg [dreg:$0x2];
	_ =	strace $0x8000004D  }
0xb: {  	s29 =	sshrl.u32 s8, $0x3;
	s30 =	sshrl.u32 s5, $0x1;
	s13 =	sadd.s32 s8, s2  }
0xc: {  	s28 =	sadd.s32 s8, s9;
	s9 =	sadd.s32 s29, s6;
	s12 =	ssub.s32 s5, s30  }
0xd: {  	s10 =	sadd.s32 s7, s6;
	s7 =	sshrl.u32 s28, $0x3;
	s5 =	sadd.s32 $0x72000, s9  }
0xe: {  	s11 =	sadd.s32 s7, s6;
	s6 =	sor.u32 $0x1C03, s31;
	s7 =	sadd.s32 $0xF200, s10  }
0xf: {  	s8 =	sadd.s32 $0x2800, s10;
	s10 =	smax.u32 s12, $0x1;
	s12 =	simm.s32 $0x3  }
0x10: {  	s9 =	sadd.s32 $0x7BE00, s11;
	s11 =	sshrl.u32 s13, $0x3;
	s13 =	simm.s32 $0x2800  }
.LBB2_1:
0x11: {  	[spmem:s11], [sflag:s6] =	dma.local [hbm:s5], $0x9E0  }
0x12: {  	_ =	swait.ge [sflag:s12], $0x9E0  }
0x13: {  	[sflag:s12] =	ssyncset.done $0x0  }
0x14: {  	[sflag:s12] =	ssyncadd.s32 $0xFFFFF620  }
0x15: {  	[tilespmem:s3], [sflag:$0x3] =	stream.linear.gather [hbm4b:s7+s3], $0x2800, $0x38;
	[tilespmem:$0x11F00] =	vst v63  }
0x16: {  	_ =	swait.ge [sflag:s12], $0x2800  }
0x17: {  	[sflag:s12] =	ssyncset.done $0x0  }
0x18: {  	[sflag:s12] =	ssyncadd.s32 $0xFFFFD800  }
0x19: {  	[tilespmem:s13], [sflag:$0x3] =	stream.linear.gather [hbm4b:s8+s3], $0x2800, $0x38;
	[tilespmem:$0x11F00] =	vst v63  }
0x1a: {  	_ =	swait.ge [sflag:s12], $0x2800  }
0x1b: {  	[sflag:s12] =	ssyncset.done $0x0  }
0x1c: {  	[sflag:s12] =	ssyncadd.s32 $0xFFFFD800  }
0x1d: {  	s26 =	simm.s32 $0x0;
	[bflag:$0x0] =	sbarrier.arrive $0xFFFF  }
0x1e: {  	[tilespmem:s15], [sflag:$0x1] =	stream.indirect.gather [hbm4b:s4+s14], $0x20, s26, s14, $0xb8;
	[tilespmem:$0x11F00] =	vst v63  }
0x1f: {  	s28 =	simm.s32 $0x80  }
0x20: {  	[tilespmem:s16], [sflag:$0x1] =	stream.indirect.gather [hbm4b:s4+s14], $0x20, s28, s14, $0xb8;
	[tilespmem:$0x11F00] =	vst v63  }
0x21: {  	s29 =	simm.s32 $0x100  }
0x22: {  	[tilespmem:s17], [sflag:$0x1] =	stream.indirect.gather [hbm4b:s4+s14], $0x20, s29, s14, $0xb8;
	[tilespmem:$0x11F00] =	vst v63  }
0x23: {  	s31 =	simm.s32 $0x180  }
0x24: {  	[tilespmem:s18], [sflag:$0x1] =	stream.indirect.gather [hbm4b:s4+s14], $0x20, s31, s14, $0xb8;
	[tilespmem:$0x11F00] =	vst v63  }
0x25: {  	s28 =	simm.s32 $0x200  }
0x26: {  	[tilespmem:s19], [sflag:$0x1] =	stream.indirect.gather [hbm4b:s4+s14], $0x20, s28, s14, $0xb8;
	[tilespmem:$0x11F00] =	vst v63  }
0x27: {  	s29 =	simm.s32 $0x280  }
0x28: {  	[tilespmem:s20], [sflag:$0x1] =	stream.indirect.gather [hbm4b:s4+s14], $0x20, s29, s14, $0xb8;
	[tilespmem:$0x11F00] =	vst v63  }
0x29: {  	s31 =	simm.s32 $0x300  }
0x2a: {  	[tilespmem:s21], [sflag:$0x1] =	stream.indirect.gather [hbm4b:s4+s14], $0x20, s31, s14, $0xb8;
	[tilespmem:$0x11F00] =	vst v63  }
0x2b: {  	s28 =	simm.s32 $0x380  }
0x2c: {  	[tilespmem:s22], [sflag:$0x1] =	stream.indirect.gather [hbm4b:s4+s14], $0x20, s28, s14, $0xb8;
	[tilespmem:$0x11F00] =	vst v63  }
0x2d: {  	_ =	swait.ge [sflag:s23], $0x1000  }
0x2e: {  	[sflag:s23] =	ssyncset.done $0x0  }
0x2f: {  	[sflag:s23] =	ssyncadd.s32 $0xFFFFF000  }
0x30: {  	_ =	swait.ge [sflag:s23], $0x1000  }
0x31: {  	[sflag:s23] =	ssyncset.done $0x0  }
0x32: {  	[sflag:s23] =	ssyncadd.s32 $0xFFFFF000  }
0x33: {  	_ =	swait.ge [sflag:s23], $0x1000  }
0x34: {  	[sflag:s23] =	ssyncset.done $0x0  }
0x35: {  	[sflag:s23] =	ssyncadd.s32 $0xFFFFF000  }
0x36: {  	_ =	swait.ge [sflag:s23], $0x1000  }
0x37: {  	[sflag:s23] =	ssyncset.done $0x0  }
0x38: {  	[sflag:s23] =	ssyncadd.s32 $0xFFFFF000  }
0x39: {  	_ =	swait.ge [sflag:s23], $0x1000  }
0x3a: {  	[sflag:s23] =	ssyncset.done $0x0  }
0x3b: {  	[sflag:s23] =	ssyncadd.s32 $0xFFFFF000  }
0x3c: {  	_ =	swait.ge [sflag:s23], $0x1000  }
0x3d: {  	[sflag:s23] =	ssyncset.done $0x0  }
0x3e: {  	[sflag:s23] =	ssyncadd.s32 $0xFFFFF000  }
0x3f: {  	_ =	swait.ge [sflag:s23], $0x1000  }
0x40: {  	[sflag:s23] =	ssyncset.done $0x0  }
0x41: {  	[sflag:s23] =	ssyncadd.s32 $0xFFFFF000  }
0x42: {  	_ =	swait.ge [sflag:s23], $0x1000  }
0x43: {  	[sflag:s23] =	ssyncset.done $0x0  }
0x44: {  	s29 =	simm.s32 $0x2800;
	[sflag:s23] =	ssyncadd.s32 $0xFFFFF000  }
0x45: {  	[spmem:s2] =	stream.indirect.scatter.add.f32 [tilespmem:s15], [sflag:$0x2], $0x20, s29, s14, $0xb8;
	[tilespmem:$0x11F00] =	vst v63  }
0x46: {  	s31 =	simm.s32 $0x2880  }
0x47: {  	[spmem:s2] =	stream.indirect.scatter.add.f32 [tilespmem:s16], [sflag:$0x2], $0x20, s31, s14, $0xb8;
	[tilespmem:$0x11F00] =	vst v63  }
0x48: {  	s28 =	simm.s32 $0x2900  }
0x49: {  	[spmem:s2] =	stream.indirect.scatter.add.f32 [tilespmem:s17], [sflag:$0x2], $0x20, s28, s14, $0xb8;
	[tilespmem:$0x11F00] =	vst v63  }
0x4a: {  	s29 =	simm.s32 $0x2980  }
0x4b: {  	[spmem:s2] =	stream.indirect.scatter.add.f32 [tilespmem:s18], [sflag:$0x2], $0x20, s29, s14, $0xb8;
	[tilespmem:$0x11F00] =	vst v63  }
0x4c: {  	s31 =	simm.s32 $0x2A00  }
0x4d: {  	[spmem:s2] =	stream.indirect.scatter.add.f32 [tilespmem:s19], [sflag:$0x2], $0x20, s31, s14, $0xb8;
	[tilespmem:$0x11F00] =	vst v63  }
0x4e: {  	s28 =	simm.s32 $0x2A80  }
0x4f: {  	[spmem:s2] =	stream.indirect.scatter.add.f32 [tilespmem:s20], [sflag:$0x2], $0x20, s28, s14, $0xb8;
	[tilespmem:$0x11F00] =	vst v63  }
0x50: {  	s29 =	simm.s32 $0x2B00  }
0x51: {  	[spmem:s2] =	stream.indirect.scatter.add.f32 [tilespmem:s21], [sflag:$0x2], $0x20, s29, s14, $0xb8;
	[tilespmem:$0x11F00] =	vst v63  }
0x52: {  	s31 =	simm.s32 $0x2B80  }
0x53: {  	[spmem:s2] =	stream.indirect.scatter.add.f32 [tilespmem:s22], [sflag:$0x2], $0x20, s31, s14, $0xb8;
	[tilespmem:$0x11F00] =	vst v63  }
0x54: {  	_ =	swait.ge [sflag:s24], $0x1000  }
0x55: {  	[sflag:s24] =	ssyncset.done $0x0  }
0x56: {  	[sflag:s24] =	ssyncadd.s32 $0xFFFFF000  }
0x57: {  	_ =	swait.ge [sflag:s24], $0x1000  }
0x58: {  	[sflag:s24] =	ssyncset.done $0x0  }
0x59: {  	[sflag:s24] =	ssyncadd.s32 $0xFFFFF000  }
0x5a: {  	_ =	swait.ge [sflag:s24], $0x1000  }
0x5b: {  	[sflag:s24] =	ssyncset.done $0x0  }
0x5c: {  	[sflag:s24] =	ssyncadd.s32 $0xFFFFF000  }
0x5d: {  	_ =	swait.ge [sflag:s24], $0x1000  }
0x5e: {  	[sflag:s24] =	ssyncset.done $0x0  }
0x5f: {  	[sflag:s24] =	ssyncadd.s32 $0xFFFFF000  }
0x60: {  	_ =	swait.ge [sflag:s24], $0x1000  }
0x61: {  	[sflag:s24] =	ssyncset.done $0x0  }
0x62: {  	[sflag:s24] =	ssyncadd.s32 $0xFFFFF000  }
0x63: {  	_ =	swait.ge [sflag:s24], $0x1000  }
0x64: {  	[sflag:s24] =	ssyncset.done $0x0  }
0x65: {  	[sflag:s24] =	ssyncadd.s32 $0xFFFFF000  }
0x66: {  	_ =	swait.ge [sflag:s24], $0x1000  }
0x67: {  	[sflag:s24] =	ssyncset.done $0x0  }
0x68: {  	[sflag:s24] =	ssyncadd.s32 $0xFFFFF000  }
0x69: {  	_ =	swait.ge [sflag:s24], $0x1000  }
0x6a: {  	s30 =	simm.s32 $0x2000;
	s26 =	simm.s32 $0x1000;
	[sflag:s24] =	ssyncset.done $0x0  }
.LBB2_2:
0x6b: {  	s29 =	sshra.s32 s26, $0x2  }
0x6c: {  	[sflag:s24] =	ssyncadd.s32 $0xFFFFF000;
	s26 =	smov.u32 s30;
	s28 =	sadd.s32 $0x1000, s30  }
0x6d: {  	[tilespmem:s15], [sflag:$0x1] =	stream.indirect.gather [hbm4b:s4+s14], $0x20, s29, s14, $0xb8;
	[tilespmem:$0x11F00] =	vst v63  }
0x6e: {  	p0 =	sne.s32 s30, $0x9000;
	s30 =	sadd.s32 $0x80, s29  }
0x6f: {  	[tilespmem:s16], [sflag:$0x1] =	stream.indirect.gather [hbm4b:s4+s14], $0x20, s30, s14, $0xb8;
	[tilespmem:$0x11F00] =	vst v63  }
0x70: {  	s30 =	sadd.s32 $0x100, s29  }
0x71: {  	[tilespmem:s17], [sflag:$0x1] =	stream.indirect.gather [hbm4b:s4+s14], $0x20, s30, s14, $0xb8;
	[tilespmem:$0x11F00] =	vst v63  }
0x72: {  	s30 =	sadd.s32 $0x180, s29  }
0x73: {  	[tilespmem:s18], [sflag:$0x1] =	stream.indirect.gather [hbm4b:s4+s14], $0x20, s30, s14, $0xb8;
	[tilespmem:$0x11F00] =	vst v63  }
0x74: {  	s30 =	sadd.s32 $0x200, s29  }
0x75: {  	[tilespmem:s19], [sflag:$0x1] =	stream.indirect.gather [hbm4b:s4+s14], $0x20, s30, s14, $0xb8;
	[tilespmem:$0x11F00] =	vst v63  }
0x76: {  	s30 =	sadd.s32 $0x280, s29  }
0x77: {  	[tilespmem:s20], [sflag:$0x1] =	stream.indirect.gather [hbm4b:s4+s14], $0x20, s30, s14, $0xb8;
	[tilespmem:$0x11F00] =	vst v63  }
0x78: {  	s30 =	sadd.s32 $0x300, s29  }
0x79: {  	[tilespmem:s21], [sflag:$0x1] =	stream.indirect.gather [hbm4b:s4+s14], $0x20, s30, s14, $0xb8;
	[tilespmem:$0x11F00] =	vst v63  }
0x7a: {  	s30 =	sadd.s32 $0x380, s29  }
0x7b: {  	[tilespmem:s22], [sflag:$0x1] =	stream.indirect.gather [hbm4b:s4+s14], $0x20, s30, s14, $0xb8;
	[tilespmem:$0x11F00] =	vst v63  }
0x7c: {  	_ =	swait.ge [sflag:s23], $0x1000  }
0x7d: {  	[sflag:s23] =	ssyncset.done $0x0  }
0x7e: {  	[sflag:s23] =	ssyncadd.s32 $0xFFFFF000  }
0x7f: {  	_ =	swait.ge [sflag:s23], $0x1000  }
0x80: {  	[sflag:s23] =	ssyncset.done $0x0  }
0x81: {  	[sflag:s23] =	ssyncadd.s32 $0xFFFFF000  }
0x82: {  	_ =	swait.ge [sflag:s23], $0x1000  }
0x83: {  	[sflag:s23] =	ssyncset.done $0x0  }
0x84: {  	[sflag:s23] =	ssyncadd.s32 $0xFFFFF000  }
0x85: {  	_ =	swait.ge [sflag:s23], $0x1000  }
0x86: {  	[sflag:s23] =	ssyncset.done $0x0  }
0x87: {  	[sflag:s23] =	ssyncadd.s32 $0xFFFFF000  }
0x88: {  	_ =	swait.ge [sflag:s23], $0x1000  }
0x89: {  	[sflag:s23] =	ssyncset.done $0x0  }
0x8a: {  	[sflag:s23] =	ssyncadd.s32 $0xFFFFF000  }
0x8b: {  	_ =	swait.ge [sflag:s23], $0x1000  }
0x8c: {  	[sflag:s23] =	ssyncset.done $0x0  }
0x8d: {  	[sflag:s23] =	ssyncadd.s32 $0xFFFFF000  }
0x8e: {  	_ =	swait.ge [sflag:s23], $0x1000  }
0x8f: {  	[sflag:s23] =	ssyncset.done $0x0  }
0x90: {  	[sflag:s23] =	ssyncadd.s32 $0xFFFFF000  }
0x91: {  	_ =	swait.ge [sflag:s23], $0x1000  }
0x92: {  	[sflag:s23] =	ssyncset.done $0x0  }
0x93: {  	s30 =	sadd.s32 $0x2800, s29;
	[sflag:s23] =	ssyncadd.s32 $0xFFFFF000  }
0x94: {  	[spmem:s2] =	stream.indirect.scatter.add.f32 [tilespmem:s15], [sflag:$0x2], $0x20, s30, s14, $0xb8;
	[tilespmem:$0x11F00] =	vst v63  }
0x95: {  	s30 =	sadd.s32 $0x2880, s29  }
0x96: {  	[spmem:s2] =	stream.indirect.scatter.add.f32 [tilespmem:s16], [sflag:$0x2], $0x20, s30, s14, $0xb8;
	[tilespmem:$0x11F00] =	vst v63  }
0x97: {  	s30 =	sadd.s32 $0x2900, s29  }
0x98: {  	[spmem:s2] =	stream.indirect.scatter.add.f32 [tilespmem:s17], [sflag:$0x2], $0x20, s30, s14, $0xb8;
	[tilespmem:$0x11F00] =	vst v63  }
0x99: {  	s30 =	sadd.s32 $0x2980, s29  }
0x9a: {  	[spmem:s2] =	stream.indirect.scatter.add.f32 [tilespmem:s18], [sflag:$0x2], $0x20, s30, s14, $0xb8;
	[tilespmem:$0x11F00] =	vst v63  }
0x9b: {  	s30 =	sadd.s32 $0x2A00, s29  }
0x9c: {  	[spmem:s2] =	stream.indirect.scatter.add.f32 [tilespmem:s19], [sflag:$0x2], $0x20, s30, s14, $0xb8;
	[tilespmem:$0x11F00] =	vst v63  }
0x9d: {  	s30 =	sadd.s32 $0x2A80, s29  }
0x9e: {  	[spmem:s2] =	stream.indirect.scatter.add.f32 [tilespmem:s20], [sflag:$0x2], $0x20, s30, s14, $0xb8;
	[tilespmem:$0x11F00] =	vst v63  }
0x9f: {  	s30 =	sadd.s32 $0x2B00, s29  }
0xa0: {  	[spmem:s2] =	stream.indirect.scatter.add.f32 [tilespmem:s21], [sflag:$0x2], $0x20, s30, s14, $0xb8;
	[tilespmem:$0x11F00] =	vst v63  }
0xa1: {  	s29 =	sadd.s32 $0x2B80, s29  }
0xa2: {  	[spmem:s2] =	stream.indirect.scatter.add.f32 [tilespmem:s22], [sflag:$0x2], $0x20, s29, s14, $0xb8;
	[tilespmem:$0x11F00] =	vst v63  }
0xa3: {  	_ =	swait.ge [sflag:s24], $0x1000  }
0xa4: {  	[sflag:s24] =	ssyncset.done $0x0  }
0xa5: {  	[sflag:s24] =	ssyncadd.s32 $0xFFFFF000  }
0xa6: {  	_ =	swait.ge [sflag:s24], $0x1000  }
0xa7: {  	[sflag:s24] =	ssyncset.done $0x0  }
0xa8: {  	[sflag:s24] =	ssyncadd.s32 $0xFFFFF000  }
0xa9: {  	_ =	swait.ge [sflag:s24], $0x1000  }
0xaa: {  	[sflag:s24] =	ssyncset.done $0x0  }
0xab: {  	[sflag:s24] =	ssyncadd.s32 $0xFFFFF000  }
0xac: {  	_ =	swait.ge [sflag:s24], $0x1000  }
0xad: {  	[sflag:s24] =	ssyncset.done $0x0  }
0xae: {  	[sflag:s24] =	ssyncadd.s32 $0xFFFFF000  }
0xaf: {  	_ =	swait.ge [sflag:s24], $0x1000  }
0xb0: {  	[sflag:s24] =	ssyncset.done $0x0  }
0xb1: {  	[sflag:s24] =	ssyncadd.s32 $0xFFFFF000  }
0xb2: {  	_ =	swait.ge [sflag:s24], $0x1000  }
0xb3: {  	[sflag:s24] =	ssyncset.done $0x0  }
0xb4: {  	[sflag:s24] =	ssyncadd.s32 $0xFFFFF000  }
.Ltmp0:
0xb5: {  	_ =	swait.ge [sflag:s24], $0x1000;
	(pc) =	sbr.rel @p0 .LBB2_2-.Ltmp0, $4  }
0xb6: {  	[sflag:s24] =	ssyncset.done $0x0  }
0xb7: {  	[sflag:s24] =	ssyncadd.s32 $0xFFFFF000  }
0xb8: {  	_ =	swait.ge [sflag:s24], $0x1000  }
0xb9: {  	s30 =	smov.u32 s28;
	[sflag:s24] =	ssyncset.done $0x0  }
0xba: {  	s26 =	sshra.s32 s26, $0x2;
	[sflag:s24] =	ssyncadd.s32 $0xFFFFF000  }
0xbb: {  	[tilespmem:s15], [sflag:$0x1] =	stream.indirect.gather [hbm4b:s4+s14], $0x20, s26, s14, $0xb8;
	[tilespmem:$0x11F00] =	vst v63  }
0xbc: {  	s28 =	sadd.s32 $0x80, s26  }
0xbd: {  	[tilespmem:s16], [sflag:$0x1] =	stream.indirect.gather [hbm4b:s4+s14], $0x20, s28, s14, $0xb8;
	[tilespmem:$0x11F00] =	vst v63  }
0xbe: {  	s31 =	sadd.s32 $0x100, s26  }
0xbf: {  	[tilespmem:s17], [sflag:$0x1] =	stream.indirect.gather [hbm4b:s4+s14], $0x20, s31, s14, $0xb8;
	[tilespmem:$0x11F00] =	vst v63  }
0xc0: {  	s29 =	sadd.s32 $0x180, s26  }
0xc1: {  	[tilespmem:s18], [sflag:$0x1] =	stream.indirect.gather [hbm4b:s4+s14], $0x20, s29, s14, $0xb8;
	[tilespmem:$0x11F00] =	vst v63  }
0xc2: {  	s30 =	sadd.s32 $0x200, s26  }
0xc3: {  	[tilespmem:s19], [sflag:$0x1] =	stream.indirect.gather [hbm4b:s4+s14], $0x20, s30, s14, $0xb8;
	[tilespmem:$0x11F00] =	vst v63  }
0xc4: {  	s31 =	sadd.s32 $0x280, s26  }
0xc5: {  	[tilespmem:s20], [sflag:$0x1] =	stream.indirect.gather [hbm4b:s4+s14], $0x20, s31, s14, $0xb8;
	[tilespmem:$0x11F00] =	vst v63  }
0xc6: {  	s29 =	sadd.s32 $0x300, s26  }
0xc7: {  	[tilespmem:s21], [sflag:$0x1] =	stream.indirect.gather [hbm4b:s4+s14], $0x20, s29, s14, $0xb8;
	[tilespmem:$0x11F00] =	vst v63  }
0xc8: {  	s30 =	sadd.s32 $0x380, s26  }
0xc9: {  	[tilespmem:s22], [sflag:$0x1] =	stream.indirect.gather [hbm4b:s4+s14], $0x20, s30, s14, $0xb8;
	[tilespmem:$0x11F00] =	vst v63  }
0xca: {  	_ =	swait.ge [sflag:s23], $0x1000  }
0xcb: {  	[sflag:s23] =	ssyncset.done $0x0  }
0xcc: {  	[sflag:s23] =	ssyncadd.s32 $0xFFFFF000  }
0xcd: {  	_ =	swait.ge [sflag:s23], $0x1000  }
0xce: {  	[sflag:s23] =	ssyncset.done $0x0  }
0xcf: {  	[sflag:s23] =	ssyncadd.s32 $0xFFFFF000  }
0xd0: {  	_ =	swait.ge [sflag:s23], $0x1000  }
0xd1: {  	[sflag:s23] =	ssyncset.done $0x0  }
0xd2: {  	[sflag:s23] =	ssyncadd.s32 $0xFFFFF000  }
0xd3: {  	_ =	swait.ge [sflag:s23], $0x1000  }
0xd4: {  	[sflag:s23] =	ssyncset.done $0x0  }
0xd5: {  	[sflag:s23] =	ssyncadd.s32 $0xFFFFF000  }
0xd6: {  	_ =	swait.ge [sflag:s23], $0x1000  }
0xd7: {  	[sflag:s23] =	ssyncset.done $0x0  }
0xd8: {  	[sflag:s23] =	ssyncadd.s32 $0xFFFFF000  }
0xd9: {  	_ =	swait.ge [sflag:s23], $0x1000  }
0xda: {  	[sflag:s23] =	ssyncset.done $0x0  }
0xdb: {  	[sflag:s23] =	ssyncadd.s32 $0xFFFFF000  }
0xdc: {  	_ =	swait.ge [sflag:s23], $0x1000  }
0xdd: {  	[sflag:s23] =	ssyncset.done $0x0  }
0xde: {  	[sflag:s23] =	ssyncadd.s32 $0xFFFFF000  }
0xdf: {  	_ =	swait.ge [sflag:s23], $0x1000  }
0xe0: {  	[sflag:s23] =	ssyncset.done $0x0  }
0xe1: {  	s31 =	sadd.s32 $0x2800, s26;
	[sflag:s23] =	ssyncadd.s32 $0xFFFFF000  }
0xe2: {  	[spmem:s2] =	stream.indirect.scatter.add.f32 [tilespmem:s15], [sflag:$0x2], $0x20, s31, s14, $0xb8;
	[tilespmem:$0x11F00] =	vst v63  }
0xe3: {  	s29 =	sadd.s32 $0x2880, s26  }
0xe4: {  	[spmem:s2] =	stream.indirect.scatter.add.f32 [tilespmem:s16], [sflag:$0x2], $0x20, s29, s14, $0xb8;
	[tilespmem:$0x11F00] =	vst v63  }
0xe5: {  	s30 =	sadd.s32 $0x2900, s26  }
0xe6: {  	[spmem:s2] =	stream.indirect.scatter.add.f32 [tilespmem:s17], [sflag:$0x2], $0x20, s30, s14, $0xb8;
	[tilespmem:$0x11F00] =	vst v63  }
0xe7: {  	s31 =	sadd.s32 $0x2980, s26  }
0xe8: {  	[spmem:s2] =	stream.indirect.scatter.add.f32 [tilespmem:s18], [sflag:$0x2], $0x20, s31, s14, $0xb8;
	[tilespmem:$0x11F00] =	vst v63  }
0xe9: {  	s29 =	sadd.s32 $0x2A00, s26  }
0xea: {  	[spmem:s2] =	stream.indirect.scatter.add.f32 [tilespmem:s19], [sflag:$0x2], $0x20, s29, s14, $0xb8;
	[tilespmem:$0x11F00] =	vst v63  }
0xeb: {  	s30 =	sadd.s32 $0x2A80, s26  }
0xec: {  	[spmem:s2] =	stream.indirect.scatter.add.f32 [tilespmem:s20], [sflag:$0x2], $0x20, s30, s14, $0xb8;
	[tilespmem:$0x11F00] =	vst v63  }
0xed: {  	s31 =	sadd.s32 $0x2B00, s26  }
0xee: {  	[spmem:s2] =	stream.indirect.scatter.add.f32 [tilespmem:s21], [sflag:$0x2], $0x20, s31, s14, $0xb8;
	[tilespmem:$0x11F00] =	vst v63  }
0xef: {  	s26 =	sadd.s32 $0x2B80, s26  }
0xf0: {  	[spmem:s2] =	stream.indirect.scatter.add.f32 [tilespmem:s22], [sflag:$0x2], $0x20, s26, s14, $0xb8;
	[tilespmem:$0x11F00] =	vst v63  }
0xf1: {  	_ =	swait.ge [sflag:s24], $0x1000  }
0xf2: {  	[sflag:s24] =	ssyncset.done $0x0  }
0xf3: {  	[sflag:s24] =	ssyncadd.s32 $0xFFFFF000  }
0xf4: {  	_ =	swait.ge [sflag:s24], $0x1000  }
0xf5: {  	[sflag:s24] =	ssyncset.done $0x0  }
0xf6: {  	[sflag:s24] =	ssyncadd.s32 $0xFFFFF000  }
0xf7: {  	_ =	swait.ge [sflag:s24], $0x1000  }
0xf8: {  	[sflag:s24] =	ssyncset.done $0x0  }
0xf9: {  	[sflag:s24] =	ssyncadd.s32 $0xFFFFF000  }
0xfa: {  	_ =	swait.ge [sflag:s24], $0x1000  }
0xfb: {  	[sflag:s24] =	ssyncset.done $0x0  }
0xfc: {  	[sflag:s24] =	ssyncadd.s32 $0xFFFFF000  }
0xfd: {  	_ =	swait.ge [sflag:s24], $0x1000  }
0xfe: {  	[sflag:s24] =	ssyncset.done $0x0  }
0xff: {  	[sflag:s24] =	ssyncadd.s32 $0xFFFFF000  }
0x100: {  	_ =	swait.ge [sflag:s24], $0x1000  }
0x101: {  	[sflag:s24] =	ssyncset.done $0x0  }
0x102: {  	[sflag:s24] =	ssyncadd.s32 $0xFFFFF000  }
0x103: {  	_ =	swait.ge [sflag:s24], $0x1000  }
0x104: {  	[sflag:s24] =	ssyncset.done $0x0  }
0x105: {  	[sflag:s24] =	ssyncadd.s32 $0xFFFFF000  }
0x106: {  	_ =	swait.ge [sflag:s24], $0x1000  }
0x107: {  	s25 =	sadd.s32 $0x1, s25;
	[sflag:s24] =	ssyncset.done $0x0  }
0x108: {  	p0 =	sne.s32 s25, s10;
	[sflag:s24] =	ssyncadd.s32 $0xFFFFF000  }
.Ltmp1:
0x109: {  	[bflag:$0x0] =	sbarrier.arrive $0xFFFF;
	(pc) =	sbr.rel @p0 .LBB2_1-.Ltmp1, $4  }
0x10a: {  	[hbm:s9], [sflag:s6] =	dma.local [spmem:s11], $0x9E0  }
0x10b: {  	_ =	swait.ge [sflag:s12], $0x9E0  }
0x10c: {  	[sflag:s12] =	ssyncset.done $0x0  }
0x10d: {  	[sflag:s12] =	ssyncadd.s32 $0xFFFFF620  }
0x10e: {  	_ =	sfence.sel $0x180000  }
0x10f: {  	[bflag:$0x0] =	sbarrier.arrive $0xFFFF  }
0x110: {  	p0 =	sne.s32 s0, $0x0;
	_ =	strace $0x9000004D  }
0x111: {  	s0 =	sadd.s32 @!p0 $0x100000, s1;
	[bflag:$0x2] =	sbarrier.arrive $0xFFFF  }
0x112: {  	[sflag:s0] =	ssyncadd.tile.s32 @!p0 $0x1;
	_ =	shalt  }
.Lfunc_end2:
_tile_overlayer_lowered:
.L_overlay_start_2:
0x113: {  	(tag) =	ssettag $0x2  }
0x114: {  	s0 =	rddreg [dreg:$0x0];
	s2 =	stileid.u32  }
0x115: {  	s1 =	rddreg [dreg:$0x1];
	p0 =	sne.s32 s2, $0x0  }
0x116: {  	s3 =	rddreg [dreg:$0x2];
	[bflag:$0x3] =	sbarrier.arrive $0xFFFF;
	s2 =	simm.s32 @!p0 $0x1C03  }
0x117: {  	[timem:s3], [sflag:s2] =	dma.local @!p0 [hbm:s0], s1  }
0x118: {  	s0 =	simm.s32 @!p0 $0x3  }
0x119: {  	_ =	swait.ge @!p0 [sflag:s0], s1  }
0x11a: {  	s1 =	ssub.s32 @!p0 $0x0, s1;
	[sflag:s0] =	ssyncset.done @!p0 $0x0  }
0x11b: {  	[sflag:s0] =	ssyncadd.s32 @!p0 s1  }
0x11c: {  	[bflag:$0x3] =	sbarrier.arrive $0xFFFF  }
0x11d: {  	_ =	shalt  }

// kernel: _gcn.19.cloned.1.call-start
scs
__scs_entry_jumppad:
0x0: {  	(pc) =	sbr.rel $0x88, $3  }
0x1: {  	(tag) =	ssettag $0x0;
	lr =	simm.s32 $0x1  }
0x2: {  	[smem:$0x3F99] =	sst lr;
	_ =	strace $0xD0000000  }
0x3: {  	_ = 	snop  }
0x4: {  	_ = 	snop  }
0x5: {  	_ = 	snop  }
0x6: {  	_ = 	snop  }
0x7: {  	_ = 	snop  }
__scs_overlays_trampoline_lowered:
0x8: {  	[smem:$0x3FA8] =	sst s0  }
0x9: {  	[smem:$0x3FA9] =	sst s1  }
0xa: {  	[smem:$0x3FAA] =	sst s2  }
0xb: {  	[smem:$0x3FAB] =	sst s3  }
0xc: {  	[smem:$0x3FAC] =	sst s4  }
0xd: {  	[smem:$0x3FAD] =	sst s5  }
0xe: {  	[smem:$0x3FAE] =	sst s6  }
0xf: {  	[smem:$0x3FAF] =	sst s7  }
0x10: {  	[smem:$0x3FB0] =	sst s8  }
0x11: {  	[smem:$0x3FB1] =	sst s9;
	s0 =	simm.s32 @!p0 $0x0  }
0x12: {  	s1 =	sld [smem:$0x3F97];
	s0 =	simm.s32 @p0 $0x1  }
0x13: {  	[smem:$0x3FB2] =	sst s0;
	s0 =	simm.s32 @!p1 $0x0  }
0x14: {  	s2 =	sld [smem:$0x3F96];
	s0 =	simm.s32 @p1 $0x1  }
0x15: {  	[smem:$0x3FB3] =	sst s0;
	s0 =	simm.s32 @!p2 $0x0  }
0x16: {  	s3 =	sld [smem:$0x3FDB];
	s0 =	simm.s32 @p2 $0x1  }
0x17: {  	s4 =	simm.s32 $0x1BF5;
	[smem:$0x3FB5] =	sst s0  }
0x18: {  	s0 =	sld [smem:$0x3F98];
	_ =	swait.ge [sflag:s4], $0x0  }
0x19: {  	s7 =	sld [smem:$0x3F99]  }
0x1a: {  	s8 =	sadd.s32 $0xFFFFE003, lr  }
0x1b: {  	s9 =	sadd.s32 $0xFFFFFEF7, lr;
	s5 =	simm.s32 $0xFFFFFFFF;
	p2 =	slt.u32 s8, $0xFFFFF086  }
0x1c: {  	p1 =	slt.u32 s9, $0xF7A;
	s5 =	simm.s32 @!p2 $0x0  }
0x1d: {  	s5 =	simm.s32 @p1 $0x1;
	p0 =	seq.s32 s7, s2  }
0x1e: {  	s7 =	smul.u32 @!p0 $0xF7A, s2;
	p2 =	seq.s32 @!p0 s5, $0x0  }
0x1f: {  	s9 =	smul.u32 $0xF7A, s1;
	s8 =	simm.s32 @!p0 $0x1BF5;
	p2 =	por !p2, p0  }
0x20: {  	[sflag:s8] =	ssyncset.s32 @!p0 $0xFFFFF086;
	s6 =	sadd.s32 @!p0 s3, s7;
	s7 =	simm.s32 @!p0 $0x108  }
0x21: {  	s3 =	sadd.s32 s3, s9;
	s6 =	sadd.s32 @!p0 $0x88, s6;
	s7 =	simm.s32 @p2 $0x1082  }
0x22: {  	[simem:s7], [sflag:s8] =	dma.local @!p0 [hbm:s6], $0xF7A  }
0x23: {  	s9 =	sor.u32 $0xD0000000, s2;
	s6 =	simm.s32 $0x108;
	_ =	swait.ge @!p0 [sflag:s8], $0x0  }
0x24: {  	s3 =	sadd.s32 $0x88, s3;
	s6 =	simm.s32 @!p1 $0x1082;
	[sflag:s4] =	ssyncset.s32 $0xFFFFF086  }
0x25: {  	[simem:s6], [sflag:s4] =	dma.local [hbm:s3], $0xF7A  }
0x26: {  	[smem:$0x3F99] =	sst s1;
	(tag) =	ssettag s2;
	_ =	strace s9  }
0x27: {  	s1 =	sld [smem:$0x3FA9]  }
0x28: {  	s2 =	sld [smem:$0x3FAA]  }
0x29: {  	s4 =	sld [smem:$0x3FAC]  }
0x2a: {  	p0 =	seq.s32 s5, $0x0;
	s5 =	sld [smem:$0x3FAD]  }
0x2b: {  	s6 =	sld [smem:$0x3FAE]  }
0x2c: {  	s7 =	sld [smem:$0x3FAF]  }
0x2d: {  	s3 =	simm.s32 $0x108;
	s8 =	sld [smem:$0x3FB0]  }
0x2e: {  	s3 =	simm.s32 @!p0 $0x1082;
	s9 =	sld [smem:$0x3FB1]  }
0x2f: {  	lr =	sadd.s32 s0, s3;
	s0 =	sld [smem:$0x3FA8]  }
0x30: {  	s3 =	sld [smem:$0x3FAB]  }
0x31: {  	[smem:$0x3FB4] =	sst s10  }
0x32: {  	s10 =	sld [smem:$0x3FB2];
	_ =	sdelay $0x3  }
0x33: {  	p0 =	seq.s32 s10, $0x1;
	s10 =	sld [smem:$0x3FB4];
	_ =	sdelay $0x3  }
0x34: {  	[smem:$0x3FB4] =	sst s10  }
0x35: {  	s10 =	sld [smem:$0x3FB3];
	_ =	sdelay $0x3  }
0x36: {  	p1 =	seq.s32 s10, $0x1;
	s10 =	sld [smem:$0x3FB4];
	_ =	sdelay $0x3  }
0x37: {  	[smem:$0x3FB4] =	sst s10  }
0x38: {  	s10 =	sld [smem:$0x3FB5]  }
0x39: {  	_ = 	snop;
	(pc) =	sbr.ind lr, $3  }
0x3a: {  	_ = 	snop  }
0x3b: {  	_ = 	snop  }
0x3c: {  	p2 =	seq.s32 s10, $0x1;
	s10 =	sld [smem:$0x3FB4]  }
0x3d: {  	_ =	shalt  }
0x3e: {  	_ =	shalt  }
0x3f: {  	_ =	shalt  }
0x40: {  	_ =	shalt  }
0x41: {  	_ =	shalt  }
0x42: {  	_ =	shalt  }
0x43: {  	_ =	shalt  }
0x44: {  	_ =	shalt  }
0x45: {  	_ =	shalt  }
0x46: {  	_ =	shalt  }
0x47: {  	_ =	shalt  }
0x48: {  	_ =	shalt  }
0x49: {  	_ =	shalt  }
0x4a: {  	_ =	shalt  }
0x4b: {  	_ =	shalt  }
0x4c: {  	_ =	shalt  }
0x4d: {  	_ =	shalt  }
0x4e: {  	_ =	shalt  }
0x4f: {  	_ =	shalt  }
0x50: {  	_ =	shalt  }
0x51: {  	_ =	shalt  }
0x52: {  	_ =	shalt  }
0x53: {  	_ =	shalt  }
0x54: {  	_ =	shalt  }
0x55: {  	_ =	shalt  }
0x56: {  	_ =	shalt  }
0x57: {  	_ =	shalt  }
0x58: {  	_ =	shalt  }
0x59: {  	_ =	shalt  }
0x5a: {  	_ =	shalt  }
0x5b: {  	_ =	shalt  }
0x5c: {  	_ =	shalt  }
0x5d: {  	_ =	shalt  }
0x5e: {  	_ =	shalt  }
0x5f: {  	_ =	shalt  }
0x60: {  	_ =	shalt  }
0x61: {  	_ =	shalt  }
0x62: {  	_ =	shalt  }
0x63: {  	_ =	shalt  }
0x64: {  	_ =	shalt  }
0x65: {  	_ =	shalt  }
0x66: {  	_ =	shalt  }
0x67: {  	_ =	shalt  }
0x68: {  	_ =	shalt  }
0x69: {  	_ =	shalt  }
0x6a: {  	_ =	shalt  }
0x6b: {  	_ =	shalt  }
0x6c: {  	_ =	shalt  }
0x6d: {  	_ =	shalt  }
0x6e: {  	_ =	shalt  }
0x6f: {  	_ =	shalt  }
0x70: {  	_ =	shalt  }
0x71: {  	_ =	shalt  }
0x72: {  	_ =	shalt  }
0x73: {  	_ =	shalt  }
0x74: {  	_ =	shalt  }
0x75: {  	_ =	shalt  }
0x76: {  	_ =	shalt  }
0x77: {  	_ =	shalt  }
0x78: {  	_ =	shalt  }
0x79: {  	_ =	shalt  }
0x7a: {  	_ =	shalt  }
0x7b: {  	_ =	shalt  }
0x7c: {  	_ =	shalt  }
0x7d: {  	_ =	shalt  }
0x7e: {  	_ =	shalt  }
0x7f: {  	_ =	shalt  }
0x80: {  	_ =	shalt  }
0x81: {  	_ =	shalt  }
0x82: {  	_ =	shalt  }
0x83: {  	_ =	shalt  }
0x84: {  	_ =	shalt  }
0x85: {  	_ =	shalt  }
0x86: {  	_ =	shalt  }
0x87: {  	_ =	shalt  }
.Lfunc_end0:
.L_simem_size_0:
called_computation.3_lowered:
.L_overlay_start_0:
0x88: {  	s2 =	sld [smem:$0x3FD9]  }
0x89: {  	s3 =	sld [smem:$0x3FFE];
	_ =	sdelay $0x1  }
0x8a: {  	s1 =	srdreg.scid  }
0x8b: {  	s0 =	sand.u32 $0x1, s1  }
0x8c: {  	s17 =	sshll.u32 s0, $0xA;
	s2 =	sadd.s32 s3, s2  }
0x8d: {  	s2 =	sadd.s32 s2, s17  }
0x8e: {  	[smem:$0x3FC0] =	sst s2  }
0x8f: {  	_ = 	snop  }
0x90: {  	s2 =	sld [smem:$0x3FD0];
	(tm) =	ssettm $0x1  }
0x91: {  	s18 =	sld [smem:$0x3FFB];
	_ =	sdelay $0x3  }
0x92: {  	_ =	strace s18  }
0x93: {  	s3 =	sld [smem:$0x3FFC];
	_ =	sdelay $0x3  }
0x94: {  	_ =	strace s3  }
0x95: {  	s3 =	sld [smem:$0x3FFD];
	_ =	sdelay $0x3  }
0x96: {  	_ =	strace s3  }
0x97: {  	_ =	strace $0x8FFFFFFF  }
0x98: {  	s19 =	sld [smem:$0x3FDB];
	_ =	sdelay $0x1  }
0x99: {  	s4 =	simm.s32 $_scs_section_size  }
0x9a: {  	s5 =	simm.s32 $_size__tile_overlayer_lowered;
	s6 =	simm.s32 $_tile_overlayer_lowered  }
0x9b: {  	s22 =	simm.s32 $0x1BFF;
	s21 =	sshll.u32 s6, $0x1;
	s3 =	sadd.s32 s4, s19  }
0x9c: {  	s7 =	simm.s32 $0x0;
	s20 =	sshll.u32 s5, $0x1;
	s5 =	sadd.s32 s21, s3  }
0x9d: {  	[timem:s7], [sflag:s22] =	dma.local [hbm:s5], s20  }
0x9e: {  	_ =	swait.ge [sflag:s22], s20  }
0x9f: {  	s4 =	ssub.s32 $0x0, s20;
	[sflag:s22] =	ssyncset.done $0x0  }
0xa0: {  	[sflag:s22] =	ssyncadd.s32 s4;
	_ =	sdelay $0x1  }
0xa1: {  	s23 =	simm.s32 $0x1B8B  }
0xa2: {  	_ =	swait.ge [sflag:s23], $0x1  }
0xa3: {  	[sflag:s23] =	ssyncset.done $0x0  }
0xa4: {  	s25 =	simm.s32 $0x1B8E;
	s24 =	sld [smem:$0x3FFE];
	[sflag:s23] =	ssyncadd.s32 $0xFFFFFFFF  }
0xa5: {  	s26 =	simm.s32 $execute0_lowered;
	[smem:$0x3FD2] =	sst s25  }
0xa6: {  	s5 =	sshll.u32 s26, $0x1;
	_ =	strace $0x8000004F;
	[dreg:$0x1] =	wrdreg $0xFFFFFFFF  }
0xa7: {  	s28 =	simm.s32 $_size_execute0_lowered;
	s3 =	sadd.s32 s3, s5;
	[dreg:$0x0] =	wrdreg $0x0  }
0xa8: {  	s5 =	sshll.u32 s28, $0x1;
	[dreg:$0x2] =	wrdreg s3  }
0xa9: {  	[dreg:$0x3] =	wrdreg s5  }
0xaa: {  	[dreg:$0x4] =	wrdreg $0xC0  }
0xab: {  	_ =	task [dreg:s7], $0x5FFFF  }
0xac: {  	[dreg:$0x1] =	wrdreg $0xFFFFFFFF  }
0xad: {  	[dreg:$0x0] =	wrdreg $0x60  }
0xae: {  	[dreg:$0x2] =	wrdreg s24  }
0xaf: {  	[dreg:$0x3] =	wrdreg s2  }
0xb0: {  	[dreg:$0x4] =	wrdreg $0x90000  }
0xb1: {  	[dreg:$0x5] =	wrdreg $0x9  }
0xb2: {  	_ =	task.clear_ibuf [dreg:s7], $0x6FFFF;
	_ =	strace $0x9000004F  }
0xb3: {  	s29 =	simm.s32 $0x9;
	_ =	strace $0x80000051  }
0xb4: {  	_ =	swait.ge [sflag:s29], $0x1  }
0xb5: {  	[sflag:s29] =	ssyncadd.s32 $0xFFFFFFFF  }
0xb6: {  	_ =	strace $0x90000051  }
0xb7: {  	_ =	sfence  }
0xb8: {  	s30 =	sld [smem:$0x0];
	_ =	sdelay $0x2  }
0xb9: {  	s31 =	sshll.u32 s1, $0xD;
	s1 =	sshrl.u32 s1, $0x2  }
0xba: {  	s3 =	sand.u32 $0x4000, s31;
	s1 =	sadd.s32 s1, s30  }
0xbb: {  	s0 =	sor.u32 s3, s0;
	s1 =	sshll.u32 s1, $0x11  }
0xbc: {  	s0 =	sor.u32 s1, s0  }
0xbd: {  	s0 =	sadd.s32 $0x8F2B, s0  }
0xbe: {  	[sflag:s0] =	ssyncadd.remote.s32 $0x1  }
0xbf: {  	_ =	sfence.sel $0xFFFF  }
0xc0: {  	[dreg:$0x0] =	wrdreg $0xFFFFFFFF;
	(pc) =	sbr.abs _section_cstart, $3  }
0xc1: {  	[dreg:$0x1] =	wrdreg $0xFFFFFFFF  }
0xc2: {  	_ =	task.clear_ibuf [dreg:s7], $0x2FFFF;
	_ =	strace $0x9FFFFFFF  }
0xc3: {  	(tm) =	ssettm $0x7FFFFFFF  }
tec
execute0_lowered:
.L_overlay_start_1:
0x0: {  	(tag) =	ssettag $0x1  }
0x1: {  	s5 =	rddreg [dreg:$0x0]  }
0x2: {  	s6 =	rddreg [dreg:$0x1]  }
0x3: {  	s2 =	rddreg [dreg:$0x2]  }
0x4: {  	s0 =	rddreg [dreg:$0x3];
	s4 =	srdreg.scid  }
0x5: {  	s1 =	stileid.u32;
	s3 =	simm.s32 $0x0;
	s12 =	simm.s32 $0x3  }
0x6: {  	s13 =	simm.s32 $0x2800;
	s14 =	simm.s32 $0x80;
	s15 =	simm.s32 $0x5000  }
0x7: {  	s16 =	simm.s32 $0x5800;
	s17 =	simm.s32 $0x6000;
	s18 =	simm.s32 $0x6800  }
0x8: {  	s19 =	simm.s32 $0x7000;
	s20 =	simm.s32 $0x7800;
	s21 =	simm.s32 $0x8000  }
0x9: {  	s22 =	simm.s32 $0x8800;
	s23 =	simm.s32 $0x1;
	s24 =	simm.s32 $0x2  }
0xa: {  	s25 =	simm.s32 $0x0;
	s4 =	sand.u32 $0x1, s4;
	s7 =	smul.u32 $0x2780, s1  }
0xb: {  	[smem:$0x7FF] =	sst s3;
	s8 =	sshll.u32 s1, $0x1;
	s31 =	sshll.u32 s1, $0x6  }
0xc: {  	s9 =	smul.u32 $0x27800, s4;
	_ =	strace $0x80000050;
	s8 =	sor.u32 s4, s8  }
0xd: {  	s10 =	ssub.s32 $0x2, s4;
	s4 =	sadd.s32 $0x68200, s5;
	s8 =	smul.u32 $0x500, s8  }
0xe: {  	s11 =	sshrl.u32 s10, $0x1;
	s29 =	sadd.s32 s7, s2;
	s30 =	sshrl.u32 s7, $0x3  }
0xf: {  	s9 =	sadd.s32 s7, s9;
	s10 =	ssub.s32 s10, s11;
	s11 =	sshrl.u32 s29, $0x3  }
0x10: {  	s9 =	sshrl.u32 s9, $0x3;
	s8 =	sadd.s32 s8, s5;
	s10 =	smax.u32 s10, $0x1  }
0x11: {  	s9 =	sadd.s32 s9, s5;
	s5 =	sadd.s32 s6, s30;
	s6 =	sor.u32 $0x1C03, s31  }
0x12: {  	s7 =	sadd.s32 $0xF200, s8;
	s8 =	sadd.s32 $0x2800, s8;
	s9 =	sadd.s32 $0x6D200, s9  }
.LBB2_1:
0x13: {  	[spmem:s11], [sflag:s6] =	dma.local [hbm:s5], $0x4F0  }
0x14: {  	_ =	swait.ge [sflag:s12], $0x4F0  }
0x15: {  	[sflag:s12] =	ssyncset.done $0x0  }
0x16: {  	[sflag:s12] =	ssyncadd.s32 $0xFFFFFB10  }
0x17: {  	[tilespmem:s3], [sflag:$0x3] =	stream.linear.gather [hbm4b:s7+s3], $0x2800, $0x38;
	[tilespmem:$0xB780] =	vst v63  }
0x18: {  	_ =	swait.ge [sflag:s12], $0x2800  }
0x19: {  	[sflag:s12] =	ssyncset.done $0x0  }
0x1a: {  	[sflag:s12] =	ssyncadd.s32 $0xFFFFD800  }
0x1b: {  	[tilespmem:s13], [sflag:$0x3] =	stream.linear.gather [hbm4b:s8+s3], $0x2800, $0x38;
	[tilespmem:$0xB780] =	vst v63  }
0x1c: {  	_ =	swait.ge [sflag:s12], $0x2800  }
0x1d: {  	[sflag:s12] =	ssyncset.done $0x0  }
0x1e: {  	[sflag:s12] =	ssyncadd.s32 $0xFFFFD800  }
0x1f: {  	s26 =	simm.s32 $0x0;
	[bflag:$0x0] =	sbarrier.arrive $0xFFFF  }
0x20: {  	[tilespmem:s15], [sflag:$0x1] =	stream.indirect.gather [hbm4b:s4+s14], $0x10, s26, s14, $0xb8;
	[tilespmem:$0xB780] =	vst v63  }
0x21: {  	s28 =	simm.s32 $0x80  }
0x22: {  	[tilespmem:s16], [sflag:$0x1] =	stream.indirect.gather [hbm4b:s4+s14], $0x10, s28, s14, $0xb8;
	[tilespmem:$0xB780] =	vst v63  }
0x23: {  	s29 =	simm.s32 $0x100  }
0x24: {  	[tilespmem:s17], [sflag:$0x1] =	stream.indirect.gather [hbm4b:s4+s14], $0x10, s29, s14, $0xb8;
	[tilespmem:$0xB780] =	vst v63  }
0x25: {  	s31 =	simm.s32 $0x180  }
0x26: {  	[tilespmem:s18], [sflag:$0x1] =	stream.indirect.gather [hbm4b:s4+s14], $0x10, s31, s14, $0xb8;
	[tilespmem:$0xB780] =	vst v63  }
0x27: {  	s28 =	simm.s32 $0x200  }
0x28: {  	[tilespmem:s19], [sflag:$0x1] =	stream.indirect.gather [hbm4b:s4+s14], $0x10, s28, s14, $0xb8;
	[tilespmem:$0xB780] =	vst v63  }
0x29: {  	s29 =	simm.s32 $0x280  }
0x2a: {  	[tilespmem:s20], [sflag:$0x1] =	stream.indirect.gather [hbm4b:s4+s14], $0x10, s29, s14, $0xb8;
	[tilespmem:$0xB780] =	vst v63  }
0x2b: {  	s31 =	simm.s32 $0x300  }
0x2c: {  	[tilespmem:s21], [sflag:$0x1] =	stream.indirect.gather [hbm4b:s4+s14], $0x10, s31, s14, $0xb8;
	[tilespmem:$0xB780] =	vst v63  }
0x2d: {  	s28 =	simm.s32 $0x380  }
0x2e: {  	[tilespmem:s22], [sflag:$0x1] =	stream.indirect.gather [hbm4b:s4+s14], $0x10, s28, s14, $0xb8;
	[tilespmem:$0xB780] =	vst v63  }
0x2f: {  	_ =	swait.ge [sflag:s23], $0x800  }
0x30: {  	[sflag:s23] =	ssyncset.done $0x0  }
0x31: {  	[sflag:s23] =	ssyncadd.s32 $0xFFFFF800  }
0x32: {  	_ =	swait.ge [sflag:s23], $0x800  }
0x33: {  	[sflag:s23] =	ssyncset.done $0x0  }
0x34: {  	[sflag:s23] =	ssyncadd.s32 $0xFFFFF800  }
0x35: {  	_ =	swait.ge [sflag:s23], $0x800  }
0x36: {  	[sflag:s23] =	ssyncset.done $0x0  }
0x37: {  	[sflag:s23] =	ssyncadd.s32 $0xFFFFF800  }
0x38: {  	_ =	swait.ge [sflag:s23], $0x800  }
0x39: {  	[sflag:s23] =	ssyncset.done $0x0  }
0x3a: {  	[sflag:s23] =	ssyncadd.s32 $0xFFFFF800  }
0x3b: {  	_ =	swait.ge [sflag:s23], $0x800  }
0x3c: {  	[sflag:s23] =	ssyncset.done $0x0  }
0x3d: {  	[sflag:s23] =	ssyncadd.s32 $0xFFFFF800  }
0x3e: {  	_ =	swait.ge [sflag:s23], $0x800  }
0x3f: {  	[sflag:s23] =	ssyncset.done $0x0  }
0x40: {  	[sflag:s23] =	ssyncadd.s32 $0xFFFFF800  }
0x41: {  	_ =	swait.ge [sflag:s23], $0x800  }
0x42: {  	[sflag:s23] =	ssyncset.done $0x0  }
0x43: {  	[sflag:s23] =	ssyncadd.s32 $0xFFFFF800  }
0x44: {  	_ =	swait.ge [sflag:s23], $0x800  }
0x45: {  	[sflag:s23] =	ssyncset.done $0x0  }
0x46: {  	s29 =	simm.s32 $0x2800;
	[sflag:s23] =	ssyncadd.s32 $0xFFFFF800  }
0x47: {  	[spmem:s2] =	stream.indirect.scatter.add.f32 [tilespmem:s15], [sflag:$0x2], $0x10, s29, s14, $0xb8;
	[tilespmem:$0xB780] =	vst v63  }
0x48: {  	s31 =	simm.s32 $0x2880  }
0x49: {  	[spmem:s2] =	stream.indirect.scatter.add.f32 [tilespmem:s16], [sflag:$0x2], $0x10, s31, s14, $0xb8;
	[tilespmem:$0xB780] =	vst v63  }
0x4a: {  	s28 =	simm.s32 $0x2900  }
0x4b: {  	[spmem:s2] =	stream.indirect.scatter.add.f32 [tilespmem:s17], [sflag:$0x2], $0x10, s28, s14, $0xb8;
	[tilespmem:$0xB780] =	vst v63  }
0x4c: {  	s29 =	simm.s32 $0x2980  }
0x4d: {  	[spmem:s2] =	stream.indirect.scatter.add.f32 [tilespmem:s18], [sflag:$0x2], $0x10, s29, s14, $0xb8;
	[tilespmem:$0xB780] =	vst v63  }
0x4e: {  	s31 =	simm.s32 $0x2A00  }
0x4f: {  	[spmem:s2] =	stream.indirect.scatter.add.f32 [tilespmem:s19], [sflag:$0x2], $0x10, s31, s14, $0xb8;
	[tilespmem:$0xB780] =	vst v63  }
0x50: {  	s28 =	simm.s32 $0x2A80  }
0x51: {  	[spmem:s2] =	stream.indirect.scatter.add.f32 [tilespmem:s20], [sflag:$0x2], $0x10, s28, s14, $0xb8;
	[tilespmem:$0xB780] =	vst v63  }
0x52: {  	s29 =	simm.s32 $0x2B00  }
0x53: {  	[spmem:s2] =	stream.indirect.scatter.add.f32 [tilespmem:s21], [sflag:$0x2], $0x10, s29, s14, $0xb8;
	[tilespmem:$0xB780] =	vst v63  }
0x54: {  	s31 =	simm.s32 $0x2B80  }
0x55: {  	[spmem:s2] =	stream.indirect.scatter.add.f32 [tilespmem:s22], [sflag:$0x2], $0x10, s31, s14, $0xb8;
	[tilespmem:$0xB780] =	vst v63  }
0x56: {  	_ =	swait.ge [sflag:s24], $0x800  }
0x57: {  	[sflag:s24] =	ssyncset.done $0x0  }
0x58: {  	[sflag:s24] =	ssyncadd.s32 $0xFFFFF800  }
0x59: {  	_ =	swait.ge [sflag:s24], $0x800  }
0x5a: {  	[sflag:s24] =	ssyncset.done $0x0  }
0x5b: {  	[sflag:s24] =	ssyncadd.s32 $0xFFFFF800  }
0x5c: {  	_ =	swait.ge [sflag:s24], $0x800  }
0x5d: {  	[sflag:s24] =	ssyncset.done $0x0  }
0x5e: {  	[sflag:s24] =	ssyncadd.s32 $0xFFFFF800  }
0x5f: {  	_ =	swait.ge [sflag:s24], $0x800  }
0x60: {  	[sflag:s24] =	ssyncset.done $0x0  }
0x61: {  	[sflag:s24] =	ssyncadd.s32 $0xFFFFF800  }
0x62: {  	_ =	swait.ge [sflag:s24], $0x800  }
0x63: {  	[sflag:s24] =	ssyncset.done $0x0  }
0x64: {  	[sflag:s24] =	ssyncadd.s32 $0xFFFFF800  }
0x65: {  	_ =	swait.ge [sflag:s24], $0x800  }
0x66: {  	[sflag:s24] =	ssyncset.done $0x0  }
0x67: {  	[sflag:s24] =	ssyncadd.s32 $0xFFFFF800  }
0x68: {  	_ =	swait.ge [sflag:s24], $0x800  }
0x69: {  	[sflag:s24] =	ssyncset.done $0x0  }
0x6a: {  	[sflag:s24] =	ssyncadd.s32 $0xFFFFF800  }
0x6b: {  	_ =	swait.ge [sflag:s24], $0x800  }
0x6c: {  	s30 =	simm.s32 $0x2000;
	s26 =	simm.s32 $0x1000;
	[sflag:s24] =	ssyncset.done $0x0  }
.LBB2_2:
0x6d: {  	s29 =	sshra.s32 s26, $0x2  }
0x6e: {  	[sflag:s24] =	ssyncadd.s32 $0xFFFFF800;
	s26 =	smov.u32 s30;
	s28 =	sadd.s32 $0x1000, s30  }
0x6f: {  	[tilespmem:s15], [sflag:$0x1] =	stream.indirect.gather [hbm4b:s4+s14], $0x10, s29, s14, $0xb8;
	[tilespmem:$0xB780] =	vst v63  }
0x70: {  	p0 =	sne.s32 s30, $0x9000;
	s30 =	sadd.s32 $0x80, s29  }
0x71: {  	[tilespmem:s16], [sflag:$0x1] =	stream.indirect.gather [hbm4b:s4+s14], $0x10, s30, s14, $0xb8;
	[tilespmem:$0xB780] =	vst v63  }
0x72: {  	s30 =	sadd.s32 $0x100, s29  }
0x73: {  	[tilespmem:s17], [sflag:$0x1] =	stream.indirect.gather [hbm4b:s4+s14], $0x10, s30, s14, $0xb8;
	[tilespmem:$0xB780] =	vst v63  }
0x74: {  	s30 =	sadd.s32 $0x180, s29  }
0x75: {  	[tilespmem:s18], [sflag:$0x1] =	stream.indirect.gather [hbm4b:s4+s14], $0x10, s30, s14, $0xb8;
	[tilespmem:$0xB780] =	vst v63  }
0x76: {  	s30 =	sadd.s32 $0x200, s29  }
0x77: {  	[tilespmem:s19], [sflag:$0x1] =	stream.indirect.gather [hbm4b:s4+s14], $0x10, s30, s14, $0xb8;
	[tilespmem:$0xB780] =	vst v63  }
0x78: {  	s30 =	sadd.s32 $0x280, s29  }
0x79: {  	[tilespmem:s20], [sflag:$0x1] =	stream.indirect.gather [hbm4b:s4+s14], $0x10, s30, s14, $0xb8;
	[tilespmem:$0xB780] =	vst v63  }
0x7a: {  	s30 =	sadd.s32 $0x300, s29  }
0x7b: {  	[tilespmem:s21], [sflag:$0x1] =	stream.indirect.gather [hbm4b:s4+s14], $0x10, s30, s14, $0xb8;
	[tilespmem:$0xB780] =	vst v63  }
0x7c: {  	s30 =	sadd.s32 $0x380, s29  }
0x7d: {  	[tilespmem:s22], [sflag:$0x1] =	stream.indirect.gather [hbm4b:s4+s14], $0x10, s30, s14, $0xb8;
	[tilespmem:$0xB780] =	vst v63  }
0x7e: {  	_ =	swait.ge [sflag:s23], $0x800  }
0x7f: {  	[sflag:s23] =	ssyncset.done $0x0  }
0x80: {  	[sflag:s23] =	ssyncadd.s32 $0xFFFFF800  }
0x81: {  	_ =	swait.ge [sflag:s23], $0x800  }
0x82: {  	[sflag:s23] =	ssyncset.done $0x0  }
0x83: {  	[sflag:s23] =	ssyncadd.s32 $0xFFFFF800  }
0x84: {  	_ =	swait.ge [sflag:s23], $0x800  }
0x85: {  	[sflag:s23] =	ssyncset.done $0x0  }
0x86: {  	[sflag:s23] =	ssyncadd.s32 $0xFFFFF800  }
0x87: {  	_ =	swait.ge [sflag:s23], $0x800  }
0x88: {  	[sflag:s23] =	ssyncset.done $0x0  }
0x89: {  	[sflag:s23] =	ssyncadd.s32 $0xFFFFF800  }
0x8a: {  	_ =	swait.ge [sflag:s23], $0x800  }
0x8b: {  	[sflag:s23] =	ssyncset.done $0x0  }
0x8c: {  	[sflag:s23] =	ssyncadd.s32 $0xFFFFF800  }
0x8d: {  	_ =	swait.ge [sflag:s23], $0x800  }
0x8e: {  	[sflag:s23] =	ssyncset.done $0x0  }
0x8f: {  	[sflag:s23] =	ssyncadd.s32 $0xFFFFF800  }
0x90: {  	_ =	swait.ge [sflag:s23], $0x800  }
0x91: {  	[sflag:s23] =	ssyncset.done $0x0  }
0x92: {  	[sflag:s23] =	ssyncadd.s32 $0xFFFFF800  }
0x93: {  	_ =	swait.ge [sflag:s23], $0x800  }
0x94: {  	[sflag:s23] =	ssyncset.done $0x0  }
0x95: {  	s30 =	sadd.s32 $0x2800, s29;
	[sflag:s23] =	ssyncadd.s32 $0xFFFFF800  }
0x96: {  	[spmem:s2] =	stream.indirect.scatter.add.f32 [tilespmem:s15], [sflag:$0x2], $0x10, s30, s14, $0xb8;
	[tilespmem:$0xB780] =	vst v63  }
0x97: {  	s30 =	sadd.s32 $0x2880, s29  }
0x98: {  	[spmem:s2] =	stream.indirect.scatter.add.f32 [tilespmem:s16], [sflag:$0x2], $0x10, s30, s14, $0xb8;
	[tilespmem:$0xB780] =	vst v63  }
0x99: {  	s30 =	sadd.s32 $0x2900, s29  }
0x9a: {  	[spmem:s2] =	stream.indirect.scatter.add.f32 [tilespmem:s17], [sflag:$0x2], $0x10, s30, s14, $0xb8;
	[tilespmem:$0xB780] =	vst v63  }
0x9b: {  	s30 =	sadd.s32 $0x2980, s29  }
0x9c: {  	[spmem:s2] =	stream.indirect.scatter.add.f32 [tilespmem:s18], [sflag:$0x2], $0x10, s30, s14, $0xb8;
	[tilespmem:$0xB780] =	vst v63  }
0x9d: {  	s30 =	sadd.s32 $0x2A00, s29  }
0x9e: {  	[spmem:s2] =	stream.indirect.scatter.add.f32 [tilespmem:s19], [sflag:$0x2], $0x10, s30, s14, $0xb8;
	[tilespmem:$0xB780] =	vst v63  }
0x9f: {  	s30 =	sadd.s32 $0x2A80, s29  }
0xa0: {  	[spmem:s2] =	stream.indirect.scatter.add.f32 [tilespmem:s20], [sflag:$0x2], $0x10, s30, s14, $0xb8;
	[tilespmem:$0xB780] =	vst v63  }
0xa1: {  	s30 =	sadd.s32 $0x2B00, s29  }
0xa2: {  	[spmem:s2] =	stream.indirect.scatter.add.f32 [tilespmem:s21], [sflag:$0x2], $0x10, s30, s14, $0xb8;
	[tilespmem:$0xB780] =	vst v63  }
0xa3: {  	s29 =	sadd.s32 $0x2B80, s29  }
0xa4: {  	[spmem:s2] =	stream.indirect.scatter.add.f32 [tilespmem:s22], [sflag:$0x2], $0x10, s29, s14, $0xb8;
	[tilespmem:$0xB780] =	vst v63  }
0xa5: {  	_ =	swait.ge [sflag:s24], $0x800  }
0xa6: {  	[sflag:s24] =	ssyncset.done $0x0  }
0xa7: {  	[sflag:s24] =	ssyncadd.s32 $0xFFFFF800  }
0xa8: {  	_ =	swait.ge [sflag:s24], $0x800  }
0xa9: {  	[sflag:s24] =	ssyncset.done $0x0  }
0xaa: {  	[sflag:s24] =	ssyncadd.s32 $0xFFFFF800  }
0xab: {  	_ =	swait.ge [sflag:s24], $0x800  }
0xac: {  	[sflag:s24] =	ssyncset.done $0x0  }
0xad: {  	[sflag:s24] =	ssyncadd.s32 $0xFFFFF800  }
0xae: {  	_ =	swait.ge [sflag:s24], $0x800  }
0xaf: {  	[sflag:s24] =	ssyncset.done $0x0  }
0xb0: {  	[sflag:s24] =	ssyncadd.s32 $0xFFFFF800  }
0xb1: {  	_ =	swait.ge [sflag:s24], $0x800  }
0xb2: {  	[sflag:s24] =	ssyncset.done $0x0  }
0xb3: {  	[sflag:s24] =	ssyncadd.s32 $0xFFFFF800  }
0xb4: {  	_ =	swait.ge [sflag:s24], $0x800  }
0xb5: {  	[sflag:s24] =	ssyncset.done $0x0  }
0xb6: {  	[sflag:s24] =	ssyncadd.s32 $0xFFFFF800  }
.Ltmp0:
0xb7: {  	_ =	swait.ge [sflag:s24], $0x800;
	(pc) =	sbr.rel @p0 .LBB2_2-.Ltmp0, $4  }
0xb8: {  	[sflag:s24] =	ssyncset.done $0x0  }
0xb9: {  	[sflag:s24] =	ssyncadd.s32 $0xFFFFF800  }
0xba: {  	_ =	swait.ge [sflag:s24], $0x800  }
0xbb: {  	s30 =	smov.u32 s28;
	[sflag:s24] =	ssyncset.done $0x0  }
0xbc: {  	s26 =	sshra.s32 s26, $0x2;
	[sflag:s24] =	ssyncadd.s32 $0xFFFFF800  }
0xbd: {  	[tilespmem:s15], [sflag:$0x1] =	stream.indirect.gather [hbm4b:s4+s14], $0x10, s26, s14, $0xb8;
	[tilespmem:$0xB780] =	vst v63  }
0xbe: {  	s28 =	sadd.s32 $0x80, s26  }
0xbf: {  	[tilespmem:s16], [sflag:$0x1] =	stream.indirect.gather [hbm4b:s4+s14], $0x10, s28, s14, $0xb8;
	[tilespmem:$0xB780] =	vst v63  }
0xc0: {  	s31 =	sadd.s32 $0x100, s26  }
0xc1: {  	[tilespmem:s17], [sflag:$0x1] =	stream.indirect.gather [hbm4b:s4+s14], $0x10, s31, s14, $0xb8;
	[tilespmem:$0xB780] =	vst v63  }
0xc2: {  	s29 =	sadd.s32 $0x180, s26  }
0xc3: {  	[tilespmem:s18], [sflag:$0x1] =	stream.indirect.gather [hbm4b:s4+s14], $0x10, s29, s14, $0xb8;
	[tilespmem:$0xB780] =	vst v63  }
0xc4: {  	s30 =	sadd.s32 $0x200, s26  }
0xc5: {  	[tilespmem:s19], [sflag:$0x1] =	stream.indirect.gather [hbm4b:s4+s14], $0x10, s30, s14, $0xb8;
	[tilespmem:$0xB780] =	vst v63  }
0xc6: {  	s31 =	sadd.s32 $0x280, s26  }
0xc7: {  	[tilespmem:s20], [sflag:$0x1] =	stream.indirect.gather [hbm4b:s4+s14], $0x10, s31, s14, $0xb8;
	[tilespmem:$0xB780] =	vst v63  }
0xc8: {  	s29 =	sadd.s32 $0x300, s26  }
0xc9: {  	[tilespmem:s21], [sflag:$0x1] =	stream.indirect.gather [hbm4b:s4+s14], $0x10, s29, s14, $0xb8;
	[tilespmem:$0xB780] =	vst v63  }
0xca: {  	s30 =	sadd.s32 $0x380, s26  }
0xcb: {  	[tilespmem:s22], [sflag:$0x1] =	stream.indirect.gather [hbm4b:s4+s14], $0x10, s30, s14, $0xb8;
	[tilespmem:$0xB780] =	vst v63  }
0xcc: {  	_ =	swait.ge [sflag:s23], $0x800  }
0xcd: {  	[sflag:s23] =	ssyncset.done $0x0  }
0xce: {  	[sflag:s23] =	ssyncadd.s32 $0xFFFFF800  }
0xcf: {  	_ =	swait.ge [sflag:s23], $0x800  }
0xd0: {  	[sflag:s23] =	ssyncset.done $0x0  }
0xd1: {  	[sflag:s23] =	ssyncadd.s32 $0xFFFFF800  }
0xd2: {  	_ =	swait.ge [sflag:s23], $0x800  }
0xd3: {  	[sflag:s23] =	ssyncset.done $0x0  }
0xd4: {  	[sflag:s23] =	ssyncadd.s32 $0xFFFFF800  }
0xd5: {  	_ =	swait.ge [sflag:s23], $0x800  }
0xd6: {  	[sflag:s23] =	ssyncset.done $0x0  }
0xd7: {  	[sflag:s23] =	ssyncadd.s32 $0xFFFFF800  }
0xd8: {  	_ =	swait.ge [sflag:s23], $0x800  }
0xd9: {  	[sflag:s23] =	ssyncset.done $0x0  }
0xda: {  	[sflag:s23] =	ssyncadd.s32 $0xFFFFF800  }
0xdb: {  	_ =	swait.ge [sflag:s23], $0x800  }
0xdc: {  	[sflag:s23] =	ssyncset.done $0x0  }
0xdd: {  	[sflag:s23] =	ssyncadd.s32 $0xFFFFF800  }
0xde: {  	_ =	swait.ge [sflag:s23], $0x800  }
0xdf: {  	[sflag:s23] =	ssyncset.done $0x0  }
0xe0: {  	[sflag:s23] =	ssyncadd.s32 $0xFFFFF800  }
0xe1: {  	_ =	swait.ge [sflag:s23], $0x800  }
0xe2: {  	[sflag:s23] =	ssyncset.done $0x0  }
0xe3: {  	s31 =	sadd.s32 $0x2800, s26;
	[sflag:s23] =	ssyncadd.s32 $0xFFFFF800  }
0xe4: {  	[spmem:s2] =	stream.indirect.scatter.add.f32 [tilespmem:s15], [sflag:$0x2], $0x10, s31, s14, $0xb8;
	[tilespmem:$0xB780] =	vst v63  }
0xe5: {  	s29 =	sadd.s32 $0x2880, s26  }
0xe6: {  	[spmem:s2] =	stream.indirect.scatter.add.f32 [tilespmem:s16], [sflag:$0x2], $0x10, s29, s14, $0xb8;
	[tilespmem:$0xB780] =	vst v63  }
0xe7: {  	s30 =	sadd.s32 $0x2900, s26  }
0xe8: {  	[spmem:s2] =	stream.indirect.scatter.add.f32 [tilespmem:s17], [sflag:$0x2], $0x10, s30, s14, $0xb8;
	[tilespmem:$0xB780] =	vst v63  }
0xe9: {  	s31 =	sadd.s32 $0x2980, s26  }
0xea: {  	[spmem:s2] =	stream.indirect.scatter.add.f32 [tilespmem:s18], [sflag:$0x2], $0x10, s31, s14, $0xb8;
	[tilespmem:$0xB780] =	vst v63  }
0xeb: {  	s29 =	sadd.s32 $0x2A00, s26  }
0xec: {  	[spmem:s2] =	stream.indirect.scatter.add.f32 [tilespmem:s19], [sflag:$0x2], $0x10, s29, s14, $0xb8;
	[tilespmem:$0xB780] =	vst v63  }
0xed: {  	s30 =	sadd.s32 $0x2A80, s26  }
0xee: {  	[spmem:s2] =	stream.indirect.scatter.add.f32 [tilespmem:s20], [sflag:$0x2], $0x10, s30, s14, $0xb8;
	[tilespmem:$0xB780] =	vst v63  }
0xef: {  	s31 =	sadd.s32 $0x2B00, s26  }
0xf0: {  	[spmem:s2] =	stream.indirect.scatter.add.f32 [tilespmem:s21], [sflag:$0x2], $0x10, s31, s14, $0xb8;
	[tilespmem:$0xB780] =	vst v63  }
0xf1: {  	s26 =	sadd.s32 $0x2B80, s26  }
0xf2: {  	[spmem:s2] =	stream.indirect.scatter.add.f32 [tilespmem:s22], [sflag:$0x2], $0x10, s26, s14, $0xb8;
	[tilespmem:$0xB780] =	vst v63  }
0xf3: {  	_ =	swait.ge [sflag:s24], $0x800  }
0xf4: {  	[sflag:s24] =	ssyncset.done $0x0  }
0xf5: {  	[sflag:s24] =	ssyncadd.s32 $0xFFFFF800  }
0xf6: {  	_ =	swait.ge [sflag:s24], $0x800  }
0xf7: {  	[sflag:s24] =	ssyncset.done $0x0  }
0xf8: {  	[sflag:s24] =	ssyncadd.s32 $0xFFFFF800  }
0xf9: {  	_ =	swait.ge [sflag:s24], $0x800  }
0xfa: {  	[sflag:s24] =	ssyncset.done $0x0  }
0xfb: {  	[sflag:s24] =	ssyncadd.s32 $0xFFFFF800  }
0xfc: {  	_ =	swait.ge [sflag:s24], $0x800  }
0xfd: {  	[sflag:s24] =	ssyncset.done $0x0  }
0xfe: {  	[sflag:s24] =	ssyncadd.s32 $0xFFFFF800  }
0xff: {  	_ =	swait.ge [sflag:s24], $0x800  }
0x100: {  	[sflag:s24] =	ssyncset.done $0x0  }
0x101: {  	[sflag:s24] =	ssyncadd.s32 $0xFFFFF800  }
0x102: {  	_ =	swait.ge [sflag:s24], $0x800  }
0x103: {  	[sflag:s24] =	ssyncset.done $0x0  }
0x104: {  	[sflag:s24] =	ssyncadd.s32 $0xFFFFF800  }
0x105: {  	_ =	swait.ge [sflag:s24], $0x800  }
0x106: {  	[sflag:s24] =	ssyncset.done $0x0  }
0x107: {  	[sflag:s24] =	ssyncadd.s32 $0xFFFFF800  }
0x108: {  	_ =	swait.ge [sflag:s24], $0x800  }
0x109: {  	s25 =	sadd.s32 $0x1, s25;
	[sflag:s24] =	ssyncset.done $0x0  }
0x10a: {  	p0 =	sne.s32 s25, s10;
	[sflag:s24] =	ssyncadd.s32 $0xFFFFF800  }
.Ltmp1:
0x10b: {  	[bflag:$0x0] =	sbarrier.arrive $0xFFFF;
	(pc) =	sbr.rel @p0 .LBB2_1-.Ltmp1, $4  }
0x10c: {  	[hbm:s9], [sflag:s6] =	dma.local [spmem:s11], $0x4F0  }
0x10d: {  	_ =	swait.ge [sflag:s12], $0x4F0  }
0x10e: {  	[sflag:s12] =	ssyncset.done $0x0  }
0x10f: {  	[sflag:s12] =	ssyncadd.s32 $0xFFFFFB10  }
0x110: {  	_ =	sfence.sel $0x180000  }
0x111: {  	[bflag:$0x0] =	sbarrier.arrive $0xFFFF  }
0x112: {  	p0 =	sne.s32 s1, $0x0;
	_ =	strace $0x90000050  }
0x113: {  	s0 =	sadd.s32 @!p0 $0x100000, s0;
	[bflag:$0x2] =	sbarrier.arrive $0xFFFF  }
0x114: {  	[sflag:s0] =	ssyncadd.tile.s32 @!p0 $0x1;
	_ =	shalt  }
.Lfunc_end2:
_tile_overlayer_lowered:
.L_overlay_start_2:
0x115: {  	(tag) =	ssettag $0x2  }
0x116: {  	s0 =	rddreg [dreg:$0x0];
	s2 =	stileid.u32  }
0x117: {  	s1 =	rddreg [dreg:$0x1];
	p0 =	sne.s32 s2, $0x0  }
0x118: {  	s3 =	rddreg [dreg:$0x2];
	[bflag:$0x3] =	sbarrier.arrive $0xFFFF;
	s2 =	simm.s32 @!p0 $0x1C03  }
0x119: {  	[timem:s3], [sflag:s2] =	dma.local @!p0 [hbm:s0], s1  }
0x11a: {  	s0 =	simm.s32 @!p0 $0x3  }
0x11b: {  	_ =	swait.ge @!p0 [sflag:s0], s1  }
0x11c: {  	s1 =	ssub.s32 @!p0 $0x0, s1;
	[sflag:s0] =	ssyncset.done @!p0 $0x0  }
0x11d: {  	[sflag:s0] =	ssyncadd.s32 @!p0 s1  }
0x11e: {  	[bflag:$0x3] =	sbarrier.arrive $0xFFFF  }
0x11f: {  	_ =	shalt  }

</sc_bundles>
